<compile_context>
chip_gen: v7x
topology: tpu7x:2x2x1
jax: 0.10.2.dev20260603
libtpu: 0.0.44.dev20260713+nightly
codegen_flags: <defaults>
</compile_context>

<pallas_src>
import functools

import jax
import jax.numpy as jnp
from jax import lax
from jax.experimental import pallas as pl
from jax.experimental.pallas import tpu as pltpu
from jax.experimental.pallas import tpu_sc as plsc


def _k1_body(x1_ref, x2_ref, idx_ref, w_ref, *, S, Nb):
    b = pl.program_id(0)

    x1 = x1_ref[0]
    x2 = x2_ref[0]
    g = jax.lax.dot_general(x2, x1, (((0,), (0,)), ((), ())),
                            preferred_element_type=jnp.float32)
    distT = 0.5 * jnp.sum(x2 * x2, axis=0)[:, None] - g

    d012 = 2.0 * distT[0:3, :] + jnp.sum(x1 * x1, axis=0)[None, :]
    d012 = jnp.where(d012 < 1e-10, 1e-10, d012)
    w = 1.0 / d012
    w = w / jnp.sum(w, axis=0, keepdims=True)

    inf = jnp.full((8, Nb), jnp.inf, dtype=jnp.float32)
    m1, m2, m3 = inf, inf, inf
    for c in range(S // 8):
        v = distT[8 * c:8 * (c + 1), :]
        hi1 = jnp.maximum(m1, v)
        m1 = jnp.minimum(m1, v)
        hi2 = jnp.maximum(m2, hi1)
        m2 = jnp.minimum(m2, hi1)
        m3 = jnp.minimum(m3, hi2)

    iota8 = jax.lax.broadcasted_iota(jnp.int32, (8, Nb), 0)
    k = jnp.zeros((8, Nb), dtype=jnp.int32)
    vals = []
    cand = m1
    for _ in range(3):
        vk = jnp.min(cand, axis=0, keepdims=True)
        vals.append(vk)
        rk = jnp.min(jnp.where(cand == vk, iota8, 8), axis=0,
                     keepdims=True)
        k = k + jnp.where(iota8 == rk, 1, 0)
        cand = jnp.where(k == 0, m1, jnp.where(k == 1, m2, m3))
    v1, v2, v3 = vals

    big = jnp.full((8, Nb), S, dtype=jnp.int32)
    r1, r2, r3 = big, big, big
    for c in range(S // 8):
        v = distT[8 * c:8 * (c + 1), :]
        rowid = iota8 + (8 * c)
        r1 = jnp.minimum(r1, jnp.where(v == v1, rowid, S))
        r2 = jnp.minimum(r2, jnp.where(v == v2, rowid, S))
        r3 = jnp.minimum(r3, jnp.where(v == v3, rowid, S))
    base = b * S
    i1 = jnp.min(r1, axis=0, keepdims=True) + base
    i2 = jnp.min(r2, axis=0, keepdims=True) + base
    i3 = jnp.min(r3, axis=0, keepdims=True) + base

    zi = jnp.zeros((5, Nb), jnp.int32)
    idx_ref[0] = jnp.concatenate([i1, i2, i3, zi], axis=0)
    w_ref[0] = jnp.broadcast_to(w[:, :, None], (3, Nb, 16))


def _sc_gather_body(p2t_ref, idx_ref, w_ref, out_ref,
                    idx_v0, idx_v1, idx_v2, w_v0, w_v1, w_v2,
                    r0, r1, r2, outv, sem,
                    *, S, N, D2, CNK, n_chunks):
    cid = lax.axis_index("c")
    sid = lax.axis_index("s")
    wid = sid * 2 + cid
    nw_per_b = N // (CNK * n_chunks)
    b = wid // nw_per_b
    q = wid % nw_per_b
    row0 = wid * (CNK * n_chunks)
    n0w = q * (CNK * n_chunks)

    def chunk(ci, _):
        n0 = n0w + ci * CNK
        pltpu.sync_copy(idx_ref.at[b, 0, pl.ds(n0, CNK)], idx_v0)
        pltpu.sync_copy(idx_ref.at[b, 1, pl.ds(n0, CNK)], idx_v1)
        pltpu.sync_copy(idx_ref.at[b, 2, pl.ds(n0, CNK)], idx_v2)
        pltpu.sync_copy(w_ref.at[b, 0, pl.ds(n0, CNK), :], w_v0)
        pltpu.sync_copy(w_ref.at[b, 1, pl.ds(n0, CNK), :], w_v1)
        pltpu.sync_copy(w_ref.at[b, 2, pl.ds(n0, CNK), :], w_v2)
        c0 = pltpu.async_copy(p2t_ref.at[idx_v0], r0, sem)
        c1 = pltpu.async_copy(p2t_ref.at[idx_v1], r1, sem)
        c2 = pltpu.async_copy(p2t_ref.at[idx_v2], r2, sem)
        c0.wait()
        c1.wait()
        c2.wait()

        def row(i, _):
            w0 = w_v0[i, :]
            w1 = w_v1[i, :]
            w2 = w_v2[i, :]
            for f in range(D2 // 16):
                sl = pl.ds(16 * f, 16)
                a = (r0[i, sl] * w0 + r1[i, sl] * w1 + r2[i, sl] * w2)
                outv[i, sl] = a
            return 0

        lax.fori_loop(0, CNK, row, 0)
        pltpu.sync_copy(outv, out_ref.at[pl.ds(row0 + ci * CNK, CNK), :])
        return 0

    lax.fori_loop(0, n_chunks, chunk, 0)


def _k2_body(p1_ref, it_ref, w0_ref, b0_ref, y0_ref, st_ref):
    b = pl.program_id(0)
    n = pl.program_id(1)
    p1 = p1_ref[0]
    it = it_ref[0]
    W0 = w0_ref[...]
    D1 = p1.shape[0]
    y = (jnp.dot(W0[:, :D1], p1, preferred_element_type=jnp.float32)
         + jax.lax.dot_general(W0[:, D1:], it, (((1,), (1,)), ((), ())),
                               preferred_element_type=jnp.float32)
         + b0_ref[...])
    y0_ref[0] = y

    s1 = jnp.sum(y, axis=1)[None, :]
    s2 = jnp.sum(y * y, axis=1)[None, :]
    upd = jnp.concatenate(
        [s1, s2, jnp.zeros((6, s1.shape[1]), jnp.float32)], axis=0)

    @pl.when(jnp.logical_and(b == 0, n == 0))
    def _():
        st_ref[...] = jnp.zeros_like(st_ref)

    st_ref[...] += upd


def _k3_body(y0_ref, st_ref, g0_ref, be0_ref, w1_ref, b1_ref, y1_ref,
             st1_ref, *, count):
    b = pl.program_id(0)
    n = pl.program_id(1)

    mean = st_ref[0, :] / count
    var = st_ref[1, :] / count - mean * mean
    scale = g0_ref[0] * jax.lax.rsqrt(var + 1e-5)
    shift = be0_ref[0] - mean * scale
    h = jnp.maximum(y0_ref[0] * scale[:, None] + shift[:, None], 0.0)
    y = (jnp.dot(w1_ref[...], h, preferred_element_type=jnp.float32)
         + b1_ref[...])
    y1_ref[0] = y

    s1 = jnp.sum(y, axis=1)[None, :]
    s2 = jnp.sum(y * y, axis=1)[None, :]
    upd = jnp.concatenate(
        [s1, s2, jnp.zeros((6, s1.shape[1]), jnp.float32)], axis=0)

    @pl.when(jnp.logical_and(b == 0, n == 0))
    def _():
        st1_ref[...] = jnp.zeros_like(st1_ref)

    st1_ref[...] += upd


def _k4_body(y1_ref, st_ref, g1_ref, be1_ref, out_ref, *, count):
    mean = st_ref[0, :] / count
    var = st_ref[1, :] / count - mean * mean
    scale = g1_ref[0] * jax.lax.rsqrt(var + 1e-5)
    shift = be1_ref[0] - mean * scale
    out_ref[0] = jnp.maximum(y1_ref[0] * scale[:, None] + shift[:, None], 0.0)


@jax.jit
def kernel(xyz1, xyz2, points1, points2, W0, b0, gamma0, beta0,
           W1, b1, gamma1, beta1):
    B, _, N = xyz1.shape
    S = xyz2.shape[2]
    D1 = points1.shape[1]
    D2 = points2.shape[1]
    C0 = W0.shape[0]
    C1 = W1.shape[0]
    Nb = 1024
    grid = (B, N // Nb)
    Nb2 = 4096
    grid2 = (B, N // Nb2)
    count = float(B * N)

    b0c = b0.reshape(C0, 1)
    b1c = b1.reshape(C1, 1)
    g0r = gamma0.reshape(1, C0)
    be0r = beta0.reshape(1, C0)
    g1r = gamma1.reshape(1, C1)
    be1r = beta1.reshape(1, C1)

    idxg, wout = pl.pallas_call(
        functools.partial(_k1_body, S=S, Nb=Nb),
        grid=grid,
        in_specs=[
            pl.BlockSpec((1, 3, Nb), lambda b, n: (b, 0, n)),
            pl.BlockSpec((1, 3, S), lambda b, n: (b, 0, 0)),
        ],
        out_specs=[
            pl.BlockSpec((1, 8, Nb), lambda b, n: (b, 0, n)),
            pl.BlockSpec((1, 3, Nb, 16), lambda b, n: (b, 0, n, 0)),
        ],
        out_shape=[
            jax.ShapeDtypeStruct((B, 8, N), jnp.int32),
            jax.ShapeDtypeStruct((B, 3, N, 16), jnp.float32),
        ],
    )(xyz1, xyz2)

    p2t = jnp.transpose(points2, (0, 2, 1)).reshape(B * S, D2)

    CNK = 64
    n_chunks = (B * N) // (32 * CNK)
    mesh = plsc.VectorSubcoreMesh(core_axis_name="c", subcore_axis_name="s")
    interp = pl.kernel(
        functools.partial(_sc_gather_body, S=S, N=N, D2=D2, CNK=CNK,
                          n_chunks=n_chunks),
        out_type=jax.ShapeDtypeStruct((B * N, D2), jnp.float32),
        mesh=mesh,
        scratch_types=[
            pltpu.VMEM((CNK,), jnp.int32),
            pltpu.VMEM((CNK,), jnp.int32),
            pltpu.VMEM((CNK,), jnp.int32),
            pltpu.VMEM((CNK, 16), jnp.float32),
            pltpu.VMEM((CNK, 16), jnp.float32),
            pltpu.VMEM((CNK, 16), jnp.float32),
            pltpu.VMEM((CNK, D2), jnp.float32),
            pltpu.VMEM((CNK, D2), jnp.float32),
            pltpu.VMEM((CNK, D2), jnp.float32),
            pltpu.VMEM((CNK, D2), jnp.float32),
            pltpu.SemaphoreType.DMA,
        ],
    )(p2t, idxg, wout)

    interp3 = interp.reshape(B, N, D2)

    y0, st0 = pl.pallas_call(
        _k2_body,
        grid=grid,
        in_specs=[
            pl.BlockSpec((1, D1, Nb), lambda b, n: (b, 0, n)),
            pl.BlockSpec((1, Nb, D2), lambda b, n: (b, n, 0)),
            pl.BlockSpec((C0, D1 + D2), lambda b, n: (0, 0)),
            pl.BlockSpec((C0, 1), lambda b, n: (0, 0)),
        ],
        out_specs=[
            pl.BlockSpec((1, C0, Nb), lambda b, n: (b, 0, n)),
            pl.BlockSpec((8, C0), lambda b, n: (0, 0)),
        ],
        out_shape=[
            jax.ShapeDtypeStruct((B, C0, N), jnp.float32),
            jax.ShapeDtypeStruct((8, C0), jnp.float32),
        ],
    )(points1, interp3, W0, b0c)

    y1, st1 = pl.pallas_call(
        functools.partial(_k3_body, count=count),
        grid=grid2,
        in_specs=[
            pl.BlockSpec((1, C0, Nb2), lambda b, n: (b, 0, n)),
            pl.BlockSpec((8, C0), lambda b, n: (0, 0)),
            pl.BlockSpec((1, C0), lambda b, n: (0, 0)),
            pl.BlockSpec((1, C0), lambda b, n: (0, 0)),
            pl.BlockSpec((C1, C0), lambda b, n: (0, 0)),
            pl.BlockSpec((C1, 1), lambda b, n: (0, 0)),
        ],
        out_specs=[
            pl.BlockSpec((1, C1, Nb2), lambda b, n: (b, 0, n)),
            pl.BlockSpec((8, C1), lambda b, n: (0, 0)),
        ],
        out_shape=[
            jax.ShapeDtypeStruct((B, C1, N), jnp.float32),
            jax.ShapeDtypeStruct((8, C1), jnp.float32),
        ],
    )(y0, st0, g0r, be0r, W1, b1c)

    out = pl.pallas_call(
        functools.partial(_k4_body, count=count),
        grid=grid2,
        in_specs=[
            pl.BlockSpec((1, C1, Nb2), lambda b, n: (b, 0, n)),
            pl.BlockSpec((8, C1), lambda b, n: (0, 0)),
            pl.BlockSpec((1, C1), lambda b, n: (0, 0)),
            pl.BlockSpec((1, C1), lambda b, n: (0, 0)),
        ],
        out_specs=pl.BlockSpec((1, C1, Nb2), lambda b, n: (b, 0, n)),
        out_shape=jax.ShapeDtypeStruct((B, C1, N), jnp.float32),
    )(y1, st1, g1r, be1r)

    return out

# --- scband reference (transcript-rebuilt; emitter-appended) ---
"""Pipeline reference for scband-point-net-feature-propagation-2972117368914 (READ-ONLY COPY).

The authoritative reference and input builder live on the scoring server;
editing this copy changes nothing except your own understanding.
"""

import jax, jax.numpy as jnp
import numpy as np


def square_distance(src, dst):
    # src: [B, N, 3], dst: [B, S, 3] -> [B, N, S]
    dist = -2.0 * jnp.matmul(src, jnp.swapaxes(dst, 1, 2))
    dist = dist + jnp.sum(src ** 2, axis=-1)[:, :, None]
    dist = dist + jnp.sum(dst ** 2, axis=-1)[:, None, :]
    return dist


def index_points(points, idx):
    # points: [B, S, C], idx: [B, N, k] -> [B, N, k, C]
    B = points.shape[0]
    batch = jnp.arange(B)[:, None, None]
    return points[batch, idx]


def setup_inputs(seed: int = 0) -> dict:
    key = jax.random.key(seed)
    ks = jax.random.split(key, 12)
    B, N, S = 8, 4096, 1024
    D1, D2 = 128, 256
    in_channel = D1 + D2  # 384
    mlp = [256, 256]
    inp = {
        "xyz1": jax.random.normal(ks[0], (B, 3, N), dtype=jnp.float32),
        "xyz2": jax.random.normal(ks[1], (B, 3, S), dtype=jnp.float32),
        "points1": jax.random.normal(ks[2], (B, D1, N), dtype=jnp.float32),
        "points2": jax.random.normal(ks[3], (B, D2, S), dtype=jnp.float32),
    }
    last = in_channel
    for i, out_c in enumerate(mlp):
        inp[f"W{i}"] = jax.random.normal(ks[4 + 2 * i], (out_c, last), dtype=jnp.float32) * (1.0 / np.sqrt(last))
        inp[f"b{i}"] = jnp.zeros((out_c,), dtype=jnp.float32)
        inp[f"gamma{i}"] = jnp.ones((out_c,), dtype=jnp.float32)
        inp[f"beta{i}"] = jnp.zeros((out_c,), dtype=jnp.float32)
        last = out_c
    return inp


def reference(xyz1, xyz2, points1, points2, W0, b0, gamma0, beta0, W1, b1, gamma1, beta1):
    x1 = jnp.transpose(xyz1, (0, 2, 1))  # [B, N, 3]
    x2 = jnp.transpose(xyz2, (0, 2, 1))  # [B, S, 3]
    p2 = jnp.transpose(points2, (0, 2, 1))  # [B, S, D2]
    B, N, _ = x1.shape
    S = x2.shape[1]
    # S > 1 branch (S == 1024)
    dists_full = square_distance(x1, x2)
    idx = jnp.argsort(dists_full, axis=-1)[:, :, :3]
    # NOTE: faithful to the original code's behavior: it takes the first-3 columns
    # of the UNSORTED distance matrix for the weights (the sorted values were bound
    # to a throwaway variable), while gathering the 3 nearest points via idx.
    d = dists_full[:, :, :3]
    d = jnp.where(d < 1e-10, 1e-10, d)
    weight = 1.0 / d
    weight = weight / jnp.sum(weight, axis=-1, keepdims=True)
    interpolated = jnp.sum(index_points(p2, idx) * weight[:, :, :, None], axis=2)  # [B, N, D2]
    p1 = jnp.transpose(points1, (0, 2, 1))  # [B, N, D1]
    new_points = jnp.concatenate([p1, interpolated], axis=-1)  # [B, N, D1+D2]
    new_points = jnp.transpose(new_points, (0, 2, 1))  # [B, C, N]
    for W, b, g, be in ((W0, b0, gamma0, beta0), (W1, b1, gamma1, beta1)):
        y = jnp.einsum('oi,bin->bon', W, new_points) + b[None, :, None]
        mean = jnp.mean(y, axis=(0, 2), keepdims=True)
        var = jnp.var(y, axis=(0, 2), keepdims=True)  # biased var, as torch BN training
        y = (y - mean) / jnp.sqrt(var + 1e-5) * g[None, :, None] + be[None, :, None]
        new_points = jax.nn.relu(y)
    return new_points

if __name__ == "__main__":
    import jax
    _d = setup_inputs()
    print(jax.jit(kernel)(*tuple(_d.values())))

</pallas_src>

<mosaic_0001>
#map = affine_map<(d0, d1) -> (0, 0)>
#map1 = affine_map<(d0, d1) -> (0, 0, 0)>
#map2 = affine_map<(d0, d1) -> (0, 0, 0, 0)>
module attributes {stable_mosaic.version = 14 : i64} {
  func.func @_sc_gather_body(%arg0: i32, %arg1: i32, %arg2: memref<8192x256xf32, #tpu.memory_space<hbm>>, %arg3: memref<8x8x4096xi32, #tpu.memory_space<hbm>>, %arg4: memref<8x3x4096x16xf32, #tpu.memory_space<hbm>>, %arg5: memref<32768x256xf32, #tpu.memory_space<hbm>>, %arg6: memref<64xi32, #tpu.memory_space<vmem>>, %arg7: memref<64xi32, #tpu.memory_space<vmem>>, %arg8: memref<64xi32, #tpu.memory_space<vmem>>, %arg9: memref<64x16xf32, #tpu.memory_space<vmem>>, %arg10: memref<64x16xf32, #tpu.memory_space<vmem>>, %arg11: memref<64x16xf32, #tpu.memory_space<vmem>>, %arg12: memref<64x256xf32, #tpu.memory_space<vmem>>, %arg13: memref<64x256xf32, #tpu.memory_space<vmem>>, %arg14: memref<64x256xf32, #tpu.memory_space<vmem>>, %arg15: memref<64x256xf32, #tpu.memory_space<vmem>>, %arg16: memref<!tpu.dma_semaphore, #tpu.memory_space<semaphore_mem>>) attributes {dimension_semantics = [#tpu.dimension_semantics<core_parallel>, #tpu.dimension_semantics<subcore_parallel>], iteration_bounds = array<i64: 2, 16>, scalar_prefetch = 0 : i64, scratch_operands = 11 : i64, tpu.core_type = #tpu.core_type<sc_vector_subcore>, window_params = [{transform_indices = #map}, {transform_indices = #map1}, {transform_indices = #map2}, {transform_indices = #map}]} {
    %mul3A = arith.constant 2 : i32
    %mul3A_0 = arith.muli %arg1, %mul3A : i32
    %add3A = arith.addi %mul3A_0, %arg0 : i32
    %jit3A = arith.constant 4 : i32
    %div3A = arith.divsi %add3A, %jit3A : i32
    %sign3A = arith.constant 0 : i32
    %sign3A_1 = arith.cmpi sgt, %add3A, %sign3A : i32
    %sign3A_2 = arith.extui %sign3A_1 : i1 to i32
    %sign3A_3 = arith.constant 0 : i32
    %sign3A_4 = arith.cmpi slt, %add3A, %sign3A_3 : i32
    %sign3A_5 = arith.extui %sign3A_4 : i1 to i32
    %sign3A_6 = arith.subi %sign3A_2, %sign3A_5 : i32
    %sign3A_7 = arith.constant 0 : i32
    %sign3A_8 = arith.cmpi sgt, %jit3A, %sign3A_7 : i32
    %sign3A_9 = arith.extui %sign3A_8 : i1 to i32
    %sign3A_10 = arith.constant 0 : i32
    %sign3A_11 = arith.cmpi slt, %jit3A, %sign3A_10 : i32
    %sign3A_12 = arith.extui %sign3A_11 : i1 to i32
    %sign3A_13 = arith.subi %sign3A_9, %sign3A_12 : i32
    %ne3A = arith.cmpi ne, %sign3A_6, %sign3A_13 : i32
    %rem3A = arith.remsi %add3A, %jit3A : i32
    %ne3A_14 = arith.constant 0 : i32
    %ne3A_15 = arith.cmpi ne, %rem3A, %ne3A_14 : i32
    %and3A = arith.andi %ne3A, %ne3A_15 : i1
    %sub3A = arith.constant 1 : i32
    %sub3A_16 = arith.subi %div3A, %sub3A : i32
    %select_n3A = arith.select %and3A, %sub3A_16, %div3A : i32
    %jit3A_17 = arith.constant 4 : i32
    %eq3A = arith.constant 0 : i32
    %eq3A_18 = arith.cmpi eq, %jit3A_17, %eq3A : i32
    %jit3A_19 = arith.constant 1 : i32
    %select_n3A_20 = arith.select %eq3A_18, %jit3A_19, %jit3A_17 : i32
    %rem3A_21 = arith.remsi %add3A, %select_n3A_20 : i32
    %ne3A_22 = arith.constant 0 : i32
    %ne3A_23 = arith.cmpi ne, %rem3A_21, %ne3A_22 : i32
    %lt3A = arith.constant 0 : i32
    %lt3A_24 = arith.cmpi slt, %rem3A_21, %lt3A : i32
    %lt3A_25 = arith.constant 0 : i32
    %lt3A_26 = arith.cmpi slt, %select_n3A_20, %lt3A_25 : i32
    %ne3A_27 = arith.xori %lt3A_24, %lt3A_26 : i1
    %and3A_28 = arith.andi %ne3A_27, %ne3A_23 : i1
    %add3A_29 = arith.addi %rem3A_21, %select_n3A_20 : i32
    %select_n3A_30 = arith.select %and3A_28, %add3A_29, %rem3A_21 : i32
    %mul3A_31 = arith.constant 1024 : i32
    %mul3A_32 = arith.muli %add3A, %mul3A_31 : i32
    %mul3A_33 = arith.constant 1024 : i32
    %mul3A_34 = arith.muli %select_n3A_30, %mul3A_33 : i32
    %scan3A = arith.constant 0 : i32
    %scan3A_35 = arith.constant 0 : i32
    %scan3A_36 = arith.constant 16 : i32
    %scan3A_37 = arith.addi %scan3A_35, %scan3A_36 : i32
    %scan3A_38 = arith.constant 1 : i32
    %scan3A_39 = scf.for %scan3A_41 = %scan3A_35 to %scan3A_37 step %scan3A_38 iter_args(%scan3A_42 = %scan3A) -> (i32)  : i32 {
      %mul3A_43 = arith.constant 64 : i32
      %mul3A_44 = arith.muli %scan3A_41, %mul3A_43 : i32
      %add3A_45 = arith.addi %mul3A_34, %mul3A_44 : i32
      %run_scoped3A = arith.constant 0 : i32
      "tpu.region"() ({
        %run_scoped3A_78 = tpu.sem_alloc : memref<!tpu.dma_semaphore, #tpu.memory_space<semaphore_mem>>
        %dma_start3A_79 = tpu.memref_slice %arg3[%select_n3A, %run_scoped3A, %add3A_45] : memref<8x8x4096xi32, #tpu.memory_space<hbm>> -> memref<1x1x64xi32, #tpu.memory_space<hbm>>
        %dma_start3A_80 = tpu.memref_squeeze %dma_start3A_79 : memref<1x1x64xi32, #tpu.memory_space<hbm>> -> memref<64xi32, #tpu.memory_space<hbm>>
        %dma_start3A_81 = tpu.memref_slice %arg3[%select_n3A, %run_scoped3A, %add3A_45] : memref<8x8x4096xi32, #tpu.memory_space<hbm>> -> memref<1x1x64xi32, #tpu.memory_space<hbm>>
        %dma_start3A_82 = tpu.memref_squeeze %dma_start3A_81 : memref<1x1x64xi32, #tpu.memory_space<hbm>> -> memref<64xi32, #tpu.memory_space<hbm>>
        tpu.enqueue_dma source(%dma_start3A_82 : memref<64xi32, #tpu.memory_space<hbm>>) target(%arg6 : memref<64xi32, #tpu.memory_space<vmem>>) target_semaphore(%run_scoped3A_78 : memref<!tpu.dma_semaphore, #tpu.memory_space<semaphore_mem>>)
        %dma_wait3A_83 = tpu.memref_slice %arg3[%select_n3A, %run_scoped3A, %add3A_45] : memref<8x8x4096xi32, #tpu.memory_space<hbm>> -> memref<1x1x64xi32, #tpu.memory_space<hbm>>
        %dma_wait3A_84 = tpu.memref_squeeze %dma_wait3A_83 : memref<1x1x64xi32, #tpu.memory_space<hbm>> -> memref<64xi32, #tpu.memory_space<hbm>>
        %dma_wait3A_85 = tpu.memref_slice %arg3[%select_n3A, %run_scoped3A, %add3A_45] : memref<8x8x4096xi32, #tpu.memory_space<hbm>> -> memref<1x1x64xi32, #tpu.memory_space<hbm>>
        %dma_wait3A_86 = tpu.memref_squeeze %dma_wait3A_85 : memref<1x1x64xi32, #tpu.memory_space<hbm>> -> memref<64xi32, #tpu.memory_space<hbm>>
        tpu.wait_dma2 semaphore(%run_scoped3A_78 : memref<!tpu.dma_semaphore, #tpu.memory_space<semaphore_mem>>) src(%dma_wait3A_86 : memref<64xi32, #tpu.memory_space<hbm>>) dst(%arg6 : memref<64xi32, #tpu.memory_space<vmem>>)
        tpu.yield
      }) : () -> ()
      %run_scoped3A_46 = arith.constant 1 : i32
      "tpu.region"() ({
        %run_scoped3A_78 = tpu.sem_alloc : memref<!tpu.dma_semaphore, #tpu.memory_space<semaphore_mem>>
        %dma_start3A_79 = tpu.memref_slice %arg3[%select_n3A, %run_scoped3A_46, %add3A_45] : memref<8x8x4096xi32, #tpu.memory_space<hbm>> -> memref<1x1x64xi32, #tpu.memory_space<hbm>>
        %dma_start3A_80 = tpu.memref_squeeze %dma_start3A_79 : memref<1x1x64xi32, #tpu.memory_space<hbm>> -> memref<64xi32, #tpu.memory_space<hbm>>
        %dma_start3A_81 = tpu.memref_slice %arg3[%select_n3A, %run_scoped3A_46, %add3A_45] : memref<8x8x4096xi32, #tpu.memory_space<hbm>> -> memref<1x1x64xi32, #tpu.memory_space<hbm>>
        %dma_start3A_82 = tpu.memref_squeeze %dma_start3A_81 : memref<1x1x64xi32, #tpu.memory_space<hbm>> -> memref<64xi32, #tpu.memory_space<hbm>>
        tpu.enqueue_dma source(%dma_start3A_82 : memref<64xi32, #tpu.memory_space<hbm>>) target(%arg7 : memref<64xi32, #tpu.memory_space<vmem>>) target_semaphore(%run_scoped3A_78 : memref<!tpu.dma_semaphore, #tpu.memory_space<semaphore_mem>>)
        %dma_wait3A_83 = tpu.memref_slice %arg3[%select_n3A, %run_scoped3A_46, %add3A_45] : memref<8x8x4096xi32, #tpu.memory_space<hbm>> -> memref<1x1x64xi32, #tpu.memory_space<hbm>>
        %dma_wait3A_84 = tpu.memref_squeeze %dma_wait3A_83 : memref<1x1x64xi32, #tpu.memory_space<hbm>> -> memref<64xi32, #tpu.memory_space<hbm>>
        %dma_wait3A_85 = tpu.memref_slice %arg3[%select_n3A, %run_scoped3A_46, %add3A_45] : memref<8x8x4096xi32, #tpu.memory_space<hbm>> -> memref<1x1x64xi32, #tpu.memory_space<hbm>>
        %dma_wait3A_86 = tpu.memref_squeeze %dma_wait3A_85 : memref<1x1x64xi32, #tpu.memory_space<hbm>> -> memref<64xi32, #tpu.memory_space<hbm>>
        tpu.wait_dma2 semaphore(%run_scoped3A_78 : memref<!tpu.dma_semaphore, #tpu.memory_space<semaphore_mem>>) src(%dma_wait3A_86 : memref<64xi32, #tpu.memory_space<hbm>>) dst(%arg7 : memref<64xi32, #tpu.memory_space<vmem>>)
        tpu.yield
      }) : () -> ()
      %run_scoped3A_47 = arith.constant 2 : i32
      "tpu.region"() ({
        %run_scoped3A_78 = tpu.sem_alloc : memref<!tpu.dma_semaphore, #tpu.memory_space<semaphore_mem>>
        %dma_start3A_79 = tpu.memref_slice %arg3[%select_n3A, %run_scoped3A_47, %add3A_45] : memref<8x8x4096xi32, #tpu.memory_space<hbm>> -> memref<1x1x64xi32, #tpu.memory_space<hbm>>
        %dma_start3A_80 = tpu.memref_squeeze %dma_start3A_79 : memref<1x1x64xi32, #tpu.memory_space<hbm>> -> memref<64xi32, #tpu.memory_space<hbm>>
        %dma_start3A_81 = tpu.memref_slice %arg3[%select_n3A, %run_scoped3A_47, %add3A_45] : memref<8x8x4096xi32, #tpu.memory_space<hbm>> -> memref<1x1x64xi32, #tpu.memory_space<hbm>>
        %dma_start3A_82 = tpu.memref_squeeze %dma_start3A_81 : memref<1x1x64xi32, #tpu.memory_space<hbm>> -> memref<64xi32, #tpu.memory_space<hbm>>
        tpu.enqueue_dma source(%dma_start3A_82 : memref<64xi32, #tpu.memory_space<hbm>>) target(%arg8 : memref<64xi32, #tpu.memory_space<vmem>>) target_semaphore(%run_scoped3A_78 : memref<!tpu.dma_semaphore, #tpu.memory_space<semaphore_mem>>)
        %dma_wait3A_83 = tpu.memref_slice %arg3[%select_n3A, %run_scoped3A_47, %add3A_45] : memref<8x8x4096xi32, #tpu.memory_space<hbm>> -> memref<1x1x64xi32, #tpu.memory_space<hbm>>
        %dma_wait3A_84 = tpu.memref_squeeze %dma_wait3A_83 : memref<1x1x64xi32, #tpu.memory_space<hbm>> -> memref<64xi32, #tpu.memory_space<hbm>>
        %dma_wait3A_85 = tpu.memref_slice %arg3[%select_n3A, %run_scoped3A_47, %add3A_45] : memref<8x8x4096xi32, #tpu.memory_space<hbm>> -> memref<1x1x64xi32, #tpu.memory_space<hbm>>
        %dma_wait3A_86 = tpu.memref_squeeze %dma_wait3A_85 : memref<1x1x64xi32, #tpu.memory_space<hbm>> -> memref<64xi32, #tpu.memory_space<hbm>>
        tpu.wait_dma2 semaphore(%run_scoped3A_78 : memref<!tpu.dma_semaphore, #tpu.memory_space<semaphore_mem>>) src(%dma_wait3A_86 : memref<64xi32, #tpu.memory_space<hbm>>) dst(%arg8 : memref<64xi32, #tpu.memory_space<vmem>>)
        tpu.yield
      }) : () -> ()
      %run_scoped3A_48 = arith.constant 0 : i32
      "tpu.region"() ({
        %run_scoped3A_78 = tpu.sem_alloc : memref<!tpu.dma_semaphore, #tpu.memory_space<semaphore_mem>>
        %dma_start3A_79 = arith.constant 0 : i32
        %dma_start3A_80 = tpu.memref_slice %arg4[%select_n3A, %run_scoped3A_48, %add3A_45, %dma_start3A_79] : memref<8x3x4096x16xf32, #tpu.memory_space<hbm>> -> memref<1x1x64x16xf32, #tpu.memory_space<hbm>>
        %dma_start3A_81 = tpu.memref_squeeze %dma_start3A_80 : memref<1x1x64x16xf32, #tpu.memory_space<hbm>> -> memref<64x16xf32, #tpu.memory_space<hbm>>
        %dma_start3A_82 = arith.constant 0 : i32
        %dma_start3A_83 = tpu.memref_slice %arg4[%select_n3A, %run_scoped3A_48, %add3A_45, %dma_start3A_82] : memref<8x3x4096x16xf32, #tpu.memory_space<hbm>> -> memref<1x1x64x16xf32, #tpu.memory_space<hbm>>
        %dma_start3A_84 = tpu.memref_squeeze %dma_start3A_83 : memref<1x1x64x16xf32, #tpu.memory_space<hbm>> -> memref<64x16xf32, #tpu.memory_space<hbm>>
        tpu.enqueue_dma source(%dma_start3A_84 : memref<64x16xf32, #tpu.memory_space<hbm>>) target(%arg9 : memref<64x16xf32, #tpu.memory_space<vmem>>) target_semaphore(%run_scoped3A_78 : memref<!tpu.dma_semaphore, #tpu.memory_space<semaphore_mem>>)
        %dma_wait3A_85 = arith.constant 0 : i32
        %dma_wait3A_86 = tpu.memref_slice %arg4[%select_n3A, %run_scoped3A_48, %add3A_45, %dma_wait3A_85] : memref<8x3x4096x16xf32, #tpu.memory_space<hbm>> -> memref<1x1x64x16xf32, #tpu.memory_space<hbm>>
        %dma_wait3A_87 = tpu.memref_squeeze %dma_wait3A_86 : memref<1x1x64x16xf32, #tpu.memory_space<hbm>> -> memref<64x16xf32, #tpu.memory_space<hbm>>
        %dma_wait3A_88 = arith.constant 0 : i32
        %dma_wait3A_89 = tpu.memref_slice %arg4[%select_n3A, %run_scoped3A_48, %add3A_45, %dma_wait3A_88] : memref<8x3x4096x16xf32, #tpu.memory_space<hbm>> -> memref<1x1x64x16xf32, #tpu.memory_space<hbm>>
        %dma_wait3A_90 = tpu.memref_squeeze %dma_wait3A_89 : memref<1x1x64x16xf32, #tpu.memory_space<hbm>> -> memref<64x16xf32, #tpu.memory_space<hbm>>
        tpu.wait_dma2 semaphore(%run_scoped3A_78 : memref<!tpu.dma_semaphore, #tpu.memory_space<semaphore_mem>>) src(%dma_wait3A_90 : memref<64x16xf32, #tpu.memory_space<hbm>>) dst(%arg9 : memref<64x16xf32, #tpu.memory_space<vmem>>)
        tpu.yield
      }) : () -> ()
      %run_scoped3A_49 = arith.constant 1 : i32
      "tpu.region"() ({
        %run_scoped3A_78 = tpu.sem_alloc : memref<!tpu.dma_semaphore, #tpu.memory_space<semaphore_mem>>
        %dma_start3A_79 = arith.constant 0 : i32
        %dma_start3A_80 = tpu.memref_slice %arg4[%select_n3A, %run_scoped3A_49, %add3A_45, %dma_start3A_79] : memref<8x3x4096x16xf32, #tpu.memory_space<hbm>> -> memref<1x1x64x16xf32, #tpu.memory_space<hbm>>
        %dma_start3A_81 = tpu.memref_squeeze %dma_start3A_80 : memref<1x1x64x16xf32, #tpu.memory_space<hbm>> -> memref<64x16xf32, #tpu.memory_space<hbm>>
        %dma_start3A_82 = arith.constant 0 : i32
        %dma_start3A_83 = tpu.memref_slice %arg4[%select_n3A, %run_scoped3A_49, %add3A_45, %dma_start3A_82] : memref<8x3x4096x16xf32, #tpu.memory_space<hbm>> -> memref<1x1x64x16xf32, #tpu.memory_space<hbm>>
        %dma_start3A_84 = tpu.memref_squeeze %dma_start3A_83 : memref<1x1x64x16xf32, #tpu.memory_space<hbm>> -> memref<64x16xf32, #tpu.memory_space<hbm>>
        tpu.enqueue_dma source(%dma_start3A_84 : memref<64x16xf32, #tpu.memory_space<hbm>>) target(%arg10 : memref<64x16xf32, #tpu.memory_space<vmem>>) target_semaphore(%run_scoped3A_78 : memref<!tpu.dma_semaphore, #tpu.memory_space<semaphore_mem>>)
        %dma_wait3A_85 = arith.constant 0 : i32
        %dma_wait3A_86 = tpu.memref_slice %arg4[%select_n3A, %run_scoped3A_49, %add3A_45, %dma_wait3A_85] : memref<8x3x4096x16xf32, #tpu.memory_space<hbm>> -> memref<1x1x64x16xf32, #tpu.memory_space<hbm>>
        %dma_wait3A_87 = tpu.memref_squeeze %dma_wait3A_86 : memref<1x1x64x16xf32, #tpu.memory_space<hbm>> -> memref<64x16xf32, #tpu.memory_space<hbm>>
        %dma_wait3A_88 = arith.constant 0 : i32
        %dma_wait3A_89 = tpu.memref_slice %arg4[%select_n3A, %run_scoped3A_49, %add3A_45, %dma_wait3A_88] : memref<8x3x4096x16xf32, #tpu.memory_space<hbm>> -> memref<1x1x64x16xf32, #tpu.memory_space<hbm>>
        %dma_wait3A_90 = tpu.memref_squeeze %dma_wait3A_89 : memref<1x1x64x16xf32, #tpu.memory_space<hbm>> -> memref<64x16xf32, #tpu.memory_space<hbm>>
        tpu.wait_dma2 semaphore(%run_scoped3A_78 : memref<!tpu.dma_semaphore, #tpu.memory_space<semaphore_mem>>) src(%dma_wait3A_90 : memref<64x16xf32, #tpu.memory_space<hbm>>) dst(%arg10 : memref<64x16xf32, #tpu.memory_space<vmem>>)
        tpu.yield
      }) : () -> ()
      %run_scoped3A_50 = arith.constant 2 : i32
      "tpu.region"() ({
        %run_scoped3A_78 = tpu.sem_alloc : memref<!tpu.dma_semaphore, #tpu.memory_space<semaphore_mem>>
        %dma_start3A_79 = arith.constant 0 : i32
        %dma_start3A_80 = tpu.memref_slice %arg4[%select_n3A, %run_scoped3A_50, %add3A_45, %dma_start3A_79] : memref<8x3x4096x16xf32, #tpu.memory_space<hbm>> -> memref<1x1x64x16xf32, #tpu.memory_space<hbm>>
        %dma_start3A_81 = tpu.memref_squeeze %dma_start3A_80 : memref<1x1x64x16xf32, #tpu.memory_space<hbm>> -> memref<64x16xf32, #tpu.memory_space<hbm>>
        %dma_start3A_82 = arith.constant 0 : i32
        %dma_start3A_83 = tpu.memref_slice %arg4[%select_n3A, %run_scoped3A_50, %add3A_45, %dma_start3A_82] : memref<8x3x4096x16xf32, #tpu.memory_space<hbm>> -> memref<1x1x64x16xf32, #tpu.memory_space<hbm>>
        %dma_start3A_84 = tpu.memref_squeeze %dma_start3A_83 : memref<1x1x64x16xf32, #tpu.memory_space<hbm>> -> memref<64x16xf32, #tpu.memory_space<hbm>>
        tpu.enqueue_dma source(%dma_start3A_84 : memref<64x16xf32, #tpu.memory_space<hbm>>) target(%arg11 : memref<64x16xf32, #tpu.memory_space<vmem>>) target_semaphore(%run_scoped3A_78 : memref<!tpu.dma_semaphore, #tpu.memory_space<semaphore_mem>>)
        %dma_wait3A_85 = arith.constant 0 : i32
        %dma_wait3A_86 = tpu.memref_slice %arg4[%select_n3A, %run_scoped3A_50, %add3A_45, %dma_wait3A_85] : memref<8x3x4096x16xf32, #tpu.memory_space<hbm>> -> memref<1x1x64x16xf32, #tpu.memory_space<hbm>>
        %dma_wait3A_87 = tpu.memref_squeeze %dma_wait3A_86 : memref<1x1x64x16xf32, #tpu.memory_space<hbm>> -> memref<64x16xf32, #tpu.memory_space<hbm>>
        %dma_wait3A_88 = arith.constant 0 : i32
        %dma_wait3A_89 = tpu.memref_slice %arg4[%select_n3A, %run_scoped3A_50, %add3A_45, %dma_wait3A_88] : memref<8x3x4096x16xf32, #tpu.memory_space<hbm>> -> memref<1x1x64x16xf32, #tpu.memory_space<hbm>>
        %dma_wait3A_90 = tpu.memref_squeeze %dma_wait3A_89 : memref<1x1x64x16xf32, #tpu.memory_space<hbm>> -> memref<64x16xf32, #tpu.memory_space<hbm>>
        tpu.wait_dma2 semaphore(%run_scoped3A_78 : memref<!tpu.dma_semaphore, #tpu.memory_space<semaphore_mem>>) src(%dma_wait3A_90 : memref<64x16xf32, #tpu.memory_space<hbm>>) dst(%arg11 : memref<64x16xf32, #tpu.memory_space<vmem>>)
        tpu.yield
      }) : () -> ()
      %dma_start3A = arith.constant 0 : i32
      %dma_start3A_51 = arith.constant 0 : i32
      %dma_start3A_52 = tpu.memref_slice %arg2[%dma_start3A, %dma_start3A_51] : memref<8192x256xf32, #tpu.memory_space<hbm>> -> memref<8192x256xf32, #tpu.memory_space<hbm>>
      tpu.enqueue_indirect_dma source(%dma_start3A_52 : memref<8192x256xf32, #tpu.memory_space<hbm>>) target(%arg12 : memref<64x256xf32, #tpu.memory_space<vmem>>) offsets(%arg6 : memref<64xi32, #tpu.memory_space<vmem>>) semaphore(%arg16 : memref<!tpu.dma_semaphore, #tpu.memory_space<semaphore_mem>>)
      %dma_start3A_53 = arith.constant 0 : i32
      %dma_start3A_54 = arith.constant 0 : i32
      %dma_start3A_55 = tpu.memref_slice %arg2[%dma_start3A_53, %dma_start3A_54] : memref<8192x256xf32, #tpu.memory_space<hbm>> -> memref<8192x256xf32, #tpu.memory_space<hbm>>
      tpu.enqueue_indirect_dma source(%dma_start3A_55 : memref<8192x256xf32, #tpu.memory_space<hbm>>) target(%arg13 : memref<64x256xf32, #tpu.memory_space<vmem>>) offsets(%arg7 : memref<64xi32, #tpu.memory_space<vmem>>) semaphore(%arg16 : memref<!tpu.dma_semaphore, #tpu.memory_space<semaphore_mem>>)
      %dma_start3A_56 = arith.constant 0 : i32
      %dma_start3A_57 = arith.constant 0 : i32
      %dma_start3A_58 = tpu.memref_slice %arg2[%dma_start3A_56, %dma_start3A_57] : memref<8192x256xf32, #tpu.memory_space<hbm>> -> memref<8192x256xf32, #tpu.memory_space<hbm>>
      tpu.enqueue_indirect_dma source(%dma_start3A_58 : memref<8192x256xf32, #tpu.memory_space<hbm>>) target(%arg14 : memref<64x256xf32, #tpu.memory_space<vmem>>) offsets(%arg8 : memref<64xi32, #tpu.memory_space<vmem>>) semaphore(%arg16 : memref<!tpu.dma_semaphore, #tpu.memory_space<semaphore_mem>>)
      %dma_wait3A = arith.constant 0 : i32
      %dma_wait3A_59 = arith.constant 0 : i32
      %dma_wait3A_60 = tpu.memref_slice %arg2[%dma_wait3A, %dma_wait3A_59] : memref<8192x256xf32, #tpu.memory_space<hbm>> -> memref<8192x256xf32, #tpu.memory_space<hbm>>
      tpu.wait_indirect_dma semaphore(%arg16 : memref<!tpu.dma_semaphore, #tpu.memory_space<semaphore_mem>>) src(%dma_wait3A_60 : memref<8192x256xf32, #tpu.memory_space<hbm>>) dst(%arg12 : memref<64x256xf32, #tpu.memory_space<vmem>>)
      %dma_wait3A_61 = arith.constant 0 : i32
      %dma_wait3A_62 = arith.constant 0 : i32
      %dma_wait3A_63 = tpu.memref_slice %arg2[%dma_wait3A_61, %dma_wait3A_62] : memref<8192x256xf32, #tpu.memory_space<hbm>> -> memref<8192x256xf32, #tpu.memory_space<hbm>>
      tpu.wait_indirect_dma semaphore(%arg16 : memref<!tpu.dma_semaphore, #tpu.memory_space<semaphore_mem>>) src(%dma_wait3A_63 : memref<8192x256xf32, #tpu.memory_space<hbm>>) dst(%arg13 : memref<64x256xf32, #tpu.memory_space<vmem>>)
      %dma_wait3A_64 = arith.constant 0 : i32
      %dma_wait3A_65 = arith.constant 0 : i32
      %dma_wait3A_66 = tpu.memref_slice %arg2[%dma_wait3A_64, %dma_wait3A_65] : memref<8192x256xf32, #tpu.memory_space<hbm>> -> memref<8192x256xf32, #tpu.memory_space<hbm>>
      tpu.wait_indirect_dma semaphore(%arg16 : memref<!tpu.dma_semaphore, #tpu.memory_space<semaphore_mem>>) src(%dma_wait3A_66 : memref<8192x256xf32, #tpu.memory_space<hbm>>) dst(%arg14 : memref<64x256xf32, #tpu.memory_space<vmem>>)
      %scan3A_67 = arith.constant 0 : i32
      %scan3A_68 = arith.constant 0 : i32
      %scan3A_69 = arith.constant 64 : i32
      %scan3A_70 = arith.addi %scan3A_68, %scan3A_69 : i32
      %scan3A_71 = arith.constant 1 : i32
      %scan3A_72 = scf.for %scan3A_78 = %scan3A_68 to %scan3A_70 step %scan3A_71 iter_args(%scan3A_79 = %scan3A_67) -> (i32)  : i32 {
        %get3A = arith.index_cast %scan3A_78 : i32 to index
        %get3A_80 = arith.constant 0 : index
        %get3A_81 = tpu.vector_load %arg9[%get3A, %get3A_80] {strides = array<i32>} : memref<64x16xf32, #tpu.memory_space<vmem>>, vector<1x16xf32>,
        %get3A_82 = vector.shape_cast %get3A_81 : vector<1x16xf32> to vector<16xf32>
        %get3A_83 = arith.index_cast %scan3A_78 : i32 to index
        %get3A_84 = arith.constant 0 : index
        %get3A_85 = tpu.vector_load %arg10[%get3A_83, %get3A_84] {strides = array<i32>} : memref<64x16xf32, #tpu.memory_space<vmem>>, vector<1x16xf32>,
        %get3A_86 = vector.shape_cast %get3A_85 : vector<1x16xf32> to vector<16xf32>
        %get3A_87 = arith.index_cast %scan3A_78 : i32 to index
        %get3A_88 = arith.constant 0 : index
        %get3A_89 = tpu.vector_load %arg11[%get3A_87, %get3A_88] {strides = array<i32>} : memref<64x16xf32, #tpu.memory_space<vmem>>, vector<1x16xf32>,
        %get3A_90 = vector.shape_cast %get3A_89 : vector<1x16xf32> to vector<16xf32>
        %get3A_91 = arith.index_cast %scan3A_78 : i32 to index
        %get3A_92 = arith.constant 0 : index
        %get3A_93 = tpu.vector_load %arg12[%get3A_91, %get3A_92] {strides = array<i32>} : memref<64x256xf32, #tpu.memory_space<vmem>>, vector<1x16xf32>,
        %get3A_94 = vector.shape_cast %get3A_93 : vector<1x16xf32> to vector<16xf32>
        %mul3A_95 = arith.mulf %get3A_94, %get3A_82 : vector<16xf32>
        %get3A_96 = arith.index_cast %scan3A_78 : i32 to index
        %get3A_97 = arith.constant 0 : index
        %get3A_98 = tpu.vector_load %arg13[%get3A_96, %get3A_97] {strides = array<i32>} : memref<64x256xf32, #tpu.memory_space<vmem>>, vector<1x16xf32>,
        %get3A_99 = vector.shape_cast %get3A_98 : vector<1x16xf32> to vector<16xf32>
        %mul3A_100 = arith.mulf %get3A_99, %get3A_86 : vector<16xf32>
        %add3A_101 = arith.addf %mul3A_95, %mul3A_100 : vector<16xf32>
        %get3A_102 = arith.index_cast %scan3A_78 : i32 to index
        %get3A_103 = arith.constant 0 : index
        %get3A_104 = tpu.vector_load %arg14[%get3A_102, %get3A_103] {strides = array<i32>} : memref<64x256xf32, #tpu.memory_space<vmem>>, vector<1x16xf32>,
        %get3A_105 = vector.shape_cast %get3A_104 : vector<1x16xf32> to vector<16xf32>
        %mul3A_106 = arith.mulf %get3A_105, %get3A_90 : vector<16xf32>
        %add3A_107 = arith.addf %add3A_101, %mul3A_106 : vector<16xf32>
        %swap3A = arith.index_cast %scan3A_78 : i32 to index
        %swap3A_108 = arith.constant 0 : index
        %swap3A_109 = tpu.vector_load %arg15[%swap3A, %swap3A_108] {strides = array<i32>} : memref<64x256xf32, #tpu.memory_space<vmem>>, vector<1x16xf32>,
        %swap3A_110 = vector.shape_cast %swap3A_109 : vector<1x16xf32> to vector<16xf32>
        %swap3A_111 = vector.shape_cast %add3A_107 : vector<16xf32> to vector<1x16xf32>
        tpu.vector_store %arg15[%swap3A, %swap3A_108], %swap3A_111 {strides = array<i32>} : memref<64x256xf32, #tpu.memory_space<vmem>>, vector<1x16xf32>,
        %get3A_112 = arith.index_cast %scan3A_78 : i32 to index
        %get3A_113 = arith.constant 16 : index
        %get3A_114 = tpu.vector_load %arg12[%get3A_112, %get3A_113] {strides = array<i32>} : memref<64x256xf32, #tpu.memory_space<vmem>>, vector<1x16xf32>,
        %get3A_115 = vector.shape_cast %get3A_114 : vector<1x16xf32> to vector<16xf32>
        %mul3A_116 = arith.mulf %get3A_115, %get3A_82 : vector<16xf32>
        %get3A_117 = arith.index_cast %scan3A_78 : i32 to index
        %get3A_118 = arith.constant 16 : index
        %get3A_119 = tpu.vector_load %arg13[%get3A_117, %get3A_118] {strides = array<i32>} : memref<64x256xf32, #tpu.memory_space<vmem>>, vector<1x16xf32>,
        %get3A_120 = vector.shape_cast %get3A_119 : vector<1x16xf32> to vector<16xf32>
        %mul3A_121 = arith.mulf %get3A_120, %get3A_86 : vector<16xf32>
        %add3A_122 = arith.addf %mul3A_116, %mul3A_121 : vector<16xf32>
        %get3A_123 = arith.index_cast %scan3A_78 : i32 to index
        %get3A_124 = arith.constant 16 : index
        %get3A_125 = tpu.vector_load %arg14[%get3A_123, %get3A_124] {strides = array<i32>} : memref<64x256xf32, #tpu.memory_space<vmem>>, vector<1x16xf32>,
        %get3A_126 = vector.shape_cast %get3A_125 : vector<1x16xf32> to vector<16xf32>
        %mul3A_127 = arith.mulf %get3A_126, %get3A_90 : vector<16xf32>
        %add3A_128 = arith.addf %add3A_122, %mul3A_127 : vector<16xf32>
        %swap3A_129 = arith.index_cast %scan3A_78 : i32 to index
        %swap3A_130 = arith.constant 16 : index
        %swap3A_131 = tpu.vector_load %arg15[%swap3A_129, %swap3A_130] {strides = array<i32>} : memref<64x256xf32, #tpu.memory_space<vmem>>, vector<1x16xf32>,
        %swap3A_132 = vector.shape_cast %swap3A_131 : vector<1x16xf32> to vector<16xf32>
        %swap3A_133 = vector.shape_cast %add3A_128 : vector<16xf32> to vector<1x16xf32>
        tpu.vector_store %arg15[%swap3A_129, %swap3A_130], %swap3A_133 {strides = array<i32>} : memref<64x256xf32, #tpu.memory_space<vmem>>, vector<1x16xf32>,
        %get3A_134 = arith.index_cast %scan3A_78 : i32 to index
        %get3A_135 = arith.constant 32 : index
        %get3A_136 = tpu.vector_load %arg12[%get3A_134, %get3A_135] {strides = array<i32>} : memref<64x256xf32, #tpu.memory_space<vmem>>, vector<1x16xf32>,
        %get3A_137 = vector.shape_cast %get3A_136 : vector<1x16xf32> to vector<16xf32>
        %mul3A_138 = arith.mulf %get3A_137, %get3A_82 : vector<16xf32>
        %get3A_139 = arith.index_cast %scan3A_78 : i32 to index
        %get3A_140 = arith.constant 32 : index
        %get3A_141 = tpu.vector_load %arg13[%get3A_139, %get3A_140] {strides = array<i32>} : memref<64x256xf32, #tpu.memory_space<vmem>>, vector<1x16xf32>,
        %get3A_142 = vector.shape_cast %get3A_141 : vector<1x16xf32> to vector<16xf32>
        %mul3A_143 = arith.mulf %get3A_142, %get3A_86 : vector<16xf32>
        %add3A_144 = arith.addf %mul3A_138, %mul3A_143 : vector<16xf32>
        %get3A_145 = arith.index_cast %scan3A_78 : i32 to index
        %get3A_146 = arith.constant 32 : index
        %get3A_147 = tpu.vector_load %arg14[%get3A_145, %get3A_146] {strides = array<i32>} : memref<64x256xf32, #tpu.memory_space<vmem>>, vector<1x16xf32>,
        %get3A_148 = vector.shape_cast %get3A_147 : vector<1x16xf32> to vector<16xf32>
        %mul3A_149 = arith.mulf %get3A_148, %get3A_90 : vector<16xf32>
        %add3A_150 = arith.addf %add3A_144, %mul3A_149 : vector<16xf32>
        %swap3A_151 = arith.index_cast %scan3A_78 : i32 to index
        %swap3A_152 = arith.constant 32 : index
        %swap3A_153 = tpu.vector_load %arg15[%swap3A_151, %swap3A_152] {strides = array<i32>} : memref<64x256xf32, #tpu.memory_space<vmem>>, vector<1x16xf32>,
        %swap3A_154 = vector.shape_cast %swap3A_153 : vector<1x16xf32> to vector<16xf32>
        %swap3A_155 = vector.shape_cast %add3A_150 : vector<16xf32> to vector<1x16xf32>
        tpu.vector_store %arg15[%swap3A_151, %swap3A_152], %swap3A_155 {strides = array<i32>} : memref<64x256xf32, #tpu.memory_space<vmem>>, vector<1x16xf32>,
        %get3A_156 = arith.index_cast %scan3A_78 : i32 to index
        %get3A_157 = arith.constant 48 : index
        %get3A_158 = tpu.vector_load %arg12[%get3A_156, %get3A_157] {strides = array<i32>} : memref<64x256xf32, #tpu.memory_space<vmem>>, vector<1x16xf32>,
        %get3A_159 = vector.shape_cast %get3A_158 : vector<1x16xf32> to vector<16xf32>
        %mul3A_160 = arith.mulf %get3A_159, %get3A_82 : vector<16xf32>
        %get3A_161 = arith.index_cast %scan3A_78 : i32 to index
        %get3A_162 = arith.constant 48 : index
        %get3A_163 = tpu.vector_load %arg13[%get3A_161, %get3A_162] {strides = array<i32>} : memref<64x256xf32, #tpu.memory_space<vmem>>, vector<1x16xf32>,
        %get3A_164 = vector.shape_cast %get3A_163 : vector<1x16xf32> to vector<16xf32>
        %mul3A_165 = arith.mulf %get3A_164, %get3A_86 : vector<16xf32>
        %add3A_166 = arith.addf %mul3A_160, %mul3A_165 : vector<16xf32>
        %get3A_167 = arith.index_cast %scan3A_78 : i32 to index
        %get3A_168 = arith.constant 48 : index
        %get3A_169 = tpu.vector_load %arg14[%get3A_167, %get3A_168] {strides = array<i32>} : memref<64x256xf32, #tpu.memory_space<vmem>>, vector<1x16xf32>,
        %get3A_170 = vector.shape_cast %get3A_169 : vector<1x16xf32> to vector<16xf32>
        %mul3A_171 = arith.mulf %get3A_170, %get3A_90 : vector<16xf32>
        %add3A_172 = arith.addf %add3A_166, %mul3A_171 : vector<16xf32>
        %swap3A_173 = arith.index_cast %scan3A_78 : i32 to index
        %swap3A_174 = arith.constant 48 : index
        %swap3A_175 = tpu.vector_load %arg15[%swap3A_173, %swap3A_174] {strides = array<i32>} : memref<64x256xf32, #tpu.memory_space<vmem>>, vector<1x16xf32>,
        %swap3A_176 = vector.shape_cast %swap3A_175 : vector<1x16xf32> to vector<16xf32>
        %swap3A_177 = vector.shape_cast %add3A_172 : vector<16xf32> to vector<1x16xf32>
        tpu.vector_store %arg15[%swap3A_173, %swap3A_174], %swap3A_177 {strides = array<i32>} : memref<64x256xf32, #tpu.memory_space<vmem>>, vector<1x16xf32>,
        %get3A_178 = arith.index_cast %scan3A_78 : i32 to index
        %get3A_179 = arith.constant 64 : index
        %get3A_180 = tpu.vector_load %arg12[%get3A_178, %get3A_179] {strides = array<i32>} : memref<64x256xf32, #tpu.memory_space<vmem>>, vector<1x16xf32>,
        %get3A_181 = vector.shape_cast %get3A_180 : vector<1x16xf32> to vector<16xf32>
        %mul3A_182 = arith.mulf %get3A_181, %get3A_82 : vector<16xf32>
        %get3A_183 = arith.index_cast %scan3A_78 : i32 to index
        %get3A_184 = arith.constant 64 : index
        %get3A_185 = tpu.vector_load %arg13[%get3A_183, %get3A_184] {strides = array<i32>} : memref<64x256xf32, #tpu.memory_space<vmem>>, vector<1x16xf32>,
        %get3A_186 = vector.shape_cast %get3A_185 : vector<1x16xf32> to vector<16xf32>
        %mul3A_187 = arith.mulf %get3A_186, %get3A_86 : vector<16xf32>
        %add3A_188 = arith.addf %mul3A_182, %mul3A_187 : vector<16xf32>
        %get3A_189 = arith.index_cast %scan3A_78 : i32 to index
        %get3A_190 = arith.constant 64 : index
        %get3A_191 = tpu.vector_load %arg14[%get3A_189, %get3A_190] {strides = array<i32>} : memref<64x256xf32, #tpu.memory_space<vmem>>, vector<1x16xf32>,
        %get3A_192 = vector.shape_cast %get3A_191 : vector<1x16xf32> to vector<16xf32>
        %mul3A_193 = arith.mulf %get3A_192, %get3A_90 : vector<16xf32>
        %add3A_194 = arith.addf %add3A_188, %mul3A_193 : vector<16xf32>
        %swap3A_195 = arith.index_cast %scan3A_78 : i32 to index
        %swap3A_196 = arith.constant 64 : index
        %swap3A_197 = tpu.vector_load %arg15[%swap3A_195, %swap3A_196] {strides = array<i32>} : memref<64x256xf32, #tpu.memory_space<vmem>>, vector<1x16xf32>,
        %swap3A_198 = vector.shape_cast %swap3A_197 : vector<1x16xf32> to vector<16xf32>
        %swap3A_199 = vector.shape_cast %add3A_194 : vector<16xf32> to vector<1x16xf32>
        tpu.vector_store %arg15[%swap3A_195, %swap3A_196], %swap3A_199 {strides = array<i32>} : memref<64x256xf32, #tpu.memory_space<vmem>>, vector<1x16xf32>,
        %get3A_200 = arith.index_cast %scan3A_78 : i32 to index
        %get3A_201 = arith.constant 80 : index
        %get3A_202 = tpu.vector_load %arg12[%get3A_200, %get3A_201] {strides = array<i32>} : memref<64x256xf32, #tpu.memory_space<vmem>>, vector<1x16xf32>,
        %get3A_203 = vector.shape_cast %get3A_202 : vector<1x16xf32> to vector<16xf32>
        %mul3A_204 = arith.mulf %get3A_203, %get3A_82 : vector<16xf32>
        %get3A_205 = arith.index_cast %scan3A_78 : i32 to index
        %get3A_206 = arith.constant 80 : index
        %get3A_207 = tpu.vector_load %arg13[%get3A_205, %get3A_206] {strides = array<i32>} : memref<64x256xf32, #tpu.memory_space<vmem>>, vector<1x16xf32>,
        %get3A_208 = vector.shape_cast %get3A_207 : vector<1x16xf32> to vector<16xf32>
        %mul3A_209 = arith.mulf %get3A_208, %get3A_86 : vector<16xf32>
        %add3A_210 = arith.addf %mul3A_204, %mul3A_209 : vector<16xf32>
        %get3A_211 = arith.index_cast %scan3A_78 : i32 to index
        %get3A_212 = arith.constant 80 : index
        %get3A_213 = tpu.vector_load %arg14[%get3A_211, %get3A_212] {strides = array<i32>} : memref<64x256xf32, #tpu.memory_space<vmem>>, vector<1x16xf32>,
        %get3A_214 = vector.shape_cast %get3A_213 : vector<1x16xf32> to vector<16xf32>
        %mul3A_215 = arith.mulf %get3A_214, %get3A_90 : vector<16xf32>
        %add3A_216 = arith.addf %add3A_210, %mul3A_215 : vector<16xf32>
        %swap3A_217 = arith.index_cast %scan3A_78 : i32 to index
        %swap3A_218 = arith.constant 80 : index
        %swap3A_219 = tpu.vector_load %arg15[%swap3A_217, %swap3A_218] {strides = array<i32>} : memref<64x256xf32, #tpu.memory_space<vmem>>, vector<1x16xf32>,
        %swap3A_220 = vector.shape_cast %swap3A_219 : vector<1x16xf32> to vector<16xf32>
        %swap3A_221 = vector.shape_cast %add3A_216 : vector<16xf32> to vector<1x16xf32>
        tpu.vector_store %arg15[%swap3A_217, %swap3A_218], %swap3A_221 {strides = array<i32>} : memref<64x256xf32, #tpu.memory_space<vmem>>, vector<1x16xf32>,
        %get3A_222 = arith.index_cast %scan3A_78 : i32 to index
        %get3A_223 = arith.constant 96 : index
        %get3A_224 = tpu.vector_load %arg12[%get3A_222, %get3A_223] {strides = array<i32>} : memref<64x256xf32, #tpu.memory_space<vmem>>, vector<1x16xf32>,
        %get3A_225 = vector.shape_cast %get3A_224 : vector<1x16xf32> to vector<16xf32>
        %mul3A_226 = arith.mulf %get3A_225, %get3A_82 : vector<16xf32>
        %get3A_227 = arith.index_cast %scan3A_78 : i32 to index
        %get3A_228 = arith.constant 96 : index
        %get3A_229 = tpu.vector_load %arg13[%get3A_227, %get3A_228] {strides = array<i32>} : memref<64x256xf32, #tpu.memory_space<vmem>>, vector<1x16xf32>,
        %get3A_230 = vector.shape_cast %get3A_229 : vector<1x16xf32> to vector<16xf32>
        %mul3A_231 = arith.mulf %get3A_230, %get3A_86 : vector<16xf32>
        %add3A_232 = arith.addf %mul3A_226, %mul3A_231 : vector<16xf32>
        %get3A_233 = arith.index_cast %scan3A_78 : i32 to index
        %get3A_234 = arith.constant 96 : index
        %get3A_235 = tpu.vector_load %arg14[%get3A_233, %get3A_234] {strides = array<i32>} : memref<64x256xf32, #tpu.memory_space<vmem>>, vector<1x16xf32>,
        %get3A_236 = vector.shape_cast %get3A_235 : vector<1x16xf32> to vector<16xf32>
        %mul3A_237 = arith.mulf %get3A_236, %get3A_90 : vector<16xf32>
        %add3A_238 = arith.addf %add3A_232, %mul3A_237 : vector<16xf32>
        %swap3A_239 = arith.index_cast %scan3A_78 : i32 to index
        %swap3A_240 = arith.constant 96 : index
        %swap3A_241 = tpu.vector_load %arg15[%swap3A_239, %swap3A_240] {strides = array<i32>} : memref<64x256xf32, #tpu.memory_space<vmem>>, vector<1x16xf32>,
        %swap3A_242 = vector.shape_cast %swap3A_241 : vector<1x16xf32> to vector<16xf32>
        %swap3A_243 = vector.shape_cast %add3A_238 : vector<16xf32> to vector<1x16xf32>
        tpu.vector_store %arg15[%swap3A_239, %swap3A_240], %swap3A_243 {strides = array<i32>} : memref<64x256xf32, #tpu.memory_space<vmem>>, vector<1x16xf32>,
        %get3A_244 = arith.index_cast %scan3A_78 : i32 to index
        %get3A_245 = arith.constant 112 : index
        %get3A_246 = tpu.vector_load %arg12[%get3A_244, %get3A_245] {strides = array<i32>} : memref<64x256xf32, #tpu.memory_space<vmem>>, vector<1x16xf32>,
        %get3A_247 = vector.shape_cast %get3A_246 : vector<1x16xf32> to vector<16xf32>
        %mul3A_248 = arith.mulf %get3A_247, %get3A_82 : vector<16xf32>
        %get3A_249 = arith.index_cast %scan3A_78 : i32 to index
        %get3A_250 = arith.constant 112 : index
        %get3A_251 = tpu.vector_load %arg13[%get3A_249, %get3A_250] {strides = array<i32>} : memref<64x256xf32, #tpu.memory_space<vmem>>, vector<1x16xf32>,
        %get3A_252 = vector.shape_cast %get3A_251 : vector<1x16xf32> to vector<16xf32>
        %mul3A_253 = arith.mulf %get3A_252, %get3A_86 : vector<16xf32>
        %add3A_254 = arith.addf %mul3A_248, %mul3A_253 : vector<16xf32>
        %get3A_255 = arith.index_cast %scan3A_78 : i32 to index
        %get3A_256 = arith.constant 112 : index
        %get3A_257 = tpu.vector_load %arg14[%get3A_255, %get3A_256] {strides = array<i32>} : memref<64x256xf32, #tpu.memory_space<vmem>>, vector<1x16xf32>,
        %get3A_258 = vector.shape_cast %get3A_257 : vector<1x16xf32> to vector<16xf32>
        %mul3A_259 = arith.mulf %get3A_258, %get3A_90 : vector<16xf32>
        %add3A_260 = arith.addf %add3A_254, %mul3A_259 : vector<16xf32>
        %swap3A_261 = arith.index_cast %scan3A_78 : i32 to index
        %swap3A_262 = arith.constant 112 : index
        %swap3A_263 = tpu.vector_load %arg15[%swap3A_261, %swap3A_262] {strides = array<i32>} : memref<64x256xf32, #tpu.memory_space<vmem>>, vector<1x16xf32>,
        %swap3A_264 = vector.shape_cast %swap3A_263 : vector<1x16xf32> to vector<16xf32>
        %swap3A_265 = vector.shape_cast %add3A_260 : vector<16xf32> to vector<1x16xf32>
        tpu.vector_store %arg15[%swap3A_261, %swap3A_262], %swap3A_265 {strides = array<i32>} : memref<64x256xf32, #tpu.memory_space<vmem>>, vector<1x16xf32>,
        %get3A_266 = arith.index_cast %scan3A_78 : i32 to index
        %get3A_267 = arith.constant 128 : index
        %get3A_268 = tpu.vector_load %arg12[%get3A_266, %get3A_267] {strides = array<i32>} : memref<64x256xf32, #tpu.memory_space<vmem>>, vector<1x16xf32>,
        %get3A_269 = vector.shape_cast %get3A_268 : vector<1x16xf32> to vector<16xf32>
        %mul3A_270 = arith.mulf %get3A_269, %get3A_82 : vector<16xf32>
        %get3A_271 = arith.index_cast %scan3A_78 : i32 to index
        %get3A_272 = arith.constant 128 : index
        %get3A_273 = tpu.vector_load %arg13[%get3A_271, %get3A_272] {strides = array<i32>} : memref<64x256xf32, #tpu.memory_space<vmem>>, vector<1x16xf32>,
        %get3A_274 = vector.shape_cast %get3A_273 : vector<1x16xf32> to vector<16xf32>
        %mul3A_275 = arith.mulf %get3A_274, %get3A_86 : vector<16xf32>
        %add3A_276 = arith.addf %mul3A_270, %mul3A_275 : vector<16xf32>
        %get3A_277 = arith.index_cast %scan3A_78 : i32 to index
        %get3A_278 = arith.constant 128 : index
        %get3A_279 = tpu.vector_load %arg14[%get3A_277, %get3A_278] {strides = array<i32>} : memref<64x256xf32, #tpu.memory_space<vmem>>, vector<1x16xf32>,
        %get3A_280 = vector.shape_cast %get3A_279 : vector<1x16xf32> to vector<16xf32>
        %mul3A_281 = arith.mulf %get3A_280, %get3A_90 : vector<16xf32>
        %add3A_282 = arith.addf %add3A_276, %mul3A_281 : vector<16xf32>
        %swap3A_283 = arith.index_cast %scan3A_78 : i32 to index
        %swap3A_284 = arith.constant 128 : index
        %swap3A_285 = tpu.vector_load %arg15[%swap3A_283, %swap3A_284] {strides = array<i32>} : memref<64x256xf32, #tpu.memory_space<vmem>>, vector<1x16xf32>,
        %swap3A_286 = vector.shape_cast %swap3A_285 : vector<1x16xf32> to vector<16xf32>
        %swap3A_287 = vector.shape_cast %add3A_282 : vector<16xf32> to vector<1x16xf32>
        tpu.vector_store %arg15[%swap3A_283, %swap3A_284], %swap3A_287 {strides = array<i32>} : memref<64x256xf32, #tpu.memory_space<vmem>>, vector<1x16xf32>,
        %get3A_288 = arith.index_cast %scan3A_78 : i32 to index
        %get3A_289 = arith.constant 144 : index
        %get3A_290 = tpu.vector_load %arg12[%get3A_288, %get3A_289] {strides = array<i32>} : memref<64x256xf32, #tpu.memory_space<vmem>>, vector<1x16xf32>,
        %get3A_291 = vector.shape_cast %get3A_290 : vector<1x16xf32> to vector<16xf32>
        %mul3A_292 = arith.mulf %get3A_291, %get3A_82 : vector<16xf32>
        %get3A_293 = arith.index_cast %scan3A_78 : i32 to index
        %get3A_294 = arith.constant 144 : index
        %get3A_295 = tpu.vector_load %arg13[%get3A_293, %get3A_294] {strides = array<i32>} : memref<64x256xf32, #tpu.memory_space<vmem>>, vector<1x16xf32>,
        %get3A_296 = vector.shape_cast %get3A_295 : vector<1x16xf32> to vector<16xf32>
        %mul3A_297 = arith.mulf %get3A_296, %get3A_86 : vector<16xf32>
        %add3A_298 = arith.addf %mul3A_292, %mul3A_297 : vector<16xf32>
        %get3A_299 = arith.index_cast %scan3A_78 : i32 to index
        %get3A_300 = arith.constant 144 : index
        %get3A_301 = tpu.vector_load %arg14[%get3A_299, %get3A_300] {strides = array<i32>} : memref<64x256xf32, #tpu.memory_space<vmem>>, vector<1x16xf32>,
        %get3A_302 = vector.shape_cast %get3A_301 : vector<1x16xf32> to vector<16xf32>
        %mul3A_303 = arith.mulf %get3A_302, %get3A_90 : vector<16xf32>
        %add3A_304 = arith.addf %add3A_298, %mul3A_303 : vector<16xf32>
        %swap3A_305 = arith.index_cast %scan3A_78 : i32 to index
        %swap3A_306 = arith.constant 144 : index
        %swap3A_307 = tpu.vector_load %arg15[%swap3A_305, %swap3A_306] {strides = array<i32>} : memref<64x256xf32, #tpu.memory_space<vmem>>, vector<1x16xf32>,
        %swap3A_308 = vector.shape_cast %swap3A_307 : vector<1x16xf32> to vector<16xf32>
        %swap3A_309 = vector.shape_cast %add3A_304 : vector<16xf32> to vector<1x16xf32>
        tpu.vector_store %arg15[%swap3A_305, %swap3A_306], %swap3A_309 {strides = array<i32>} : memref<64x256xf32, #tpu.memory_space<vmem>>, vector<1x16xf32>,
        %get3A_310 = arith.index_cast %scan3A_78 : i32 to index
        %get3A_311 = arith.constant 160 : index
        %get3A_312 = tpu.vector_load %arg12[%get3A_310, %get3A_311] {strides = array<i32>} : memref<64x256xf32, #tpu.memory_space<vmem>>, vector<1x16xf32>,
        %get3A_313 = vector.shape_cast %get3A_312 : vector<1x16xf32> to vector<16xf32>
        %mul3A_314 = arith.mulf %get3A_313, %get3A_82 : vector<16xf32>
        %get3A_315 = arith.index_cast %scan3A_78 : i32 to index
        %get3A_316 = arith.constant 160 : index
        %get3A_317 = tpu.vector_load %arg13[%get3A_315, %get3A_316] {strides = array<i32>} : memref<64x256xf32, #tpu.memory_space<vmem>>, vector<1x16xf32>,
        %get3A_318 = vector.shape_cast %get3A_317 : vector<1x16xf32> to vector<16xf32>
        %mul3A_319 = arith.mulf %get3A_318, %get3A_86 : vector<16xf32>
        %add3A_320 = arith.addf %mul3A_314, %mul3A_319 : vector<16xf32>
        %get3A_321 = arith.index_cast %scan3A_78 : i32 to index
        %get3A_322 = arith.constant 160 : index
        %get3A_323 = tpu.vector_load %arg14[%get3A_321, %get3A_322] {strides = array<i32>} : memref<64x256xf32, #tpu.memory_space<vmem>>, vector<1x16xf32>,
        %get3A_324 = vector.shape_cast %get3A_323 : vector<1x16xf32> to vector<16xf32>
        %mul3A_325 = arith.mulf %get3A_324, %get3A_90 : vector<16xf32>
        %add3A_326 = arith.addf %add3A_320, %mul3A_325 : vector<16xf32>
        %swap3A_327 = arith.index_cast %scan3A_78 : i32 to index
        %swap3A_328 = arith.constant 160 : index
        %swap3A_329 = tpu.vector_load %arg15[%swap3A_327, %swap3A_328] {strides = array<i32>} : memref<64x256xf32, #tpu.memory_space<vmem>>, vector<1x16xf32>,
        %swap3A_330 = vector.shape_cast %swap3A_329 : vector<1x16xf32> to vector<16xf32>
        %swap3A_331 = vector.shape_cast %add3A_326 : vector<16xf32> to vector<1x16xf32>
        tpu.vector_store %arg15[%swap3A_327, %swap3A_328], %swap3A_331 {strides = array<i32>} : memref<64x256xf32, #tpu.memory_space<vmem>>, vector<1x16xf32>,
        %get3A_332 = arith.index_cast %scan3A_78 : i32 to index
        %get3A_333 = arith.constant 176 : index
        %get3A_334 = tpu.vector_load %arg12[%get3A_332, %get3A_333] {strides = array<i32>} : memref<64x256xf32, #tpu.memory_space<vmem>>, vector<1x16xf32>,
        %get3A_335 = vector.shape_cast %get3A_334 : vector<1x16xf32> to vector<16xf32>
        %mul3A_336 = arith.mulf %get3A_335, %get3A_82 : vector<16xf32>
        %get3A_337 = arith.index_cast %scan3A_78 : i32 to index
        %get3A_338 = arith.constant 176 : index
        %get3A_339 = tpu.vector_load %arg13[%get3A_337, %get3A_338] {strides = array<i32>} : memref<64x256xf32, #tpu.memory_space<vmem>>, vector<1x16xf32>,
        %get3A_340 = vector.shape_cast %get3A_339 : vector<1x16xf32> to vector<16xf32>
        %mul3A_341 = arith.mulf %get3A_340, %get3A_86 : vector<16xf32>
        %add3A_342 = arith.addf %mul3A_336, %mul3A_341 : vector<16xf32>
        %get3A_343 = arith.index_cast %scan3A_78 : i32 to index
        %get3A_344 = arith.constant 176 : index
        %get3A_345 = tpu.vector_load %arg14[%get3A_343, %get3A_344] {strides = array<i32>} : memref<64x256xf32, #tpu.memory_space<vmem>>, vector<1x16xf32>,
        %get3A_346 = vector.shape_cast %get3A_345 : vector<1x16xf32> to vector<16xf32>
        %mul3A_347 = arith.mulf %get3A_346, %get3A_90 : vector<16xf32>
        %add3A_348 = arith.addf %add3A_342, %mul3A_347 : vector<16xf32>
        %swap3A_349 = arith.index_cast %scan3A_78 : i32 to index
        %swap3A_350 = arith.constant 176 : index
        %swap3A_351 = tpu.vector_load %arg15[%swap3A_349, %swap3A_350] {strides = array<i32>} : memref<64x256xf32, #tpu.memory_space<vmem>>, vector<1x16xf32>,
        %swap3A_352 = vector.shape_cast %swap3A_351 : vector<1x16xf32> to vector<16xf32>
        %swap3A_353 = vector.shape_cast %add3A_348 : vector<16xf32> to vector<1x16xf32>
        tpu.vector_store %arg15[%swap3A_349, %swap3A_350], %swap3A_353 {strides = array<i32>} : memref<64x256xf32, #tpu.memory_space<vmem>>, vector<1x16xf32>,
        %get3A_354 = arith.index_cast %scan3A_78 : i32 to index
        %get3A_355 = arith.constant 192 : index
        %get3A_356 = tpu.vector_load %arg12[%get3A_354, %get3A_355] {strides = array<i32>} : memref<64x256xf32, #tpu.memory_space<vmem>>, vector<1x16xf32>,
        %get3A_357 = vector.shape_cast %get3A_356 : vector<1x16xf32> to vector<16xf32>
        %mul3A_358 = arith.mulf %get3A_357, %get3A_82 : vector<16xf32>
        %get3A_359 = arith.index_cast %scan3A_78 : i32 to index
        %get3A_360 = arith.constant 192 : index
        %get3A_361 = tpu.vector_load %arg13[%get3A_359, %get3A_360] {strides = array<i32>} : memref<64x256xf32, #tpu.memory_space<vmem>>, vector<1x16xf32>,
        %get3A_362 = vector.shape_cast %get3A_361 : vector<1x16xf32> to vector<16xf32>
        %mul3A_363 = arith.mulf %get3A_362, %get3A_86 : vector<16xf32>
        %add3A_364 = arith.addf %mul3A_358, %mul3A_363 : vector<16xf32>
        %get3A_365 = arith.index_cast %scan3A_78 : i32 to index
        %get3A_366 = arith.constant 192 : index
        %get3A_367 = tpu.vector_load %arg14[%get3A_365, %get3A_366] {strides = array<i32>} : memref<64x256xf32, #tpu.memory_space<vmem>>, vector<1x16xf32>,
        %get3A_368 = vector.shape_cast %get3A_367 : vector<1x16xf32> to vector<16xf32>
        %mul3A_369 = arith.mulf %get3A_368, %get3A_90 : vector<16xf32>
        %add3A_370 = arith.addf %add3A_364, %mul3A_369 : vector<16xf32>
        %swap3A_371 = arith.index_cast %scan3A_78 : i32 to index
        %swap3A_372 = arith.constant 192 : index
        %swap3A_373 = tpu.vector_load %arg15[%swap3A_371, %swap3A_372] {strides = array<i32>} : memref<64x256xf32, #tpu.memory_space<vmem>>, vector<1x16xf32>,
        %swap3A_374 = vector.shape_cast %swap3A_373 : vector<1x16xf32> to vector<16xf32>
        %swap3A_375 = vector.shape_cast %add3A_370 : vector<16xf32> to vector<1x16xf32>
        tpu.vector_store %arg15[%swap3A_371, %swap3A_372], %swap3A_375 {strides = array<i32>} : memref<64x256xf32, #tpu.memory_space<vmem>>, vector<1x16xf32>,
        %get3A_376 = arith.index_cast %scan3A_78 : i32 to index
        %get3A_377 = arith.constant 208 : index
        %get3A_378 = tpu.vector_load %arg12[%get3A_376, %get3A_377] {strides = array<i32>} : memref<64x256xf32, #tpu.memory_space<vmem>>, vector<1x16xf32>,
        %get3A_379 = vector.shape_cast %get3A_378 : vector<1x16xf32> to vector<16xf32>
        %mul3A_380 = arith.mulf %get3A_379, %get3A_82 : vector<16xf32>
        %get3A_381 = arith.index_cast %scan3A_78 : i32 to index
        %get3A_382 = arith.constant 208 : index
        %get3A_383 = tpu.vector_load %arg13[%get3A_381, %get3A_382] {strides = array<i32>} : memref<64x256xf32, #tpu.memory_space<vmem>>, vector<1x16xf32>,
        %get3A_384 = vector.shape_cast %get3A_383 : vector<1x16xf32> to vector<16xf32>
        %mul3A_385 = arith.mulf %get3A_384, %get3A_86 : vector<16xf32>
        %add3A_386 = arith.addf %mul3A_380, %mul3A_385 : vector<16xf32>
        %get3A_387 = arith.index_cast %scan3A_78 : i32 to index
        %get3A_388 = arith.constant 208 : index
        %get3A_389 = tpu.vector_load %arg14[%get3A_387, %get3A_388] {strides = array<i32>} : memref<64x256xf32, #tpu.memory_space<vmem>>, vector<1x16xf32>,
        %get3A_390 = vector.shape_cast %get3A_389 : vector<1x16xf32> to vector<16xf32>
        %mul3A_391 = arith.mulf %get3A_390, %get3A_90 : vector<16xf32>
        %add3A_392 = arith.addf %add3A_386, %mul3A_391 : vector<16xf32>
        %swap3A_393 = arith.index_cast %scan3A_78 : i32 to index
        %swap3A_394 = arith.constant 208 : index
        %swap3A_395 = tpu.vector_load %arg15[%swap3A_393, %swap3A_394] {strides = array<i32>} : memref<64x256xf32, #tpu.memory_space<vmem>>, vector<1x16xf32>,
        %swap3A_396 = vector.shape_cast %swap3A_395 : vector<1x16xf32> to vector<16xf32>
        %swap3A_397 = vector.shape_cast %add3A_392 : vector<16xf32> to vector<1x16xf32>
        tpu.vector_store %arg15[%swap3A_393, %swap3A_394], %swap3A_397 {strides = array<i32>} : memref<64x256xf32, #tpu.memory_space<vmem>>, vector<1x16xf32>,
        %get3A_398 = arith.index_cast %scan3A_78 : i32 to index
        %get3A_399 = arith.constant 224 : index
        %get3A_400 = tpu.vector_load %arg12[%get3A_398, %get3A_399] {strides = array<i32>} : memref<64x256xf32, #tpu.memory_space<vmem>>, vector<1x16xf32>,
        %get3A_401 = vector.shape_cast %get3A_400 : vector<1x16xf32> to vector<16xf32>
        %mul3A_402 = arith.mulf %get3A_401, %get3A_82 : vector<16xf32>
        %get3A_403 = arith.index_cast %scan3A_78 : i32 to index
        %get3A_404 = arith.constant 224 : index
        %get3A_405 = tpu.vector_load %arg13[%get3A_403, %get3A_404] {strides = array<i32>} : memref<64x256xf32, #tpu.memory_space<vmem>>, vector<1x16xf32>,
        %get3A_406 = vector.shape_cast %get3A_405 : vector<1x16xf32> to vector<16xf32>
        %mul3A_407 = arith.mulf %get3A_406, %get3A_86 : vector<16xf32>
        %add3A_408 = arith.addf %mul3A_402, %mul3A_407 : vector<16xf32>
        %get3A_409 = arith.index_cast %scan3A_78 : i32 to index
        %get3A_410 = arith.constant 224 : index
        %get3A_411 = tpu.vector_load %arg14[%get3A_409, %get3A_410] {strides = array<i32>} : memref<64x256xf32, #tpu.memory_space<vmem>>, vector<1x16xf32>,
        %get3A_412 = vector.shape_cast %get3A_411 : vector<1x16xf32> to vector<16xf32>
        %mul3A_413 = arith.mulf %get3A_412, %get3A_90 : vector<16xf32>
        %add3A_414 = arith.addf %add3A_408, %mul3A_413 : vector<16xf32>
        %swap3A_415 = arith.index_cast %scan3A_78 : i32 to index
        %swap3A_416 = arith.constant 224 : index
        %swap3A_417 = tpu.vector_load %arg15[%swap3A_415, %swap3A_416] {strides = array<i32>} : memref<64x256xf32, #tpu.memory_space<vmem>>, vector<1x16xf32>,
        %swap3A_418 = vector.shape_cast %swap3A_417 : vector<1x16xf32> to vector<16xf32>
        %swap3A_419 = vector.shape_cast %add3A_414 : vector<16xf32> to vector<1x16xf32>
        tpu.vector_store %arg15[%swap3A_415, %swap3A_416], %swap3A_419 {strides = array<i32>} : memref<64x256xf32, #tpu.memory_space<vmem>>, vector<1x16xf32>,
        %get3A_420 = arith.index_cast %scan3A_78 : i32 to index
        %get3A_421 = arith.constant 240 : index
        %get3A_422 = tpu.vector_load %arg12[%get3A_420, %get3A_421] {strides = array<i32>} : memref<64x256xf32, #tpu.memory_space<vmem>>, vector<1x16xf32>,
        %get3A_423 = vector.shape_cast %get3A_422 : vector<1x16xf32> to vector<16xf32>
        %mul3A_424 = arith.mulf %get3A_423, %get3A_82 : vector<16xf32>
        %get3A_425 = arith.index_cast %scan3A_78 : i32 to index
        %get3A_426 = arith.constant 240 : index
        %get3A_427 = tpu.vector_load %arg13[%get3A_425, %get3A_426] {strides = array<i32>} : memref<64x256xf32, #tpu.memory_space<vmem>>, vector<1x16xf32>,
        %get3A_428 = vector.shape_cast %get3A_427 : vector<1x16xf32> to vector<16xf32>
        %mul3A_429 = arith.mulf %get3A_428, %get3A_86 : vector<16xf32>
        %add3A_430 = arith.addf %mul3A_424, %mul3A_429 : vector<16xf32>
        %get3A_431 = arith.index_cast %scan3A_78 : i32 to index
        %get3A_432 = arith.constant 240 : index
        %get3A_433 = tpu.vector_load %arg14[%get3A_431, %get3A_432] {strides = array<i32>} : memref<64x256xf32, #tpu.memory_space<vmem>>, vector<1x16xf32>,
        %get3A_434 = vector.shape_cast %get3A_433 : vector<1x16xf32> to vector<16xf32>
        %mul3A_435 = arith.mulf %get3A_434, %get3A_90 : vector<16xf32>
        %add3A_436 = arith.addf %add3A_430, %mul3A_435 : vector<16xf32>
        %swap3A_437 = arith.index_cast %scan3A_78 : i32 to index
        %swap3A_438 = arith.constant 240 : index
        %swap3A_439 = tpu.vector_load %arg15[%swap3A_437, %swap3A_438] {strides = array<i32>} : memref<64x256xf32, #tpu.memory_space<vmem>>, vector<1x16xf32>,
        %swap3A_440 = vector.shape_cast %swap3A_439 : vector<1x16xf32> to vector<16xf32>
        %swap3A_441 = vector.shape_cast %add3A_436 : vector<16xf32> to vector<1x16xf32>
        tpu.vector_store %arg15[%swap3A_437, %swap3A_438], %swap3A_441 {strides = array<i32>} : memref<64x256xf32, #tpu.memory_space<vmem>>, vector<1x16xf32>,
        %scan3A_442 = arith.constant 0 : i32
        scf.yield %scan3A_442 : i32
      }
      %scan3A_73 = arith.constant 64 : i32
      %mul3A_74 = arith.constant 64 : i32
      %mul3A_75 = arith.muli %scan3A_41, %mul3A_74 : i32
      %add3A_76 = arith.addi %mul3A_32, %mul3A_75 : i32
      "tpu.region"() ({
        %run_scoped3A_78 = tpu.sem_alloc : memref<!tpu.dma_semaphore, #tpu.memory_space<semaphore_mem>>
        %dma_start3A_79 = arith.constant 0 : i32
        %dma_start3A_80 = tpu.memref_slice %arg5[%add3A_76, %dma_start3A_79] : memref<32768x256xf32, #tpu.memory_space<hbm>> -> memref<64x256xf32, #tpu.memory_space<hbm>>
        %dma_start3A_81 = arith.constant 0 : i32
        %dma_start3A_82 = tpu.memref_slice %arg5[%add3A_76, %dma_start3A_81] : memref<32768x256xf32, #tpu.memory_space<hbm>> -> memref<64x256xf32, #tpu.memory_space<hbm>>
        tpu.enqueue_dma source(%arg15 : memref<64x256xf32, #tpu.memory_space<vmem>>) target(%dma_start3A_82 : memref<64x256xf32, #tpu.memory_space<hbm>>) target_semaphore(%run_scoped3A_78 : memref<!tpu.dma_semaphore, #tpu.memory_space<semaphore_mem>>)
        %dma_wait3A_83 = arith.constant 0 : i32
        %dma_wait3A_84 = tpu.memref_slice %arg5[%add3A_76, %dma_wait3A_83] : memref<32768x256xf32, #tpu.memory_space<hbm>> -> memref<64x256xf32, #tpu.memory_space<hbm>>
        %dma_wait3A_85 = arith.constant 0 : i32
        %dma_wait3A_86 = tpu.memref_slice %arg5[%add3A_76, %dma_wait3A_85] : memref<32768x256xf32, #tpu.memory_space<hbm>> -> memref<64x256xf32, #tpu.memory_space<hbm>>
        tpu.wait_dma2 semaphore(%run_scoped3A_78 : memref<!tpu.dma_semaphore, #tpu.memory_space<semaphore_mem>>) src(%arg15 : memref<64x256xf32, #tpu.memory_space<vmem>>) dst(%dma_wait3A_86 : memref<64x256xf32, #tpu.memory_space<hbm>>)
        tpu.yield
      }) : () -> ()
      %scan3A_77 = arith.constant 0 : i32
      scf.yield %scan3A_77 : i32
    }
    %scan3A_40 = arith.constant 16 : i32
    return
  }
}

module attributes {stable_mosaic.version = 14 : i64} {
  func.func @_k2_body(%arg0: i32, %arg1: i32, %arg2: memref<1x128x1024xf32, #tpu.memory_space<vmem>>, %arg3: memref<1x1024x256xf32, #tpu.memory_space<vmem>>, %arg4: memref<256x384xf32, #tpu.memory_space<vmem>>, %arg5: memref<256x1xf32, #tpu.memory_space<vmem>>, %arg6: memref<1x256x1024xf32, #tpu.memory_space<vmem>>, %arg7: memref<8x256xf32, #tpu.memory_space<vmem>>) attributes {dimension_semantics = [#tpu.dimension_semantics<arbitrary>, #tpu.dimension_semantics<arbitrary>], iteration_bounds = array<i64: 8, 4>, scalar_prefetch = 0 : i64, scratch_operands = 0 : i64, tpu.core_type = #tpu.core_type<tc>, window_params = [{transform_indices = @transform_0, window_bounds = array<i64: 1, 128, 1024>}, {transform_indices = @transform_1, window_bounds = array<i64: 1, 1024, 256>}, {pipeline_mode = #tpu.pipeline_mode<synchronous>, transform_indices = @transform_2, window_bounds = array<i64: 256, 384>}, {pipeline_mode = #tpu.pipeline_mode<synchronous>, transform_indices = @transform_3, window_bounds = array<i64: 256, 1>}, {transform_indices = @transform_4, window_bounds = array<i64: 1, 256, 1024>}, {pipeline_mode = #tpu.pipeline_mode<synchronous>, transform_indices = @transform_5, window_bounds = array<i64: 8, 256>}]} {
    %get3A = arith.constant 0 : index
    %get3A_0 = arith.constant 0 : index
    %get3A_1 = arith.constant 0 : index
    %get3A_2 = vector.load %arg2[%get3A, %get3A_0, %get3A_1] : memref<1x128x1024xf32, #tpu.memory_space<vmem>>, vector<1x128x1024xf32>
    %get3A_3 = vector.shape_cast %get3A_2 : vector<1x128x1024xf32> to vector<128x1024xf32>
    %get3A_4 = arith.constant 0 : index
    %get3A_5 = arith.constant 0 : index
    %get3A_6 = arith.constant 0 : index
    %get3A_7 = vector.load %arg3[%get3A_4, %get3A_5, %get3A_6] : memref<1x1024x256xf32, #tpu.memory_space<vmem>>, vector<1x1024x256xf32>
    %get3A_8 = vector.shape_cast %get3A_7 : vector<1x1024x256xf32> to vector<1024x256xf32>
    %get3A_9 = arith.constant 0 : index
    %get3A_10 = arith.constant 0 : index
    %get3A_11 = vector.load %arg4[%get3A_9, %get3A_10] : memref<256x384xf32, #tpu.memory_space<vmem>>, vector<256x384xf32>
    %slice3A = vector.extract_strided_slice %get3A_11 {offsets = [0, 0], sizes = [256, 128], strides = [1, 1]} : vector<256x384xf32> to vector<256x128xf32>
    %dot_general3A = arith.constant dense<0.000000e+00> : vector<256x1024xf32>
    %dot_general3A_12 = tpu.matmul %slice3A, %get3A_3, %dot_general3A {dimension_numbers = #tpu.dot_dimension_numbers<[1], [0], [0], [1], [0, 0, 1, 1], [], []>, transpose_lhs_hint = false} : vector<256x128xf32>, vector<128x1024xf32>, vector<256x1024xf32> -> vector<256x1024xf32>
    %slice3A_13 = vector.extract_strided_slice %get3A_11 {offsets = [0, 128], sizes = [256, 256], strides = [1, 1]} : vector<256x384xf32> to vector<256x256xf32>
    %dot_general3A_14 = arith.constant dense<0.000000e+00> : vector<256x1024xf32>
    %dot_general3A_15 = tpu.matmul %slice3A_13, %get3A_8, %dot_general3A_14 {dimension_numbers = #tpu.dot_dimension_numbers<[1], [1], [0], [0], [0, 0, 1, 0], [], []>, transpose_lhs_hint = false} : vector<256x256xf32>, vector<1024x256xf32>, vector<256x1024xf32> -> vector<256x1024xf32>
    %add3A = arith.addf %dot_general3A_12, %dot_general3A_15 : vector<256x1024xf32>
    %get3A_16 = arith.constant 0 : index
    %get3A_17 = arith.constant 0 : index
    %get3A_18 = vector.load %arg5[%get3A_16, %get3A_17] : memref<256x1xf32, #tpu.memory_space<vmem>>, vector<256x1xf32>
    %add3A_19 = vector.broadcast %get3A_18 : vector<256x1xf32> to vector<256x1024xf32>
    %add3A_20 = arith.addf %add3A, %add3A_19 : vector<256x1024xf32>
    %swap3A = arith.constant 0 : index
    %swap3A_21 = arith.constant 0 : index
    %swap3A_22 = arith.constant 0 : index
    %swap3A_23 = vector.load %arg6[%swap3A, %swap3A_21, %swap3A_22] : memref<1x256x1024xf32, #tpu.memory_space<vmem>>, vector<1x256x1024xf32>
    %swap3A_24 = vector.shape_cast %swap3A_23 : vector<1x256x1024xf32> to vector<256x1024xf32>
    %swap3A_25 = vector.shape_cast %add3A_20 : vector<256x1024xf32> to vector<1x256x1024xf32>
    tpu.vector_store %arg6[%swap3A, %swap3A_21, %swap3A_22], %swap3A_25 {strides = array<i32>} : memref<1x256x1024xf32, #tpu.memory_space<vmem>>, vector<1x256x1024xf32>,
    %reduce_sum3A = arith.constant dense<0.000000e+00> : vector<256xf32>
    %reduce_sum3A_26 = vector.multi_reduction <add>, %add3A_20, %reduce_sum3A [1] : vector<256x1024xf32> to vector<256xf32>
    %broadcast_in_dim3A = vector.shape_cast %reduce_sum3A_26 : vector<256xf32> to vector<1x256xf32>
    %mul3A = arith.mulf %add3A_20, %add3A_20 : vector<256x1024xf32>
    %reduce_sum3A_27 = arith.constant dense<0.000000e+00> : vector<256xf32>
    %reduce_sum3A_28 = vector.multi_reduction <add>, %mul3A, %reduce_sum3A_27 [1] : vector<256x1024xf32> to vector<256xf32>
    %broadcast_in_dim3A_29 = vector.shape_cast %reduce_sum3A_28 : vector<256xf32> to vector<1x256xf32>
    %broadcast_in_dim3A_30 = arith.constant 0.000000e+00 : f32
    %broadcast_in_dim3A_31 = vector.broadcast %broadcast_in_dim3A_30 : f32 to vector<6x256xf32>
    %concatenate3A = tpu.concatenate %broadcast_in_dim3A, %broadcast_in_dim3A_29, %broadcast_in_dim3A_31 in 0 : vector<1x256xf32>, vector<1x256xf32>, vector<6x256xf32> -> vector<8x256xf32>
    %eq3A = arith.constant 0 : i32
    %eq3A_32 = arith.cmpi eq, %arg0, %eq3A : i32
    %eq3A_33 = arith.constant 0 : i32
    %eq3A_34 = arith.cmpi eq, %arg1, %eq3A_33 : i32
    %and3A = arith.andi %eq3A_32, %eq3A_34 : i1
    %convert_element_type3A = arith.extui %and3A : i1 to i32
    %cond3A = arith.constant 0 : i32
    %cond3A_35 = arith.cmpi ne, %convert_element_type3A, %cond3A : i32
    scf.if %cond3A_35 {
      %broadcast_in_dim3A_43 = arith.constant 0.000000e+00 : f32
      %broadcast_in_dim3A_44 = vector.broadcast %broadcast_in_dim3A_43 : f32 to vector<8x256xf32>
      %swap3A_45 = arith.constant 0 : index
      %swap3A_46 = arith.constant 0 : index
      %swap3A_47 = vector.load %arg7[%swap3A_45, %swap3A_46] : memref<8x256xf32, #tpu.memory_space<vmem>>, vector<8x256xf32>
      tpu.vector_store %arg7[%swap3A_45, %swap3A_46], %broadcast_in_dim3A_44 {strides = array<i32>} : memref<8x256xf32, #tpu.memory_space<vmem>>, vector<8x256xf32>,
    } else {
    }
    %get3A_36 = arith.constant 0 : index
    %get3A_37 = arith.constant 0 : index
    %get3A_38 = vector.load %arg7[%get3A_36, %get3A_37] : memref<8x256xf32, #tpu.memory_space<vmem>>, vector<8x256xf32>
    %add3A_39 = arith.addf %get3A_38, %concatenate3A : vector<8x256xf32>
    %swap3A_40 = arith.constant 0 : index
    %swap3A_41 = arith.constant 0 : index
    %swap3A_42 = vector.load %arg7[%swap3A_40, %swap3A_41] : memref<8x256xf32, #tpu.memory_space<vmem>>, vector<8x256xf32>
    tpu.vector_store %arg7[%swap3A_40, %swap3A_41], %add3A_39 {strides = array<i32>} : memref<8x256xf32, #tpu.memory_space<vmem>>, vector<8x256xf32>,
    return
  }
  func.func @transform_0(%arg0: i32, %arg1: i32) -> (i32, i32, i32) {
    %c0_i32 = arith.constant 0 : i32
    %c0_i32_0 = arith.constant 0 : i32
    return %arg0, %c0_i32, %arg1 : i32, i32, i32
  }
  func.func @transform_1(%arg0: i32, %arg1: i32) -> (i32, i32, i32) {
    %c0_i32 = arith.constant 0 : i32
    %c0_i32_0 = arith.constant 0 : i32
    return %arg0, %arg1, %c0_i32 : i32, i32, i32
  }
  func.func @transform_2(%arg0: i32, %arg1: i32) -> (i32, i32) {
    %c0_i32 = arith.constant 0 : i32
    %c0_i32_0 = arith.constant 0 : i32
    %c0_i32_1 = arith.constant 0 : i32
    return %c0_i32, %c0_i32_0 : i32, i32
  }
  func.func @transform_3(%arg0: i32, %arg1: i32) -> (i32, i32) {
    %c0_i32 = arith.constant 0 : i32
    %c0_i32_0 = arith.constant 0 : i32
    %c0_i32_1 = arith.constant 0 : i32
    return %c0_i32, %c0_i32_0 : i32, i32
  }
  func.func @transform_4(%arg0: i32, %arg1: i32) -> (i32, i32, i32) {
    %c0_i32 = arith.constant 0 : i32
    %c0_i32_0 = arith.constant 0 : i32
    return %arg0, %c0_i32, %arg1 : i32, i32, i32
  }
  func.func @transform_5(%arg0: i32, %arg1: i32) -> (i32, i32) {
    %c0_i32 = arith.constant 0 : i32
    %c0_i32_0 = arith.constant 0 : i32
    %c0_i32_1 = arith.constant 0 : i32
    return %c0_i32, %c0_i32_0 : i32, i32
  }
}

module attributes {stable_mosaic.version = 14 : i64} {
  func.func @_k1_body(%arg0: i32, %arg1: i32, %arg2: memref<1x3x1024xf32, #tpu.memory_space<vmem>>, %arg3: memref<1x3x1024xf32, #tpu.memory_space<vmem>>, %arg4: memref<1x8x1024xi32, #tpu.memory_space<vmem>>, %arg5: memref<1x3x1024x16xf32, #tpu.memory_space<vmem>>) attributes {dimension_semantics = [#tpu.dimension_semantics<arbitrary>, #tpu.dimension_semantics<arbitrary>], iteration_bounds = array<i64: 8, 4>, scalar_prefetch = 0 : i64, scratch_operands = 0 : i64, tpu.core_type = #tpu.core_type<tc>, window_params = [{transform_indices = @transform_0, window_bounds = array<i64: 1, 3, 1024>}, {transform_indices = @transform_1, window_bounds = array<i64: 1, 3, 1024>}, {transform_indices = @transform_2, window_bounds = array<i64: 1, 8, 1024>}, {transform_indices = @transform_3, window_bounds = array<i64: 1, 3, 1024, 16>}]} {
    %get3A = arith.constant 0 : index
    %get3A_0 = arith.constant 0 : index
    %get3A_1 = arith.constant 0 : index
    %get3A_2 = vector.load %arg2[%get3A, %get3A_0, %get3A_1] : memref<1x3x1024xf32, #tpu.memory_space<vmem>>, vector<1x3x1024xf32>
    %get3A_3 = vector.shape_cast %get3A_2 : vector<1x3x1024xf32> to vector<3x1024xf32>
    %get3A_4 = arith.constant 0 : index
    %get3A_5 = arith.constant 0 : index
    %get3A_6 = arith.constant 0 : index
    %get3A_7 = vector.load %arg3[%get3A_4, %get3A_5, %get3A_6] : memref<1x3x1024xf32, #tpu.memory_space<vmem>>, vector<1x3x1024xf32>
    %get3A_8 = vector.shape_cast %get3A_7 : vector<1x3x1024xf32> to vector<3x1024xf32>
    %dot_general3A = arith.constant dense<0.000000e+00> : vector<1024x1024xf32>
    %dot_general3A_9 = tpu.matmul %get3A_8, %get3A_3, %dot_general3A {dimension_numbers = #tpu.dot_dimension_numbers<[0], [0], [1], [1], [0, 1, 1, 1], [], []>, transpose_lhs_hint = false} : vector<3x1024xf32>, vector<3x1024xf32>, vector<1024x1024xf32> -> vector<1024x1024xf32>
    %mul3A = arith.mulf %get3A_8, %get3A_8 : vector<3x1024xf32>
    %reduce_sum3A = arith.constant dense<0.000000e+00> : vector<1024xf32>
    %reduce_sum3A_10 = vector.multi_reduction <add>, %mul3A, %reduce_sum3A [0] : vector<3x1024xf32> to vector<1024xf32>
    %broadcast_in_dim3A = vector.shape_cast %reduce_sum3A_10 : vector<1024xf32> to vector<1024x1xf32>
    %mul3A_11 = arith.constant 5.000000e-01 : f32
    %mul3A_12 = vector.broadcast %mul3A_11 : f32 to vector<1024x1xf32>
    %mul3A_13 = arith.mulf %mul3A_12, %broadcast_in_dim3A : vector<1024x1xf32>
    %sub3A = vector.broadcast %mul3A_13 : vector<1024x1xf32> to vector<1024x1024xf32>
    %sub3A_14 = arith.subf %sub3A, %dot_general3A_9 : vector<1024x1024xf32>
    %slice3A = vector.extract_strided_slice %sub3A_14 {offsets = [0, 0], sizes = [3, 1024], strides = [1, 1]} : vector<1024x1024xf32> to vector<3x1024xf32>
    %mul3A_15 = arith.constant 2.000000e+00 : f32
    %mul3A_16 = vector.broadcast %mul3A_15 : f32 to vector<3x1024xf32>
    %mul3A_17 = arith.mulf %mul3A_16, %slice3A : vector<3x1024xf32>
    %mul3A_18 = arith.mulf %get3A_3, %get3A_3 : vector<3x1024xf32>
    %reduce_sum3A_19 = arith.constant dense<0.000000e+00> : vector<1024xf32>
    %reduce_sum3A_20 = vector.multi_reduction <add>, %mul3A_18, %reduce_sum3A_19 [0] : vector<3x1024xf32> to vector<1024xf32>
    %broadcast_in_dim3A_21 = vector.shape_cast %reduce_sum3A_20 : vector<1024xf32> to vector<1x1024xf32>
    %add3A = vector.broadcast %broadcast_in_dim3A_21 : vector<1x1024xf32> to vector<3x1024xf32>
    %add3A_22 = arith.addf %mul3A_17, %add3A : vector<3x1024xf32>
    %lt3A = arith.constant 1.000000e-10 : f32
    %lt3A_23 = vector.broadcast %lt3A : f32 to vector<3x1024xf32>
    %lt3A_24 = arith.cmpf olt, %add3A_22, %lt3A_23 : vector<3x1024xf32>
    %jit3A = arith.constant 1.000000e-10 : f32
    %broadcast_in_dim3A_25 = vector.broadcast %jit3A : f32 to vector<3x1024xf32>
    %select_n3A = arith.select %lt3A_24, %broadcast_in_dim3A_25, %add3A_22 : vector<3x1024xi1>, vector<3x1024xf32>
    %div3A = arith.constant 1.000000e+00 : f32
    %div3A_26 = vector.broadcast %div3A : f32 to vector<3x1024xf32>
    %div3A_27 = arith.divf %div3A_26, %select_n3A : vector<3x1024xf32>
    %reduce_sum3A_28 = arith.constant dense<0.000000e+00> : vector<1024xf32>
    %reduce_sum3A_29 = vector.multi_reduction <add>, %div3A_27, %reduce_sum3A_28 [0] : vector<3x1024xf32> to vector<1024xf32>
    %broadcast_in_dim3A_30 = vector.shape_cast %reduce_sum3A_29 : vector<1024xf32> to vector<1x1024xf32>
    %div3A_31 = vector.broadcast %broadcast_in_dim3A_30 : vector<1x1024xf32> to vector<3x1024xf32>
    %div3A_32 = arith.divf %div3A_27, %div3A_31 : vector<3x1024xf32>
    %broadcast_in_dim3A_33 = arith.constant 0x7F800000 : f32
    %broadcast_in_dim3A_34 = vector.broadcast %broadcast_in_dim3A_33 : f32 to vector<8x1024xf32>
    %slice3A_35 = vector.extract_strided_slice %sub3A_14 {offsets = [0, 0], sizes = [8, 1024], strides = [1, 1]} : vector<1024x1024xf32> to vector<8x1024xf32>
    %max3A = arith.maximumf %broadcast_in_dim3A_34, %slice3A_35 : vector<8x1024xf32>
    %min3A = arith.minimumf %broadcast_in_dim3A_34, %slice3A_35 : vector<8x1024xf32>
    %max3A_36 = arith.maximumf %broadcast_in_dim3A_34, %max3A : vector<8x1024xf32>
    %min3A_37 = arith.minimumf %broadcast_in_dim3A_34, %max3A : vector<8x1024xf32>
    %min3A_38 = arith.minimumf %broadcast_in_dim3A_34, %max3A_36 : vector<8x1024xf32>
    %slice3A_39 = vector.extract_strided_slice %sub3A_14 {offsets = [8, 0], sizes = [8, 1024], strides = [1, 1]} : vector<1024x1024xf32> to vector<8x1024xf32>
    %max3A_40 = arith.maximumf %min3A, %slice3A_39 : vector<8x1024xf32>
    %min3A_41 = arith.minimumf %min3A, %slice3A_39 : vector<8x1024xf32>
    %max3A_42 = arith.maximumf %min3A_37, %max3A_40 : vector<8x1024xf32>
    %min3A_43 = arith.minimumf %min3A_37, %max3A_40 : vector<8x1024xf32>
    %min3A_44 = arith.minimumf %min3A_38, %max3A_42 : vector<8x1024xf32>
    %slice3A_45 = vector.extract_strided_slice %sub3A_14 {offsets = [16, 0], sizes = [8, 1024], strides = [1, 1]} : vector<1024x1024xf32> to vector<8x1024xf32>
    %max3A_46 = arith.maximumf %min3A_41, %slice3A_45 : vector<8x1024xf32>
    %min3A_47 = arith.minimumf %min3A_41, %slice3A_45 : vector<8x1024xf32>
    %max3A_48 = arith.maximumf %min3A_43, %max3A_46 : vector<8x1024xf32>
    %min3A_49 = arith.minimumf %min3A_43, %max3A_46 : vector<8x1024xf32>
    %min3A_50 = arith.minimumf %min3A_44, %max3A_48 : vector<8x1024xf32>
    %slice3A_51 = vector.extract_strided_slice %sub3A_14 {offsets = [24, 0], sizes = [8, 1024], strides = [1, 1]} : vector<1024x1024xf32> to vector<8x1024xf32>
    %max3A_52 = arith.maximumf %min3A_47, %slice3A_51 : vector<8x1024xf32>
    %min3A_53 = arith.minimumf %min3A_47, %slice3A_51 : vector<8x1024xf32>
    %max3A_54 = arith.maximumf %min3A_49, %max3A_52 : vector<8x1024xf32>
    %min3A_55 = arith.minimumf %min3A_49, %max3A_52 : vector<8x1024xf32>
    %min3A_56 = arith.minimumf %min3A_50, %max3A_54 : vector<8x1024xf32>
    %slice3A_57 = vector.extract_strided_slice %sub3A_14 {offsets = [32, 0], sizes = [8, 1024], strides = [1, 1]} : vector<1024x1024xf32> to vector<8x1024xf32>
    %max3A_58 = arith.maximumf %min3A_53, %slice3A_57 : vector<8x1024xf32>
    %min3A_59 = arith.minimumf %min3A_53, %slice3A_57 : vector<8x1024xf32>
    %max3A_60 = arith.maximumf %min3A_55, %max3A_58 : vector<8x1024xf32>
    %min3A_61 = arith.minimumf %min3A_55, %max3A_58 : vector<8x1024xf32>
    %min3A_62 = arith.minimumf %min3A_56, %max3A_60 : vector<8x1024xf32>
    %slice3A_63 = vector.extract_strided_slice %sub3A_14 {offsets = [40, 0], sizes = [8, 1024], strides = [1, 1]} : vector<1024x1024xf32> to vector<8x1024xf32>
    %max3A_64 = arith.maximumf %min3A_59, %slice3A_63 : vector<8x1024xf32>
    %min3A_65 = arith.minimumf %min3A_59, %slice3A_63 : vector<8x1024xf32>
    %max3A_66 = arith.maximumf %min3A_61, %max3A_64 : vector<8x1024xf32>
    %min3A_67 = arith.minimumf %min3A_61, %max3A_64 : vector<8x1024xf32>
    %min3A_68 = arith.minimumf %min3A_62, %max3A_66 : vector<8x1024xf32>
    %slice3A_69 = vector.extract_strided_slice %sub3A_14 {offsets = [48, 0], sizes = [8, 1024], strides = [1, 1]} : vector<1024x1024xf32> to vector<8x1024xf32>
    %max3A_70 = arith.maximumf %min3A_65, %slice3A_69 : vector<8x1024xf32>
    %min3A_71 = arith.minimumf %min3A_65, %slice3A_69 : vector<8x1024xf32>
    %max3A_72 = arith.maximumf %min3A_67, %max3A_70 : vector<8x1024xf32>
    %min3A_73 = arith.minimumf %min3A_67, %max3A_70 : vector<8x1024xf32>
    %min3A_74 = arith.minimumf %min3A_68, %max3A_72 : vector<8x1024xf32>
    %slice3A_75 = vector.extract_strided_slice %sub3A_14 {offsets = [56, 0], sizes = [8, 1024], strides = [1, 1]} : vector<1024x1024xf32> to vector<8x1024xf32>
    %max3A_76 = arith.maximumf %min3A_71, %slice3A_75 : vector<8x1024xf32>
    %min3A_77 = arith.minimumf %min3A_71, %slice3A_75 : vector<8x1024xf32>
    %max3A_78 = arith.maximumf %min3A_73, %max3A_76 : vector<8x1024xf32>
    %min3A_79 = arith.minimumf %min3A_73, %max3A_76 : vector<8x1024xf32>
    %min3A_80 = arith.minimumf %min3A_74, %max3A_78 : vector<8x1024xf32>
    %slice3A_81 = vector.extract_strided_slice %sub3A_14 {offsets = [64, 0], sizes = [8, 1024], strides = [1, 1]} : vector<1024x1024xf32> to vector<8x1024xf32>
    %max3A_82 = arith.maximumf %min3A_77, %slice3A_81 : vector<8x1024xf32>
    %min3A_83 = arith.minimumf %min3A_77, %slice3A_81 : vector<8x1024xf32>
    %max3A_84 = arith.maximumf %min3A_79, %max3A_82 : vector<8x1024xf32>
    %min3A_85 = arith.minimumf %min3A_79, %max3A_82 : vector<8x1024xf32>
    %min3A_86 = arith.minimumf %min3A_80, %max3A_84 : vector<8x1024xf32>
    %slice3A_87 = vector.extract_strided_slice %sub3A_14 {offsets = [72, 0], sizes = [8, 1024], strides = [1, 1]} : vector<1024x1024xf32> to vector<8x1024xf32>
    %max3A_88 = arith.maximumf %min3A_83, %slice3A_87 : vector<8x1024xf32>
    %min3A_89 = arith.minimumf %min3A_83, %slice3A_87 : vector<8x1024xf32>
    %max3A_90 = arith.maximumf %min3A_85, %max3A_88 : vector<8x1024xf32>
    %min3A_91 = arith.minimumf %min3A_85, %max3A_88 : vector<8x1024xf32>
    %min3A_92 = arith.minimumf %min3A_86, %max3A_90 : vector<8x1024xf32>
    %slice3A_93 = vector.extract_strided_slice %sub3A_14 {offsets = [80, 0], sizes = [8, 1024], strides = [1, 1]} : vector<1024x1024xf32> to vector<8x1024xf32>
    %max3A_94 = arith.maximumf %min3A_89, %slice3A_93 : vector<8x1024xf32>
    %min3A_95 = arith.minimumf %min3A_89, %slice3A_93 : vector<8x1024xf32>
    %max3A_96 = arith.maximumf %min3A_91, %max3A_94 : vector<8x1024xf32>
    %min3A_97 = arith.minimumf %min3A_91, %max3A_94 : vector<8x1024xf32>
    %min3A_98 = arith.minimumf %min3A_92, %max3A_96 : vector<8x1024xf32>
    %slice3A_99 = vector.extract_strided_slice %sub3A_14 {offsets = [88, 0], sizes = [8, 1024], strides = [1, 1]} : vector<1024x1024xf32> to vector<8x1024xf32>
    %max3A_100 = arith.maximumf %min3A_95, %slice3A_99 : vector<8x1024xf32>
    %min3A_101 = arith.minimumf %min3A_95, %slice3A_99 : vector<8x1024xf32>
    %max3A_102 = arith.maximumf %min3A_97, %max3A_100 : vector<8x1024xf32>
    %min3A_103 = arith.minimumf %min3A_97, %max3A_100 : vector<8x1024xf32>
    %min3A_104 = arith.minimumf %min3A_98, %max3A_102 : vector<8x1024xf32>
    %slice3A_105 = vector.extract_strided_slice %sub3A_14 {offsets = [96, 0], sizes = [8, 1024], strides = [1, 1]} : vector<1024x1024xf32> to vector<8x1024xf32>
    %max3A_106 = arith.maximumf %min3A_101, %slice3A_105 : vector<8x1024xf32>
    %min3A_107 = arith.minimumf %min3A_101, %slice3A_105 : vector<8x1024xf32>
    %max3A_108 = arith.maximumf %min3A_103, %max3A_106 : vector<8x1024xf32>
    %min3A_109 = arith.minimumf %min3A_103, %max3A_106 : vector<8x1024xf32>
    %min3A_110 = arith.minimumf %min3A_104, %max3A_108 : vector<8x1024xf32>
    %slice3A_111 = vector.extract_strided_slice %sub3A_14 {offsets = [104, 0], sizes = [8, 1024], strides = [1, 1]} : vector<1024x1024xf32> to vector<8x1024xf32>
    %max3A_112 = arith.maximumf %min3A_107, %slice3A_111 : vector<8x1024xf32>
    %min3A_113 = arith.minimumf %min3A_107, %slice3A_111 : vector<8x1024xf32>
    %max3A_114 = arith.maximumf %min3A_109, %max3A_112 : vector<8x1024xf32>
    %min3A_115 = arith.minimumf %min3A_109, %max3A_112 : vector<8x1024xf32>
    %min3A_116 = arith.minimumf %min3A_110, %max3A_114 : vector<8x1024xf32>
    %slice3A_117 = vector.extract_strided_slice %sub3A_14 {offsets = [112, 0], sizes = [8, 1024], strides = [1, 1]} : vector<1024x1024xf32> to vector<8x1024xf32>
    %max3A_118 = arith.maximumf %min3A_113, %slice3A_117 : vector<8x1024xf32>
    %min3A_119 = arith.minimumf %min3A_113, %slice3A_117 : vector<8x1024xf32>
    %max3A_120 = arith.maximumf %min3A_115, %max3A_118 : vector<8x1024xf32>
    %min3A_121 = arith.minimumf %min3A_115, %max3A_118 : vector<8x1024xf32>
    %min3A_122 = arith.minimumf %min3A_116, %max3A_120 : vector<8x1024xf32>
    %slice3A_123 = vector.extract_strided_slice %sub3A_14 {offsets = [120, 0], sizes = [8, 1024], strides = [1, 1]} : vector<1024x1024xf32> to vector<8x1024xf32>
    %max3A_124 = arith.maximumf %min3A_119, %slice3A_123 : vector<8x1024xf32>
    %min3A_125 = arith.minimumf %min3A_119, %slice3A_123 : vector<8x1024xf32>
    %max3A_126 = arith.maximumf %min3A_121, %max3A_124 : vector<8x1024xf32>
    %min3A_127 = arith.minimumf %min3A_121, %max3A_124 : vector<8x1024xf32>
    %min3A_128 = arith.minimumf %min3A_122, %max3A_126 : vector<8x1024xf32>
    %slice3A_129 = vector.extract_strided_slice %sub3A_14 {offsets = [128, 0], sizes = [8, 1024], strides = [1, 1]} : vector<1024x1024xf32> to vector<8x1024xf32>
    %max3A_130 = arith.maximumf %min3A_125, %slice3A_129 : vector<8x1024xf32>
    %min3A_131 = arith.minimumf %min3A_125, %slice3A_129 : vector<8x1024xf32>
    %max3A_132 = arith.maximumf %min3A_127, %max3A_130 : vector<8x1024xf32>
    %min3A_133 = arith.minimumf %min3A_127, %max3A_130 : vector<8x1024xf32>
    %min3A_134 = arith.minimumf %min3A_128, %max3A_132 : vector<8x1024xf32>
    %slice3A_135 = vector.extract_strided_slice %sub3A_14 {offsets = [136, 0], sizes = [8, 1024], strides = [1, 1]} : vector<1024x1024xf32> to vector<8x1024xf32>
    %max3A_136 = arith.maximumf %min3A_131, %slice3A_135 : vector<8x1024xf32>
    %min3A_137 = arith.minimumf %min3A_131, %slice3A_135 : vector<8x1024xf32>
    %max3A_138 = arith.maximumf %min3A_133, %max3A_136 : vector<8x1024xf32>
    %min3A_139 = arith.minimumf %min3A_133, %max3A_136 : vector<8x1024xf32>
    %min3A_140 = arith.minimumf %min3A_134, %max3A_138 : vector<8x1024xf32>
    %slice3A_141 = vector.extract_strided_slice %sub3A_14 {offsets = [144, 0], sizes = [8, 1024], strides = [1, 1]} : vector<1024x1024xf32> to vector<8x1024xf32>
    %max3A_142 = arith.maximumf %min3A_137, %slice3A_141 : vector<8x1024xf32>
    %min3A_143 = arith.minimumf %min3A_137, %slice3A_141 : vector<8x1024xf32>
    %max3A_144 = arith.maximumf %min3A_139, %max3A_142 : vector<8x1024xf32>
    %min3A_145 = arith.minimumf %min3A_139, %max3A_142 : vector<8x1024xf32>
    %min3A_146 = arith.minimumf %min3A_140, %max3A_144 : vector<8x1024xf32>
    %slice3A_147 = vector.extract_strided_slice %sub3A_14 {offsets = [152, 0], sizes = [8, 1024], strides = [1, 1]} : vector<1024x1024xf32> to vector<8x1024xf32>
    %max3A_148 = arith.maximumf %min3A_143, %slice3A_147 : vector<8x1024xf32>
    %min3A_149 = arith.minimumf %min3A_143, %slice3A_147 : vector<8x1024xf32>
    %max3A_150 = arith.maximumf %min3A_145, %max3A_148 : vector<8x1024xf32>
    %min3A_151 = arith.minimumf %min3A_145, %max3A_148 : vector<8x1024xf32>
    %min3A_152 = arith.minimumf %min3A_146, %max3A_150 : vector<8x1024xf32>
    %slice3A_153 = vector.extract_strided_slice %sub3A_14 {offsets = [160, 0], sizes = [8, 1024], strides = [1, 1]} : vector<1024x1024xf32> to vector<8x1024xf32>
    %max3A_154 = arith.maximumf %min3A_149, %slice3A_153 : vector<8x1024xf32>
    %min3A_155 = arith.minimumf %min3A_149, %slice3A_153 : vector<8x1024xf32>
    %max3A_156 = arith.maximumf %min3A_151, %max3A_154 : vector<8x1024xf32>
    %min3A_157 = arith.minimumf %min3A_151, %max3A_154 : vector<8x1024xf32>
    %min3A_158 = arith.minimumf %min3A_152, %max3A_156 : vector<8x1024xf32>
    %slice3A_159 = vector.extract_strided_slice %sub3A_14 {offsets = [168, 0], sizes = [8, 1024], strides = [1, 1]} : vector<1024x1024xf32> to vector<8x1024xf32>
    %max3A_160 = arith.maximumf %min3A_155, %slice3A_159 : vector<8x1024xf32>
    %min3A_161 = arith.minimumf %min3A_155, %slice3A_159 : vector<8x1024xf32>
    %max3A_162 = arith.maximumf %min3A_157, %max3A_160 : vector<8x1024xf32>
    %min3A_163 = arith.minimumf %min3A_157, %max3A_160 : vector<8x1024xf32>
    %min3A_164 = arith.minimumf %min3A_158, %max3A_162 : vector<8x1024xf32>
    %slice3A_165 = vector.extract_strided_slice %sub3A_14 {offsets = [176, 0], sizes = [8, 1024], strides = [1, 1]} : vector<1024x1024xf32> to vector<8x1024xf32>
    %max3A_166 = arith.maximumf %min3A_161, %slice3A_165 : vector<8x1024xf32>
    %min3A_167 = arith.minimumf %min3A_161, %slice3A_165 : vector<8x1024xf32>
    %max3A_168 = arith.maximumf %min3A_163, %max3A_166 : vector<8x1024xf32>
    %min3A_169 = arith.minimumf %min3A_163, %max3A_166 : vector<8x1024xf32>
    %min3A_170 = arith.minimumf %min3A_164, %max3A_168 : vector<8x1024xf32>
    %slice3A_171 = vector.extract_strided_slice %sub3A_14 {offsets = [184, 0], sizes = [8, 1024], strides = [1, 1]} : vector<1024x1024xf32> to vector<8x1024xf32>
    %max3A_172 = arith.maximumf %min3A_167, %slice3A_171 : vector<8x1024xf32>
    %min3A_173 = arith.minimumf %min3A_167, %slice3A_171 : vector<8x1024xf32>
    %max3A_174 = arith.maximumf %min3A_169, %max3A_172 : vector<8x1024xf32>
    %min3A_175 = arith.minimumf %min3A_169, %max3A_172 : vector<8x1024xf32>
    %min3A_176 = arith.minimumf %min3A_170, %max3A_174 : vector<8x1024xf32>
    %slice3A_177 = vector.extract_strided_slice %sub3A_14 {offsets = [192, 0], sizes = [8, 1024], strides = [1, 1]} : vector<1024x1024xf32> to vector<8x1024xf32>
    %max3A_178 = arith.maximumf %min3A_173, %slice3A_177 : vector<8x1024xf32>
    %min3A_179 = arith.minimumf %min3A_173, %slice3A_177 : vector<8x1024xf32>
    %max3A_180 = arith.maximumf %min3A_175, %max3A_178 : vector<8x1024xf32>
    %min3A_181 = arith.minimumf %min3A_175, %max3A_178 : vector<8x1024xf32>
    %min3A_182 = arith.minimumf %min3A_176, %max3A_180 : vector<8x1024xf32>
    %slice3A_183 = vector.extract_strided_slice %sub3A_14 {offsets = [200, 0], sizes = [8, 1024], strides = [1, 1]} : vector<1024x1024xf32> to vector<8x1024xf32>
    %max3A_184 = arith.maximumf %min3A_179, %slice3A_183 : vector<8x1024xf32>
    %min3A_185 = arith.minimumf %min3A_179, %slice3A_183 : vector<8x1024xf32>
    %max3A_186 = arith.maximumf %min3A_181, %max3A_184 : vector<8x1024xf32>
    %min3A_187 = arith.minimumf %min3A_181, %max3A_184 : vector<8x1024xf32>
    %min3A_188 = arith.minimumf %min3A_182, %max3A_186 : vector<8x1024xf32>
    %slice3A_189 = vector.extract_strided_slice %sub3A_14 {offsets = [208, 0], sizes = [8, 1024], strides = [1, 1]} : vector<1024x1024xf32> to vector<8x1024xf32>
    %max3A_190 = arith.maximumf %min3A_185, %slice3A_189 : vector<8x1024xf32>
    %min3A_191 = arith.minimumf %min3A_185, %slice3A_189 : vector<8x1024xf32>
    %max3A_192 = arith.maximumf %min3A_187, %max3A_190 : vector<8x1024xf32>
    %min3A_193 = arith.minimumf %min3A_187, %max3A_190 : vector<8x1024xf32>
    %min3A_194 = arith.minimumf %min3A_188, %max3A_192 : vector<8x1024xf32>
    %slice3A_195 = vector.extract_strided_slice %sub3A_14 {offsets = [216, 0], sizes = [8, 1024], strides = [1, 1]} : vector<1024x1024xf32> to vector<8x1024xf32>
    %max3A_196 = arith.maximumf %min3A_191, %slice3A_195 : vector<8x1024xf32>
    %min3A_197 = arith.minimumf %min3A_191, %slice3A_195 : vector<8x1024xf32>
    %max3A_198 = arith.maximumf %min3A_193, %max3A_196 : vector<8x1024xf32>
    %min3A_199 = arith.minimumf %min3A_193, %max3A_196 : vector<8x1024xf32>
    %min3A_200 = arith.minimumf %min3A_194, %max3A_198 : vector<8x1024xf32>
    %slice3A_201 = vector.extract_strided_slice %sub3A_14 {offsets = [224, 0], sizes = [8, 1024], strides = [1, 1]} : vector<1024x1024xf32> to vector<8x1024xf32>
    %max3A_202 = arith.maximumf %min3A_197, %slice3A_201 : vector<8x1024xf32>
    %min3A_203 = arith.minimumf %min3A_197, %slice3A_201 : vector<8x1024xf32>
    %max3A_204 = arith.maximumf %min3A_199, %max3A_202 : vector<8x1024xf32>
    %min3A_205 = arith.minimumf %min3A_199, %max3A_202 : vector<8x1024xf32>
    %min3A_206 = arith.minimumf %min3A_200, %max3A_204 : vector<8x1024xf32>
    %slice3A_207 = vector.extract_strided_slice %sub3A_14 {offsets = [232, 0], sizes = [8, 1024], strides = [1, 1]} : vector<1024x1024xf32> to vector<8x1024xf32>
    %max3A_208 = arith.maximumf %min3A_203, %slice3A_207 : vector<8x1024xf32>
    %min3A_209 = arith.minimumf %min3A_203, %slice3A_207 : vector<8x1024xf32>
    %max3A_210 = arith.maximumf %min3A_205, %max3A_208 : vector<8x1024xf32>
    %min3A_211 = arith.minimumf %min3A_205, %max3A_208 : vector<8x1024xf32>
    %min3A_212 = arith.minimumf %min3A_206, %max3A_210 : vector<8x1024xf32>
    %slice3A_213 = vector.extract_strided_slice %sub3A_14 {offsets = [240, 0], sizes = [8, 1024], strides = [1, 1]} : vector<1024x1024xf32> to vector<8x1024xf32>
    %max3A_214 = arith.maximumf %min3A_209, %slice3A_213 : vector<8x1024xf32>
    %min3A_215 = arith.minimumf %min3A_209, %slice3A_213 : vector<8x1024xf32>
    %max3A_216 = arith.maximumf %min3A_211, %max3A_214 : vector<8x1024xf32>
    %min3A_217 = arith.minimumf %min3A_211, %max3A_214 : vector<8x1024xf32>
    %min3A_218 = arith.minimumf %min3A_212, %max3A_216 : vector<8x1024xf32>
    %slice3A_219 = vector.extract_strided_slice %sub3A_14 {offsets = [248, 0], sizes = [8, 1024], strides = [1, 1]} : vector<1024x1024xf32> to vector<8x1024xf32>
    %max3A_220 = arith.maximumf %min3A_215, %slice3A_219 : vector<8x1024xf32>
    %min3A_221 = arith.minimumf %min3A_215, %slice3A_219 : vector<8x1024xf32>
    %max3A_222 = arith.maximumf %min3A_217, %max3A_220 : vector<8x1024xf32>
    %min3A_223 = arith.minimumf %min3A_217, %max3A_220 : vector<8x1024xf32>
    %min3A_224 = arith.minimumf %min3A_218, %max3A_222 : vector<8x1024xf32>
    %slice3A_225 = vector.extract_strided_slice %sub3A_14 {offsets = [256, 0], sizes = [8, 1024], strides = [1, 1]} : vector<1024x1024xf32> to vector<8x1024xf32>
    %max3A_226 = arith.maximumf %min3A_221, %slice3A_225 : vector<8x1024xf32>
    %min3A_227 = arith.minimumf %min3A_221, %slice3A_225 : vector<8x1024xf32>
    %max3A_228 = arith.maximumf %min3A_223, %max3A_226 : vector<8x1024xf32>
    %min3A_229 = arith.minimumf %min3A_223, %max3A_226 : vector<8x1024xf32>
    %min3A_230 = arith.minimumf %min3A_224, %max3A_228 : vector<8x1024xf32>
    %slice3A_231 = vector.extract_strided_slice %sub3A_14 {offsets = [264, 0], sizes = [8, 1024], strides = [1, 1]} : vector<1024x1024xf32> to vector<8x1024xf32>
    %max3A_232 = arith.maximumf %min3A_227, %slice3A_231 : vector<8x1024xf32>
    %min3A_233 = arith.minimumf %min3A_227, %slice3A_231 : vector<8x1024xf32>
    %max3A_234 = arith.maximumf %min3A_229, %max3A_232 : vector<8x1024xf32>
    %min3A_235 = arith.minimumf %min3A_229, %max3A_232 : vector<8x1024xf32>
    %min3A_236 = arith.minimumf %min3A_230, %max3A_234 : vector<8x1024xf32>
    %slice3A_237 = vector.extract_strided_slice %sub3A_14 {offsets = [272, 0], sizes = [8, 1024], strides = [1, 1]} : vector<1024x1024xf32> to vector<8x1024xf32>
    %max3A_238 = arith.maximumf %min3A_233, %slice3A_237 : vector<8x1024xf32>
    %min3A_239 = arith.minimumf %min3A_233, %slice3A_237 : vector<8x1024xf32>
    %max3A_240 = arith.maximumf %min3A_235, %max3A_238 : vector<8x1024xf32>
    %min3A_241 = arith.minimumf %min3A_235, %max3A_238 : vector<8x1024xf32>
    %min3A_242 = arith.minimumf %min3A_236, %max3A_240 : vector<8x1024xf32>
    %slice3A_243 = vector.extract_strided_slice %sub3A_14 {offsets = [280, 0], sizes = [8, 1024], strides = [1, 1]} : vector<1024x1024xf32> to vector<8x1024xf32>
    %max3A_244 = arith.maximumf %min3A_239, %slice3A_243 : vector<8x1024xf32>
    %min3A_245 = arith.minimumf %min3A_239, %slice3A_243 : vector<8x1024xf32>
    %max3A_246 = arith.maximumf %min3A_241, %max3A_244 : vector<8x1024xf32>
    %min3A_247 = arith.minimumf %min3A_241, %max3A_244 : vector<8x1024xf32>
    %min3A_248 = arith.minimumf %min3A_242, %max3A_246 : vector<8x1024xf32>
    %slice3A_249 = vector.extract_strided_slice %sub3A_14 {offsets = [288, 0], sizes = [8, 1024], strides = [1, 1]} : vector<1024x1024xf32> to vector<8x1024xf32>
    %max3A_250 = arith.maximumf %min3A_245, %slice3A_249 : vector<8x1024xf32>
    %min3A_251 = arith.minimumf %min3A_245, %slice3A_249 : vector<8x1024xf32>
    %max3A_252 = arith.maximumf %min3A_247, %max3A_250 : vector<8x1024xf32>
    %min3A_253 = arith.minimumf %min3A_247, %max3A_250 : vector<8x1024xf32>
    %min3A_254 = arith.minimumf %min3A_248, %max3A_252 : vector<8x1024xf32>
    %slice3A_255 = vector.extract_strided_slice %sub3A_14 {offsets = [296, 0], sizes = [8, 1024], strides = [1, 1]} : vector<1024x1024xf32> to vector<8x1024xf32>
    %max3A_256 = arith.maximumf %min3A_251, %slice3A_255 : vector<8x1024xf32>
    %min3A_257 = arith.minimumf %min3A_251, %slice3A_255 : vector<8x1024xf32>
    %max3A_258 = arith.maximumf %min3A_253, %max3A_256 : vector<8x1024xf32>
    %min3A_259 = arith.minimumf %min3A_253, %max3A_256 : vector<8x1024xf32>
    %min3A_260 = arith.minimumf %min3A_254, %max3A_258 : vector<8x1024xf32>
    %slice3A_261 = vector.extract_strided_slice %sub3A_14 {offsets = [304, 0], sizes = [8, 1024], strides = [1, 1]} : vector<1024x1024xf32> to vector<8x1024xf32>
    %max3A_262 = arith.maximumf %min3A_257, %slice3A_261 : vector<8x1024xf32>
    %min3A_263 = arith.minimumf %min3A_257, %slice3A_261 : vector<8x1024xf32>
    %max3A_264 = arith.maximumf %min3A_259, %max3A_262 : vector<8x1024xf32>
    %min3A_265 = arith.minimumf %min3A_259, %max3A_262 : vector<8x1024xf32>
    %min3A_266 = arith.minimumf %min3A_260, %max3A_264 : vector<8x1024xf32>
    %slice3A_267 = vector.extract_strided_slice %sub3A_14 {offsets = [312, 0], sizes = [8, 1024], strides = [1, 1]} : vector<1024x1024xf32> to vector<8x1024xf32>
    %max3A_268 = arith.maximumf %min3A_263, %slice3A_267 : vector<8x1024xf32>
    %min3A_269 = arith.minimumf %min3A_263, %slice3A_267 : vector<8x1024xf32>
    %max3A_270 = arith.maximumf %min3A_265, %max3A_268 : vector<8x1024xf32>
    %min3A_271 = arith.minimumf %min3A_265, %max3A_268 : vector<8x1024xf32>
    %min3A_272 = arith.minimumf %min3A_266, %max3A_270 : vector<8x1024xf32>
    %slice3A_273 = vector.extract_strided_slice %sub3A_14 {offsets = [320, 0], sizes = [8, 1024], strides = [1, 1]} : vector<1024x1024xf32> to vector<8x1024xf32>
    %max3A_274 = arith.maximumf %min3A_269, %slice3A_273 : vector<8x1024xf32>
    %min3A_275 = arith.minimumf %min3A_269, %slice3A_273 : vector<8x1024xf32>
    %max3A_276 = arith.maximumf %min3A_271, %max3A_274 : vector<8x1024xf32>
    %min3A_277 = arith.minimumf %min3A_271, %max3A_274 : vector<8x1024xf32>
    %min3A_278 = arith.minimumf %min3A_272, %max3A_276 : vector<8x1024xf32>
    %slice3A_279 = vector.extract_strided_slice %sub3A_14 {offsets = [328, 0], sizes = [8, 1024], strides = [1, 1]} : vector<1024x1024xf32> to vector<8x1024xf32>
    %max3A_280 = arith.maximumf %min3A_275, %slice3A_279 : vector<8x1024xf32>
    %min3A_281 = arith.minimumf %min3A_275, %slice3A_279 : vector<8x1024xf32>
    %max3A_282 = arith.maximumf %min3A_277, %max3A_280 : vector<8x1024xf32>
    %min3A_283 = arith.minimumf %min3A_277, %max3A_280 : vector<8x1024xf32>
    %min3A_284 = arith.minimumf %min3A_278, %max3A_282 : vector<8x1024xf32>
    %slice3A_285 = vector.extract_strided_slice %sub3A_14 {offsets = [336, 0], sizes = [8, 1024], strides = [1, 1]} : vector<1024x1024xf32> to vector<8x1024xf32>
    %max3A_286 = arith.maximumf %min3A_281, %slice3A_285 : vector<8x1024xf32>
    %min3A_287 = arith.minimumf %min3A_281, %slice3A_285 : vector<8x1024xf32>
    %max3A_288 = arith.maximumf %min3A_283, %max3A_286 : vector<8x1024xf32>
    %min3A_289 = arith.minimumf %min3A_283, %max3A_286 : vector<8x1024xf32>
    %min3A_290 = arith.minimumf %min3A_284, %max3A_288 : vector<8x1024xf32>
    %slice3A_291 = vector.extract_strided_slice %sub3A_14 {offsets = [344, 0], sizes = [8, 1024], strides = [1, 1]} : vector<1024x1024xf32> to vector<8x1024xf32>
    %max3A_292 = arith.maximumf %min3A_287, %slice3A_291 : vector<8x1024xf32>
    %min3A_293 = arith.minimumf %min3A_287, %slice3A_291 : vector<8x1024xf32>
    %max3A_294 = arith.maximumf %min3A_289, %max3A_292 : vector<8x1024xf32>
    %min3A_295 = arith.minimumf %min3A_289, %max3A_292 : vector<8x1024xf32>
    %min3A_296 = arith.minimumf %min3A_290, %max3A_294 : vector<8x1024xf32>
    %slice3A_297 = vector.extract_strided_slice %sub3A_14 {offsets = [352, 0], sizes = [8, 1024], strides = [1, 1]} : vector<1024x1024xf32> to vector<8x1024xf32>
    %max3A_298 = arith.maximumf %min3A_293, %slice3A_297 : vector<8x1024xf32>
    %min3A_299 = arith.minimumf %min3A_293, %slice3A_297 : vector<8x1024xf32>
    %max3A_300 = arith.maximumf %min3A_295, %max3A_298 : vector<8x1024xf32>
    %min3A_301 = arith.minimumf %min3A_295, %max3A_298 : vector<8x1024xf32>
    %min3A_302 = arith.minimumf %min3A_296, %max3A_300 : vector<8x1024xf32>
    %slice3A_303 = vector.extract_strided_slice %sub3A_14 {offsets = [360, 0], sizes = [8, 1024], strides = [1, 1]} : vector<1024x1024xf32> to vector<8x1024xf32>
    %max3A_304 = arith.maximumf %min3A_299, %slice3A_303 : vector<8x1024xf32>
    %min3A_305 = arith.minimumf %min3A_299, %slice3A_303 : vector<8x1024xf32>
    %max3A_306 = arith.maximumf %min3A_301, %max3A_304 : vector<8x1024xf32>
    %min3A_307 = arith.minimumf %min3A_301, %max3A_304 : vector<8x1024xf32>
    %min3A_308 = arith.minimumf %min3A_302, %max3A_306 : vector<8x1024xf32>
    %slice3A_309 = vector.extract_strided_slice %sub3A_14 {offsets = [368, 0], sizes = [8, 1024], strides = [1, 1]} : vector<1024x1024xf32> to vector<8x1024xf32>
    %max3A_310 = arith.maximumf %min3A_305, %slice3A_309 : vector<8x1024xf32>
    %min3A_311 = arith.minimumf %min3A_305, %slice3A_309 : vector<8x1024xf32>
    %max3A_312 = arith.maximumf %min3A_307, %max3A_310 : vector<8x1024xf32>
    %min3A_313 = arith.minimumf %min3A_307, %max3A_310 : vector<8x1024xf32>
    %min3A_314 = arith.minimumf %min3A_308, %max3A_312 : vector<8x1024xf32>
    %slice3A_315 = vector.extract_strided_slice %sub3A_14 {offsets = [376, 0], sizes = [8, 1024], strides = [1, 1]} : vector<1024x1024xf32> to vector<8x1024xf32>
    %max3A_316 = arith.maximumf %min3A_311, %slice3A_315 : vector<8x1024xf32>
    %min3A_317 = arith.minimumf %min3A_311, %slice3A_315 : vector<8x1024xf32>
    %max3A_318 = arith.maximumf %min3A_313, %max3A_316 : vector<8x1024xf32>
    %min3A_319 = arith.minimumf %min3A_313, %max3A_316 : vector<8x1024xf32>
    %min3A_320 = arith.minimumf %min3A_314, %max3A_318 : vector<8x1024xf32>
    %slice3A_321 = vector.extract_strided_slice %sub3A_14 {offsets = [384, 0], sizes = [8, 1024], strides = [1, 1]} : vector<1024x1024xf32> to vector<8x1024xf32>
    %max3A_322 = arith.maximumf %min3A_317, %slice3A_321 : vector<8x1024xf32>
    %min3A_323 = arith.minimumf %min3A_317, %slice3A_321 : vector<8x1024xf32>
    %max3A_324 = arith.maximumf %min3A_319, %max3A_322 : vector<8x1024xf32>
    %min3A_325 = arith.minimumf %min3A_319, %max3A_322 : vector<8x1024xf32>
    %min3A_326 = arith.minimumf %min3A_320, %max3A_324 : vector<8x1024xf32>
    %slice3A_327 = vector.extract_strided_slice %sub3A_14 {offsets = [392, 0], sizes = [8, 1024], strides = [1, 1]} : vector<1024x1024xf32> to vector<8x1024xf32>
    %max3A_328 = arith.maximumf %min3A_323, %slice3A_327 : vector<8x1024xf32>
    %min3A_329 = arith.minimumf %min3A_323, %slice3A_327 : vector<8x1024xf32>
    %max3A_330 = arith.maximumf %min3A_325, %max3A_328 : vector<8x1024xf32>
    %min3A_331 = arith.minimumf %min3A_325, %max3A_328 : vector<8x1024xf32>
    %min3A_332 = arith.minimumf %min3A_326, %max3A_330 : vector<8x1024xf32>
    %slice3A_333 = vector.extract_strided_slice %sub3A_14 {offsets = [400, 0], sizes = [8, 1024], strides = [1, 1]} : vector<1024x1024xf32> to vector<8x1024xf32>
    %max3A_334 = arith.maximumf %min3A_329, %slice3A_333 : vector<8x1024xf32>
    %min3A_335 = arith.minimumf %min3A_329, %slice3A_333 : vector<8x1024xf32>
    %max3A_336 = arith.maximumf %min3A_331, %max3A_334 : vector<8x1024xf32>
    %min3A_337 = arith.minimumf %min3A_331, %max3A_334 : vector<8x1024xf32>
    %min3A_338 = arith.minimumf %min3A_332, %max3A_336 : vector<8x1024xf32>
    %slice3A_339 = vector.extract_strided_slice %sub3A_14 {offsets = [408, 0], sizes = [8, 1024], strides = [1, 1]} : vector<1024x1024xf32> to vector<8x1024xf32>
    %max3A_340 = arith.maximumf %min3A_335, %slice3A_339 : vector<8x1024xf32>
    %min3A_341 = arith.minimumf %min3A_335, %slice3A_339 : vector<8x1024xf32>
    %max3A_342 = arith.maximumf %min3A_337, %max3A_340 : vector<8x1024xf32>
    %min3A_343 = arith.minimumf %min3A_337, %max3A_340 : vector<8x1024xf32>
    %min3A_344 = arith.minimumf %min3A_338, %max3A_342 : vector<8x1024xf32>
    %slice3A_345 = vector.extract_strided_slice %sub3A_14 {offsets = [416, 0], sizes = [8, 1024], strides = [1, 1]} : vector<1024x1024xf32> to vector<8x1024xf32>
    %max3A_346 = arith.maximumf %min3A_341, %slice3A_345 : vector<8x1024xf32>
    %min3A_347 = arith.minimumf %min3A_341, %slice3A_345 : vector<8x1024xf32>
    %max3A_348 = arith.maximumf %min3A_343, %max3A_346 : vector<8x1024xf32>
    %min3A_349 = arith.minimumf %min3A_343, %max3A_346 : vector<8x1024xf32>
    %min3A_350 = arith.minimumf %min3A_344, %max3A_348 : vector<8x1024xf32>
    %slice3A_351 = vector.extract_strided_slice %sub3A_14 {offsets = [424, 0], sizes = [8, 1024], strides = [1, 1]} : vector<1024x1024xf32> to vector<8x1024xf32>
    %max3A_352 = arith.maximumf %min3A_347, %slice3A_351 : vector<8x1024xf32>
    %min3A_353 = arith.minimumf %min3A_347, %slice3A_351 : vector<8x1024xf32>
    %max3A_354 = arith.maximumf %min3A_349, %max3A_352 : vector<8x1024xf32>
    %min3A_355 = arith.minimumf %min3A_349, %max3A_352 : vector<8x1024xf32>
    %min3A_356 = arith.minimumf %min3A_350, %max3A_354 : vector<8x1024xf32>
    %slice3A_357 = vector.extract_strided_slice %sub3A_14 {offsets = [432, 0], sizes = [8, 1024], strides = [1, 1]} : vector<1024x1024xf32> to vector<8x1024xf32>
    %max3A_358 = arith.maximumf %min3A_353, %slice3A_357 : vector<8x1024xf32>
    %min3A_359 = arith.minimumf %min3A_353, %slice3A_357 : vector<8x1024xf32>
    %max3A_360 = arith.maximumf %min3A_355, %max3A_358 : vector<8x1024xf32>
    %min3A_361 = arith.minimumf %min3A_355, %max3A_358 : vector<8x1024xf32>
    %min3A_362 = arith.minimumf %min3A_356, %max3A_360 : vector<8x1024xf32>
    %slice3A_363 = vector.extract_strided_slice %sub3A_14 {offsets = [440, 0], sizes = [8, 1024], strides = [1, 1]} : vector<1024x1024xf32> to vector<8x1024xf32>
    %max3A_364 = arith.maximumf %min3A_359, %slice3A_363 : vector<8x1024xf32>
    %min3A_365 = arith.minimumf %min3A_359, %slice3A_363 : vector<8x1024xf32>
    %max3A_366 = arith.maximumf %min3A_361, %max3A_364 : vector<8x1024xf32>
    %min3A_367 = arith.minimumf %min3A_361, %max3A_364 : vector<8x1024xf32>
    %min3A_368 = arith.minimumf %min3A_362, %max3A_366 : vector<8x1024xf32>
    %slice3A_369 = vector.extract_strided_slice %sub3A_14 {offsets = [448, 0], sizes = [8, 1024], strides = [1, 1]} : vector<1024x1024xf32> to vector<8x1024xf32>
    %max3A_370 = arith.maximumf %min3A_365, %slice3A_369 : vector<8x1024xf32>
    %min3A_371 = arith.minimumf %min3A_365, %slice3A_369 : vector<8x1024xf32>
    %max3A_372 = arith.maximumf %min3A_367, %max3A_370 : vector<8x1024xf32>
    %min3A_373 = arith.minimumf %min3A_367, %max3A_370 : vector<8x1024xf32>
    %min3A_374 = arith.minimumf %min3A_368, %max3A_372 : vector<8x1024xf32>
    %slice3A_375 = vector.extract_strided_slice %sub3A_14 {offsets = [456, 0], sizes = [8, 1024], strides = [1, 1]} : vector<1024x1024xf32> to vector<8x1024xf32>
    %max3A_376 = arith.maximumf %min3A_371, %slice3A_375 : vector<8x1024xf32>
    %min3A_377 = arith.minimumf %min3A_371, %slice3A_375 : vector<8x1024xf32>
    %max3A_378 = arith.maximumf %min3A_373, %max3A_376 : vector<8x1024xf32>
    %min3A_379 = arith.minimumf %min3A_373, %max3A_376 : vector<8x1024xf32>
    %min3A_380 = arith.minimumf %min3A_374, %max3A_378 : vector<8x1024xf32>
    %slice3A_381 = vector.extract_strided_slice %sub3A_14 {offsets = [464, 0], sizes = [8, 1024], strides = [1, 1]} : vector<1024x1024xf32> to vector<8x1024xf32>
    %max3A_382 = arith.maximumf %min3A_377, %slice3A_381 : vector<8x1024xf32>
    %min3A_383 = arith.minimumf %min3A_377, %slice3A_381 : vector<8x1024xf32>
    %max3A_384 = arith.maximumf %min3A_379, %max3A_382 : vector<8x1024xf32>
    %min3A_385 = arith.minimumf %min3A_379, %max3A_382 : vector<8x1024xf32>
    %min3A_386 = arith.minimumf %min3A_380, %max3A_384 : vector<8x1024xf32>
    %slice3A_387 = vector.extract_strided_slice %sub3A_14 {offsets = [472, 0], sizes = [8, 1024], strides = [1, 1]} : vector<1024x1024xf32> to vector<8x1024xf32>
    %max3A_388 = arith.maximumf %min3A_383, %slice3A_387 : vector<8x1024xf32>
    %min3A_389 = arith.minimumf %min3A_383, %slice3A_387 : vector<8x1024xf32>
    %max3A_390 = arith.maximumf %min3A_385, %max3A_388 : vector<8x1024xf32>
    %min3A_391 = arith.minimumf %min3A_385, %max3A_388 : vector<8x1024xf32>
    %min3A_392 = arith.minimumf %min3A_386, %max3A_390 : vector<8x1024xf32>
    %slice3A_393 = vector.extract_strided_slice %sub3A_14 {offsets = [480, 0], sizes = [8, 1024], strides = [1, 1]} : vector<1024x1024xf32> to vector<8x1024xf32>
    %max3A_394 = arith.maximumf %min3A_389, %slice3A_393 : vector<8x1024xf32>
    %min3A_395 = arith.minimumf %min3A_389, %slice3A_393 : vector<8x1024xf32>
    %max3A_396 = arith.maximumf %min3A_391, %max3A_394 : vector<8x1024xf32>
    %min3A_397 = arith.minimumf %min3A_391, %max3A_394 : vector<8x1024xf32>
    %min3A_398 = arith.minimumf %min3A_392, %max3A_396 : vector<8x1024xf32>
    %slice3A_399 = vector.extract_strided_slice %sub3A_14 {offsets = [488, 0], sizes = [8, 1024], strides = [1, 1]} : vector<1024x1024xf32> to vector<8x1024xf32>
    %max3A_400 = arith.maximumf %min3A_395, %slice3A_399 : vector<8x1024xf32>
    %min3A_401 = arith.minimumf %min3A_395, %slice3A_399 : vector<8x1024xf32>
    %max3A_402 = arith.maximumf %min3A_397, %max3A_400 : vector<8x1024xf32>
    %min3A_403 = arith.minimumf %min3A_397, %max3A_400 : vector<8x1024xf32>
    %min3A_404 = arith.minimumf %min3A_398, %max3A_402 : vector<8x1024xf32>
    %slice3A_405 = vector.extract_strided_slice %sub3A_14 {offsets = [496, 0], sizes = [8, 1024], strides = [1, 1]} : vector<1024x1024xf32> to vector<8x1024xf32>
    %max3A_406 = arith.maximumf %min3A_401, %slice3A_405 : vector<8x1024xf32>
    %min3A_407 = arith.minimumf %min3A_401, %slice3A_405 : vector<8x1024xf32>
    %max3A_408 = arith.maximumf %min3A_403, %max3A_406 : vector<8x1024xf32>
    %min3A_409 = arith.minimumf %min3A_403, %max3A_406 : vector<8x1024xf32>
    %min3A_410 = arith.minimumf %min3A_404, %max3A_408 : vector<8x1024xf32>
    %slice3A_411 = vector.extract_strided_slice %sub3A_14 {offsets = [504, 0], sizes = [8, 1024], strides = [1, 1]} : vector<1024x1024xf32> to vector<8x1024xf32>
    %max3A_412 = arith.maximumf %min3A_407, %slice3A_411 : vector<8x1024xf32>
    %min3A_413 = arith.minimumf %min3A_407, %slice3A_411 : vector<8x1024xf32>
    %max3A_414 = arith.maximumf %min3A_409, %max3A_412 : vector<8x1024xf32>
    %min3A_415 = arith.minimumf %min3A_409, %max3A_412 : vector<8x1024xf32>
    %min3A_416 = arith.minimumf %min3A_410, %max3A_414 : vector<8x1024xf32>
    %slice3A_417 = vector.extract_strided_slice %sub3A_14 {offsets = [512, 0], sizes = [8, 1024], strides = [1, 1]} : vector<1024x1024xf32> to vector<8x1024xf32>
    %max3A_418 = arith.maximumf %min3A_413, %slice3A_417 : vector<8x1024xf32>
    %min3A_419 = arith.minimumf %min3A_413, %slice3A_417 : vector<8x1024xf32>
    %max3A_420 = arith.maximumf %min3A_415, %max3A_418 : vector<8x1024xf32>
    %min3A_421 = arith.minimumf %min3A_415, %max3A_418 : vector<8x1024xf32>
    %min3A_422 = arith.minimumf %min3A_416, %max3A_420 : vector<8x1024xf32>
    %slice3A_423 = vector.extract_strided_slice %sub3A_14 {offsets = [520, 0], sizes = [8, 1024], strides = [1, 1]} : vector<1024x1024xf32> to vector<8x1024xf32>
    %max3A_424 = arith.maximumf %min3A_419, %slice3A_423 : vector<8x1024xf32>
    %min3A_425 = arith.minimumf %min3A_419, %slice3A_423 : vector<8x1024xf32>
    %max3A_426 = arith.maximumf %min3A_421, %max3A_424 : vector<8x1024xf32>
    %min3A_427 = arith.minimumf %min3A_421, %max3A_424 : vector<8x1024xf32>
    %min3A_428 = arith.minimumf %min3A_422, %max3A_426 : vector<8x1024xf32>
    %slice3A_429 = vector.extract_strided_slice %sub3A_14 {offsets = [528, 0], sizes = [8, 1024], strides = [1, 1]} : vector<1024x1024xf32> to vector<8x1024xf32>
    %max3A_430 = arith.maximumf %min3A_425, %slice3A_429 : vector<8x1024xf32>
    %min3A_431 = arith.minimumf %min3A_425, %slice3A_429 : vector<8x1024xf32>
    %max3A_432 = arith.maximumf %min3A_427, %max3A_430 : vector<8x1024xf32>
    %min3A_433 = arith.minimumf %min3A_427, %max3A_430 : vector<8x1024xf32>
    %min3A_434 = arith.minimumf %min3A_428, %max3A_432 : vector<8x1024xf32>
    %slice3A_435 = vector.extract_strided_slice %sub3A_14 {offsets = [536, 0], sizes = [8, 1024], strides = [1, 1]} : vector<1024x1024xf32> to vector<8x1024xf32>
    %max3A_436 = arith.maximumf %min3A_431, %slice3A_435 : vector<8x1024xf32>
    %min3A_437 = arith.minimumf %min3A_431, %slice3A_435 : vector<8x1024xf32>
    %max3A_438 = arith.maximumf %min3A_433, %max3A_436 : vector<8x1024xf32>
    %min3A_439 = arith.minimumf %min3A_433, %max3A_436 : vector<8x1024xf32>
    %min3A_440 = arith.minimumf %min3A_434, %max3A_438 : vector<8x1024xf32>
    %slice3A_441 = vector.extract_strided_slice %sub3A_14 {offsets = [544, 0], sizes = [8, 1024], strides = [1, 1]} : vector<1024x1024xf32> to vector<8x1024xf32>
    %max3A_442 = arith.maximumf %min3A_437, %slice3A_441 : vector<8x1024xf32>
    %min3A_443 = arith.minimumf %min3A_437, %slice3A_441 : vector<8x1024xf32>
    %max3A_444 = arith.maximumf %min3A_439, %max3A_442 : vector<8x1024xf32>
    %min3A_445 = arith.minimumf %min3A_439, %max3A_442 : vector<8x1024xf32>
    %min3A_446 = arith.minimumf %min3A_440, %max3A_444 : vector<8x1024xf32>
    %slice3A_447 = vector.extract_strided_slice %sub3A_14 {offsets = [552, 0], sizes = [8, 1024], strides = [1, 1]} : vector<1024x1024xf32> to vector<8x1024xf32>
    %max3A_448 = arith.maximumf %min3A_443, %slice3A_447 : vector<8x1024xf32>
    %min3A_449 = arith.minimumf %min3A_443, %slice3A_447 : vector<8x1024xf32>
    %max3A_450 = arith.maximumf %min3A_445, %max3A_448 : vector<8x1024xf32>
    %min3A_451 = arith.minimumf %min3A_445, %max3A_448 : vector<8x1024xf32>
    %min3A_452 = arith.minimumf %min3A_446, %max3A_450 : vector<8x1024xf32>
    %slice3A_453 = vector.extract_strided_slice %sub3A_14 {offsets = [560, 0], sizes = [8, 1024], strides = [1, 1]} : vector<1024x1024xf32> to vector<8x1024xf32>
    %max3A_454 = arith.maximumf %min3A_449, %slice3A_453 : vector<8x1024xf32>
    %min3A_455 = arith.minimumf %min3A_449, %slice3A_453 : vector<8x1024xf32>
    %max3A_456 = arith.maximumf %min3A_451, %max3A_454 : vector<8x1024xf32>
    %min3A_457 = arith.minimumf %min3A_451, %max3A_454 : vector<8x1024xf32>
    %min3A_458 = arith.minimumf %min3A_452, %max3A_456 : vector<8x1024xf32>
    %slice3A_459 = vector.extract_strided_slice %sub3A_14 {offsets = [568, 0], sizes = [8, 1024], strides = [1, 1]} : vector<1024x1024xf32> to vector<8x1024xf32>
    %max3A_460 = arith.maximumf %min3A_455, %slice3A_459 : vector<8x1024xf32>
    %min3A_461 = arith.minimumf %min3A_455, %slice3A_459 : vector<8x1024xf32>
    %max3A_462 = arith.maximumf %min3A_457, %max3A_460 : vector<8x1024xf32>
    %min3A_463 = arith.minimumf %min3A_457, %max3A_460 : vector<8x1024xf32>
    %min3A_464 = arith.minimumf %min3A_458, %max3A_462 : vector<8x1024xf32>
    %slice3A_465 = vector.extract_strided_slice %sub3A_14 {offsets = [576, 0], sizes = [8, 1024], strides = [1, 1]} : vector<1024x1024xf32> to vector<8x1024xf32>
    %max3A_466 = arith.maximumf %min3A_461, %slice3A_465 : vector<8x1024xf32>
    %min3A_467 = arith.minimumf %min3A_461, %slice3A_465 : vector<8x1024xf32>
    %max3A_468 = arith.maximumf %min3A_463, %max3A_466 : vector<8x1024xf32>
    %min3A_469 = arith.minimumf %min3A_463, %max3A_466 : vector<8x1024xf32>
    %min3A_470 = arith.minimumf %min3A_464, %max3A_468 : vector<8x1024xf32>
    %slice3A_471 = vector.extract_strided_slice %sub3A_14 {offsets = [584, 0], sizes = [8, 1024], strides = [1, 1]} : vector<1024x1024xf32> to vector<8x1024xf32>
    %max3A_472 = arith.maximumf %min3A_467, %slice3A_471 : vector<8x1024xf32>
    %min3A_473 = arith.minimumf %min3A_467, %slice3A_471 : vector<8x1024xf32>
    %max3A_474 = arith.maximumf %min3A_469, %max3A_472 : vector<8x1024xf32>
    %min3A_475 = arith.minimumf %min3A_469, %max3A_472 : vector<8x1024xf32>
    %min3A_476 = arith.minimumf %min3A_470, %max3A_474 : vector<8x1024xf32>
    %slice3A_477 = vector.extract_strided_slice %sub3A_14 {offsets = [592, 0], sizes = [8, 1024], strides = [1, 1]} : vector<1024x1024xf32> to vector<8x1024xf32>
    %max3A_478 = arith.maximumf %min3A_473, %slice3A_477 : vector<8x1024xf32>
    %min3A_479 = arith.minimumf %min3A_473, %slice3A_477 : vector<8x1024xf32>
    %max3A_480 = arith.maximumf %min3A_475, %max3A_478 : vector<8x1024xf32>
    %min3A_481 = arith.minimumf %min3A_475, %max3A_478 : vector<8x1024xf32>
    %min3A_482 = arith.minimumf %min3A_476, %max3A_480 : vector<8x1024xf32>
    %slice3A_483 = vector.extract_strided_slice %sub3A_14 {offsets = [600, 0], sizes = [8, 1024], strides = [1, 1]} : vector<1024x1024xf32> to vector<8x1024xf32>
    %max3A_484 = arith.maximumf %min3A_479, %slice3A_483 : vector<8x1024xf32>
    %min3A_485 = arith.minimumf %min3A_479, %slice3A_483 : vector<8x1024xf32>
    %max3A_486 = arith.maximumf %min3A_481, %max3A_484 : vector<8x1024xf32>
    %min3A_487 = arith.minimumf %min3A_481, %max3A_484 : vector<8x1024xf32>
    %min3A_488 = arith.minimumf %min3A_482, %max3A_486 : vector<8x1024xf32>
    %slice3A_489 = vector.extract_strided_slice %sub3A_14 {offsets = [608, 0], sizes = [8, 1024], strides = [1, 1]} : vector<1024x1024xf32> to vector<8x1024xf32>
    %max3A_490 = arith.maximumf %min3A_485, %slice3A_489 : vector<8x1024xf32>
    %min3A_491 = arith.minimumf %min3A_485, %slice3A_489 : vector<8x1024xf32>
    %max3A_492 = arith.maximumf %min3A_487, %max3A_490 : vector<8x1024xf32>
    %min3A_493 = arith.minimumf %min3A_487, %max3A_490 : vector<8x1024xf32>
    %min3A_494 = arith.minimumf %min3A_488, %max3A_492 : vector<8x1024xf32>
    %slice3A_495 = vector.extract_strided_slice %sub3A_14 {offsets = [616, 0], sizes = [8, 1024], strides = [1, 1]} : vector<1024x1024xf32> to vector<8x1024xf32>
    %max3A_496 = arith.maximumf %min3A_491, %slice3A_495 : vector<8x1024xf32>
    %min3A_497 = arith.minimumf %min3A_491, %slice3A_495 : vector<8x1024xf32>
    %max3A_498 = arith.maximumf %min3A_493, %max3A_496 : vector<8x1024xf32>
    %min3A_499 = arith.minimumf %min3A_493, %max3A_496 : vector<8x1024xf32>
    %min3A_500 = arith.minimumf %min3A_494, %max3A_498 : vector<8x1024xf32>
    %slice3A_501 = vector.extract_strided_slice %sub3A_14 {offsets = [624, 0], sizes = [8, 1024], strides = [1, 1]} : vector<1024x1024xf32> to vector<8x1024xf32>
    %max3A_502 = arith.maximumf %min3A_497, %slice3A_501 : vector<8x1024xf32>
    %min3A_503 = arith.minimumf %min3A_497, %slice3A_501 : vector<8x1024xf32>
    %max3A_504 = arith.maximumf %min3A_499, %max3A_502 : vector<8x1024xf32>
    %min3A_505 = arith.minimumf %min3A_499, %max3A_502 : vector<8x1024xf32>
    %min3A_506 = arith.minimumf %min3A_500, %max3A_504 : vector<8x1024xf32>
    %slice3A_507 = vector.extract_strided_slice %sub3A_14 {offsets = [632, 0], sizes = [8, 1024], strides = [1, 1]} : vector<1024x1024xf32> to vector<8x1024xf32>
    %max3A_508 = arith.maximumf %min3A_503, %slice3A_507 : vector<8x1024xf32>
    %min3A_509 = arith.minimumf %min3A_503, %slice3A_507 : vector<8x1024xf32>
    %max3A_510 = arith.maximumf %min3A_505, %max3A_508 : vector<8x1024xf32>
    %min3A_511 = arith.minimumf %min3A_505, %max3A_508 : vector<8x1024xf32>
    %min3A_512 = arith.minimumf %min3A_506, %max3A_510 : vector<8x1024xf32>
    %slice3A_513 = vector.extract_strided_slice %sub3A_14 {offsets = [640, 0], sizes = [8, 1024], strides = [1, 1]} : vector<1024x1024xf32> to vector<8x1024xf32>
    %max3A_514 = arith.maximumf %min3A_509, %slice3A_513 : vector<8x1024xf32>
    %min3A_515 = arith.minimumf %min3A_509, %slice3A_513 : vector<8x1024xf32>
    %max3A_516 = arith.maximumf %min3A_511, %max3A_514 : vector<8x1024xf32>
    %min3A_517 = arith.minimumf %min3A_511, %max3A_514 : vector<8x1024xf32>
    %min3A_518 = arith.minimumf %min3A_512, %max3A_516 : vector<8x1024xf32>
    %slice3A_519 = vector.extract_strided_slice %sub3A_14 {offsets = [648, 0], sizes = [8, 1024], strides = [1, 1]} : vector<1024x1024xf32> to vector<8x1024xf32>
    %max3A_520 = arith.maximumf %min3A_515, %slice3A_519 : vector<8x1024xf32>
    %min3A_521 = arith.minimumf %min3A_515, %slice3A_519 : vector<8x1024xf32>
    %max3A_522 = arith.maximumf %min3A_517, %max3A_520 : vector<8x1024xf32>
    %min3A_523 = arith.minimumf %min3A_517, %max3A_520 : vector<8x1024xf32>
    %min3A_524 = arith.minimumf %min3A_518, %max3A_522 : vector<8x1024xf32>
    %slice3A_525 = vector.extract_strided_slice %sub3A_14 {offsets = [656, 0], sizes = [8, 1024], strides = [1, 1]} : vector<1024x1024xf32> to vector<8x1024xf32>
    %max3A_526 = arith.maximumf %min3A_521, %slice3A_525 : vector<8x1024xf32>
    %min3A_527 = arith.minimumf %min3A_521, %slice3A_525 : vector<8x1024xf32>
    %max3A_528 = arith.maximumf %min3A_523, %max3A_526 : vector<8x1024xf32>
    %min3A_529 = arith.minimumf %min3A_523, %max3A_526 : vector<8x1024xf32>
    %min3A_530 = arith.minimumf %min3A_524, %max3A_528 : vector<8x1024xf32>
    %slice3A_531 = vector.extract_strided_slice %sub3A_14 {offsets = [664, 0], sizes = [8, 1024], strides = [1, 1]} : vector<1024x1024xf32> to vector<8x1024xf32>
    %max3A_532 = arith.maximumf %min3A_527, %slice3A_531 : vector<8x1024xf32>
    %min3A_533 = arith.minimumf %min3A_527, %slice3A_531 : vector<8x1024xf32>
    %max3A_534 = arith.maximumf %min3A_529, %max3A_532 : vector<8x1024xf32>
    %min3A_535 = arith.minimumf %min3A_529, %max3A_532 : vector<8x1024xf32>
    %min3A_536 = arith.minimumf %min3A_530, %max3A_534 : vector<8x1024xf32>
    %slice3A_537 = vector.extract_strided_slice %sub3A_14 {offsets = [672, 0], sizes = [8, 1024], strides = [1, 1]} : vector<1024x1024xf32> to vector<8x1024xf32>
    %max3A_538 = arith.maximumf %min3A_533, %slice3A_537 : vector<8x1024xf32>
    %min3A_539 = arith.minimumf %min3A_533, %slice3A_537 : vector<8x1024xf32>
    %max3A_540 = arith.maximumf %min3A_535, %max3A_538 : vector<8x1024xf32>
    %min3A_541 = arith.minimumf %min3A_535, %max3A_538 : vector<8x1024xf32>
    %min3A_542 = arith.minimumf %min3A_536, %max3A_540 : vector<8x1024xf32>
    %slice3A_543 = vector.extract_strided_slice %sub3A_14 {offsets = [680, 0], sizes = [8, 1024], strides = [1, 1]} : vector<1024x1024xf32> to vector<8x1024xf32>
    %max3A_544 = arith.maximumf %min3A_539, %slice3A_543 : vector<8x1024xf32>
    %min3A_545 = arith.minimumf %min3A_539, %slice3A_543 : vector<8x1024xf32>
    %max3A_546 = arith.maximumf %min3A_541, %max3A_544 : vector<8x1024xf32>
    %min3A_547 = arith.minimumf %min3A_541, %max3A_544 : vector<8x1024xf32>
    %min3A_548 = arith.minimumf %min3A_542, %max3A_546 : vector<8x1024xf32>
    %slice3A_549 = vector.extract_strided_slice %sub3A_14 {offsets = [688, 0], sizes = [8, 1024], strides = [1, 1]} : vector<1024x1024xf32> to vector<8x1024xf32>
    %max3A_550 = arith.maximumf %min3A_545, %slice3A_549 : vector<8x1024xf32>
    %min3A_551 = arith.minimumf %min3A_545, %slice3A_549 : vector<8x1024xf32>
    %max3A_552 = arith.maximumf %min3A_547, %max3A_550 : vector<8x1024xf32>
    %min3A_553 = arith.minimumf %min3A_547, %max3A_550 : vector<8x1024xf32>
    %min3A_554 = arith.minimumf %min3A_548, %max3A_552 : vector<8x1024xf32>
    %slice3A_555 = vector.extract_strided_slice %sub3A_14 {offsets = [696, 0], sizes = [8, 1024], strides = [1, 1]} : vector<1024x1024xf32> to vector<8x1024xf32>
    %max3A_556 = arith.maximumf %min3A_551, %slice3A_555 : vector<8x1024xf32>
    %min3A_557 = arith.minimumf %min3A_551, %slice3A_555 : vector<8x1024xf32>
    %max3A_558 = arith.maximumf %min3A_553, %max3A_556 : vector<8x1024xf32>
    %min3A_559 = arith.minimumf %min3A_553, %max3A_556 : vector<8x1024xf32>
    %min3A_560 = arith.minimumf %min3A_554, %max3A_558 : vector<8x1024xf32>
    %slice3A_561 = vector.extract_strided_slice %sub3A_14 {offsets = [704, 0], sizes = [8, 1024], strides = [1, 1]} : vector<1024x1024xf32> to vector<8x1024xf32>
    %max3A_562 = arith.maximumf %min3A_557, %slice3A_561 : vector<8x1024xf32>
    %min3A_563 = arith.minimumf %min3A_557, %slice3A_561 : vector<8x1024xf32>
    %max3A_564 = arith.maximumf %min3A_559, %max3A_562 : vector<8x1024xf32>
    %min3A_565 = arith.minimumf %min3A_559, %max3A_562 : vector<8x1024xf32>
    %min3A_566 = arith.minimumf %min3A_560, %max3A_564 : vector<8x1024xf32>
    %slice3A_567 = vector.extract_strided_slice %sub3A_14 {offsets = [712, 0], sizes = [8, 1024], strides = [1, 1]} : vector<1024x1024xf32> to vector<8x1024xf32>
    %max3A_568 = arith.maximumf %min3A_563, %slice3A_567 : vector<8x1024xf32>
    %min3A_569 = arith.minimumf %min3A_563, %slice3A_567 : vector<8x1024xf32>
    %max3A_570 = arith.maximumf %min3A_565, %max3A_568 : vector<8x1024xf32>
    %min3A_571 = arith.minimumf %min3A_565, %max3A_568 : vector<8x1024xf32>
    %min3A_572 = arith.minimumf %min3A_566, %max3A_570 : vector<8x1024xf32>
    %slice3A_573 = vector.extract_strided_slice %sub3A_14 {offsets = [720, 0], sizes = [8, 1024], strides = [1, 1]} : vector<1024x1024xf32> to vector<8x1024xf32>
    %max3A_574 = arith.maximumf %min3A_569, %slice3A_573 : vector<8x1024xf32>
    %min3A_575 = arith.minimumf %min3A_569, %slice3A_573 : vector<8x1024xf32>
    %max3A_576 = arith.maximumf %min3A_571, %max3A_574 : vector<8x1024xf32>
    %min3A_577 = arith.minimumf %min3A_571, %max3A_574 : vector<8x1024xf32>
    %min3A_578 = arith.minimumf %min3A_572, %max3A_576 : vector<8x1024xf32>
    %slice3A_579 = vector.extract_strided_slice %sub3A_14 {offsets = [728, 0], sizes = [8, 1024], strides = [1, 1]} : vector<1024x1024xf32> to vector<8x1024xf32>
    %max3A_580 = arith.maximumf %min3A_575, %slice3A_579 : vector<8x1024xf32>
    %min3A_581 = arith.minimumf %min3A_575, %slice3A_579 : vector<8x1024xf32>
    %max3A_582 = arith.maximumf %min3A_577, %max3A_580 : vector<8x1024xf32>
    %min3A_583 = arith.minimumf %min3A_577, %max3A_580 : vector<8x1024xf32>
    %min3A_584 = arith.minimumf %min3A_578, %max3A_582 : vector<8x1024xf32>
    %slice3A_585 = vector.extract_strided_slice %sub3A_14 {offsets = [736, 0], sizes = [8, 1024], strides = [1, 1]} : vector<1024x1024xf32> to vector<8x1024xf32>
    %max3A_586 = arith.maximumf %min3A_581, %slice3A_585 : vector<8x1024xf32>
    %min3A_587 = arith.minimumf %min3A_581, %slice3A_585 : vector<8x1024xf32>
    %max3A_588 = arith.maximumf %min3A_583, %max3A_586 : vector<8x1024xf32>
    %min3A_589 = arith.minimumf %min3A_583, %max3A_586 : vector<8x1024xf32>
    %min3A_590 = arith.minimumf %min3A_584, %max3A_588 : vector<8x1024xf32>
    %slice3A_591 = vector.extract_strided_slice %sub3A_14 {offsets = [744, 0], sizes = [8, 1024], strides = [1, 1]} : vector<1024x1024xf32> to vector<8x1024xf32>
    %max3A_592 = arith.maximumf %min3A_587, %slice3A_591 : vector<8x1024xf32>
    %min3A_593 = arith.minimumf %min3A_587, %slice3A_591 : vector<8x1024xf32>
    %max3A_594 = arith.maximumf %min3A_589, %max3A_592 : vector<8x1024xf32>
    %min3A_595 = arith.minimumf %min3A_589, %max3A_592 : vector<8x1024xf32>
    %min3A_596 = arith.minimumf %min3A_590, %max3A_594 : vector<8x1024xf32>
    %slice3A_597 = vector.extract_strided_slice %sub3A_14 {offsets = [752, 0], sizes = [8, 1024], strides = [1, 1]} : vector<1024x1024xf32> to vector<8x1024xf32>
    %max3A_598 = arith.maximumf %min3A_593, %slice3A_597 : vector<8x1024xf32>
    %min3A_599 = arith.minimumf %min3A_593, %slice3A_597 : vector<8x1024xf32>
    %max3A_600 = arith.maximumf %min3A_595, %max3A_598 : vector<8x1024xf32>
    %min3A_601 = arith.minimumf %min3A_595, %max3A_598 : vector<8x1024xf32>
    %min3A_602 = arith.minimumf %min3A_596, %max3A_600 : vector<8x1024xf32>
    %slice3A_603 = vector.extract_strided_slice %sub3A_14 {offsets = [760, 0], sizes = [8, 1024], strides = [1, 1]} : vector<1024x1024xf32> to vector<8x1024xf32>
    %max3A_604 = arith.maximumf %min3A_599, %slice3A_603 : vector<8x1024xf32>
    %min3A_605 = arith.minimumf %min3A_599, %slice3A_603 : vector<8x1024xf32>
    %max3A_606 = arith.maximumf %min3A_601, %max3A_604 : vector<8x1024xf32>
    %min3A_607 = arith.minimumf %min3A_601, %max3A_604 : vector<8x1024xf32>
    %min3A_608 = arith.minimumf %min3A_602, %max3A_606 : vector<8x1024xf32>
    %slice3A_609 = vector.extract_strided_slice %sub3A_14 {offsets = [768, 0], sizes = [8, 1024], strides = [1, 1]} : vector<1024x1024xf32> to vector<8x1024xf32>
    %max3A_610 = arith.maximumf %min3A_605, %slice3A_609 : vector<8x1024xf32>
    %min3A_611 = arith.minimumf %min3A_605, %slice3A_609 : vector<8x1024xf32>
    %max3A_612 = arith.maximumf %min3A_607, %max3A_610 : vector<8x1024xf32>
    %min3A_613 = arith.minimumf %min3A_607, %max3A_610 : vector<8x1024xf32>
    %min3A_614 = arith.minimumf %min3A_608, %max3A_612 : vector<8x1024xf32>
    %slice3A_615 = vector.extract_strided_slice %sub3A_14 {offsets = [776, 0], sizes = [8, 1024], strides = [1, 1]} : vector<1024x1024xf32> to vector<8x1024xf32>
    %max3A_616 = arith.maximumf %min3A_611, %slice3A_615 : vector<8x1024xf32>
    %min3A_617 = arith.minimumf %min3A_611, %slice3A_615 : vector<8x1024xf32>
    %max3A_618 = arith.maximumf %min3A_613, %max3A_616 : vector<8x1024xf32>
    %min3A_619 = arith.minimumf %min3A_613, %max3A_616 : vector<8x1024xf32>
    %min3A_620 = arith.minimumf %min3A_614, %max3A_618 : vector<8x1024xf32>
    %slice3A_621 = vector.extract_strided_slice %sub3A_14 {offsets = [784, 0], sizes = [8, 1024], strides = [1, 1]} : vector<1024x1024xf32> to vector<8x1024xf32>
    %max3A_622 = arith.maximumf %min3A_617, %slice3A_621 : vector<8x1024xf32>
    %min3A_623 = arith.minimumf %min3A_617, %slice3A_621 : vector<8x1024xf32>
    %max3A_624 = arith.maximumf %min3A_619, %max3A_622 : vector<8x1024xf32>
    %min3A_625 = arith.minimumf %min3A_619, %max3A_622 : vector<8x1024xf32>
    %min3A_626 = arith.minimumf %min3A_620, %max3A_624 : vector<8x1024xf32>
    %slice3A_627 = vector.extract_strided_slice %sub3A_14 {offsets = [792, 0], sizes = [8, 1024], strides = [1, 1]} : vector<1024x1024xf32> to vector<8x1024xf32>
    %max3A_628 = arith.maximumf %min3A_623, %slice3A_627 : vector<8x1024xf32>
    %min3A_629 = arith.minimumf %min3A_623, %slice3A_627 : vector<8x1024xf32>
    %max3A_630 = arith.maximumf %min3A_625, %max3A_628 : vector<8x1024xf32>
    %min3A_631 = arith.minimumf %min3A_625, %max3A_628 : vector<8x1024xf32>
    %min3A_632 = arith.minimumf %min3A_626, %max3A_630 : vector<8x1024xf32>
    %slice3A_633 = vector.extract_strided_slice %sub3A_14 {offsets = [800, 0], sizes = [8, 1024], strides = [1, 1]} : vector<1024x1024xf32> to vector<8x1024xf32>
    %max3A_634 = arith.maximumf %min3A_629, %slice3A_633 : vector<8x1024xf32>
    %min3A_635 = arith.minimumf %min3A_629, %slice3A_633 : vector<8x1024xf32>
    %max3A_636 = arith.maximumf %min3A_631, %max3A_634 : vector<8x1024xf32>
    %min3A_637 = arith.minimumf %min3A_631, %max3A_634 : vector<8x1024xf32>
    %min3A_638 = arith.minimumf %min3A_632, %max3A_636 : vector<8x1024xf32>
    %slice3A_639 = vector.extract_strided_slice %sub3A_14 {offsets = [808, 0], sizes = [8, 1024], strides = [1, 1]} : vector<1024x1024xf32> to vector<8x1024xf32>
    %max3A_640 = arith.maximumf %min3A_635, %slice3A_639 : vector<8x1024xf32>
    %min3A_641 = arith.minimumf %min3A_635, %slice3A_639 : vector<8x1024xf32>
    %max3A_642 = arith.maximumf %min3A_637, %max3A_640 : vector<8x1024xf32>
    %min3A_643 = arith.minimumf %min3A_637, %max3A_640 : vector<8x1024xf32>
    %min3A_644 = arith.minimumf %min3A_638, %max3A_642 : vector<8x1024xf32>
    %slice3A_645 = vector.extract_strided_slice %sub3A_14 {offsets = [816, 0], sizes = [8, 1024], strides = [1, 1]} : vector<1024x1024xf32> to vector<8x1024xf32>
    %max3A_646 = arith.maximumf %min3A_641, %slice3A_645 : vector<8x1024xf32>
    %min3A_647 = arith.minimumf %min3A_641, %slice3A_645 : vector<8x1024xf32>
    %max3A_648 = arith.maximumf %min3A_643, %max3A_646 : vector<8x1024xf32>
    %min3A_649 = arith.minimumf %min3A_643, %max3A_646 : vector<8x1024xf32>
    %min3A_650 = arith.minimumf %min3A_644, %max3A_648 : vector<8x1024xf32>
    %slice3A_651 = vector.extract_strided_slice %sub3A_14 {offsets = [824, 0], sizes = [8, 1024], strides = [1, 1]} : vector<1024x1024xf32> to vector<8x1024xf32>
    %max3A_652 = arith.maximumf %min3A_647, %slice3A_651 : vector<8x1024xf32>
    %min3A_653 = arith.minimumf %min3A_647, %slice3A_651 : vector<8x1024xf32>
    %max3A_654 = arith.maximumf %min3A_649, %max3A_652 : vector<8x1024xf32>
    %min3A_655 = arith.minimumf %min3A_649, %max3A_652 : vector<8x1024xf32>
    %min3A_656 = arith.minimumf %min3A_650, %max3A_654 : vector<8x1024xf32>
    %slice3A_657 = vector.extract_strided_slice %sub3A_14 {offsets = [832, 0], sizes = [8, 1024], strides = [1, 1]} : vector<1024x1024xf32> to vector<8x1024xf32>
    %max3A_658 = arith.maximumf %min3A_653, %slice3A_657 : vector<8x1024xf32>
    %min3A_659 = arith.minimumf %min3A_653, %slice3A_657 : vector<8x1024xf32>
    %max3A_660 = arith.maximumf %min3A_655, %max3A_658 : vector<8x1024xf32>
    %min3A_661 = arith.minimumf %min3A_655, %max3A_658 : vector<8x1024xf32>
    %min3A_662 = arith.minimumf %min3A_656, %max3A_660 : vector<8x1024xf32>
    %slice3A_663 = vector.extract_strided_slice %sub3A_14 {offsets = [840, 0], sizes = [8, 1024], strides = [1, 1]} : vector<1024x1024xf32> to vector<8x1024xf32>
    %max3A_664 = arith.maximumf %min3A_659, %slice3A_663 : vector<8x1024xf32>
    %min3A_665 = arith.minimumf %min3A_659, %slice3A_663 : vector<8x1024xf32>
    %max3A_666 = arith.maximumf %min3A_661, %max3A_664 : vector<8x1024xf32>
    %min3A_667 = arith.minimumf %min3A_661, %max3A_664 : vector<8x1024xf32>
    %min3A_668 = arith.minimumf %min3A_662, %max3A_666 : vector<8x1024xf32>
    %slice3A_669 = vector.extract_strided_slice %sub3A_14 {offsets = [848, 0], sizes = [8, 1024], strides = [1, 1]} : vector<1024x1024xf32> to vector<8x1024xf32>
    %max3A_670 = arith.maximumf %min3A_665, %slice3A_669 : vector<8x1024xf32>
    %min3A_671 = arith.minimumf %min3A_665, %slice3A_669 : vector<8x1024xf32>
    %max3A_672 = arith.maximumf %min3A_667, %max3A_670 : vector<8x1024xf32>
    %min3A_673 = arith.minimumf %min3A_667, %max3A_670 : vector<8x1024xf32>
    %min3A_674 = arith.minimumf %min3A_668, %max3A_672 : vector<8x1024xf32>
    %slice3A_675 = vector.extract_strided_slice %sub3A_14 {offsets = [856, 0], sizes = [8, 1024], strides = [1, 1]} : vector<1024x1024xf32> to vector<8x1024xf32>
    %max3A_676 = arith.maximumf %min3A_671, %slice3A_675 : vector<8x1024xf32>
    %min3A_677 = arith.minimumf %min3A_671, %slice3A_675 : vector<8x1024xf32>
    %max3A_678 = arith.maximumf %min3A_673, %max3A_676 : vector<8x1024xf32>
    %min3A_679 = arith.minimumf %min3A_673, %max3A_676 : vector<8x1024xf32>
    %min3A_680 = arith.minimumf %min3A_674, %max3A_678 : vector<8x1024xf32>
    %slice3A_681 = vector.extract_strided_slice %sub3A_14 {offsets = [864, 0], sizes = [8, 1024], strides = [1, 1]} : vector<1024x1024xf32> to vector<8x1024xf32>
    %max3A_682 = arith.maximumf %min3A_677, %slice3A_681 : vector<8x1024xf32>
    %min3A_683 = arith.minimumf %min3A_677, %slice3A_681 : vector<8x1024xf32>
    %max3A_684 = arith.maximumf %min3A_679, %max3A_682 : vector<8x1024xf32>
    %min3A_685 = arith.minimumf %min3A_679, %max3A_682 : vector<8x1024xf32>
    %min3A_686 = arith.minimumf %min3A_680, %max3A_684 : vector<8x1024xf32>
    %slice3A_687 = vector.extract_strided_slice %sub3A_14 {offsets = [872, 0], sizes = [8, 1024], strides = [1, 1]} : vector<1024x1024xf32> to vector<8x1024xf32>
    %max3A_688 = arith.maximumf %min3A_683, %slice3A_687 : vector<8x1024xf32>
    %min3A_689 = arith.minimumf %min3A_683, %slice3A_687 : vector<8x1024xf32>
    %max3A_690 = arith.maximumf %min3A_685, %max3A_688 : vector<8x1024xf32>
    %min3A_691 = arith.minimumf %min3A_685, %max3A_688 : vector<8x1024xf32>
    %min3A_692 = arith.minimumf %min3A_686, %max3A_690 : vector<8x1024xf32>
    %slice3A_693 = vector.extract_strided_slice %sub3A_14 {offsets = [880, 0], sizes = [8, 1024], strides = [1, 1]} : vector<1024x1024xf32> to vector<8x1024xf32>
    %max3A_694 = arith.maximumf %min3A_689, %slice3A_693 : vector<8x1024xf32>
    %min3A_695 = arith.minimumf %min3A_689, %slice3A_693 : vector<8x1024xf32>
    %max3A_696 = arith.maximumf %min3A_691, %max3A_694 : vector<8x1024xf32>
    %min3A_697 = arith.minimumf %min3A_691, %max3A_694 : vector<8x1024xf32>
    %min3A_698 = arith.minimumf %min3A_692, %max3A_696 : vector<8x1024xf32>
    %slice3A_699 = vector.extract_strided_slice %sub3A_14 {offsets = [888, 0], sizes = [8, 1024], strides = [1, 1]} : vector<1024x1024xf32> to vector<8x1024xf32>
    %max3A_700 = arith.maximumf %min3A_695, %slice3A_699 : vector<8x1024xf32>
    %min3A_701 = arith.minimumf %min3A_695, %slice3A_699 : vector<8x1024xf32>
    %max3A_702 = arith.maximumf %min3A_697, %max3A_700 : vector<8x1024xf32>
    %min3A_703 = arith.minimumf %min3A_697, %max3A_700 : vector<8x1024xf32>
    %min3A_704 = arith.minimumf %min3A_698, %max3A_702 : vector<8x1024xf32>
    %slice3A_705 = vector.extract_strided_slice %sub3A_14 {offsets = [896, 0], sizes = [8, 1024], strides = [1, 1]} : vector<1024x1024xf32> to vector<8x1024xf32>
    %max3A_706 = arith.maximumf %min3A_701, %slice3A_705 : vector<8x1024xf32>
    %min3A_707 = arith.minimumf %min3A_701, %slice3A_705 : vector<8x1024xf32>
    %max3A_708 = arith.maximumf %min3A_703, %max3A_706 : vector<8x1024xf32>
    %min3A_709 = arith.minimumf %min3A_703, %max3A_706 : vector<8x1024xf32>
    %min3A_710 = arith.minimumf %min3A_704, %max3A_708 : vector<8x1024xf32>
    %slice3A_711 = vector.extract_strided_slice %sub3A_14 {offsets = [904, 0], sizes = [8, 1024], strides = [1, 1]} : vector<1024x1024xf32> to vector<8x1024xf32>
    %max3A_712 = arith.maximumf %min3A_707, %slice3A_711 : vector<8x1024xf32>
    %min3A_713 = arith.minimumf %min3A_707, %slice3A_711 : vector<8x1024xf32>
    %max3A_714 = arith.maximumf %min3A_709, %max3A_712 : vector<8x1024xf32>
    %min3A_715 = arith.minimumf %min3A_709, %max3A_712 : vector<8x1024xf32>
    %min3A_716 = arith.minimumf %min3A_710, %max3A_714 : vector<8x1024xf32>
    %slice3A_717 = vector.extract_strided_slice %sub3A_14 {offsets = [912, 0], sizes = [8, 1024], strides = [1, 1]} : vector<1024x1024xf32> to vector<8x1024xf32>
    %max3A_718 = arith.maximumf %min3A_713, %slice3A_717 : vector<8x1024xf32>
    %min3A_719 = arith.minimumf %min3A_713, %slice3A_717 : vector<8x1024xf32>
    %max3A_720 = arith.maximumf %min3A_715, %max3A_718 : vector<8x1024xf32>
    %min3A_721 = arith.minimumf %min3A_715, %max3A_718 : vector<8x1024xf32>
    %min3A_722 = arith.minimumf %min3A_716, %max3A_720 : vector<8x1024xf32>
    %slice3A_723 = vector.extract_strided_slice %sub3A_14 {offsets = [920, 0], sizes = [8, 1024], strides = [1, 1]} : vector<1024x1024xf32> to vector<8x1024xf32>
    %max3A_724 = arith.maximumf %min3A_719, %slice3A_723 : vector<8x1024xf32>
    %min3A_725 = arith.minimumf %min3A_719, %slice3A_723 : vector<8x1024xf32>
    %max3A_726 = arith.maximumf %min3A_721, %max3A_724 : vector<8x1024xf32>
    %min3A_727 = arith.minimumf %min3A_721, %max3A_724 : vector<8x1024xf32>
    %min3A_728 = arith.minimumf %min3A_722, %max3A_726 : vector<8x1024xf32>
    %slice3A_729 = vector.extract_strided_slice %sub3A_14 {offsets = [928, 0], sizes = [8, 1024], strides = [1, 1]} : vector<1024x1024xf32> to vector<8x1024xf32>
    %max3A_730 = arith.maximumf %min3A_725, %slice3A_729 : vector<8x1024xf32>
    %min3A_731 = arith.minimumf %min3A_725, %slice3A_729 : vector<8x1024xf32>
    %max3A_732 = arith.maximumf %min3A_727, %max3A_730 : vector<8x1024xf32>
    %min3A_733 = arith.minimumf %min3A_727, %max3A_730 : vector<8x1024xf32>
    %min3A_734 = arith.minimumf %min3A_728, %max3A_732 : vector<8x1024xf32>
    %slice3A_735 = vector.extract_strided_slice %sub3A_14 {offsets = [936, 0], sizes = [8, 1024], strides = [1, 1]} : vector<1024x1024xf32> to vector<8x1024xf32>
    %max3A_736 = arith.maximumf %min3A_731, %slice3A_735 : vector<8x1024xf32>
    %min3A_737 = arith.minimumf %min3A_731, %slice3A_735 : vector<8x1024xf32>
    %max3A_738 = arith.maximumf %min3A_733, %max3A_736 : vector<8x1024xf32>
    %min3A_739 = arith.minimumf %min3A_733, %max3A_736 : vector<8x1024xf32>
    %min3A_740 = arith.minimumf %min3A_734, %max3A_738 : vector<8x1024xf32>
    %slice3A_741 = vector.extract_strided_slice %sub3A_14 {offsets = [944, 0], sizes = [8, 1024], strides = [1, 1]} : vector<1024x1024xf32> to vector<8x1024xf32>
    %max3A_742 = arith.maximumf %min3A_737, %slice3A_741 : vector<8x1024xf32>
    %min3A_743 = arith.minimumf %min3A_737, %slice3A_741 : vector<8x1024xf32>
    %max3A_744 = arith.maximumf %min3A_739, %max3A_742 : vector<8x1024xf32>
    %min3A_745 = arith.minimumf %min3A_739, %max3A_742 : vector<8x1024xf32>
    %min3A_746 = arith.minimumf %min3A_740, %max3A_744 : vector<8x1024xf32>
    %slice3A_747 = vector.extract_strided_slice %sub3A_14 {offsets = [952, 0], sizes = [8, 1024], strides = [1, 1]} : vector<1024x1024xf32> to vector<8x1024xf32>
    %max3A_748 = arith.maximumf %min3A_743, %slice3A_747 : vector<8x1024xf32>
    %min3A_749 = arith.minimumf %min3A_743, %slice3A_747 : vector<8x1024xf32>
    %max3A_750 = arith.maximumf %min3A_745, %max3A_748 : vector<8x1024xf32>
    %min3A_751 = arith.minimumf %min3A_745, %max3A_748 : vector<8x1024xf32>
    %min3A_752 = arith.minimumf %min3A_746, %max3A_750 : vector<8x1024xf32>
    %slice3A_753 = vector.extract_strided_slice %sub3A_14 {offsets = [960, 0], sizes = [8, 1024], strides = [1, 1]} : vector<1024x1024xf32> to vector<8x1024xf32>
    %max3A_754 = arith.maximumf %min3A_749, %slice3A_753 : vector<8x1024xf32>
    %min3A_755 = arith.minimumf %min3A_749, %slice3A_753 : vector<8x1024xf32>
    %max3A_756 = arith.maximumf %min3A_751, %max3A_754 : vector<8x1024xf32>
    %min3A_757 = arith.minimumf %min3A_751, %max3A_754 : vector<8x1024xf32>
    %min3A_758 = arith.minimumf %min3A_752, %max3A_756 : vector<8x1024xf32>
    %slice3A_759 = vector.extract_strided_slice %sub3A_14 {offsets = [968, 0], sizes = [8, 1024], strides = [1, 1]} : vector<1024x1024xf32> to vector<8x1024xf32>
    %max3A_760 = arith.maximumf %min3A_755, %slice3A_759 : vector<8x1024xf32>
    %min3A_761 = arith.minimumf %min3A_755, %slice3A_759 : vector<8x1024xf32>
    %max3A_762 = arith.maximumf %min3A_757, %max3A_760 : vector<8x1024xf32>
    %min3A_763 = arith.minimumf %min3A_757, %max3A_760 : vector<8x1024xf32>
    %min3A_764 = arith.minimumf %min3A_758, %max3A_762 : vector<8x1024xf32>
    %slice3A_765 = vector.extract_strided_slice %sub3A_14 {offsets = [976, 0], sizes = [8, 1024], strides = [1, 1]} : vector<1024x1024xf32> to vector<8x1024xf32>
    %max3A_766 = arith.maximumf %min3A_761, %slice3A_765 : vector<8x1024xf32>
    %min3A_767 = arith.minimumf %min3A_761, %slice3A_765 : vector<8x1024xf32>
    %max3A_768 = arith.maximumf %min3A_763, %max3A_766 : vector<8x1024xf32>
    %min3A_769 = arith.minimumf %min3A_763, %max3A_766 : vector<8x1024xf32>
    %min3A_770 = arith.minimumf %min3A_764, %max3A_768 : vector<8x1024xf32>
    %slice3A_771 = vector.extract_strided_slice %sub3A_14 {offsets = [984, 0], sizes = [8, 1024], strides = [1, 1]} : vector<1024x1024xf32> to vector<8x1024xf32>
    %max3A_772 = arith.maximumf %min3A_767, %slice3A_771 : vector<8x1024xf32>
    %min3A_773 = arith.minimumf %min3A_767, %slice3A_771 : vector<8x1024xf32>
    %max3A_774 = arith.maximumf %min3A_769, %max3A_772 : vector<8x1024xf32>
    %min3A_775 = arith.minimumf %min3A_769, %max3A_772 : vector<8x1024xf32>
    %min3A_776 = arith.minimumf %min3A_770, %max3A_774 : vector<8x1024xf32>
    %slice3A_777 = vector.extract_strided_slice %sub3A_14 {offsets = [992, 0], sizes = [8, 1024], strides = [1, 1]} : vector<1024x1024xf32> to vector<8x1024xf32>
    %max3A_778 = arith.maximumf %min3A_773, %slice3A_777 : vector<8x1024xf32>
    %min3A_779 = arith.minimumf %min3A_773, %slice3A_777 : vector<8x1024xf32>
    %max3A_780 = arith.maximumf %min3A_775, %max3A_778 : vector<8x1024xf32>
    %min3A_781 = arith.minimumf %min3A_775, %max3A_778 : vector<8x1024xf32>
    %min3A_782 = arith.minimumf %min3A_776, %max3A_780 : vector<8x1024xf32>
    %slice3A_783 = vector.extract_strided_slice %sub3A_14 {offsets = [1000, 0], sizes = [8, 1024], strides = [1, 1]} : vector<1024x1024xf32> to vector<8x1024xf32>
    %max3A_784 = arith.maximumf %min3A_779, %slice3A_783 : vector<8x1024xf32>
    %min3A_785 = arith.minimumf %min3A_779, %slice3A_783 : vector<8x1024xf32>
    %max3A_786 = arith.maximumf %min3A_781, %max3A_784 : vector<8x1024xf32>
    %min3A_787 = arith.minimumf %min3A_781, %max3A_784 : vector<8x1024xf32>
    %min3A_788 = arith.minimumf %min3A_782, %max3A_786 : vector<8x1024xf32>
    %slice3A_789 = vector.extract_strided_slice %sub3A_14 {offsets = [1008, 0], sizes = [8, 1024], strides = [1, 1]} : vector<1024x1024xf32> to vector<8x1024xf32>
    %max3A_790 = arith.maximumf %min3A_785, %slice3A_789 : vector<8x1024xf32>
    %min3A_791 = arith.minimumf %min3A_785, %slice3A_789 : vector<8x1024xf32>
    %max3A_792 = arith.maximumf %min3A_787, %max3A_790 : vector<8x1024xf32>
    %min3A_793 = arith.minimumf %min3A_787, %max3A_790 : vector<8x1024xf32>
    %min3A_794 = arith.minimumf %min3A_788, %max3A_792 : vector<8x1024xf32>
    %slice3A_795 = vector.extract_strided_slice %sub3A_14 {offsets = [1016, 0], sizes = [8, 1024], strides = [1, 1]} : vector<1024x1024xf32> to vector<8x1024xf32>
    %max3A_796 = arith.maximumf %min3A_791, %slice3A_795 : vector<8x1024xf32>
    %min3A_797 = arith.minimumf %min3A_791, %slice3A_795 : vector<8x1024xf32>
    %max3A_798 = arith.maximumf %min3A_793, %max3A_796 : vector<8x1024xf32>
    %min3A_799 = arith.minimumf %min3A_793, %max3A_796 : vector<8x1024xf32>
    %min3A_800 = arith.minimumf %min3A_794, %max3A_798 : vector<8x1024xf32>
    %iota3A = tpu.iota {dimensions = array<i32: 0>} : vector<8x1024xi32>
    %broadcast_in_dim3A_801 = arith.constant 0 : i32
    %broadcast_in_dim3A_802 = vector.broadcast %broadcast_in_dim3A_801 : i32 to vector<8x1024xi32>
    %reduce_min3A = arith.constant dense<0x7F800000> : vector<1024xf32>
    %reduce_min3A_803 = vector.multi_reduction <minimumf>, %min3A_797, %reduce_min3A [0] : vector<8x1024xf32> to vector<1024xf32>
    %broadcast_in_dim3A_804 = vector.shape_cast %reduce_min3A_803 : vector<1024xf32> to vector<1x1024xf32>
    %eq3A = vector.broadcast %broadcast_in_dim3A_804 : vector<1x1024xf32> to vector<8x1024xf32>
    %eq3A_805 = arith.cmpf oeq, %min3A_797, %eq3A : vector<8x1024xf32>
    %jit3A_806 = arith.constant 8 : i32
    %broadcast_in_dim3A_807 = vector.broadcast %jit3A_806 : i32 to vector<8x1024xi32>
    %select_n3A_808 = arith.select %eq3A_805, %iota3A, %broadcast_in_dim3A_807 : vector<8x1024xi1>, vector<8x1024xi32>
    %reduce_min3A_809 = arith.constant dense<2147483647> : vector<1024xi32>
    %reduce_min3A_810 = vector.multi_reduction <minsi>, %select_n3A_808, %reduce_min3A_809 [0] : vector<8x1024xi32> to vector<1024xi32>
    %broadcast_in_dim3A_811 = vector.shape_cast %reduce_min3A_810 : vector<1024xi32> to vector<1x1024xi32>
    %eq3A_812 = vector.broadcast %broadcast_in_dim3A_811 : vector<1x1024xi32> to vector<8x1024xi32>
    %eq3A_813 = arith.cmpi eq, %iota3A, %eq3A_812 : vector<8x1024xi32>
    %jit3A_814 = arith.constant 1 : i32
    %jit3A_815 = arith.constant 0 : i32
    %broadcast_in_dim3A_816 = vector.broadcast %jit3A_814 : i32 to vector<8x1024xi32>
    %broadcast_in_dim3A_817 = vector.broadcast %jit3A_815 : i32 to vector<8x1024xi32>
    %select_n3A_818 = arith.select %eq3A_813, %broadcast_in_dim3A_816, %broadcast_in_dim3A_817 : vector<8x1024xi1>, vector<8x1024xi32>
    %add3A_819 = arith.addi %broadcast_in_dim3A_802, %select_n3A_818 : vector<8x1024xi32>
    %eq3A_820 = arith.constant 0 : i32
    %eq3A_821 = vector.broadcast %eq3A_820 : i32 to vector<8x1024xi32>
    %eq3A_822 = arith.cmpi eq, %add3A_819, %eq3A_821 : vector<8x1024xi32>
    %eq3A_823 = arith.constant 1 : i32
    %eq3A_824 = vector.broadcast %eq3A_823 : i32 to vector<8x1024xi32>
    %eq3A_825 = arith.cmpi eq, %add3A_819, %eq3A_824 : vector<8x1024xi32>
    %select_n3A_826 = arith.select %eq3A_825, %min3A_799, %min3A_800 : vector<8x1024xi1>, vector<8x1024xf32>
    %select_n3A_827 = arith.select %eq3A_822, %min3A_797, %select_n3A_826 : vector<8x1024xi1>, vector<8x1024xf32>
    %reduce_min3A_828 = arith.constant dense<0x7F800000> : vector<1024xf32>
    %reduce_min3A_829 = vector.multi_reduction <minimumf>, %select_n3A_827, %reduce_min3A_828 [0] : vector<8x1024xf32> to vector<1024xf32>
    %broadcast_in_dim3A_830 = vector.shape_cast %reduce_min3A_829 : vector<1024xf32> to vector<1x1024xf32>
    %eq3A_831 = vector.broadcast %broadcast_in_dim3A_830 : vector<1x1024xf32> to vector<8x1024xf32>
    %eq3A_832 = arith.cmpf oeq, %select_n3A_827, %eq3A_831 : vector<8x1024xf32>
    %jit3A_833 = arith.constant 8 : i32
    %broadcast_in_dim3A_834 = vector.broadcast %jit3A_833 : i32 to vector<8x1024xi32>
    %select_n3A_835 = arith.select %eq3A_832, %iota3A, %broadcast_in_dim3A_834 : vector<8x1024xi1>, vector<8x1024xi32>
    %reduce_min3A_836 = arith.constant dense<2147483647> : vector<1024xi32>
    %reduce_min3A_837 = vector.multi_reduction <minsi>, %select_n3A_835, %reduce_min3A_836 [0] : vector<8x1024xi32> to vector<1024xi32>
    %broadcast_in_dim3A_838 = vector.shape_cast %reduce_min3A_837 : vector<1024xi32> to vector<1x1024xi32>
    %eq3A_839 = vector.broadcast %broadcast_in_dim3A_838 : vector<1x1024xi32> to vector<8x1024xi32>
    %eq3A_840 = arith.cmpi eq, %iota3A, %eq3A_839 : vector<8x1024xi32>
    %jit3A_841 = arith.constant 1 : i32
    %jit3A_842 = arith.constant 0 : i32
    %broadcast_in_dim3A_843 = vector.broadcast %jit3A_841 : i32 to vector<8x1024xi32>
    %broadcast_in_dim3A_844 = vector.broadcast %jit3A_842 : i32 to vector<8x1024xi32>
    %select_n3A_845 = arith.select %eq3A_840, %broadcast_in_dim3A_843, %broadcast_in_dim3A_844 : vector<8x1024xi1>, vector<8x1024xi32>
    %add3A_846 = arith.addi %add3A_819, %select_n3A_845 : vector<8x1024xi32>
    %eq3A_847 = arith.constant 0 : i32
    %eq3A_848 = vector.broadcast %eq3A_847 : i32 to vector<8x1024xi32>
    %eq3A_849 = arith.cmpi eq, %add3A_846, %eq3A_848 : vector<8x1024xi32>
    %eq3A_850 = arith.constant 1 : i32
    %eq3A_851 = vector.broadcast %eq3A_850 : i32 to vector<8x1024xi32>
    %eq3A_852 = arith.cmpi eq, %add3A_846, %eq3A_851 : vector<8x1024xi32>
    %select_n3A_853 = arith.select %eq3A_852, %min3A_799, %min3A_800 : vector<8x1024xi1>, vector<8x1024xf32>
    %select_n3A_854 = arith.select %eq3A_849, %min3A_797, %select_n3A_853 : vector<8x1024xi1>, vector<8x1024xf32>
    %reduce_min3A_855 = arith.constant dense<0x7F800000> : vector<1024xf32>
    %reduce_min3A_856 = vector.multi_reduction <minimumf>, %select_n3A_854, %reduce_min3A_855 [0] : vector<8x1024xf32> to vector<1024xf32>
    %broadcast_in_dim3A_857 = vector.shape_cast %reduce_min3A_856 : vector<1024xf32> to vector<1x1024xf32>
    %broadcast_in_dim3A_858 = arith.constant 1024 : i32
    %broadcast_in_dim3A_859 = vector.broadcast %broadcast_in_dim3A_858 : i32 to vector<8x1024xi32>
    %slice3A_860 = vector.extract_strided_slice %sub3A_14 {offsets = [0, 0], sizes = [8, 1024], strides = [1, 1]} : vector<1024x1024xf32> to vector<8x1024xf32>
    %add3A_861 = arith.constant 0 : i32
    %add3A_862 = vector.broadcast %add3A_861 : i32 to vector<8x1024xi32>
    %add3A_863 = arith.addi %iota3A, %add3A_862 : vector<8x1024xi32>
    %eq3A_864 = vector.broadcast %broadcast_in_dim3A_804 : vector<1x1024xf32> to vector<8x1024xf32>
    %eq3A_865 = arith.cmpf oeq, %slice3A_860, %eq3A_864 : vector<8x1024xf32>
    %jit3A_866 = arith.constant 1024 : i32
    %broadcast_in_dim3A_867 = vector.broadcast %jit3A_866 : i32 to vector<8x1024xi32>
    %select_n3A_868 = arith.select %eq3A_865, %add3A_863, %broadcast_in_dim3A_867 : vector<8x1024xi1>, vector<8x1024xi32>
    %min3A_869 = arith.minsi %broadcast_in_dim3A_859, %select_n3A_868 : vector<8x1024xi32>
    %eq3A_870 = vector.broadcast %broadcast_in_dim3A_830 : vector<1x1024xf32> to vector<8x1024xf32>
    %eq3A_871 = arith.cmpf oeq, %slice3A_860, %eq3A_870 : vector<8x1024xf32>
    %jit3A_872 = arith.constant 1024 : i32
    %broadcast_in_dim3A_873 = vector.broadcast %jit3A_872 : i32 to vector<8x1024xi32>
    %select_n3A_874 = arith.select %eq3A_871, %add3A_863, %broadcast_in_dim3A_873 : vector<8x1024xi1>, vector<8x1024xi32>
    %min3A_875 = arith.minsi %broadcast_in_dim3A_859, %select_n3A_874 : vector<8x1024xi32>
    %eq3A_876 = vector.broadcast %broadcast_in_dim3A_857 : vector<1x1024xf32> to vector<8x1024xf32>
    %eq3A_877 = arith.cmpf oeq, %slice3A_860, %eq3A_876 : vector<8x1024xf32>
    %jit3A_878 = arith.constant 1024 : i32
    %broadcast_in_dim3A_879 = vector.broadcast %jit3A_878 : i32 to vector<8x1024xi32>
    %select_n3A_880 = arith.select %eq3A_877, %add3A_863, %broadcast_in_dim3A_879 : vector<8x1024xi1>, vector<8x1024xi32>
    %min3A_881 = arith.minsi %broadcast_in_dim3A_859, %select_n3A_880 : vector<8x1024xi32>
    %slice3A_882 = vector.extract_strided_slice %sub3A_14 {offsets = [8, 0], sizes = [8, 1024], strides = [1, 1]} : vector<1024x1024xf32> to vector<8x1024xf32>
    %add3A_883 = arith.constant 8 : i32
    %add3A_884 = vector.broadcast %add3A_883 : i32 to vector<8x1024xi32>
    %add3A_885 = arith.addi %iota3A, %add3A_884 : vector<8x1024xi32>
    %eq3A_886 = vector.broadcast %broadcast_in_dim3A_804 : vector<1x1024xf32> to vector<8x1024xf32>
    %eq3A_887 = arith.cmpf oeq, %slice3A_882, %eq3A_886 : vector<8x1024xf32>
    %jit3A_888 = arith.constant 1024 : i32
    %broadcast_in_dim3A_889 = vector.broadcast %jit3A_888 : i32 to vector<8x1024xi32>
    %select_n3A_890 = arith.select %eq3A_887, %add3A_885, %broadcast_in_dim3A_889 : vector<8x1024xi1>, vector<8x1024xi32>
    %min3A_891 = arith.minsi %min3A_869, %select_n3A_890 : vector<8x1024xi32>
    %eq3A_892 = vector.broadcast %broadcast_in_dim3A_830 : vector<1x1024xf32> to vector<8x1024xf32>
    %eq3A_893 = arith.cmpf oeq, %slice3A_882, %eq3A_892 : vector<8x1024xf32>
    %jit3A_894 = arith.constant 1024 : i32
    %broadcast_in_dim3A_895 = vector.broadcast %jit3A_894 : i32 to vector<8x1024xi32>
    %select_n3A_896 = arith.select %eq3A_893, %add3A_885, %broadcast_in_dim3A_895 : vector<8x1024xi1>, vector<8x1024xi32>
    %min3A_897 = arith.minsi %min3A_875, %select_n3A_896 : vector<8x1024xi32>
    %eq3A_898 = vector.broadcast %broadcast_in_dim3A_857 : vector<1x1024xf32> to vector<8x1024xf32>
    %eq3A_899 = arith.cmpf oeq, %slice3A_882, %eq3A_898 : vector<8x1024xf32>
    %jit3A_900 = arith.constant 1024 : i32
    %broadcast_in_dim3A_901 = vector.broadcast %jit3A_900 : i32 to vector<8x1024xi32>
    %select_n3A_902 = arith.select %eq3A_899, %add3A_885, %broadcast_in_dim3A_901 : vector<8x1024xi1>, vector<8x1024xi32>
    %min3A_903 = arith.minsi %min3A_881, %select_n3A_902 : vector<8x1024xi32>
    %slice3A_904 = vector.extract_strided_slice %sub3A_14 {offsets = [16, 0], sizes = [8, 1024], strides = [1, 1]} : vector<1024x1024xf32> to vector<8x1024xf32>
    %add3A_905 = arith.constant 16 : i32
    %add3A_906 = vector.broadcast %add3A_905 : i32 to vector<8x1024xi32>
    %add3A_907 = arith.addi %iota3A, %add3A_906 : vector<8x1024xi32>
    %eq3A_908 = vector.broadcast %broadcast_in_dim3A_804 : vector<1x1024xf32> to vector<8x1024xf32>
    %eq3A_909 = arith.cmpf oeq, %slice3A_904, %eq3A_908 : vector<8x1024xf32>
    %jit3A_910 = arith.constant 1024 : i32
    %broadcast_in_dim3A_911 = vector.broadcast %jit3A_910 : i32 to vector<8x1024xi32>
    %select_n3A_912 = arith.select %eq3A_909, %add3A_907, %broadcast_in_dim3A_911 : vector<8x1024xi1>, vector<8x1024xi32>
    %min3A_913 = arith.minsi %min3A_891, %select_n3A_912 : vector<8x1024xi32>
    %eq3A_914 = vector.broadcast %broadcast_in_dim3A_830 : vector<1x1024xf32> to vector<8x1024xf32>
    %eq3A_915 = arith.cmpf oeq, %slice3A_904, %eq3A_914 : vector<8x1024xf32>
    %jit3A_916 = arith.constant 1024 : i32
    %broadcast_in_dim3A_917 = vector.broadcast %jit3A_916 : i32 to vector<8x1024xi32>
    %select_n3A_918 = arith.select %eq3A_915, %add3A_907, %broadcast_in_dim3A_917 : vector<8x1024xi1>, vector<8x1024xi32>
    %min3A_919 = arith.minsi %min3A_897, %select_n3A_918 : vector<8x1024xi32>
    %eq3A_920 = vector.broadcast %broadcast_in_dim3A_857 : vector<1x1024xf32> to vector<8x1024xf32>
    %eq3A_921 = arith.cmpf oeq, %slice3A_904, %eq3A_920 : vector<8x1024xf32>
    %jit3A_922 = arith.constant 1024 : i32
    %broadcast_in_dim3A_923 = vector.broadcast %jit3A_922 : i32 to vector<8x1024xi32>
    %select_n3A_924 = arith.select %eq3A_921, %add3A_907, %broadcast_in_dim3A_923 : vector<8x1024xi1>, vector<8x1024xi32>
    %min3A_925 = arith.minsi %min3A_903, %select_n3A_924 : vector<8x1024xi32>
    %slice3A_926 = vector.extract_strided_slice %sub3A_14 {offsets = [24, 0], sizes = [8, 1024], strides = [1, 1]} : vector<1024x1024xf32> to vector<8x1024xf32>
    %add3A_927 = arith.constant 24 : i32
    %add3A_928 = vector.broadcast %add3A_927 : i32 to vector<8x1024xi32>
    %add3A_929 = arith.addi %iota3A, %add3A_928 : vector<8x1024xi32>
    %eq3A_930 = vector.broadcast %broadcast_in_dim3A_804 : vector<1x1024xf32> to vector<8x1024xf32>
    %eq3A_931 = arith.cmpf oeq, %slice3A_926, %eq3A_930 : vector<8x1024xf32>
    %jit3A_932 = arith.constant 1024 : i32
    %broadcast_in_dim3A_933 = vector.broadcast %jit3A_932 : i32 to vector<8x1024xi32>
    %select_n3A_934 = arith.select %eq3A_931, %add3A_929, %broadcast_in_dim3A_933 : vector<8x1024xi1>, vector<8x1024xi32>
    %min3A_935 = arith.minsi %min3A_913, %select_n3A_934 : vector<8x1024xi32>
    %eq3A_936 = vector.broadcast %broadcast_in_dim3A_830 : vector<1x1024xf32> to vector<8x1024xf32>
    %eq3A_937 = arith.cmpf oeq, %slice3A_926, %eq3A_936 : vector<8x1024xf32>
    %jit3A_938 = arith.constant 1024 : i32
    %broadcast_in_dim3A_939 = vector.broadcast %jit3A_938 : i32 to vector<8x1024xi32>
    %select_n3A_940 = arith.select %eq3A_937, %add3A_929, %broadcast_in_dim3A_939 : vector<8x1024xi1>, vector<8x1024xi32>
    %min3A_941 = arith.minsi %min3A_919, %select_n3A_940 : vector<8x1024xi32>
    %eq3A_942 = vector.broadcast %broadcast_in_dim3A_857 : vector<1x1024xf32> to vector<8x1024xf32>
    %eq3A_943 = arith.cmpf oeq, %slice3A_926, %eq3A_942 : vector<8x1024xf32>
    %jit3A_944 = arith.constant 1024 : i32
    %broadcast_in_dim3A_945 = vector.broadcast %jit3A_944 : i32 to vector<8x1024xi32>
    %select_n3A_946 = arith.select %eq3A_943, %add3A_929, %broadcast_in_dim3A_945 : vector<8x1024xi1>, vector<8x1024xi32>
    %min3A_947 = arith.minsi %min3A_925, %select_n3A_946 : vector<8x1024xi32>
    %slice3A_948 = vector.extract_strided_slice %sub3A_14 {offsets = [32, 0], sizes = [8, 1024], strides = [1, 1]} : vector<1024x1024xf32> to vector<8x1024xf32>
    %add3A_949 = arith.constant 32 : i32
    %add3A_950 = vector.broadcast %add3A_949 : i32 to vector<8x1024xi32>
    %add3A_951 = arith.addi %iota3A, %add3A_950 : vector<8x1024xi32>
    %eq3A_952 = vector.broadcast %broadcast_in_dim3A_804 : vector<1x1024xf32> to vector<8x1024xf32>
    %eq3A_953 = arith.cmpf oeq, %slice3A_948, %eq3A_952 : vector<8x1024xf32>
    %jit3A_954 = arith.constant 1024 : i32
    %broadcast_in_dim3A_955 = vector.broadcast %jit3A_954 : i32 to vector<8x1024xi32>
    %select_n3A_956 = arith.select %eq3A_953, %add3A_951, %broadcast_in_dim3A_955 : vector<8x1024xi1>, vector<8x1024xi32>
    %min3A_957 = arith.minsi %min3A_935, %select_n3A_956 : vector<8x1024xi32>
    %eq3A_958 = vector.broadcast %broadcast_in_dim3A_830 : vector<1x1024xf32> to vector<8x1024xf32>
    %eq3A_959 = arith.cmpf oeq, %slice3A_948, %eq3A_958 : vector<8x1024xf32>
    %jit3A_960 = arith.constant 1024 : i32
    %broadcast_in_dim3A_961 = vector.broadcast %jit3A_960 : i32 to vector<8x1024xi32>
    %select_n3A_962 = arith.select %eq3A_959, %add3A_951, %broadcast_in_dim3A_961 : vector<8x1024xi1>, vector<8x1024xi32>
    %min3A_963 = arith.minsi %min3A_941, %select_n3A_962 : vector<8x1024xi32>
    %eq3A_964 = vector.broadcast %broadcast_in_dim3A_857 : vector<1x1024xf32> to vector<8x1024xf32>
    %eq3A_965 = arith.cmpf oeq, %slice3A_948, %eq3A_964 : vector<8x1024xf32>
    %jit3A_966 = arith.constant 1024 : i32
    %broadcast_in_dim3A_967 = vector.broadcast %jit3A_966 : i32 to vector<8x1024xi32>
    %select_n3A_968 = arith.select %eq3A_965, %add3A_951, %broadcast_in_dim3A_967 : vector<8x1024xi1>, vector<8x1024xi32>
    %min3A_969 = arith.minsi %min3A_947, %select_n3A_968 : vector<8x1024xi32>
    %slice3A_970 = vector.extract_strided_slice %sub3A_14 {offsets = [40, 0], sizes = [8, 1024], strides = [1, 1]} : vector<1024x1024xf32> to vector<8x1024xf32>
    %add3A_971 = arith.constant 40 : i32
    %add3A_972 = vector.broadcast %add3A_971 : i32 to vector<8x1024xi32>
    %add3A_973 = arith.addi %iota3A, %add3A_972 : vector<8x1024xi32>
    %eq3A_974 = vector.broadcast %broadcast_in_dim3A_804 : vector<1x1024xf32> to vector<8x1024xf32>
    %eq3A_975 = arith.cmpf oeq, %slice3A_970, %eq3A_974 : vector<8x1024xf32>
    %jit3A_976 = arith.constant 1024 : i32
    %broadcast_in_dim3A_977 = vector.broadcast %jit3A_976 : i32 to vector<8x1024xi32>
    %select_n3A_978 = arith.select %eq3A_975, %add3A_973, %broadcast_in_dim3A_977 : vector<8x1024xi1>, vector<8x1024xi32>
    %min3A_979 = arith.minsi %min3A_957, %select_n3A_978 : vector<8x1024xi32>
    %eq3A_980 = vector.broadcast %broadcast_in_dim3A_830 : vector<1x1024xf32> to vector<8x1024xf32>
    %eq3A_981 = arith.cmpf oeq, %slice3A_970, %eq3A_980 : vector<8x1024xf32>
    %jit3A_982 = arith.constant 1024 : i32
    %broadcast_in_dim3A_983 = vector.broadcast %jit3A_982 : i32 to vector<8x1024xi32>
    %select_n3A_984 = arith.select %eq3A_981, %add3A_973, %broadcast_in_dim3A_983 : vector<8x1024xi1>, vector<8x1024xi32>
    %min3A_985 = arith.minsi %min3A_963, %select_n3A_984 : vector<8x1024xi32>
    %eq3A_986 = vector.broadcast %broadcast_in_dim3A_857 : vector<1x1024xf32> to vector<8x1024xf32>
    %eq3A_987 = arith.cmpf oeq, %slice3A_970, %eq3A_986 : vector<8x1024xf32>
    %jit3A_988 = arith.constant 1024 : i32
    %broadcast_in_dim3A_989 = vector.broadcast %jit3A_988 : i32 to vector<8x1024xi32>
    %select_n3A_990 = arith.select %eq3A_987, %add3A_973, %broadcast_in_dim3A_989 : vector<8x1024xi1>, vector<8x1024xi32>
    %min3A_991 = arith.minsi %min3A_969, %select_n3A_990 : vector<8x1024xi32>
    %slice3A_992 = vector.extract_strided_slice %sub3A_14 {offsets = [48, 0], sizes = [8, 1024], strides = [1, 1]} : vector<1024x1024xf32> to vector<8x1024xf32>
    %add3A_993 = arith.constant 48 : i32
    %add3A_994 = vector.broadcast %add3A_993 : i32 to vector<8x1024xi32>
    %add3A_995 = arith.addi %iota3A, %add3A_994 : vector<8x1024xi32>
    %eq3A_996 = vector.broadcast %broadcast_in_dim3A_804 : vector<1x1024xf32> to vector<8x1024xf32>
    %eq3A_997 = arith.cmpf oeq, %slice3A_992, %eq3A_996 : vector<8x1024xf32>
    %jit3A_998 = arith.constant 1024 : i32
    %broadcast_in_dim3A_999 = vector.broadcast %jit3A_998 : i32 to vector<8x1024xi32>
    %select_n3A_1000 = arith.select %eq3A_997, %add3A_995, %broadcast_in_dim3A_999 : vector<8x1024xi1>, vector<8x1024xi32>
    %min3A_1001 = arith.minsi %min3A_979, %select_n3A_1000 : vector<8x1024xi32>
    %eq3A_1002 = vector.broadcast %broadcast_in_dim3A_830 : vector<1x1024xf32> to vector<8x1024xf32>
    %eq3A_1003 = arith.cmpf oeq, %slice3A_992, %eq3A_1002 : vector<8x1024xf32>
    %jit3A_1004 = arith.constant 1024 : i32
    %broadcast_in_dim3A_1005 = vector.broadcast %jit3A_1004 : i32 to vector<8x1024xi32>
    %select_n3A_1006 = arith.select %eq3A_1003, %add3A_995, %broadcast_in_dim3A_1005 : vector<8x1024xi1>, vector<8x1024xi32>
    %min3A_1007 = arith.minsi %min3A_985, %select_n3A_1006 : vector<8x1024xi32>
    %eq3A_1008 = vector.broadcast %broadcast_in_dim3A_857 : vector<1x1024xf32> to vector<8x1024xf32>
    %eq3A_1009 = arith.cmpf oeq, %slice3A_992, %eq3A_1008 : vector<8x1024xf32>
    %jit3A_1010 = arith.constant 1024 : i32
    %broadcast_in_dim3A_1011 = vector.broadcast %jit3A_1010 : i32 to vector<8x1024xi32>
    %select_n3A_1012 = arith.select %eq3A_1009, %add3A_995, %broadcast_in_dim3A_1011 : vector<8x1024xi1>, vector<8x1024xi32>
    %min3A_1013 = arith.minsi %min3A_991, %select_n3A_1012 : vector<8x1024xi32>
    %slice3A_1014 = vector.extract_strided_slice %sub3A_14 {offsets = [56, 0], sizes = [8, 1024], strides = [1, 1]} : vector<1024x1024xf32> to vector<8x1024xf32>
    %add3A_1015 = arith.constant 56 : i32
    %add3A_1016 = vector.broadcast %add3A_1015 : i32 to vector<8x1024xi32>
    %add3A_1017 = arith.addi %iota3A, %add3A_1016 : vector<8x1024xi32>
    %eq3A_1018 = vector.broadcast %broadcast_in_dim3A_804 : vector<1x1024xf32> to vector<8x1024xf32>
    %eq3A_1019 = arith.cmpf oeq, %slice3A_1014, %eq3A_1018 : vector<8x1024xf32>
    %jit3A_1020 = arith.constant 1024 : i32
    %broadcast_in_dim3A_1021 = vector.broadcast %jit3A_1020 : i32 to vector<8x1024xi32>
    %select_n3A_1022 = arith.select %eq3A_1019, %add3A_1017, %broadcast_in_dim3A_1021 : vector<8x1024xi1>, vector<8x1024xi32>
    %min3A_1023 = arith.minsi %min3A_1001, %select_n3A_1022 : vector<8x1024xi32>
    %eq3A_1024 = vector.broadcast %broadcast_in_dim3A_830 : vector<1x1024xf32> to vector<8x1024xf32>
    %eq3A_1025 = arith.cmpf oeq, %slice3A_1014, %eq3A_1024 : vector<8x1024xf32>
    %jit3A_1026 = arith.constant 1024 : i32
    %broadcast_in_dim3A_1027 = vector.broadcast %jit3A_1026 : i32 to vector<8x1024xi32>
    %select_n3A_1028 = arith.select %eq3A_1025, %add3A_1017, %broadcast_in_dim3A_1027 : vector<8x1024xi1>, vector<8x1024xi32>
    %min3A_1029 = arith.minsi %min3A_1007, %select_n3A_1028 : vector<8x1024xi32>
    %eq3A_1030 = vector.broadcast %broadcast_in_dim3A_857 : vector<1x1024xf32> to vector<8x1024xf32>
    %eq3A_1031 = arith.cmpf oeq, %slice3A_1014, %eq3A_1030 : vector<8x1024xf32>
    %jit3A_1032 = arith.constant 1024 : i32
    %broadcast_in_dim3A_1033 = vector.broadcast %jit3A_1032 : i32 to vector<8x1024xi32>
    %select_n3A_1034 = arith.select %eq3A_1031, %add3A_1017, %broadcast_in_dim3A_1033 : vector<8x1024xi1>, vector<8x1024xi32>
    %min3A_1035 = arith.minsi %min3A_1013, %select_n3A_1034 : vector<8x1024xi32>
    %slice3A_1036 = vector.extract_strided_slice %sub3A_14 {offsets = [64, 0], sizes = [8, 1024], strides = [1, 1]} : vector<1024x1024xf32> to vector<8x1024xf32>
    %add3A_1037 = arith.constant 64 : i32
    %add3A_1038 = vector.broadcast %add3A_1037 : i32 to vector<8x1024xi32>
    %add3A_1039 = arith.addi %iota3A, %add3A_1038 : vector<8x1024xi32>
    %eq3A_1040 = vector.broadcast %broadcast_in_dim3A_804 : vector<1x1024xf32> to vector<8x1024xf32>
    %eq3A_1041 = arith.cmpf oeq, %slice3A_1036, %eq3A_1040 : vector<8x1024xf32>
    %jit3A_1042 = arith.constant 1024 : i32
    %broadcast_in_dim3A_1043 = vector.broadcast %jit3A_1042 : i32 to vector<8x1024xi32>
    %select_n3A_1044 = arith.select %eq3A_1041, %add3A_1039, %broadcast_in_dim3A_1043 : vector<8x1024xi1>, vector<8x1024xi32>
    %min3A_1045 = arith.minsi %min3A_1023, %select_n3A_1044 : vector<8x1024xi32>
    %eq3A_1046 = vector.broadcast %broadcast_in_dim3A_830 : vector<1x1024xf32> to vector<8x1024xf32>
    %eq3A_1047 = arith.cmpf oeq, %slice3A_1036, %eq3A_1046 : vector<8x1024xf32>
    %jit3A_1048 = arith.constant 1024 : i32
    %broadcast_in_dim3A_1049 = vector.broadcast %jit3A_1048 : i32 to vector<8x1024xi32>
    %select_n3A_1050 = arith.select %eq3A_1047, %add3A_1039, %broadcast_in_dim3A_1049 : vector<8x1024xi1>, vector<8x1024xi32>
    %min3A_1051 = arith.minsi %min3A_1029, %select_n3A_1050 : vector<8x1024xi32>
    %eq3A_1052 = vector.broadcast %broadcast_in_dim3A_857 : vector<1x1024xf32> to vector<8x1024xf32>
    %eq3A_1053 = arith.cmpf oeq, %slice3A_1036, %eq3A_1052 : vector<8x1024xf32>
    %jit3A_1054 = arith.constant 1024 : i32
    %broadcast_in_dim3A_1055 = vector.broadcast %jit3A_1054 : i32 to vector<8x1024xi32>
    %select_n3A_1056 = arith.select %eq3A_1053, %add3A_1039, %broadcast_in_dim3A_1055 : vector<8x1024xi1>, vector<8x1024xi32>
    %min3A_1057 = arith.minsi %min3A_1035, %select_n3A_1056 : vector<8x1024xi32>
    %slice3A_1058 = vector.extract_strided_slice %sub3A_14 {offsets = [72, 0], sizes = [8, 1024], strides = [1, 1]} : vector<1024x1024xf32> to vector<8x1024xf32>
    %add3A_1059 = arith.constant 72 : i32
    %add3A_1060 = vector.broadcast %add3A_1059 : i32 to vector<8x1024xi32>
    %add3A_1061 = arith.addi %iota3A, %add3A_1060 : vector<8x1024xi32>
    %eq3A_1062 = vector.broadcast %broadcast_in_dim3A_804 : vector<1x1024xf32> to vector<8x1024xf32>
    %eq3A_1063 = arith.cmpf oeq, %slice3A_1058, %eq3A_1062 : vector<8x1024xf32>
    %jit3A_1064 = arith.constant 1024 : i32
    %broadcast_in_dim3A_1065 = vector.broadcast %jit3A_1064 : i32 to vector<8x1024xi32>
    %select_n3A_1066 = arith.select %eq3A_1063, %add3A_1061, %broadcast_in_dim3A_1065 : vector<8x1024xi1>, vector<8x1024xi32>
    %min3A_1067 = arith.minsi %min3A_1045, %select_n3A_1066 : vector<8x1024xi32>
    %eq3A_1068 = vector.broadcast %broadcast_in_dim3A_830 : vector<1x1024xf32> to vector<8x1024xf32>
    %eq3A_1069 = arith.cmpf oeq, %slice3A_1058, %eq3A_1068 : vector<8x1024xf32>
    %jit3A_1070 = arith.constant 1024 : i32
    %broadcast_in_dim3A_1071 = vector.broadcast %jit3A_1070 : i32 to vector<8x1024xi32>
    %select_n3A_1072 = arith.select %eq3A_1069, %add3A_1061, %broadcast_in_dim3A_1071 : vector<8x1024xi1>, vector<8x1024xi32>
    %min3A_1073 = arith.minsi %min3A_1051, %select_n3A_1072 : vector<8x1024xi32>
    %eq3A_1074 = vector.broadcast %broadcast_in_dim3A_857 : vector<1x1024xf32> to vector<8x1024xf32>
    %eq3A_1075 = arith.cmpf oeq, %slice3A_1058, %eq3A_1074 : vector<8x1024xf32>
    %jit3A_1076 = arith.constant 1024 : i32
    %broadcast_in_dim3A_1077 = vector.broadcast %jit3A_1076 : i32 to vector<8x1024xi32>
    %select_n3A_1078 = arith.select %eq3A_1075, %add3A_1061, %broadcast_in_dim3A_1077 : vector<8x1024xi1>, vector<8x1024xi32>
    %min3A_1079 = arith.minsi %min3A_1057, %select_n3A_1078 : vector<8x1024xi32>
    %slice3A_1080 = vector.extract_strided_slice %sub3A_14 {offsets = [80, 0], sizes = [8, 1024], strides = [1, 1]} : vector<1024x1024xf32> to vector<8x1024xf32>
    %add3A_1081 = arith.constant 80 : i32
    %add3A_1082 = vector.broadcast %add3A_1081 : i32 to vector<8x1024xi32>
    %add3A_1083 = arith.addi %iota3A, %add3A_1082 : vector<8x1024xi32>
    %eq3A_1084 = vector.broadcast %broadcast_in_dim3A_804 : vector<1x1024xf32> to vector<8x1024xf32>
    %eq3A_1085 = arith.cmpf oeq, %slice3A_1080, %eq3A_1084 : vector<8x1024xf32>
    %jit3A_1086 = arith.constant 1024 : i32
    %broadcast_in_dim3A_1087 = vector.broadcast %jit3A_1086 : i32 to vector<8x1024xi32>
    %select_n3A_1088 = arith.select %eq3A_1085, %add3A_1083, %broadcast_in_dim3A_1087 : vector<8x1024xi1>, vector<8x1024xi32>
    %min3A_1089 = arith.minsi %min3A_1067, %select_n3A_1088 : vector<8x1024xi32>
    %eq3A_1090 = vector.broadcast %broadcast_in_dim3A_830 : vector<1x1024xf32> to vector<8x1024xf32>
    %eq3A_1091 = arith.cmpf oeq, %slice3A_1080, %eq3A_1090 : vector<8x1024xf32>
    %jit3A_1092 = arith.constant 1024 : i32
    %broadcast_in_dim3A_1093 = vector.broadcast %jit3A_1092 : i32 to vector<8x1024xi32>
    %select_n3A_1094 = arith.select %eq3A_1091, %add3A_1083, %broadcast_in_dim3A_1093 : vector<8x1024xi1>, vector<8x1024xi32>
    %min3A_1095 = arith.minsi %min3A_1073, %select_n3A_1094 : vector<8x1024xi32>
    %eq3A_1096 = vector.broadcast %broadcast_in_dim3A_857 : vector<1x1024xf32> to vector<8x1024xf32>
    %eq3A_1097 = arith.cmpf oeq, %slice3A_1080, %eq3A_1096 : vector<8x1024xf32>
    %jit3A_1098 = arith.constant 1024 : i32
    %broadcast_in_dim3A_1099 = vector.broadcast %jit3A_1098 : i32 to vector<8x1024xi32>
    %select_n3A_1100 = arith.select %eq3A_1097, %add3A_1083, %broadcast_in_dim3A_1099 : vector<8x1024xi1>, vector<8x1024xi32>
    %min3A_1101 = arith.minsi %min3A_1079, %select_n3A_1100 : vector<8x1024xi32>
    %slice3A_1102 = vector.extract_strided_slice %sub3A_14 {offsets = [88, 0], sizes = [8, 1024], strides = [1, 1]} : vector<1024x1024xf32> to vector<8x1024xf32>
    %add3A_1103 = arith.constant 88 : i32
    %add3A_1104 = vector.broadcast %add3A_1103 : i32 to vector<8x1024xi32>
    %add3A_1105 = arith.addi %iota3A, %add3A_1104 : vector<8x1024xi32>
    %eq3A_1106 = vector.broadcast %broadcast_in_dim3A_804 : vector<1x1024xf32> to vector<8x1024xf32>
    %eq3A_1107 = arith.cmpf oeq, %slice3A_1102, %eq3A_1106 : vector<8x1024xf32>
    %jit3A_1108 = arith.constant 1024 : i32
    %broadcast_in_dim3A_1109 = vector.broadcast %jit3A_1108 : i32 to vector<8x1024xi32>
    %select_n3A_1110 = arith.select %eq3A_1107, %add3A_1105, %broadcast_in_dim3A_1109 : vector<8x1024xi1>, vector<8x1024xi32>
    %min3A_1111 = arith.minsi %min3A_1089, %select_n3A_1110 : vector<8x1024xi32>
    %eq3A_1112 = vector.broadcast %broadcast_in_dim3A_830 : vector<1x1024xf32> to vector<8x1024xf32>
    %eq3A_1113 = arith.cmpf oeq, %slice3A_1102, %eq3A_1112 : vector<8x1024xf32>
    %jit3A_1114 = arith.constant 1024 : i32
    %broadcast_in_dim3A_1115 = vector.broadcast %jit3A_1114 : i32 to vector<8x1024xi32>
    %select_n3A_1116 = arith.select %eq3A_1113, %add3A_1105, %broadcast_in_dim3A_1115 : vector<8x1024xi1>, vector<8x1024xi32>
    %min3A_1117 = arith.minsi %min3A_1095, %select_n3A_1116 : vector<8x1024xi32>
    %eq3A_1118 = vector.broadcast %broadcast_in_dim3A_857 : vector<1x1024xf32> to vector<8x1024xf32>
    %eq3A_1119 = arith.cmpf oeq, %slice3A_1102, %eq3A_1118 : vector<8x1024xf32>
    %jit3A_1120 = arith.constant 1024 : i32
    %broadcast_in_dim3A_1121 = vector.broadcast %jit3A_1120 : i32 to vector<8x1024xi32>
    %select_n3A_1122 = arith.select %eq3A_1119, %add3A_1105, %broadcast_in_dim3A_1121 : vector<8x1024xi1>, vector<8x1024xi32>
    %min3A_1123 = arith.minsi %min3A_1101, %select_n3A_1122 : vector<8x1024xi32>
    %slice3A_1124 = vector.extract_strided_slice %sub3A_14 {offsets = [96, 0], sizes = [8, 1024], strides = [1, 1]} : vector<1024x1024xf32> to vector<8x1024xf32>
    %add3A_1125 = arith.constant 96 : i32
    %add3A_1126 = vector.broadcast %add3A_1125 : i32 to vector<8x1024xi32>
    %add3A_1127 = arith.addi %iota3A, %add3A_1126 : vector<8x1024xi32>
    %eq3A_1128 = vector.broadcast %broadcast_in_dim3A_804 : vector<1x1024xf32> to vector<8x1024xf32>
    %eq3A_1129 = arith.cmpf oeq, %slice3A_1124, %eq3A_1128 : vector<8x1024xf32>
    %jit3A_1130 = arith.constant 1024 : i32
    %broadcast_in_dim3A_1131 = vector.broadcast %jit3A_1130 : i32 to vector<8x1024xi32>
    %select_n3A_1132 = arith.select %eq3A_1129, %add3A_1127, %broadcast_in_dim3A_1131 : vector<8x1024xi1>, vector<8x1024xi32>
    %min3A_1133 = arith.minsi %min3A_1111, %select_n3A_1132 : vector<8x1024xi32>
    %eq3A_1134 = vector.broadcast %broadcast_in_dim3A_830 : vector<1x1024xf32> to vector<8x1024xf32>
    %eq3A_1135 = arith.cmpf oeq, %slice3A_1124, %eq3A_1134 : vector<8x1024xf32>
    %jit3A_1136 = arith.constant 1024 : i32
    %broadcast_in_dim3A_1137 = vector.broadcast %jit3A_1136 : i32 to vector<8x1024xi32>
    %select_n3A_1138 = arith.select %eq3A_1135, %add3A_1127, %broadcast_in_dim3A_1137 : vector<8x1024xi1>, vector<8x1024xi32>
    %min3A_1139 = arith.minsi %min3A_1117, %select_n3A_1138 : vector<8x1024xi32>
    %eq3A_1140 = vector.broadcast %broadcast_in_dim3A_857 : vector<1x1024xf32> to vector<8x1024xf32>
    %eq3A_1141 = arith.cmpf oeq, %slice3A_1124, %eq3A_1140 : vector<8x1024xf32>
    %jit3A_1142 = arith.constant 1024 : i32
    %broadcast_in_dim3A_1143 = vector.broadcast %jit3A_1142 : i32 to vector<8x1024xi32>
    %select_n3A_1144 = arith.select %eq3A_1141, %add3A_1127, %broadcast_in_dim3A_1143 : vector<8x1024xi1>, vector<8x1024xi32>
    %min3A_1145 = arith.minsi %min3A_1123, %select_n3A_1144 : vector<8x1024xi32>
    %slice3A_1146 = vector.extract_strided_slice %sub3A_14 {offsets = [104, 0], sizes = [8, 1024], strides = [1, 1]} : vector<1024x1024xf32> to vector<8x1024xf32>
    %add3A_1147 = arith.constant 104 : i32
    %add3A_1148 = vector.broadcast %add3A_1147 : i32 to vector<8x1024xi32>
    %add3A_1149 = arith.addi %iota3A, %add3A_1148 : vector<8x1024xi32>
    %eq3A_1150 = vector.broadcast %broadcast_in_dim3A_804 : vector<1x1024xf32> to vector<8x1024xf32>
    %eq3A_1151 = arith.cmpf oeq, %slice3A_1146, %eq3A_1150 : vector<8x1024xf32>
    %jit3A_1152 = arith.constant 1024 : i32
    %broadcast_in_dim3A_1153 = vector.broadcast %jit3A_1152 : i32 to vector<8x1024xi32>
    %select_n3A_1154 = arith.select %eq3A_1151, %add3A_1149, %broadcast_in_dim3A_1153 : vector<8x1024xi1>, vector<8x1024xi32>
    %min3A_1155 = arith.minsi %min3A_1133, %select_n3A_1154 : vector<8x1024xi32>
    %eq3A_1156 = vector.broadcast %broadcast_in_dim3A_830 : vector<1x1024xf32> to vector<8x1024xf32>
    %eq3A_1157 = arith.cmpf oeq, %slice3A_1146, %eq3A_1156 : vector<8x1024xf32>
    %jit3A_1158 = arith.constant 1024 : i32
    %broadcast_in_dim3A_1159 = vector.broadcast %jit3A_1158 : i32 to vector<8x1024xi32>
    %select_n3A_1160 = arith.select %eq3A_1157, %add3A_1149, %broadcast_in_dim3A_1159 : vector<8x1024xi1>, vector<8x1024xi32>
    %min3A_1161 = arith.minsi %min3A_1139, %select_n3A_1160 : vector<8x1024xi32>
    %eq3A_1162 = vector.broadcast %broadcast_in_dim3A_857 : vector<1x1024xf32> to vector<8x1024xf32>
    %eq3A_1163 = arith.cmpf oeq, %slice3A_1146, %eq3A_1162 : vector<8x1024xf32>
    %jit3A_1164 = arith.constant 1024 : i32
    %broadcast_in_dim3A_1165 = vector.broadcast %jit3A_1164 : i32 to vector<8x1024xi32>
    %select_n3A_1166 = arith.select %eq3A_1163, %add3A_1149, %broadcast_in_dim3A_1165 : vector<8x1024xi1>, vector<8x1024xi32>
    %min3A_1167 = arith.minsi %min3A_1145, %select_n3A_1166 : vector<8x1024xi32>
    %slice3A_1168 = vector.extract_strided_slice %sub3A_14 {offsets = [112, 0], sizes = [8, 1024], strides = [1, 1]} : vector<1024x1024xf32> to vector<8x1024xf32>
    %add3A_1169 = arith.constant 112 : i32
    %add3A_1170 = vector.broadcast %add3A_1169 : i32 to vector<8x1024xi32>
    %add3A_1171 = arith.addi %iota3A, %add3A_1170 : vector<8x1024xi32>
    %eq3A_1172 = vector.broadcast %broadcast_in_dim3A_804 : vector<1x1024xf32> to vector<8x1024xf32>
    %eq3A_1173 = arith.cmpf oeq, %slice3A_1168, %eq3A_1172 : vector<8x1024xf32>
    %jit3A_1174 = arith.constant 1024 : i32
    %broadcast_in_dim3A_1175 = vector.broadcast %jit3A_1174 : i32 to vector<8x1024xi32>
    %select_n3A_1176 = arith.select %eq3A_1173, %add3A_1171, %broadcast_in_dim3A_1175 : vector<8x1024xi1>, vector<8x1024xi32>
    %min3A_1177 = arith.minsi %min3A_1155, %select_n3A_1176 : vector<8x1024xi32>
    %eq3A_1178 = vector.broadcast %broadcast_in_dim3A_830 : vector<1x1024xf32> to vector<8x1024xf32>
    %eq3A_1179 = arith.cmpf oeq, %slice3A_1168, %eq3A_1178 : vector<8x1024xf32>
    %jit3A_1180 = arith.constant 1024 : i32
    %broadcast_in_dim3A_1181 = vector.broadcast %jit3A_1180 : i32 to vector<8x1024xi32>
    %select_n3A_1182 = arith.select %eq3A_1179, %add3A_1171, %broadcast_in_dim3A_1181 : vector<8x1024xi1>, vector<8x1024xi32>
    %min3A_1183 = arith.minsi %min3A_1161, %select_n3A_1182 : vector<8x1024xi32>
    %eq3A_1184 = vector.broadcast %broadcast_in_dim3A_857 : vector<1x1024xf32> to vector<8x1024xf32>
    %eq3A_1185 = arith.cmpf oeq, %slice3A_1168, %eq3A_1184 : vector<8x1024xf32>
    %jit3A_1186 = arith.constant 1024 : i32
    %broadcast_in_dim3A_1187 = vector.broadcast %jit3A_1186 : i32 to vector<8x1024xi32>
    %select_n3A_1188 = arith.select %eq3A_1185, %add3A_1171, %broadcast_in_dim3A_1187 : vector<8x1024xi1>, vector<8x1024xi32>
    %min3A_1189 = arith.minsi %min3A_1167, %select_n3A_1188 : vector<8x1024xi32>
    %slice3A_1190 = vector.extract_strided_slice %sub3A_14 {offsets = [120, 0], sizes = [8, 1024], strides = [1, 1]} : vector<1024x1024xf32> to vector<8x1024xf32>
    %add3A_1191 = arith.constant 120 : i32
    %add3A_1192 = vector.broadcast %add3A_1191 : i32 to vector<8x1024xi32>
    %add3A_1193 = arith.addi %iota3A, %add3A_1192 : vector<8x1024xi32>
    %eq3A_1194 = vector.broadcast %broadcast_in_dim3A_804 : vector<1x1024xf32> to vector<8x1024xf32>
    %eq3A_1195 = arith.cmpf oeq, %slice3A_1190, %eq3A_1194 : vector<8x1024xf32>
    %jit3A_1196 = arith.constant 1024 : i32
    %broadcast_in_dim3A_1197 = vector.broadcast %jit3A_1196 : i32 to vector<8x1024xi32>
    %select_n3A_1198 = arith.select %eq3A_1195, %add3A_1193, %broadcast_in_dim3A_1197 : vector<8x1024xi1>, vector<8x1024xi32>
    %min3A_1199 = arith.minsi %min3A_1177, %select_n3A_1198 : vector<8x1024xi32>
    %eq3A_1200 = vector.broadcast %broadcast_in_dim3A_830 : vector<1x1024xf32> to vector<8x1024xf32>
    %eq3A_1201 = arith.cmpf oeq, %slice3A_1190, %eq3A_1200 : vector<8x1024xf32>
    %jit3A_1202 = arith.constant 1024 : i32
    %broadcast_in_dim3A_1203 = vector.broadcast %jit3A_1202 : i32 to vector<8x1024xi32>
    %select_n3A_1204 = arith.select %eq3A_1201, %add3A_1193, %broadcast_in_dim3A_1203 : vector<8x1024xi1>, vector<8x1024xi32>
    %min3A_1205 = arith.minsi %min3A_1183, %select_n3A_1204 : vector<8x1024xi32>
    %eq3A_1206 = vector.broadcast %broadcast_in_dim3A_857 : vector<1x1024xf32> to vector<8x1024xf32>
    %eq3A_1207 = arith.cmpf oeq, %slice3A_1190, %eq3A_1206 : vector<8x1024xf32>
    %jit3A_1208 = arith.constant 1024 : i32
    %broadcast_in_dim3A_1209 = vector.broadcast %jit3A_1208 : i32 to vector<8x1024xi32>
    %select_n3A_1210 = arith.select %eq3A_1207, %add3A_1193, %broadcast_in_dim3A_1209 : vector<8x1024xi1>, vector<8x1024xi32>
    %min3A_1211 = arith.minsi %min3A_1189, %select_n3A_1210 : vector<8x1024xi32>
    %slice3A_1212 = vector.extract_strided_slice %sub3A_14 {offsets = [128, 0], sizes = [8, 1024], strides = [1, 1]} : vector<1024x1024xf32> to vector<8x1024xf32>
    %add3A_1213 = arith.constant 128 : i32
    %add3A_1214 = vector.broadcast %add3A_1213 : i32 to vector<8x1024xi32>
    %add3A_1215 = arith.addi %iota3A, %add3A_1214 : vector<8x1024xi32>
    %eq3A_1216 = vector.broadcast %broadcast_in_dim3A_804 : vector<1x1024xf32> to vector<8x1024xf32>
    %eq3A_1217 = arith.cmpf oeq, %slice3A_1212, %eq3A_1216 : vector<8x1024xf32>
    %jit3A_1218 = arith.constant 1024 : i32
    %broadcast_in_dim3A_1219 = vector.broadcast %jit3A_1218 : i32 to vector<8x1024xi32>
    %select_n3A_1220 = arith.select %eq3A_1217, %add3A_1215, %broadcast_in_dim3A_1219 : vector<8x1024xi1>, vector<8x1024xi32>
    %min3A_1221 = arith.minsi %min3A_1199, %select_n3A_1220 : vector<8x1024xi32>
    %eq3A_1222 = vector.broadcast %broadcast_in_dim3A_830 : vector<1x1024xf32> to vector<8x1024xf32>
    %eq3A_1223 = arith.cmpf oeq, %slice3A_1212, %eq3A_1222 : vector<8x1024xf32>
    %jit3A_1224 = arith.constant 1024 : i32
    %broadcast_in_dim3A_1225 = vector.broadcast %jit3A_1224 : i32 to vector<8x1024xi32>
    %select_n3A_1226 = arith.select %eq3A_1223, %add3A_1215, %broadcast_in_dim3A_1225 : vector<8x1024xi1>, vector<8x1024xi32>
    %min3A_1227 = arith.minsi %min3A_1205, %select_n3A_1226 : vector<8x1024xi32>
    %eq3A_1228 = vector.broadcast %broadcast_in_dim3A_857 : vector<1x1024xf32> to vector<8x1024xf32>
    %eq3A_1229 = arith.cmpf oeq, %slice3A_1212, %eq3A_1228 : vector<8x1024xf32>
    %jit3A_1230 = arith.constant 1024 : i32
    %broadcast_in_dim3A_1231 = vector.broadcast %jit3A_1230 : i32 to vector<8x1024xi32>
    %select_n3A_1232 = arith.select %eq3A_1229, %add3A_1215, %broadcast_in_dim3A_1231 : vector<8x1024xi1>, vector<8x1024xi32>
    %min3A_1233 = arith.minsi %min3A_1211, %select_n3A_1232 : vector<8x1024xi32>
    %slice3A_1234 = vector.extract_strided_slice %sub3A_14 {offsets = [136, 0], sizes = [8, 1024], strides = [1, 1]} : vector<1024x1024xf32> to vector<8x1024xf32>
    %add3A_1235 = arith.constant 136 : i32
    %add3A_1236 = vector.broadcast %add3A_1235 : i32 to vector<8x1024xi32>
    %add3A_1237 = arith.addi %iota3A, %add3A_1236 : vector<8x1024xi32>
    %eq3A_1238 = vector.broadcast %broadcast_in_dim3A_804 : vector<1x1024xf32> to vector<8x1024xf32>
    %eq3A_1239 = arith.cmpf oeq, %slice3A_1234, %eq3A_1238 : vector<8x1024xf32>
    %jit3A_1240 = arith.constant 1024 : i32
    %broadcast_in_dim3A_1241 = vector.broadcast %jit3A_1240 : i32 to vector<8x1024xi32>
    %select_n3A_1242 = arith.select %eq3A_1239, %add3A_1237, %broadcast_in_dim3A_1241 : vector<8x1024xi1>, vector<8x1024xi32>
    %min3A_1243 = arith.minsi %min3A_1221, %select_n3A_1242 : vector<8x1024xi32>
    %eq3A_1244 = vector.broadcast %broadcast_in_dim3A_830 : vector<1x1024xf32> to vector<8x1024xf32>
    %eq3A_1245 = arith.cmpf oeq, %slice3A_1234, %eq3A_1244 : vector<8x1024xf32>
    %jit3A_1246 = arith.constant 1024 : i32
    %broadcast_in_dim3A_1247 = vector.broadcast %jit3A_1246 : i32 to vector<8x1024xi32>
    %select_n3A_1248 = arith.select %eq3A_1245, %add3A_1237, %broadcast_in_dim3A_1247 : vector<8x1024xi1>, vector<8x1024xi32>
    %min3A_1249 = arith.minsi %min3A_1227, %select_n3A_1248 : vector<8x1024xi32>
    %eq3A_1250 = vector.broadcast %broadcast_in_dim3A_857 : vector<1x1024xf32> to vector<8x1024xf32>
    %eq3A_1251 = arith.cmpf oeq, %slice3A_1234, %eq3A_1250 : vector<8x1024xf32>
    %jit3A_1252 = arith.constant 1024 : i32
    %broadcast_in_dim3A_1253 = vector.broadcast %jit3A_1252 : i32 to vector<8x1024xi32>
    %select_n3A_1254 = arith.select %eq3A_1251, %add3A_1237, %broadcast_in_dim3A_1253 : vector<8x1024xi1>, vector<8x1024xi32>
    %min3A_1255 = arith.minsi %min3A_1233, %select_n3A_1254 : vector<8x1024xi32>
    %slice3A_1256 = vector.extract_strided_slice %sub3A_14 {offsets = [144, 0], sizes = [8, 1024], strides = [1, 1]} : vector<1024x1024xf32> to vector<8x1024xf32>
    %add3A_1257 = arith.constant 144 : i32
    %add3A_1258 = vector.broadcast %add3A_1257 : i32 to vector<8x1024xi32>
    %add3A_1259 = arith.addi %iota3A, %add3A_1258 : vector<8x1024xi32>
    %eq3A_1260 = vector.broadcast %broadcast_in_dim3A_804 : vector<1x1024xf32> to vector<8x1024xf32>
    %eq3A_1261 = arith.cmpf oeq, %slice3A_1256, %eq3A_1260 : vector<8x1024xf32>
    %jit3A_1262 = arith.constant 1024 : i32
    %broadcast_in_dim3A_1263 = vector.broadcast %jit3A_1262 : i32 to vector<8x1024xi32>
    %select_n3A_1264 = arith.select %eq3A_1261, %add3A_1259, %broadcast_in_dim3A_1263 : vector<8x1024xi1>, vector<8x1024xi32>
    %min3A_1265 = arith.minsi %min3A_1243, %select_n3A_1264 : vector<8x1024xi32>
    %eq3A_1266 = vector.broadcast %broadcast_in_dim3A_830 : vector<1x1024xf32> to vector<8x1024xf32>
    %eq3A_1267 = arith.cmpf oeq, %slice3A_1256, %eq3A_1266 : vector<8x1024xf32>
    %jit3A_1268 = arith.constant 1024 : i32
    %broadcast_in_dim3A_1269 = vector.broadcast %jit3A_1268 : i32 to vector<8x1024xi32>
    %select_n3A_1270 = arith.select %eq3A_1267, %add3A_1259, %broadcast_in_dim3A_1269 : vector<8x1024xi1>, vector<8x1024xi32>
    %min3A_1271 = arith.minsi %min3A_1249, %select_n3A_1270 : vector<8x1024xi32>
    %eq3A_1272 = vector.broadcast %broadcast_in_dim3A_857 : vector<1x1024xf32> to vector<8x1024xf32>
    %eq3A_1273 = arith.cmpf oeq, %slice3A_1256, %eq3A_1272 : vector<8x1024xf32>
    %jit3A_1274 = arith.constant 1024 : i32
    %broadcast_in_dim3A_1275 = vector.broadcast %jit3A_1274 : i32 to vector<8x1024xi32>
    %select_n3A_1276 = arith.select %eq3A_1273, %add3A_1259, %broadcast_in_dim3A_1275 : vector<8x1024xi1>, vector<8x1024xi32>
    %min3A_1277 = arith.minsi %min3A_1255, %select_n3A_1276 : vector<8x1024xi32>
    %slice3A_1278 = vector.extract_strided_slice %sub3A_14 {offsets = [152, 0], sizes = [8, 1024], strides = [1, 1]} : vector<1024x1024xf32> to vector<8x1024xf32>
    %add3A_1279 = arith.constant 152 : i32
    %add3A_1280 = vector.broadcast %add3A_1279 : i32 to vector<8x1024xi32>
    %add3A_1281 = arith.addi %iota3A, %add3A_1280 : vector<8x1024xi32>
    %eq3A_1282 = vector.broadcast %broadcast_in_dim3A_804 : vector<1x1024xf32> to vector<8x1024xf32>
    %eq3A_1283 = arith.cmpf oeq, %slice3A_1278, %eq3A_1282 : vector<8x1024xf32>
    %jit3A_1284 = arith.constant 1024 : i32
    %broadcast_in_dim3A_1285 = vector.broadcast %jit3A_1284 : i32 to vector<8x1024xi32>
    %select_n3A_1286 = arith.select %eq3A_1283, %add3A_1281, %broadcast_in_dim3A_1285 : vector<8x1024xi1>, vector<8x1024xi32>
    %min3A_1287 = arith.minsi %min3A_1265, %select_n3A_1286 : vector<8x1024xi32>
    %eq3A_1288 = vector.broadcast %broadcast_in_dim3A_830 : vector<1x1024xf32> to vector<8x1024xf32>
    %eq3A_1289 = arith.cmpf oeq, %slice3A_1278, %eq3A_1288 : vector<8x1024xf32>
    %jit3A_1290 = arith.constant 1024 : i32
    %broadcast_in_dim3A_1291 = vector.broadcast %jit3A_1290 : i32 to vector<8x1024xi32>
    %select_n3A_1292 = arith.select %eq3A_1289, %add3A_1281, %broadcast_in_dim3A_1291 : vector<8x1024xi1>, vector<8x1024xi32>
    %min3A_1293 = arith.minsi %min3A_1271, %select_n3A_1292 : vector<8x1024xi32>
    %eq3A_1294 = vector.broadcast %broadcast_in_dim3A_857 : vector<1x1024xf32> to vector<8x1024xf32>
    %eq3A_1295 = arith.cmpf oeq, %slice3A_1278, %eq3A_1294 : vector<8x1024xf32>
    %jit3A_1296 = arith.constant 1024 : i32
    %broadcast_in_dim3A_1297 = vector.broadcast %jit3A_1296 : i32 to vector<8x1024xi32>
    %select_n3A_1298 = arith.select %eq3A_1295, %add3A_1281, %broadcast_in_dim3A_1297 : vector<8x1024xi1>, vector<8x1024xi32>
    %min3A_1299 = arith.minsi %min3A_1277, %select_n3A_1298 : vector<8x1024xi32>
    %slice3A_1300 = vector.extract_strided_slice %sub3A_14 {offsets = [160, 0], sizes = [8, 1024], strides = [1, 1]} : vector<1024x1024xf32> to vector<8x1024xf32>
    %add3A_1301 = arith.constant 160 : i32
    %add3A_1302 = vector.broadcast %add3A_1301 : i32 to vector<8x1024xi32>
    %add3A_1303 = arith.addi %iota3A, %add3A_1302 : vector<8x1024xi32>
    %eq3A_1304 = vector.broadcast %broadcast_in_dim3A_804 : vector<1x1024xf32> to vector<8x1024xf32>
    %eq3A_1305 = arith.cmpf oeq, %slice3A_1300, %eq3A_1304 : vector<8x1024xf32>
    %jit3A_1306 = arith.constant 1024 : i32
    %broadcast_in_dim3A_1307 = vector.broadcast %jit3A_1306 : i32 to vector<8x1024xi32>
    %select_n3A_1308 = arith.select %eq3A_1305, %add3A_1303, %broadcast_in_dim3A_1307 : vector<8x1024xi1>, vector<8x1024xi32>
    %min3A_1309 = arith.minsi %min3A_1287, %select_n3A_1308 : vector<8x1024xi32>
    %eq3A_1310 = vector.broadcast %broadcast_in_dim3A_830 : vector<1x1024xf32> to vector<8x1024xf32>
    %eq3A_1311 = arith.cmpf oeq, %slice3A_1300, %eq3A_1310 : vector<8x1024xf32>
    %jit3A_1312 = arith.constant 1024 : i32
    %broadcast_in_dim3A_1313 = vector.broadcast %jit3A_1312 : i32 to vector<8x1024xi32>
    %select_n3A_1314 = arith.select %eq3A_1311, %add3A_1303, %broadcast_in_dim3A_1313 : vector<8x1024xi1>, vector<8x1024xi32>
    %min3A_1315 = arith.minsi %min3A_1293, %select_n3A_1314 : vector<8x1024xi32>
    %eq3A_1316 = vector.broadcast %broadcast_in_dim3A_857 : vector<1x1024xf32> to vector<8x1024xf32>
    %eq3A_1317 = arith.cmpf oeq, %slice3A_1300, %eq3A_1316 : vector<8x1024xf32>
    %jit3A_1318 = arith.constant 1024 : i32
    %broadcast_in_dim3A_1319 = vector.broadcast %jit3A_1318 : i32 to vector<8x1024xi32>
    %select_n3A_1320 = arith.select %eq3A_1317, %add3A_1303, %broadcast_in_dim3A_1319 : vector<8x1024xi1>, vector<8x1024xi32>
    %min3A_1321 = arith.minsi %min3A_1299, %select_n3A_1320 : vector<8x1024xi32>
    %slice3A_1322 = vector.extract_strided_slice %sub3A_14 {offsets = [168, 0], sizes = [8, 1024], strides = [1, 1]} : vector<1024x1024xf32> to vector<8x1024xf32>
    %add3A_1323 = arith.constant 168 : i32
    %add3A_1324 = vector.broadcast %add3A_1323 : i32 to vector<8x1024xi32>
    %add3A_1325 = arith.addi %iota3A, %add3A_1324 : vector<8x1024xi32>
    %eq3A_1326 = vector.broadcast %broadcast_in_dim3A_804 : vector<1x1024xf32> to vector<8x1024xf32>
    %eq3A_1327 = arith.cmpf oeq, %slice3A_1322, %eq3A_1326 : vector<8x1024xf32>
    %jit3A_1328 = arith.constant 1024 : i32
    %broadcast_in_dim3A_1329 = vector.broadcast %jit3A_1328 : i32 to vector<8x1024xi32>
    %select_n3A_1330 = arith.select %eq3A_1327, %add3A_1325, %broadcast_in_dim3A_1329 : vector<8x1024xi1>, vector<8x1024xi32>
    %min3A_1331 = arith.minsi %min3A_1309, %select_n3A_1330 : vector<8x1024xi32>
    %eq3A_1332 = vector.broadcast %broadcast_in_dim3A_830 : vector<1x1024xf32> to vector<8x1024xf32>
    %eq3A_1333 = arith.cmpf oeq, %slice3A_1322, %eq3A_1332 : vector<8x1024xf32>
    %jit3A_1334 = arith.constant 1024 : i32
    %broadcast_in_dim3A_1335 = vector.broadcast %jit3A_1334 : i32 to vector<8x1024xi32>
    %select_n3A_1336 = arith.select %eq3A_1333, %add3A_1325, %broadcast_in_dim3A_1335 : vector<8x1024xi1>, vector<8x1024xi32>
    %min3A_1337 = arith.minsi %min3A_1315, %select_n3A_1336 : vector<8x1024xi32>
    %eq3A_1338 = vector.broadcast %broadcast_in_dim3A_857 : vector<1x1024xf32> to vector<8x1024xf32>
    %eq3A_1339 = arith.cmpf oeq, %slice3A_1322, %eq3A_1338 : vector<8x1024xf32>
    %jit3A_1340 = arith.constant 1024 : i32
    %broadcast_in_dim3A_1341 = vector.broadcast %jit3A_1340 : i32 to vector<8x1024xi32>
    %select_n3A_1342 = arith.select %eq3A_1339, %add3A_1325, %broadcast_in_dim3A_1341 : vector<8x1024xi1>, vector<8x1024xi32>
    %min3A_1343 = arith.minsi %min3A_1321, %select_n3A_1342 : vector<8x1024xi32>
    %slice3A_1344 = vector.extract_strided_slice %sub3A_14 {offsets = [176, 0], sizes = [8, 1024], strides = [1, 1]} : vector<1024x1024xf32> to vector<8x1024xf32>
    %add3A_1345 = arith.constant 176 : i32
    %add3A_1346 = vector.broadcast %add3A_1345 : i32 to vector<8x1024xi32>
    %add3A_1347 = arith.addi %iota3A, %add3A_1346 : vector<8x1024xi32>
    %eq3A_1348 = vector.broadcast %broadcast_in_dim3A_804 : vector<1x1024xf32> to vector<8x1024xf32>
    %eq3A_1349 = arith.cmpf oeq, %slice3A_1344, %eq3A_1348 : vector<8x1024xf32>
    %jit3A_1350 = arith.constant 1024 : i32
    %broadcast_in_dim3A_1351 = vector.broadcast %jit3A_1350 : i32 to vector<8x1024xi32>
    %select_n3A_1352 = arith.select %eq3A_1349, %add3A_1347, %broadcast_in_dim3A_1351 : vector<8x1024xi1>, vector<8x1024xi32>
    %min3A_1353 = arith.minsi %min3A_1331, %select_n3A_1352 : vector<8x1024xi32>
    %eq3A_1354 = vector.broadcast %broadcast_in_dim3A_830 : vector<1x1024xf32> to vector<8x1024xf32>
    %eq3A_1355 = arith.cmpf oeq, %slice3A_1344, %eq3A_1354 : vector<8x1024xf32>
    %jit3A_1356 = arith.constant 1024 : i32
    %broadcast_in_dim3A_1357 = vector.broadcast %jit3A_1356 : i32 to vector<8x1024xi32>
    %select_n3A_1358 = arith.select %eq3A_1355, %add3A_1347, %broadcast_in_dim3A_1357 : vector<8x1024xi1>, vector<8x1024xi32>
    %min3A_1359 = arith.minsi %min3A_1337, %select_n3A_1358 : vector<8x1024xi32>
    %eq3A_1360 = vector.broadcast %broadcast_in_dim3A_857 : vector<1x1024xf32> to vector<8x1024xf32>
    %eq3A_1361 = arith.cmpf oeq, %slice3A_1344, %eq3A_1360 : vector<8x1024xf32>
    %jit3A_1362 = arith.constant 1024 : i32
    %broadcast_in_dim3A_1363 = vector.broadcast %jit3A_1362 : i32 to vector<8x1024xi32>
    %select_n3A_1364 = arith.select %eq3A_1361, %add3A_1347, %broadcast_in_dim3A_1363 : vector<8x1024xi1>, vector<8x1024xi32>
    %min3A_1365 = arith.minsi %min3A_1343, %select_n3A_1364 : vector<8x1024xi32>
    %slice3A_1366 = vector.extract_strided_slice %sub3A_14 {offsets = [184, 0], sizes = [8, 1024], strides = [1, 1]} : vector<1024x1024xf32> to vector<8x1024xf32>
    %add3A_1367 = arith.constant 184 : i32
    %add3A_1368 = vector.broadcast %add3A_1367 : i32 to vector<8x1024xi32>
    %add3A_1369 = arith.addi %iota3A, %add3A_1368 : vector<8x1024xi32>
    %eq3A_1370 = vector.broadcast %broadcast_in_dim3A_804 : vector<1x1024xf32> to vector<8x1024xf32>
    %eq3A_1371 = arith.cmpf oeq, %slice3A_1366, %eq3A_1370 : vector<8x1024xf32>
    %jit3A_1372 = arith.constant 1024 : i32
    %broadcast_in_dim3A_1373 = vector.broadcast %jit3A_1372 : i32 to vector<8x1024xi32>
    %select_n3A_1374 = arith.select %eq3A_1371, %add3A_1369, %broadcast_in_dim3A_1373 : vector<8x1024xi1>, vector<8x1024xi32>
    %min3A_1375 = arith.minsi %min3A_1353, %select_n3A_1374 : vector<8x1024xi32>
    %eq3A_1376 = vector.broadcast %broadcast_in_dim3A_830 : vector<1x1024xf32> to vector<8x1024xf32>
    %eq3A_1377 = arith.cmpf oeq, %slice3A_1366, %eq3A_1376 : vector<8x1024xf32>
    %jit3A_1378 = arith.constant 1024 : i32
    %broadcast_in_dim3A_1379 = vector.broadcast %jit3A_1378 : i32 to vector<8x1024xi32>
    %select_n3A_1380 = arith.select %eq3A_1377, %add3A_1369, %broadcast_in_dim3A_1379 : vector<8x1024xi1>, vector<8x1024xi32>
    %min3A_1381 = arith.minsi %min3A_1359, %select_n3A_1380 : vector<8x1024xi32>
    %eq3A_1382 = vector.broadcast %broadcast_in_dim3A_857 : vector<1x1024xf32> to vector<8x1024xf32>
    %eq3A_1383 = arith.cmpf oeq, %slice3A_1366, %eq3A_1382 : vector<8x1024xf32>
    %jit3A_1384 = arith.constant 1024 : i32
    %broadcast_in_dim3A_1385 = vector.broadcast %jit3A_1384 : i32 to vector<8x1024xi32>
    %select_n3A_1386 = arith.select %eq3A_1383, %add3A_1369, %broadcast_in_dim3A_1385 : vector<8x1024xi1>, vector<8x1024xi32>
    %min3A_1387 = arith.minsi %min3A_1365, %select_n3A_1386 : vector<8x1024xi32>
    %slice3A_1388 = vector.extract_strided_slice %sub3A_14 {offsets = [192, 0], sizes = [8, 1024], strides = [1, 1]} : vector<1024x1024xf32> to vector<8x1024xf32>
    %add3A_1389 = arith.constant 192 : i32
    %add3A_1390 = vector.broadcast %add3A_1389 : i32 to vector<8x1024xi32>
    %add3A_1391 = arith.addi %iota3A, %add3A_1390 : vector<8x1024xi32>
    %eq3A_1392 = vector.broadcast %broadcast_in_dim3A_804 : vector<1x1024xf32> to vector<8x1024xf32>
    %eq3A_1393 = arith.cmpf oeq, %slice3A_1388, %eq3A_1392 : vector<8x1024xf32>
    %jit3A_1394 = arith.constant 1024 : i32
    %broadcast_in_dim3A_1395 = vector.broadcast %jit3A_1394 : i32 to vector<8x1024xi32>
    %select_n3A_1396 = arith.select %eq3A_1393, %add3A_1391, %broadcast_in_dim3A_1395 : vector<8x1024xi1>, vector<8x1024xi32>
    %min3A_1397 = arith.minsi %min3A_1375, %select_n3A_1396 : vector<8x1024xi32>
    %eq3A_1398 = vector.broadcast %broadcast_in_dim3A_830 : vector<1x1024xf32> to vector<8x1024xf32>
    %eq3A_1399 = arith.cmpf oeq, %slice3A_1388, %eq3A_1398 : vector<8x1024xf32>
    %jit3A_1400 = arith.constant 1024 : i32
    %broadcast_in_dim3A_1401 = vector.broadcast %jit3A_1400 : i32 to vector<8x1024xi32>
    %select_n3A_1402 = arith.select %eq3A_1399, %add3A_1391, %broadcast_in_dim3A_1401 : vector<8x1024xi1>, vector<8x1024xi32>
    %min3A_1403 = arith.minsi %min3A_1381, %select_n3A_1402 : vector<8x1024xi32>
    %eq3A_1404 = vector.broadcast %broadcast_in_dim3A_857 : vector<1x1024xf32> to vector<8x1024xf32>
    %eq3A_1405 = arith.cmpf oeq, %slice3A_1388, %eq3A_1404 : vector<8x1024xf32>
    %jit3A_1406 = arith.constant 1024 : i32
    %broadcast_in_dim3A_1407 = vector.broadcast %jit3A_1406 : i32 to vector<8x1024xi32>
    %select_n3A_1408 = arith.select %eq3A_1405, %add3A_1391, %broadcast_in_dim3A_1407 : vector<8x1024xi1>, vector<8x1024xi32>
    %min3A_1409 = arith.minsi %min3A_1387, %select_n3A_1408 : vector<8x1024xi32>
    %slice3A_1410 = vector.extract_strided_slice %sub3A_14 {offsets = [200, 0], sizes = [8, 1024], strides = [1, 1]} : vector<1024x1024xf32> to vector<8x1024xf32>
    %add3A_1411 = arith.constant 200 : i32
    %add3A_1412 = vector.broadcast %add3A_1411 : i32 to vector<8x1024xi32>
    %add3A_1413 = arith.addi %iota3A, %add3A_1412 : vector<8x1024xi32>
    %eq3A_1414 = vector.broadcast %broadcast_in_dim3A_804 : vector<1x1024xf32> to vector<8x1024xf32>
    %eq3A_1415 = arith.cmpf oeq, %slice3A_1410, %eq3A_1414 : vector<8x1024xf32>
    %jit3A_1416 = arith.constant 1024 : i32
    %broadcast_in_dim3A_1417 = vector.broadcast %jit3A_1416 : i32 to vector<8x1024xi32>
    %select_n3A_1418 = arith.select %eq3A_1415, %add3A_1413, %broadcast_in_dim3A_1417 : vector<8x1024xi1>, vector<8x1024xi32>
    %min3A_1419 = arith.minsi %min3A_1397, %select_n3A_1418 : vector<8x1024xi32>
    %eq3A_1420 = vector.broadcast %broadcast_in_dim3A_830 : vector<1x1024xf32> to vector<8x1024xf32>
    %eq3A_1421 = arith.cmpf oeq, %slice3A_1410, %eq3A_1420 : vector<8x1024xf32>
    %jit3A_1422 = arith.constant 1024 : i32
    %broadcast_in_dim3A_1423 = vector.broadcast %jit3A_1422 : i32 to vector<8x1024xi32>
    %select_n3A_1424 = arith.select %eq3A_1421, %add3A_1413, %broadcast_in_dim3A_1423 : vector<8x1024xi1>, vector<8x1024xi32>
    %min3A_1425 = arith.minsi %min3A_1403, %select_n3A_1424 : vector<8x1024xi32>
    %eq3A_1426 = vector.broadcast %broadcast_in_dim3A_857 : vector<1x1024xf32> to vector<8x1024xf32>
    %eq3A_1427 = arith.cmpf oeq, %slice3A_1410, %eq3A_1426 : vector<8x1024xf32>
    %jit3A_1428 = arith.constant 1024 : i32
    %broadcast_in_dim3A_1429 = vector.broadcast %jit3A_1428 : i32 to vector<8x1024xi32>
    %select_n3A_1430 = arith.select %eq3A_1427, %add3A_1413, %broadcast_in_dim3A_1429 : vector<8x1024xi1>, vector<8x1024xi32>
    %min3A_1431 = arith.minsi %min3A_1409, %select_n3A_1430 : vector<8x1024xi32>
    %slice3A_1432 = vector.extract_strided_slice %sub3A_14 {offsets = [208, 0], sizes = [8, 1024], strides = [1, 1]} : vector<1024x1024xf32> to vector<8x1024xf32>
    %add3A_1433 = arith.constant 208 : i32
    %add3A_1434 = vector.broadcast %add3A_1433 : i32 to vector<8x1024xi32>
    %add3A_1435 = arith.addi %iota3A, %add3A_1434 : vector<8x1024xi32>
    %eq3A_1436 = vector.broadcast %broadcast_in_dim3A_804 : vector<1x1024xf32> to vector<8x1024xf32>
    %eq3A_1437 = arith.cmpf oeq, %slice3A_1432, %eq3A_1436 : vector<8x1024xf32>
    %jit3A_1438 = arith.constant 1024 : i32
    %broadcast_in_dim3A_1439 = vector.broadcast %jit3A_1438 : i32 to vector<8x1024xi32>
    %select_n3A_1440 = arith.select %eq3A_1437, %add3A_1435, %broadcast_in_dim3A_1439 : vector<8x1024xi1>, vector<8x1024xi32>
    %min3A_1441 = arith.minsi %min3A_1419, %select_n3A_1440 : vector<8x1024xi32>
    %eq3A_1442 = vector.broadcast %broadcast_in_dim3A_830 : vector<1x1024xf32> to vector<8x1024xf32>
    %eq3A_1443 = arith.cmpf oeq, %slice3A_1432, %eq3A_1442 : vector<8x1024xf32>
    %jit3A_1444 = arith.constant 1024 : i32
    %broadcast_in_dim3A_1445 = vector.broadcast %jit3A_1444 : i32 to vector<8x1024xi32>
    %select_n3A_1446 = arith.select %eq3A_1443, %add3A_1435, %broadcast_in_dim3A_1445 : vector<8x1024xi1>, vector<8x1024xi32>
    %min3A_1447 = arith.minsi %min3A_1425, %select_n3A_1446 : vector<8x1024xi32>
    %eq3A_1448 = vector.broadcast %broadcast_in_dim3A_857 : vector<1x1024xf32> to vector<8x1024xf32>
    %eq3A_1449 = arith.cmpf oeq, %slice3A_1432, %eq3A_1448 : vector<8x1024xf32>
    %jit3A_1450 = arith.constant 1024 : i32
    %broadcast_in_dim3A_1451 = vector.broadcast %jit3A_1450 : i32 to vector<8x1024xi32>
    %select_n3A_1452 = arith.select %eq3A_1449, %add3A_1435, %broadcast_in_dim3A_1451 : vector<8x1024xi1>, vector<8x1024xi32>
    %min3A_1453 = arith.minsi %min3A_1431, %select_n3A_1452 : vector<8x1024xi32>
    %slice3A_1454 = vector.extract_strided_slice %sub3A_14 {offsets = [216, 0], sizes = [8, 1024], strides = [1, 1]} : vector<1024x1024xf32> to vector<8x1024xf32>
    %add3A_1455 = arith.constant 216 : i32
    %add3A_1456 = vector.broadcast %add3A_1455 : i32 to vector<8x1024xi32>
    %add3A_1457 = arith.addi %iota3A, %add3A_1456 : vector<8x1024xi32>
    %eq3A_1458 = vector.broadcast %broadcast_in_dim3A_804 : vector<1x1024xf32> to vector<8x1024xf32>
    %eq3A_1459 = arith.cmpf oeq, %slice3A_1454, %eq3A_1458 : vector<8x1024xf32>
    %jit3A_1460 = arith.constant 1024 : i32
    %broadcast_in_dim3A_1461 = vector.broadcast %jit3A_1460 : i32 to vector<8x1024xi32>
    %select_n3A_1462 = arith.select %eq3A_1459, %add3A_1457, %broadcast_in_dim3A_1461 : vector<8x1024xi1>, vector<8x1024xi32>
    %min3A_1463 = arith.minsi %min3A_1441, %select_n3A_1462 : vector<8x1024xi32>
    %eq3A_1464 = vector.broadcast %broadcast_in_dim3A_830 : vector<1x1024xf32> to vector<8x1024xf32>
    %eq3A_1465 = arith.cmpf oeq, %slice3A_1454, %eq3A_1464 : vector<8x1024xf32>
    %jit3A_1466 = arith.constant 1024 : i32
    %broadcast_in_dim3A_1467 = vector.broadcast %jit3A_1466 : i32 to vector<8x1024xi32>
    %select_n3A_1468 = arith.select %eq3A_1465, %add3A_1457, %broadcast_in_dim3A_1467 : vector<8x1024xi1>, vector<8x1024xi32>
    %min3A_1469 = arith.minsi %min3A_1447, %select_n3A_1468 : vector<8x1024xi32>
    %eq3A_1470 = vector.broadcast %broadcast_in_dim3A_857 : vector<1x1024xf32> to vector<8x1024xf32>
    %eq3A_1471 = arith.cmpf oeq, %slice3A_1454, %eq3A_1470 : vector<8x1024xf32>
    %jit3A_1472 = arith.constant 1024 : i32
    %broadcast_in_dim3A_1473 = vector.broadcast %jit3A_1472 : i32 to vector<8x1024xi32>
    %select_n3A_1474 = arith.select %eq3A_1471, %add3A_1457, %broadcast_in_dim3A_1473 : vector<8x1024xi1>, vector<8x1024xi32>
    %min3A_1475 = arith.minsi %min3A_1453, %select_n3A_1474 : vector<8x1024xi32>
    %slice3A_1476 = vector.extract_strided_slice %sub3A_14 {offsets = [224, 0], sizes = [8, 1024], strides = [1, 1]} : vector<1024x1024xf32> to vector<8x1024xf32>
    %add3A_1477 = arith.constant 224 : i32
    %add3A_1478 = vector.broadcast %add3A_1477 : i32 to vector<8x1024xi32>
    %add3A_1479 = arith.addi %iota3A, %add3A_1478 : vector<8x1024xi32>
    %eq3A_1480 = vector.broadcast %broadcast_in_dim3A_804 : vector<1x1024xf32> to vector<8x1024xf32>
    %eq3A_1481 = arith.cmpf oeq, %slice3A_1476, %eq3A_1480 : vector<8x1024xf32>
    %jit3A_1482 = arith.constant 1024 : i32
    %broadcast_in_dim3A_1483 = vector.broadcast %jit3A_1482 : i32 to vector<8x1024xi32>
    %select_n3A_1484 = arith.select %eq3A_1481, %add3A_1479, %broadcast_in_dim3A_1483 : vector<8x1024xi1>, vector<8x1024xi32>
    %min3A_1485 = arith.minsi %min3A_1463, %select_n3A_1484 : vector<8x1024xi32>
    %eq3A_1486 = vector.broadcast %broadcast_in_dim3A_830 : vector<1x1024xf32> to vector<8x1024xf32>
    %eq3A_1487 = arith.cmpf oeq, %slice3A_1476, %eq3A_1486 : vector<8x1024xf32>
    %jit3A_1488 = arith.constant 1024 : i32
    %broadcast_in_dim3A_1489 = vector.broadcast %jit3A_1488 : i32 to vector<8x1024xi32>
    %select_n3A_1490 = arith.select %eq3A_1487, %add3A_1479, %broadcast_in_dim3A_1489 : vector<8x1024xi1>, vector<8x1024xi32>
    %min3A_1491 = arith.minsi %min3A_1469, %select_n3A_1490 : vector<8x1024xi32>
    %eq3A_1492 = vector.broadcast %broadcast_in_dim3A_857 : vector<1x1024xf32> to vector<8x1024xf32>
    %eq3A_1493 = arith.cmpf oeq, %slice3A_1476, %eq3A_1492 : vector<8x1024xf32>
    %jit3A_1494 = arith.constant 1024 : i32
    %broadcast_in_dim3A_1495 = vector.broadcast %jit3A_1494 : i32 to vector<8x1024xi32>
    %select_n3A_1496 = arith.select %eq3A_1493, %add3A_1479, %broadcast_in_dim3A_1495 : vector<8x1024xi1>, vector<8x1024xi32>
    %min3A_1497 = arith.minsi %min3A_1475, %select_n3A_1496 : vector<8x1024xi32>
    %slice3A_1498 = vector.extract_strided_slice %sub3A_14 {offsets = [232, 0], sizes = [8, 1024], strides = [1, 1]} : vector<1024x1024xf32> to vector<8x1024xf32>
    %add3A_1499 = arith.constant 232 : i32
    %add3A_1500 = vector.broadcast %add3A_1499 : i32 to vector<8x1024xi32>
    %add3A_1501 = arith.addi %iota3A, %add3A_1500 : vector<8x1024xi32>
    %eq3A_1502 = vector.broadcast %broadcast_in_dim3A_804 : vector<1x1024xf32> to vector<8x1024xf32>
    %eq3A_1503 = arith.cmpf oeq, %slice3A_1498, %eq3A_1502 : vector<8x1024xf32>
    %jit3A_1504 = arith.constant 1024 : i32
    %broadcast_in_dim3A_1505 = vector.broadcast %jit3A_1504 : i32 to vector<8x1024xi32>
    %select_n3A_1506 = arith.select %eq3A_1503, %add3A_1501, %broadcast_in_dim3A_1505 : vector<8x1024xi1>, vector<8x1024xi32>
    %min3A_1507 = arith.minsi %min3A_1485, %select_n3A_1506 : vector<8x1024xi32>
    %eq3A_1508 = vector.broadcast %broadcast_in_dim3A_830 : vector<1x1024xf32> to vector<8x1024xf32>
    %eq3A_1509 = arith.cmpf oeq, %slice3A_1498, %eq3A_1508 : vector<8x1024xf32>
    %jit3A_1510 = arith.constant 1024 : i32
    %broadcast_in_dim3A_1511 = vector.broadcast %jit3A_1510 : i32 to vector<8x1024xi32>
    %select_n3A_1512 = arith.select %eq3A_1509, %add3A_1501, %broadcast_in_dim3A_1511 : vector<8x1024xi1>, vector<8x1024xi32>
    %min3A_1513 = arith.minsi %min3A_1491, %select_n3A_1512 : vector<8x1024xi32>
    %eq3A_1514 = vector.broadcast %broadcast_in_dim3A_857 : vector<1x1024xf32> to vector<8x1024xf32>
    %eq3A_1515 = arith.cmpf oeq, %slice3A_1498, %eq3A_1514 : vector<8x1024xf32>
    %jit3A_1516 = arith.constant 1024 : i32
    %broadcast_in_dim3A_1517 = vector.broadcast %jit3A_1516 : i32 to vector<8x1024xi32>
    %select_n3A_1518 = arith.select %eq3A_1515, %add3A_1501, %broadcast_in_dim3A_1517 : vector<8x1024xi1>, vector<8x1024xi32>
    %min3A_1519 = arith.minsi %min3A_1497, %select_n3A_1518 : vector<8x1024xi32>
    %slice3A_1520 = vector.extract_strided_slice %sub3A_14 {offsets = [240, 0], sizes = [8, 1024], strides = [1, 1]} : vector<1024x1024xf32> to vector<8x1024xf32>
    %add3A_1521 = arith.constant 240 : i32
    %add3A_1522 = vector.broadcast %add3A_1521 : i32 to vector<8x1024xi32>
    %add3A_1523 = arith.addi %iota3A, %add3A_1522 : vector<8x1024xi32>
    %eq3A_1524 = vector.broadcast %broadcast_in_dim3A_804 : vector<1x1024xf32> to vector<8x1024xf32>
    %eq3A_1525 = arith.cmpf oeq, %slice3A_1520, %eq3A_1524 : vector<8x1024xf32>
    %jit3A_1526 = arith.constant 1024 : i32
    %broadcast_in_dim3A_1527 = vector.broadcast %jit3A_1526 : i32 to vector<8x1024xi32>
    %select_n3A_1528 = arith.select %eq3A_1525, %add3A_1523, %broadcast_in_dim3A_1527 : vector<8x1024xi1>, vector<8x1024xi32>
    %min3A_1529 = arith.minsi %min3A_1507, %select_n3A_1528 : vector<8x1024xi32>
    %eq3A_1530 = vector.broadcast %broadcast_in_dim3A_830 : vector<1x1024xf32> to vector<8x1024xf32>
    %eq3A_1531 = arith.cmpf oeq, %slice3A_1520, %eq3A_1530 : vector<8x1024xf32>
    %jit3A_1532 = arith.constant 1024 : i32
    %broadcast_in_dim3A_1533 = vector.broadcast %jit3A_1532 : i32 to vector<8x1024xi32>
    %select_n3A_1534 = arith.select %eq3A_1531, %add3A_1523, %broadcast_in_dim3A_1533 : vector<8x1024xi1>, vector<8x1024xi32>
    %min3A_1535 = arith.minsi %min3A_1513, %select_n3A_1534 : vector<8x1024xi32>
    %eq3A_1536 = vector.broadcast %broadcast_in_dim3A_857 : vector<1x1024xf32> to vector<8x1024xf32>
    %eq3A_1537 = arith.cmpf oeq, %slice3A_1520, %eq3A_1536 : vector<8x1024xf32>
    %jit3A_1538 = arith.constant 1024 : i32
    %broadcast_in_dim3A_1539 = vector.broadcast %jit3A_1538 : i32 to vector<8x1024xi32>
    %select_n3A_1540 = arith.select %eq3A_1537, %add3A_1523, %broadcast_in_dim3A_1539 : vector<8x1024xi1>, vector<8x1024xi32>
    %min3A_1541 = arith.minsi %min3A_1519, %select_n3A_1540 : vector<8x1024xi32>
    %slice3A_1542 = vector.extract_strided_slice %sub3A_14 {offsets = [248, 0], sizes = [8, 1024], strides = [1, 1]} : vector<1024x1024xf32> to vector<8x1024xf32>
    %add3A_1543 = arith.constant 248 : i32
    %add3A_1544 = vector.broadcast %add3A_1543 : i32 to vector<8x1024xi32>
    %add3A_1545 = arith.addi %iota3A, %add3A_1544 : vector<8x1024xi32>
    %eq3A_1546 = vector.broadcast %broadcast_in_dim3A_804 : vector<1x1024xf32> to vector<8x1024xf32>
    %eq3A_1547 = arith.cmpf oeq, %slice3A_1542, %eq3A_1546 : vector<8x1024xf32>
    %jit3A_1548 = arith.constant 1024 : i32
    %broadcast_in_dim3A_1549 = vector.broadcast %jit3A_1548 : i32 to vector<8x1024xi32>
    %select_n3A_1550 = arith.select %eq3A_1547, %add3A_1545, %broadcast_in_dim3A_1549 : vector<8x1024xi1>, vector<8x1024xi32>
    %min3A_1551 = arith.minsi %min3A_1529, %select_n3A_1550 : vector<8x1024xi32>
    %eq3A_1552 = vector.broadcast %broadcast_in_dim3A_830 : vector<1x1024xf32> to vector<8x1024xf32>
    %eq3A_1553 = arith.cmpf oeq, %slice3A_1542, %eq3A_1552 : vector<8x1024xf32>
    %jit3A_1554 = arith.constant 1024 : i32
    %broadcast_in_dim3A_1555 = vector.broadcast %jit3A_1554 : i32 to vector<8x1024xi32>
    %select_n3A_1556 = arith.select %eq3A_1553, %add3A_1545, %broadcast_in_dim3A_1555 : vector<8x1024xi1>, vector<8x1024xi32>
    %min3A_1557 = arith.minsi %min3A_1535, %select_n3A_1556 : vector<8x1024xi32>
    %eq3A_1558 = vector.broadcast %broadcast_in_dim3A_857 : vector<1x1024xf32> to vector<8x1024xf32>
    %eq3A_1559 = arith.cmpf oeq, %slice3A_1542, %eq3A_1558 : vector<8x1024xf32>
    %jit3A_1560 = arith.constant 1024 : i32
    %broadcast_in_dim3A_1561 = vector.broadcast %jit3A_1560 : i32 to vector<8x1024xi32>
    %select_n3A_1562 = arith.select %eq3A_1559, %add3A_1545, %broadcast_in_dim3A_1561 : vector<8x1024xi1>, vector<8x1024xi32>
    %min3A_1563 = arith.minsi %min3A_1541, %select_n3A_1562 : vector<8x1024xi32>
    %slice3A_1564 = vector.extract_strided_slice %sub3A_14 {offsets = [256, 0], sizes = [8, 1024], strides = [1, 1]} : vector<1024x1024xf32> to vector<8x1024xf32>
    %add3A_1565 = arith.constant 256 : i32
    %add3A_1566 = vector.broadcast %add3A_1565 : i32 to vector<8x1024xi32>
    %add3A_1567 = arith.addi %iota3A, %add3A_1566 : vector<8x1024xi32>
    %eq3A_1568 = vector.broadcast %broadcast_in_dim3A_804 : vector<1x1024xf32> to vector<8x1024xf32>
    %eq3A_1569 = arith.cmpf oeq, %slice3A_1564, %eq3A_1568 : vector<8x1024xf32>
    %jit3A_1570 = arith.constant 1024 : i32
    %broadcast_in_dim3A_1571 = vector.broadcast %jit3A_1570 : i32 to vector<8x1024xi32>
    %select_n3A_1572 = arith.select %eq3A_1569, %add3A_1567, %broadcast_in_dim3A_1571 : vector<8x1024xi1>, vector<8x1024xi32>
    %min3A_1573 = arith.minsi %min3A_1551, %select_n3A_1572 : vector<8x1024xi32>
    %eq3A_1574 = vector.broadcast %broadcast_in_dim3A_830 : vector<1x1024xf32> to vector<8x1024xf32>
    %eq3A_1575 = arith.cmpf oeq, %slice3A_1564, %eq3A_1574 : vector<8x1024xf32>
    %jit3A_1576 = arith.constant 1024 : i32
    %broadcast_in_dim3A_1577 = vector.broadcast %jit3A_1576 : i32 to vector<8x1024xi32>
    %select_n3A_1578 = arith.select %eq3A_1575, %add3A_1567, %broadcast_in_dim3A_1577 : vector<8x1024xi1>, vector<8x1024xi32>
    %min3A_1579 = arith.minsi %min3A_1557, %select_n3A_1578 : vector<8x1024xi32>
    %eq3A_1580 = vector.broadcast %broadcast_in_dim3A_857 : vector<1x1024xf32> to vector<8x1024xf32>
    %eq3A_1581 = arith.cmpf oeq, %slice3A_1564, %eq3A_1580 : vector<8x1024xf32>
    %jit3A_1582 = arith.constant 1024 : i32
    %broadcast_in_dim3A_1583 = vector.broadcast %jit3A_1582 : i32 to vector<8x1024xi32>
    %select_n3A_1584 = arith.select %eq3A_1581, %add3A_1567, %broadcast_in_dim3A_1583 : vector<8x1024xi1>, vector<8x1024xi32>
    %min3A_1585 = arith.minsi %min3A_1563, %select_n3A_1584 : vector<8x1024xi32>
    %slice3A_1586 = vector.extract_strided_slice %sub3A_14 {offsets = [264, 0], sizes = [8, 1024], strides = [1, 1]} : vector<1024x1024xf32> to vector<8x1024xf32>
    %add3A_1587 = arith.constant 264 : i32
    %add3A_1588 = vector.broadcast %add3A_1587 : i32 to vector<8x1024xi32>
    %add3A_1589 = arith.addi %iota3A, %add3A_1588 : vector<8x1024xi32>
    %eq3A_1590 = vector.broadcast %broadcast_in_dim3A_804 : vector<1x1024xf32> to vector<8x1024xf32>
    %eq3A_1591 = arith.cmpf oeq, %slice3A_1586, %eq3A_1590 : vector<8x1024xf32>
    %jit3A_1592 = arith.constant 1024 : i32
    %broadcast_in_dim3A_1593 = vector.broadcast %jit3A_1592 : i32 to vector<8x1024xi32>
    %select_n3A_1594 = arith.select %eq3A_1591, %add3A_1589, %broadcast_in_dim3A_1593 : vector<8x1024xi1>, vector<8x1024xi32>
    %min3A_1595 = arith.minsi %min3A_1573, %select_n3A_1594 : vector<8x1024xi32>
    %eq3A_1596 = vector.broadcast %broadcast_in_dim3A_830 : vector<1x1024xf32> to vector<8x1024xf32>
    %eq3A_1597 = arith.cmpf oeq, %slice3A_1586, %eq3A_1596 : vector<8x1024xf32>
    %jit3A_1598 = arith.constant 1024 : i32
    %broadcast_in_dim3A_1599 = vector.broadcast %jit3A_1598 : i32 to vector<8x1024xi32>
    %select_n3A_1600 = arith.select %eq3A_1597, %add3A_1589, %broadcast_in_dim3A_1599 : vector<8x1024xi1>, vector<8x1024xi32>
    %min3A_1601 = arith.minsi %min3A_1579, %select_n3A_1600 : vector<8x1024xi32>
    %eq3A_1602 = vector.broadcast %broadcast_in_dim3A_857 : vector<1x1024xf32> to vector<8x1024xf32>
    %eq3A_1603 = arith.cmpf oeq, %slice3A_1586, %eq3A_1602 : vector<8x1024xf32>
    %jit3A_1604 = arith.constant 1024 : i32
    %broadcast_in_dim3A_1605 = vector.broadcast %jit3A_1604 : i32 to vector<8x1024xi32>
    %select_n3A_1606 = arith.select %eq3A_1603, %add3A_1589, %broadcast_in_dim3A_1605 : vector<8x1024xi1>, vector<8x1024xi32>
    %min3A_1607 = arith.minsi %min3A_1585, %select_n3A_1606 : vector<8x1024xi32>
    %slice3A_1608 = vector.extract_strided_slice %sub3A_14 {offsets = [272, 0], sizes = [8, 1024], strides = [1, 1]} : vector<1024x1024xf32> to vector<8x1024xf32>
    %add3A_1609 = arith.constant 272 : i32
    %add3A_1610 = vector.broadcast %add3A_1609 : i32 to vector<8x1024xi32>
    %add3A_1611 = arith.addi %iota3A, %add3A_1610 : vector<8x1024xi32>
    %eq3A_1612 = vector.broadcast %broadcast_in_dim3A_804 : vector<1x1024xf32> to vector<8x1024xf32>
    %eq3A_1613 = arith.cmpf oeq, %slice3A_1608, %eq3A_1612 : vector<8x1024xf32>
    %jit3A_1614 = arith.constant 1024 : i32
    %broadcast_in_dim3A_1615 = vector.broadcast %jit3A_1614 : i32 to vector<8x1024xi32>
    %select_n3A_1616 = arith.select %eq3A_1613, %add3A_1611, %broadcast_in_dim3A_1615 : vector<8x1024xi1>, vector<8x1024xi32>
    %min3A_1617 = arith.minsi %min3A_1595, %select_n3A_1616 : vector<8x1024xi32>
    %eq3A_1618 = vector.broadcast %broadcast_in_dim3A_830 : vector<1x1024xf32> to vector<8x1024xf32>
    %eq3A_1619 = arith.cmpf oeq, %slice3A_1608, %eq3A_1618 : vector<8x1024xf32>
    %jit3A_1620 = arith.constant 1024 : i32
    %broadcast_in_dim3A_1621 = vector.broadcast %jit3A_1620 : i32 to vector<8x1024xi32>
    %select_n3A_1622 = arith.select %eq3A_1619, %add3A_1611, %broadcast_in_dim3A_1621 : vector<8x1024xi1>, vector<8x1024xi32>
    %min3A_1623 = arith.minsi %min3A_1601, %select_n3A_1622 : vector<8x1024xi32>
    %eq3A_1624 = vector.broadcast %broadcast_in_dim3A_857 : vector<1x1024xf32> to vector<8x1024xf32>
    %eq3A_1625 = arith.cmpf oeq, %slice3A_1608, %eq3A_1624 : vector<8x1024xf32>
    %jit3A_1626 = arith.constant 1024 : i32
    %broadcast_in_dim3A_1627 = vector.broadcast %jit3A_1626 : i32 to vector<8x1024xi32>
    %select_n3A_1628 = arith.select %eq3A_1625, %add3A_1611, %broadcast_in_dim3A_1627 : vector<8x1024xi1>, vector<8x1024xi32>
    %min3A_1629 = arith.minsi %min3A_1607, %select_n3A_1628 : vector<8x1024xi32>
    %slice3A_1630 = vector.extract_strided_slice %sub3A_14 {offsets = [280, 0], sizes = [8, 1024], strides = [1, 1]} : vector<1024x1024xf32> to vector<8x1024xf32>
    %add3A_1631 = arith.constant 280 : i32
    %add3A_1632 = vector.broadcast %add3A_1631 : i32 to vector<8x1024xi32>
    %add3A_1633 = arith.addi %iota3A, %add3A_1632 : vector<8x1024xi32>
    %eq3A_1634 = vector.broadcast %broadcast_in_dim3A_804 : vector<1x1024xf32> to vector<8x1024xf32>
    %eq3A_1635 = arith.cmpf oeq, %slice3A_1630, %eq3A_1634 : vector<8x1024xf32>
    %jit3A_1636 = arith.constant 1024 : i32
    %broadcast_in_dim3A_1637 = vector.broadcast %jit3A_1636 : i32 to vector<8x1024xi32>
    %select_n3A_1638 = arith.select %eq3A_1635, %add3A_1633, %broadcast_in_dim3A_1637 : vector<8x1024xi1>, vector<8x1024xi32>
    %min3A_1639 = arith.minsi %min3A_1617, %select_n3A_1638 : vector<8x1024xi32>
    %eq3A_1640 = vector.broadcast %broadcast_in_dim3A_830 : vector<1x1024xf32> to vector<8x1024xf32>
    %eq3A_1641 = arith.cmpf oeq, %slice3A_1630, %eq3A_1640 : vector<8x1024xf32>
    %jit3A_1642 = arith.constant 1024 : i32
    %broadcast_in_dim3A_1643 = vector.broadcast %jit3A_1642 : i32 to vector<8x1024xi32>
    %select_n3A_1644 = arith.select %eq3A_1641, %add3A_1633, %broadcast_in_dim3A_1643 : vector<8x1024xi1>, vector<8x1024xi32>
    %min3A_1645 = arith.minsi %min3A_1623, %select_n3A_1644 : vector<8x1024xi32>
    %eq3A_1646 = vector.broadcast %broadcast_in_dim3A_857 : vector<1x1024xf32> to vector<8x1024xf32>
    %eq3A_1647 = arith.cmpf oeq, %slice3A_1630, %eq3A_1646 : vector<8x1024xf32>
    %jit3A_1648 = arith.constant 1024 : i32
    %broadcast_in_dim3A_1649 = vector.broadcast %jit3A_1648 : i32 to vector<8x1024xi32>
    %select_n3A_1650 = arith.select %eq3A_1647, %add3A_1633, %broadcast_in_dim3A_1649 : vector<8x1024xi1>, vector<8x1024xi32>
    %min3A_1651 = arith.minsi %min3A_1629, %select_n3A_1650 : vector<8x1024xi32>
    %slice3A_1652 = vector.extract_strided_slice %sub3A_14 {offsets = [288, 0], sizes = [8, 1024], strides = [1, 1]} : vector<1024x1024xf32> to vector<8x1024xf32>
    %add3A_1653 = arith.constant 288 : i32
    %add3A_1654 = vector.broadcast %add3A_1653 : i32 to vector<8x1024xi32>
    %add3A_1655 = arith.addi %iota3A, %add3A_1654 : vector<8x1024xi32>
    %eq3A_1656 = vector.broadcast %broadcast_in_dim3A_804 : vector<1x1024xf32> to vector<8x1024xf32>
    %eq3A_1657 = arith.cmpf oeq, %slice3A_1652, %eq3A_1656 : vector<8x1024xf32>
    %jit3A_1658 = arith.constant 1024 : i32
    %broadcast_in_dim3A_1659 = vector.broadcast %jit3A_1658 : i32 to vector<8x1024xi32>
    %select_n3A_1660 = arith.select %eq3A_1657, %add3A_1655, %broadcast_in_dim3A_1659 : vector<8x1024xi1>, vector<8x1024xi32>
    %min3A_1661 = arith.minsi %min3A_1639, %select_n3A_1660 : vector<8x1024xi32>
    %eq3A_1662 = vector.broadcast %broadcast_in_dim3A_830 : vector<1x1024xf32> to vector<8x1024xf32>
    %eq3A_1663 = arith.cmpf oeq, %slice3A_1652, %eq3A_1662 : vector<8x1024xf32>
    %jit3A_1664 = arith.constant 1024 : i32
    %broadcast_in_dim3A_1665 = vector.broadcast %jit3A_1664 : i32 to vector<8x1024xi32>
    %select_n3A_1666 = arith.select %eq3A_1663, %add3A_1655, %broadcast_in_dim3A_1665 : vector<8x1024xi1>, vector<8x1024xi32>
    %min3A_1667 = arith.minsi %min3A_1645, %select_n3A_1666 : vector<8x1024xi32>
    %eq3A_1668 = vector.broadcast %broadcast_in_dim3A_857 : vector<1x1024xf32> to vector<8x1024xf32>
    %eq3A_1669 = arith.cmpf oeq, %slice3A_1652, %eq3A_1668 : vector<8x1024xf32>
    %jit3A_1670 = arith.constant 1024 : i32
    %broadcast_in_dim3A_1671 = vector.broadcast %jit3A_1670 : i32 to vector<8x1024xi32>
    %select_n3A_1672 = arith.select %eq3A_1669, %add3A_1655, %broadcast_in_dim3A_1671 : vector<8x1024xi1>, vector<8x1024xi32>
    %min3A_1673 = arith.minsi %min3A_1651, %select_n3A_1672 : vector<8x1024xi32>
    %slice3A_1674 = vector.extract_strided_slice %sub3A_14 {offsets = [296, 0], sizes = [8, 1024], strides = [1, 1]} : vector<1024x1024xf32> to vector<8x1024xf32>
    %add3A_1675 = arith.constant 296 : i32
    %add3A_1676 = vector.broadcast %add3A_1675 : i32 to vector<8x1024xi32>
    %add3A_1677 = arith.addi %iota3A, %add3A_1676 : vector<8x1024xi32>
    %eq3A_1678 = vector.broadcast %broadcast_in_dim3A_804 : vector<1x1024xf32> to vector<8x1024xf32>
    %eq3A_1679 = arith.cmpf oeq, %slice3A_1674, %eq3A_1678 : vector<8x1024xf32>
    %jit3A_1680 = arith.constant 1024 : i32
    %broadcast_in_dim3A_1681 = vector.broadcast %jit3A_1680 : i32 to vector<8x1024xi32>
    %select_n3A_1682 = arith.select %eq3A_1679, %add3A_1677, %broadcast_in_dim3A_1681 : vector<8x1024xi1>, vector<8x1024xi32>
    %min3A_1683 = arith.minsi %min3A_1661, %select_n3A_1682 : vector<8x1024xi32>
    %eq3A_1684 = vector.broadcast %broadcast_in_dim3A_830 : vector<1x1024xf32> to vector<8x1024xf32>
    %eq3A_1685 = arith.cmpf oeq, %slice3A_1674, %eq3A_1684 : vector<8x1024xf32>
    %jit3A_1686 = arith.constant 1024 : i32
    %broadcast_in_dim3A_1687 = vector.broadcast %jit3A_1686 : i32 to vector<8x1024xi32>
    %select_n3A_1688 = arith.select %eq3A_1685, %add3A_1677, %broadcast_in_dim3A_1687 : vector<8x1024xi1>, vector<8x1024xi32>
    %min3A_1689 = arith.minsi %min3A_1667, %select_n3A_1688 : vector<8x1024xi32>
    %eq3A_1690 = vector.broadcast %broadcast_in_dim3A_857 : vector<1x1024xf32> to vector<8x1024xf32>
    %eq3A_1691 = arith.cmpf oeq, %slice3A_1674, %eq3A_1690 : vector<8x1024xf32>
    %jit3A_1692 = arith.constant 1024 : i32
    %broadcast_in_dim3A_1693 = vector.broadcast %jit3A_1692 : i32 to vector<8x1024xi32>
    %select_n3A_1694 = arith.select %eq3A_1691, %add3A_1677, %broadcast_in_dim3A_1693 : vector<8x1024xi1>, vector<8x1024xi32>
    %min3A_1695 = arith.minsi %min3A_1673, %select_n3A_1694 : vector<8x1024xi32>
    %slice3A_1696 = vector.extract_strided_slice %sub3A_14 {offsets = [304, 0], sizes = [8, 1024], strides = [1, 1]} : vector<1024x1024xf32> to vector<8x1024xf32>
    %add3A_1697 = arith.constant 304 : i32
    %add3A_1698 = vector.broadcast %add3A_1697 : i32 to vector<8x1024xi32>
    %add3A_1699 = arith.addi %iota3A, %add3A_1698 : vector<8x1024xi32>
    %eq3A_1700 = vector.broadcast %broadcast_in_dim3A_804 : vector<1x1024xf32> to vector<8x1024xf32>
    %eq3A_1701 = arith.cmpf oeq, %slice3A_1696, %eq3A_1700 : vector<8x1024xf32>
    %jit3A_1702 = arith.constant 1024 : i32
    %broadcast_in_dim3A_1703 = vector.broadcast %jit3A_1702 : i32 to vector<8x1024xi32>
    %select_n3A_1704 = arith.select %eq3A_1701, %add3A_1699, %broadcast_in_dim3A_1703 : vector<8x1024xi1>, vector<8x1024xi32>
    %min3A_1705 = arith.minsi %min3A_1683, %select_n3A_1704 : vector<8x1024xi32>
    %eq3A_1706 = vector.broadcast %broadcast_in_dim3A_830 : vector<1x1024xf32> to vector<8x1024xf32>
    %eq3A_1707 = arith.cmpf oeq, %slice3A_1696, %eq3A_1706 : vector<8x1024xf32>
    %jit3A_1708 = arith.constant 1024 : i32
    %broadcast_in_dim3A_1709 = vector.broadcast %jit3A_1708 : i32 to vector<8x1024xi32>
    %select_n3A_1710 = arith.select %eq3A_1707, %add3A_1699, %broadcast_in_dim3A_1709 : vector<8x1024xi1>, vector<8x1024xi32>
    %min3A_1711 = arith.minsi %min3A_1689, %select_n3A_1710 : vector<8x1024xi32>
    %eq3A_1712 = vector.broadcast %broadcast_in_dim3A_857 : vector<1x1024xf32> to vector<8x1024xf32>
    %eq3A_1713 = arith.cmpf oeq, %slice3A_1696, %eq3A_1712 : vector<8x1024xf32>
    %jit3A_1714 = arith.constant 1024 : i32
    %broadcast_in_dim3A_1715 = vector.broadcast %jit3A_1714 : i32 to vector<8x1024xi32>
    %select_n3A_1716 = arith.select %eq3A_1713, %add3A_1699, %broadcast_in_dim3A_1715 : vector<8x1024xi1>, vector<8x1024xi32>
    %min3A_1717 = arith.minsi %min3A_1695, %select_n3A_1716 : vector<8x1024xi32>
    %slice3A_1718 = vector.extract_strided_slice %sub3A_14 {offsets = [312, 0], sizes = [8, 1024], strides = [1, 1]} : vector<1024x1024xf32> to vector<8x1024xf32>
    %add3A_1719 = arith.constant 312 : i32
    %add3A_1720 = vector.broadcast %add3A_1719 : i32 to vector<8x1024xi32>
    %add3A_1721 = arith.addi %iota3A, %add3A_1720 : vector<8x1024xi32>
    %eq3A_1722 = vector.broadcast %broadcast_in_dim3A_804 : vector<1x1024xf32> to vector<8x1024xf32>
    %eq3A_1723 = arith.cmpf oeq, %slice3A_1718, %eq3A_1722 : vector<8x1024xf32>
    %jit3A_1724 = arith.constant 1024 : i32
    %broadcast_in_dim3A_1725 = vector.broadcast %jit3A_1724 : i32 to vector<8x1024xi32>
    %select_n3A_1726 = arith.select %eq3A_1723, %add3A_1721, %broadcast_in_dim3A_1725 : vector<8x1024xi1>, vector<8x1024xi32>
    %min3A_1727 = arith.minsi %min3A_1705, %select_n3A_1726 : vector<8x1024xi32>
    %eq3A_1728 = vector.broadcast %broadcast_in_dim3A_830 : vector<1x1024xf32> to vector<8x1024xf32>
    %eq3A_1729 = arith.cmpf oeq, %slice3A_1718, %eq3A_1728 : vector<8x1024xf32>
    %jit3A_1730 = arith.constant 1024 : i32
    %broadcast_in_dim3A_1731 = vector.broadcast %jit3A_1730 : i32 to vector<8x1024xi32>
    %select_n3A_1732 = arith.select %eq3A_1729, %add3A_1721, %broadcast_in_dim3A_1731 : vector<8x1024xi1>, vector<8x1024xi32>
    %min3A_1733 = arith.minsi %min3A_1711, %select_n3A_1732 : vector<8x1024xi32>
    %eq3A_1734 = vector.broadcast %broadcast_in_dim3A_857 : vector<1x1024xf32> to vector<8x1024xf32>
    %eq3A_1735 = arith.cmpf oeq, %slice3A_1718, %eq3A_1734 : vector<8x1024xf32>
    %jit3A_1736 = arith.constant 1024 : i32
    %broadcast_in_dim3A_1737 = vector.broadcast %jit3A_1736 : i32 to vector<8x1024xi32>
    %select_n3A_1738 = arith.select %eq3A_1735, %add3A_1721, %broadcast_in_dim3A_1737 : vector<8x1024xi1>, vector<8x1024xi32>
    %min3A_1739 = arith.minsi %min3A_1717, %select_n3A_1738 : vector<8x1024xi32>
    %slice3A_1740 = vector.extract_strided_slice %sub3A_14 {offsets = [320, 0], sizes = [8, 1024], strides = [1, 1]} : vector<1024x1024xf32> to vector<8x1024xf32>
    %add3A_1741 = arith.constant 320 : i32
    %add3A_1742 = vector.broadcast %add3A_1741 : i32 to vector<8x1024xi32>
    %add3A_1743 = arith.addi %iota3A, %add3A_1742 : vector<8x1024xi32>
    %eq3A_1744 = vector.broadcast %broadcast_in_dim3A_804 : vector<1x1024xf32> to vector<8x1024xf32>
    %eq3A_1745 = arith.cmpf oeq, %slice3A_1740, %eq3A_1744 : vector<8x1024xf32>
    %jit3A_1746 = arith.constant 1024 : i32
    %broadcast_in_dim3A_1747 = vector.broadcast %jit3A_1746 : i32 to vector<8x1024xi32>
    %select_n3A_1748 = arith.select %eq3A_1745, %add3A_1743, %broadcast_in_dim3A_1747 : vector<8x1024xi1>, vector<8x1024xi32>
    %min3A_1749 = arith.minsi %min3A_1727, %select_n3A_1748 : vector<8x1024xi32>
    %eq3A_1750 = vector.broadcast %broadcast_in_dim3A_830 : vector<1x1024xf32> to vector<8x1024xf32>
    %eq3A_1751 = arith.cmpf oeq, %slice3A_1740, %eq3A_1750 : vector<8x1024xf32>
    %jit3A_1752 = arith.constant 1024 : i32
    %broadcast_in_dim3A_1753 = vector.broadcast %jit3A_1752 : i32 to vector<8x1024xi32>
    %select_n3A_1754 = arith.select %eq3A_1751, %add3A_1743, %broadcast_in_dim3A_1753 : vector<8x1024xi1>, vector<8x1024xi32>
    %min3A_1755 = arith.minsi %min3A_1733, %select_n3A_1754 : vector<8x1024xi32>
    %eq3A_1756 = vector.broadcast %broadcast_in_dim3A_857 : vector<1x1024xf32> to vector<8x1024xf32>
    %eq3A_1757 = arith.cmpf oeq, %slice3A_1740, %eq3A_1756 : vector<8x1024xf32>
    %jit3A_1758 = arith.constant 1024 : i32
    %broadcast_in_dim3A_1759 = vector.broadcast %jit3A_1758 : i32 to vector<8x1024xi32>
    %select_n3A_1760 = arith.select %eq3A_1757, %add3A_1743, %broadcast_in_dim3A_1759 : vector<8x1024xi1>, vector<8x1024xi32>
    %min3A_1761 = arith.minsi %min3A_1739, %select_n3A_1760 : vector<8x1024xi32>
    %slice3A_1762 = vector.extract_strided_slice %sub3A_14 {offsets = [328, 0], sizes = [8, 1024], strides = [1, 1]} : vector<1024x1024xf32> to vector<8x1024xf32>
    %add3A_1763 = arith.constant 328 : i32
    %add3A_1764 = vector.broadcast %add3A_1763 : i32 to vector<8x1024xi32>
    %add3A_1765 = arith.addi %iota3A, %add3A_1764 : vector<8x1024xi32>
    %eq3A_1766 = vector.broadcast %broadcast_in_dim3A_804 : vector<1x1024xf32> to vector<8x1024xf32>
    %eq3A_1767 = arith.cmpf oeq, %slice3A_1762, %eq3A_1766 : vector<8x1024xf32>
    %jit3A_1768 = arith.constant 1024 : i32
    %broadcast_in_dim3A_1769 = vector.broadcast %jit3A_1768 : i32 to vector<8x1024xi32>
    %select_n3A_1770 = arith.select %eq3A_1767, %add3A_1765, %broadcast_in_dim3A_1769 : vector<8x1024xi1>, vector<8x1024xi32>
    %min3A_1771 = arith.minsi %min3A_1749, %select_n3A_1770 : vector<8x1024xi32>
    %eq3A_1772 = vector.broadcast %broadcast_in_dim3A_830 : vector<1x1024xf32> to vector<8x1024xf32>
    %eq3A_1773 = arith.cmpf oeq, %slice3A_1762, %eq3A_1772 : vector<8x1024xf32>
    %jit3A_1774 = arith.constant 1024 : i32
    %broadcast_in_dim3A_1775 = vector.broadcast %jit3A_1774 : i32 to vector<8x1024xi32>
    %select_n3A_1776 = arith.select %eq3A_1773, %add3A_1765, %broadcast_in_dim3A_1775 : vector<8x1024xi1>, vector<8x1024xi32>
    %min3A_1777 = arith.minsi %min3A_1755, %select_n3A_1776 : vector<8x1024xi32>
    %eq3A_1778 = vector.broadcast %broadcast_in_dim3A_857 : vector<1x1024xf32> to vector<8x1024xf32>
    %eq3A_1779 = arith.cmpf oeq, %slice3A_1762, %eq3A_1778 : vector<8x1024xf32>
    %jit3A_1780 = arith.constant 1024 : i32
    %broadcast_in_dim3A_1781 = vector.broadcast %jit3A_1780 : i32 to vector<8x1024xi32>
    %select_n3A_1782 = arith.select %eq3A_1779, %add3A_1765, %broadcast_in_dim3A_1781 : vector<8x1024xi1>, vector<8x1024xi32>
    %min3A_1783 = arith.minsi %min3A_1761, %select_n3A_1782 : vector<8x1024xi32>
    %slice3A_1784 = vector.extract_strided_slice %sub3A_14 {offsets = [336, 0], sizes = [8, 1024], strides = [1, 1]} : vector<1024x1024xf32> to vector<8x1024xf32>
    %add3A_1785 = arith.constant 336 : i32
    %add3A_1786 = vector.broadcast %add3A_1785 : i32 to vector<8x1024xi32>
    %add3A_1787 = arith.addi %iota3A, %add3A_1786 : vector<8x1024xi32>
    %eq3A_1788 = vector.broadcast %broadcast_in_dim3A_804 : vector<1x1024xf32> to vector<8x1024xf32>
    %eq3A_1789 = arith.cmpf oeq, %slice3A_1784, %eq3A_1788 : vector<8x1024xf32>
    %jit3A_1790 = arith.constant 1024 : i32
    %broadcast_in_dim3A_1791 = vector.broadcast %jit3A_1790 : i32 to vector<8x1024xi32>
    %select_n3A_1792 = arith.select %eq3A_1789, %add3A_1787, %broadcast_in_dim3A_1791 : vector<8x1024xi1>, vector<8x1024xi32>
    %min3A_1793 = arith.minsi %min3A_1771, %select_n3A_1792 : vector<8x1024xi32>
    %eq3A_1794 = vector.broadcast %broadcast_in_dim3A_830 : vector<1x1024xf32> to vector<8x1024xf32>
    %eq3A_1795 = arith.cmpf oeq, %slice3A_1784, %eq3A_1794 : vector<8x1024xf32>
    %jit3A_1796 = arith.constant 1024 : i32
    %broadcast_in_dim3A_1797 = vector.broadcast %jit3A_1796 : i32 to vector<8x1024xi32>
    %select_n3A_1798 = arith.select %eq3A_1795, %add3A_1787, %broadcast_in_dim3A_1797 : vector<8x1024xi1>, vector<8x1024xi32>
    %min3A_1799 = arith.minsi %min3A_1777, %select_n3A_1798 : vector<8x1024xi32>
    %eq3A_1800 = vector.broadcast %broadcast_in_dim3A_857 : vector<1x1024xf32> to vector<8x1024xf32>
    %eq3A_1801 = arith.cmpf oeq, %slice3A_1784, %eq3A_1800 : vector<8x1024xf32>
    %jit3A_1802 = arith.constant 1024 : i32
    %broadcast_in_dim3A_1803 = vector.broadcast %jit3A_1802 : i32 to vector<8x1024xi32>
    %select_n3A_1804 = arith.select %eq3A_1801, %add3A_1787, %broadcast_in_dim3A_1803 : vector<8x1024xi1>, vector<8x1024xi32>
    %min3A_1805 = arith.minsi %min3A_1783, %select_n3A_1804 : vector<8x1024xi32>
    %slice3A_1806 = vector.extract_strided_slice %sub3A_14 {offsets = [344, 0], sizes = [8, 1024], strides = [1, 1]} : vector<1024x1024xf32> to vector<8x1024xf32>
    %add3A_1807 = arith.constant 344 : i32
    %add3A_1808 = vector.broadcast %add3A_1807 : i32 to vector<8x1024xi32>
    %add3A_1809 = arith.addi %iota3A, %add3A_1808 : vector<8x1024xi32>
    %eq3A_1810 = vector.broadcast %broadcast_in_dim3A_804 : vector<1x1024xf32> to vector<8x1024xf32>
    %eq3A_1811 = arith.cmpf oeq, %slice3A_1806, %eq3A_1810 : vector<8x1024xf32>
    %jit3A_1812 = arith.constant 1024 : i32
    %broadcast_in_dim3A_1813 = vector.broadcast %jit3A_1812 : i32 to vector<8x1024xi32>
    %select_n3A_1814 = arith.select %eq3A_1811, %add3A_1809, %broadcast_in_dim3A_1813 : vector<8x1024xi1>, vector<8x1024xi32>
    %min3A_1815 = arith.minsi %min3A_1793, %select_n3A_1814 : vector<8x1024xi32>
    %eq3A_1816 = vector.broadcast %broadcast_in_dim3A_830 : vector<1x1024xf32> to vector<8x1024xf32>
    %eq3A_1817 = arith.cmpf oeq, %slice3A_1806, %eq3A_1816 : vector<8x1024xf32>
    %jit3A_1818 = arith.constant 1024 : i32
    %broadcast_in_dim3A_1819 = vector.broadcast %jit3A_1818 : i32 to vector<8x1024xi32>
    %select_n3A_1820 = arith.select %eq3A_1817, %add3A_1809, %broadcast_in_dim3A_1819 : vector<8x1024xi1>, vector<8x1024xi32>
    %min3A_1821 = arith.minsi %min3A_1799, %select_n3A_1820 : vector<8x1024xi32>
    %eq3A_1822 = vector.broadcast %broadcast_in_dim3A_857 : vector<1x1024xf32> to vector<8x1024xf32>
    %eq3A_1823 = arith.cmpf oeq, %slice3A_1806, %eq3A_1822 : vector<8x1024xf32>
    %jit3A_1824 = arith.constant 1024 : i32
    %broadcast_in_dim3A_1825 = vector.broadcast %jit3A_1824 : i32 to vector<8x1024xi32>
    %select_n3A_1826 = arith.select %eq3A_1823, %add3A_1809, %broadcast_in_dim3A_1825 : vector<8x1024xi1>, vector<8x1024xi32>
    %min3A_1827 = arith.minsi %min3A_1805, %select_n3A_1826 : vector<8x1024xi32>
    %slice3A_1828 = vector.extract_strided_slice %sub3A_14 {offsets = [352, 0], sizes = [8, 1024], strides = [1, 1]} : vector<1024x1024xf32> to vector<8x1024xf32>
    %add3A_1829 = arith.constant 352 : i32
    %add3A_1830 = vector.broadcast %add3A_1829 : i32 to vector<8x1024xi32>
    %add3A_1831 = arith.addi %iota3A, %add3A_1830 : vector<8x1024xi32>
    %eq3A_1832 = vector.broadcast %broadcast_in_dim3A_804 : vector<1x1024xf32> to vector<8x1024xf32>
    %eq3A_1833 = arith.cmpf oeq, %slice3A_1828, %eq3A_1832 : vector<8x1024xf32>
    %jit3A_1834 = arith.constant 1024 : i32
    %broadcast_in_dim3A_1835 = vector.broadcast %jit3A_1834 : i32 to vector<8x1024xi32>
    %select_n3A_1836 = arith.select %eq3A_1833, %add3A_1831, %broadcast_in_dim3A_1835 : vector<8x1024xi1>, vector<8x1024xi32>
    %min3A_1837 = arith.minsi %min3A_1815, %select_n3A_1836 : vector<8x1024xi32>
    %eq3A_1838 = vector.broadcast %broadcast_in_dim3A_830 : vector<1x1024xf32> to vector<8x1024xf32>
    %eq3A_1839 = arith.cmpf oeq, %slice3A_1828, %eq3A_1838 : vector<8x1024xf32>
    %jit3A_1840 = arith.constant 1024 : i32
    %broadcast_in_dim3A_1841 = vector.broadcast %jit3A_1840 : i32 to vector<8x1024xi32>
    %select_n3A_1842 = arith.select %eq3A_1839, %add3A_1831, %broadcast_in_dim3A_1841 : vector<8x1024xi1>, vector<8x1024xi32>
    %min3A_1843 = arith.minsi %min3A_1821, %select_n3A_1842 : vector<8x1024xi32>
    %eq3A_1844 = vector.broadcast %broadcast_in_dim3A_857 : vector<1x1024xf32> to vector<8x1024xf32>
    %eq3A_1845 = arith.cmpf oeq, %slice3A_1828, %eq3A_1844 : vector<8x1024xf32>
    %jit3A_1846 = arith.constant 1024 : i32
    %broadcast_in_dim3A_1847 = vector.broadcast %jit3A_1846 : i32 to vector<8x1024xi32>
    %select_n3A_1848 = arith.select %eq3A_1845, %add3A_1831, %broadcast_in_dim3A_1847 : vector<8x1024xi1>, vector<8x1024xi32>
    %min3A_1849 = arith.minsi %min3A_1827, %select_n3A_1848 : vector<8x1024xi32>
    %slice3A_1850 = vector.extract_strided_slice %sub3A_14 {offsets = [360, 0], sizes = [8, 1024], strides = [1, 1]} : vector<1024x1024xf32> to vector<8x1024xf32>
    %add3A_1851 = arith.constant 360 : i32
    %add3A_1852 = vector.broadcast %add3A_1851 : i32 to vector<8x1024xi32>
    %add3A_1853 = arith.addi %iota3A, %add3A_1852 : vector<8x1024xi32>
    %eq3A_1854 = vector.broadcast %broadcast_in_dim3A_804 : vector<1x1024xf32> to vector<8x1024xf32>
    %eq3A_1855 = arith.cmpf oeq, %slice3A_1850, %eq3A_1854 : vector<8x1024xf32>
    %jit3A_1856 = arith.constant 1024 : i32
    %broadcast_in_dim3A_1857 = vector.broadcast %jit3A_1856 : i32 to vector<8x1024xi32>
    %select_n3A_1858 = arith.select %eq3A_1855, %add3A_1853, %broadcast_in_dim3A_1857 : vector<8x1024xi1>, vector<8x1024xi32>
    %min3A_1859 = arith.minsi %min3A_1837, %select_n3A_1858 : vector<8x1024xi32>
    %eq3A_1860 = vector.broadcast %broadcast_in_dim3A_830 : vector<1x1024xf32> to vector<8x1024xf32>
    %eq3A_1861 = arith.cmpf oeq, %slice3A_1850, %eq3A_1860 : vector<8x1024xf32>
    %jit3A_1862 = arith.constant 1024 : i32
    %broadcast_in_dim3A_1863 = vector.broadcast %jit3A_1862 : i32 to vector<8x1024xi32>
    %select_n3A_1864 = arith.select %eq3A_1861, %add3A_1853, %broadcast_in_dim3A_1863 : vector<8x1024xi1>, vector<8x1024xi32>
    %min3A_1865 = arith.minsi %min3A_1843, %select_n3A_1864 : vector<8x1024xi32>
    %eq3A_1866 = vector.broadcast %broadcast_in_dim3A_857 : vector<1x1024xf32> to vector<8x1024xf32>
    %eq3A_1867 = arith.cmpf oeq, %slice3A_1850, %eq3A_1866 : vector<8x1024xf32>
    %jit3A_1868 = arith.constant 1024 : i32
    %broadcast_in_dim3A_1869 = vector.broadcast %jit3A_1868 : i32 to vector<8x1024xi32>
    %select_n3A_1870 = arith.select %eq3A_1867, %add3A_1853, %broadcast_in_dim3A_1869 : vector<8x1024xi1>, vector<8x1024xi32>
    %min3A_1871 = arith.minsi %min3A_1849, %select_n3A_1870 : vector<8x1024xi32>
    %slice3A_1872 = vector.extract_strided_slice %sub3A_14 {offsets = [368, 0], sizes = [8, 1024], strides = [1, 1]} : vector<1024x1024xf32> to vector<8x1024xf32>
    %add3A_1873 = arith.constant 368 : i32
    %add3A_1874 = vector.broadcast %add3A_1873 : i32 to vector<8x1024xi32>
    %add3A_1875 = arith.addi %iota3A, %add3A_1874 : vector<8x1024xi32>
    %eq3A_1876 = vector.broadcast %broadcast_in_dim3A_804 : vector<1x1024xf32> to vector<8x1024xf32>
    %eq3A_1877 = arith.cmpf oeq, %slice3A_1872, %eq3A_1876 : vector<8x1024xf32>
    %jit3A_1878 = arith.constant 1024 : i32
    %broadcast_in_dim3A_1879 = vector.broadcast %jit3A_1878 : i32 to vector<8x1024xi32>
    %select_n3A_1880 = arith.select %eq3A_1877, %add3A_1875, %broadcast_in_dim3A_1879 : vector<8x1024xi1>, vector<8x1024xi32>
    %min3A_1881 = arith.minsi %min3A_1859, %select_n3A_1880 : vector<8x1024xi32>
    %eq3A_1882 = vector.broadcast %broadcast_in_dim3A_830 : vector<1x1024xf32> to vector<8x1024xf32>
    %eq3A_1883 = arith.cmpf oeq, %slice3A_1872, %eq3A_1882 : vector<8x1024xf32>
    %jit3A_1884 = arith.constant 1024 : i32
    %broadcast_in_dim3A_1885 = vector.broadcast %jit3A_1884 : i32 to vector<8x1024xi32>
    %select_n3A_1886 = arith.select %eq3A_1883, %add3A_1875, %broadcast_in_dim3A_1885 : vector<8x1024xi1>, vector<8x1024xi32>
    %min3A_1887 = arith.minsi %min3A_1865, %select_n3A_1886 : vector<8x1024xi32>
    %eq3A_1888 = vector.broadcast %broadcast_in_dim3A_857 : vector<1x1024xf32> to vector<8x1024xf32>
    %eq3A_1889 = arith.cmpf oeq, %slice3A_1872, %eq3A_1888 : vector<8x1024xf32>
    %jit3A_1890 = arith.constant 1024 : i32
    %broadcast_in_dim3A_1891 = vector.broadcast %jit3A_1890 : i32 to vector<8x1024xi32>
    %select_n3A_1892 = arith.select %eq3A_1889, %add3A_1875, %broadcast_in_dim3A_1891 : vector<8x1024xi1>, vector<8x1024xi32>
    %min3A_1893 = arith.minsi %min3A_1871, %select_n3A_1892 : vector<8x1024xi32>
    %slice3A_1894 = vector.extract_strided_slice %sub3A_14 {offsets = [376, 0], sizes = [8, 1024], strides = [1, 1]} : vector<1024x1024xf32> to vector<8x1024xf32>
    %add3A_1895 = arith.constant 376 : i32
    %add3A_1896 = vector.broadcast %add3A_1895 : i32 to vector<8x1024xi32>
    %add3A_1897 = arith.addi %iota3A, %add3A_1896 : vector<8x1024xi32>
    %eq3A_1898 = vector.broadcast %broadcast_in_dim3A_804 : vector<1x1024xf32> to vector<8x1024xf32>
    %eq3A_1899 = arith.cmpf oeq, %slice3A_1894, %eq3A_1898 : vector<8x1024xf32>
    %jit3A_1900 = arith.constant 1024 : i32
    %broadcast_in_dim3A_1901 = vector.broadcast %jit3A_1900 : i32 to vector<8x1024xi32>
    %select_n3A_1902 = arith.select %eq3A_1899, %add3A_1897, %broadcast_in_dim3A_1901 : vector<8x1024xi1>, vector<8x1024xi32>
    %min3A_1903 = arith.minsi %min3A_1881, %select_n3A_1902 : vector<8x1024xi32>
    %eq3A_1904 = vector.broadcast %broadcast_in_dim3A_830 : vector<1x1024xf32> to vector<8x1024xf32>
    %eq3A_1905 = arith.cmpf oeq, %slice3A_1894, %eq3A_1904 : vector<8x1024xf32>
    %jit3A_1906 = arith.constant 1024 : i32
    %broadcast_in_dim3A_1907 = vector.broadcast %jit3A_1906 : i32 to vector<8x1024xi32>
    %select_n3A_1908 = arith.select %eq3A_1905, %add3A_1897, %broadcast_in_dim3A_1907 : vector<8x1024xi1>, vector<8x1024xi32>
    %min3A_1909 = arith.minsi %min3A_1887, %select_n3A_1908 : vector<8x1024xi32>
    %eq3A_1910 = vector.broadcast %broadcast_in_dim3A_857 : vector<1x1024xf32> to vector<8x1024xf32>
    %eq3A_1911 = arith.cmpf oeq, %slice3A_1894, %eq3A_1910 : vector<8x1024xf32>
    %jit3A_1912 = arith.constant 1024 : i32
    %broadcast_in_dim3A_1913 = vector.broadcast %jit3A_1912 : i32 to vector<8x1024xi32>
    %select_n3A_1914 = arith.select %eq3A_1911, %add3A_1897, %broadcast_in_dim3A_1913 : vector<8x1024xi1>, vector<8x1024xi32>
    %min3A_1915 = arith.minsi %min3A_1893, %select_n3A_1914 : vector<8x1024xi32>
    %slice3A_1916 = vector.extract_strided_slice %sub3A_14 {offsets = [384, 0], sizes = [8, 1024], strides = [1, 1]} : vector<1024x1024xf32> to vector<8x1024xf32>
    %add3A_1917 = arith.constant 384 : i32
    %add3A_1918 = vector.broadcast %add3A_1917 : i32 to vector<8x1024xi32>
    %add3A_1919 = arith.addi %iota3A, %add3A_1918 : vector<8x1024xi32>
    %eq3A_1920 = vector.broadcast %broadcast_in_dim3A_804 : vector<1x1024xf32> to vector<8x1024xf32>
    %eq3A_1921 = arith.cmpf oeq, %slice3A_1916, %eq3A_1920 : vector<8x1024xf32>
    %jit3A_1922 = arith.constant 1024 : i32
    %broadcast_in_dim3A_1923 = vector.broadcast %jit3A_1922 : i32 to vector<8x1024xi32>
    %select_n3A_1924 = arith.select %eq3A_1921, %add3A_1919, %broadcast_in_dim3A_1923 : vector<8x1024xi1>, vector<8x1024xi32>
    %min3A_1925 = arith.minsi %min3A_1903, %select_n3A_1924 : vector<8x1024xi32>
    %eq3A_1926 = vector.broadcast %broadcast_in_dim3A_830 : vector<1x1024xf32> to vector<8x1024xf32>
    %eq3A_1927 = arith.cmpf oeq, %slice3A_1916, %eq3A_1926 : vector<8x1024xf32>
    %jit3A_1928 = arith.constant 1024 : i32
    %broadcast_in_dim3A_1929 = vector.broadcast %jit3A_1928 : i32 to vector<8x1024xi32>
    %select_n3A_1930 = arith.select %eq3A_1927, %add3A_1919, %broadcast_in_dim3A_1929 : vector<8x1024xi1>, vector<8x1024xi32>
    %min3A_1931 = arith.minsi %min3A_1909, %select_n3A_1930 : vector<8x1024xi32>
    %eq3A_1932 = vector.broadcast %broadcast_in_dim3A_857 : vector<1x1024xf32> to vector<8x1024xf32>
    %eq3A_1933 = arith.cmpf oeq, %slice3A_1916, %eq3A_1932 : vector<8x1024xf32>
    %jit3A_1934 = arith.constant 1024 : i32
    %broadcast_in_dim3A_1935 = vector.broadcast %jit3A_1934 : i32 to vector<8x1024xi32>
    %select_n3A_1936 = arith.select %eq3A_1933, %add3A_1919, %broadcast_in_dim3A_1935 : vector<8x1024xi1>, vector<8x1024xi32>
    %min3A_1937 = arith.minsi %min3A_1915, %select_n3A_1936 : vector<8x1024xi32>
    %slice3A_1938 = vector.extract_strided_slice %sub3A_14 {offsets = [392, 0], sizes = [8, 1024], strides = [1, 1]} : vector<1024x1024xf32> to vector<8x1024xf32>
    %add3A_1939 = arith.constant 392 : i32
    %add3A_1940 = vector.broadcast %add3A_1939 : i32 to vector<8x1024xi32>
    %add3A_1941 = arith.addi %iota3A, %add3A_1940 : vector<8x1024xi32>
    %eq3A_1942 = vector.broadcast %broadcast_in_dim3A_804 : vector<1x1024xf32> to vector<8x1024xf32>
    %eq3A_1943 = arith.cmpf oeq, %slice3A_1938, %eq3A_1942 : vector<8x1024xf32>
    %jit3A_1944 = arith.constant 1024 : i32
    %broadcast_in_dim3A_1945 = vector.broadcast %jit3A_1944 : i32 to vector<8x1024xi32>
    %select_n3A_1946 = arith.select %eq3A_1943, %add3A_1941, %broadcast_in_dim3A_1945 : vector<8x1024xi1>, vector<8x1024xi32>
    %min3A_1947 = arith.minsi %min3A_1925, %select_n3A_1946 : vector<8x1024xi32>
    %eq3A_1948 = vector.broadcast %broadcast_in_dim3A_830 : vector<1x1024xf32> to vector<8x1024xf32>
    %eq3A_1949 = arith.cmpf oeq, %slice3A_1938, %eq3A_1948 : vector<8x1024xf32>
    %jit3A_1950 = arith.constant 1024 : i32
    %broadcast_in_dim3A_1951 = vector.broadcast %jit3A_1950 : i32 to vector<8x1024xi32>
    %select_n3A_1952 = arith.select %eq3A_1949, %add3A_1941, %broadcast_in_dim3A_1951 : vector<8x1024xi1>, vector<8x1024xi32>
    %min3A_1953 = arith.minsi %min3A_1931, %select_n3A_1952 : vector<8x1024xi32>
    %eq3A_1954 = vector.broadcast %broadcast_in_dim3A_857 : vector<1x1024xf32> to vector<8x1024xf32>
    %eq3A_1955 = arith.cmpf oeq, %slice3A_1938, %eq3A_1954 : vector<8x1024xf32>
    %jit3A_1956 = arith.constant 1024 : i32
    %broadcast_in_dim3A_1957 = vector.broadcast %jit3A_1956 : i32 to vector<8x1024xi32>
    %select_n3A_1958 = arith.select %eq3A_1955, %add3A_1941, %broadcast_in_dim3A_1957 : vector<8x1024xi1>, vector<8x1024xi32>
    %min3A_1959 = arith.minsi %min3A_1937, %select_n3A_1958 : vector<8x1024xi32>
    %slice3A_1960 = vector.extract_strided_slice %sub3A_14 {offsets = [400, 0], sizes = [8, 1024], strides = [1, 1]} : vector<1024x1024xf32> to vector<8x1024xf32>
    %add3A_1961 = arith.constant 400 : i32
    %add3A_1962 = vector.broadcast %add3A_1961 : i32 to vector<8x1024xi32>
    %add3A_1963 = arith.addi %iota3A, %add3A_1962 : vector<8x1024xi32>
    %eq3A_1964 = vector.broadcast %broadcast_in_dim3A_804 : vector<1x1024xf32> to vector<8x1024xf32>
    %eq3A_1965 = arith.cmpf oeq, %slice3A_1960, %eq3A_1964 : vector<8x1024xf32>
    %jit3A_1966 = arith.constant 1024 : i32
    %broadcast_in_dim3A_1967 = vector.broadcast %jit3A_1966 : i32 to vector<8x1024xi32>
    %select_n3A_1968 = arith.select %eq3A_1965, %add3A_1963, %broadcast_in_dim3A_1967 : vector<8x1024xi1>, vector<8x1024xi32>
    %min3A_1969 = arith.minsi %min3A_1947, %select_n3A_1968 : vector<8x1024xi32>
    %eq3A_1970 = vector.broadcast %broadcast_in_dim3A_830 : vector<1x1024xf32> to vector<8x1024xf32>
    %eq3A_1971 = arith.cmpf oeq, %slice3A_1960, %eq3A_1970 : vector<8x1024xf32>
    %jit3A_1972 = arith.constant 1024 : i32
    %broadcast_in_dim3A_1973 = vector.broadcast %jit3A_1972 : i32 to vector<8x1024xi32>
    %select_n3A_1974 = arith.select %eq3A_1971, %add3A_1963, %broadcast_in_dim3A_1973 : vector<8x1024xi1>, vector<8x1024xi32>
    %min3A_1975 = arith.minsi %min3A_1953, %select_n3A_1974 : vector<8x1024xi32>
    %eq3A_1976 = vector.broadcast %broadcast_in_dim3A_857 : vector<1x1024xf32> to vector<8x1024xf32>
    %eq3A_1977 = arith.cmpf oeq, %slice3A_1960, %eq3A_1976 : vector<8x1024xf32>
    %jit3A_1978 = arith.constant 1024 : i32
    %broadcast_in_dim3A_1979 = vector.broadcast %jit3A_1978 : i32 to vector<8x1024xi32>
    %select_n3A_1980 = arith.select %eq3A_1977, %add3A_1963, %broadcast_in_dim3A_1979 : vector<8x1024xi1>, vector<8x1024xi32>
    %min3A_1981 = arith.minsi %min3A_1959, %select_n3A_1980 : vector<8x1024xi32>
    %slice3A_1982 = vector.extract_strided_slice %sub3A_14 {offsets = [408, 0], sizes = [8, 1024], strides = [1, 1]} : vector<1024x1024xf32> to vector<8x1024xf32>
    %add3A_1983 = arith.constant 408 : i32
    %add3A_1984 = vector.broadcast %add3A_1983 : i32 to vector<8x1024xi32>
    %add3A_1985 = arith.addi %iota3A, %add3A_1984 : vector<8x1024xi32>
    %eq3A_1986 = vector.broadcast %broadcast_in_dim3A_804 : vector<1x1024xf32> to vector<8x1024xf32>
    %eq3A_1987 = arith.cmpf oeq, %slice3A_1982, %eq3A_1986 : vector<8x1024xf32>
    %jit3A_1988 = arith.constant 1024 : i32
    %broadcast_in_dim3A_1989 = vector.broadcast %jit3A_1988 : i32 to vector<8x1024xi32>
    %select_n3A_1990 = arith.select %eq3A_1987, %add3A_1985, %broadcast_in_dim3A_1989 : vector<8x1024xi1>, vector<8x1024xi32>
    %min3A_1991 = arith.minsi %min3A_1969, %select_n3A_1990 : vector<8x1024xi32>
    %eq3A_1992 = vector.broadcast %broadcast_in_dim3A_830 : vector<1x1024xf32> to vector<8x1024xf32>
    %eq3A_1993 = arith.cmpf oeq, %slice3A_1982, %eq3A_1992 : vector<8x1024xf32>
    %jit3A_1994 = arith.constant 1024 : i32
    %broadcast_in_dim3A_1995 = vector.broadcast %jit3A_1994 : i32 to vector<8x1024xi32>
    %select_n3A_1996 = arith.select %eq3A_1993, %add3A_1985, %broadcast_in_dim3A_1995 : vector<8x1024xi1>, vector<8x1024xi32>
    %min3A_1997 = arith.minsi %min3A_1975, %select_n3A_1996 : vector<8x1024xi32>
    %eq3A_1998 = vector.broadcast %broadcast_in_dim3A_857 : vector<1x1024xf32> to vector<8x1024xf32>
    %eq3A_1999 = arith.cmpf oeq, %slice3A_1982, %eq3A_1998 : vector<8x1024xf32>
    %jit3A_2000 = arith.constant 1024 : i32
    %broadcast_in_dim3A_2001 = vector.broadcast %jit3A_2000 : i32 to vector<8x1024xi32>
    %select_n3A_2002 = arith.select %eq3A_1999, %add3A_1985, %broadcast_in_dim3A_2001 : vector<8x1024xi1>, vector<8x1024xi32>
    %min3A_2003 = arith.minsi %min3A_1981, %select_n3A_2002 : vector<8x1024xi32>
    %slice3A_2004 = vector.extract_strided_slice %sub3A_14 {offsets = [416, 0], sizes = [8, 1024], strides = [1, 1]} : vector<1024x1024xf32> to vector<8x1024xf32>
    %add3A_2005 = arith.constant 416 : i32
    %add3A_2006 = vector.broadcast %add3A_2005 : i32 to vector<8x1024xi32>
    %add3A_2007 = arith.addi %iota3A, %add3A_2006 : vector<8x1024xi32>
    %eq3A_2008 = vector.broadcast %broadcast_in_dim3A_804 : vector<1x1024xf32> to vector<8x1024xf32>
    %eq3A_2009 = arith.cmpf oeq, %slice3A_2004, %eq3A_2008 : vector<8x1024xf32>
    %jit3A_2010 = arith.constant 1024 : i32
    %broadcast_in_dim3A_2011 = vector.broadcast %jit3A_2010 : i32 to vector<8x1024xi32>
    %select_n3A_2012 = arith.select %eq3A_2009, %add3A_2007, %broadcast_in_dim3A_2011 : vector<8x1024xi1>, vector<8x1024xi32>
    %min3A_2013 = arith.minsi %min3A_1991, %select_n3A_2012 : vector<8x1024xi32>
    %eq3A_2014 = vector.broadcast %broadcast_in_dim3A_830 : vector<1x1024xf32> to vector<8x1024xf32>
    %eq3A_2015 = arith.cmpf oeq, %slice3A_2004, %eq3A_2014 : vector<8x1024xf32>
    %jit3A_2016 = arith.constant 1024 : i32
    %broadcast_in_dim3A_2017 = vector.broadcast %jit3A_2016 : i32 to vector<8x1024xi32>
    %select_n3A_2018 = arith.select %eq3A_2015, %add3A_2007, %broadcast_in_dim3A_2017 : vector<8x1024xi1>, vector<8x1024xi32>
    %min3A_2019 = arith.minsi %min3A_1997, %select_n3A_2018 : vector<8x1024xi32>
    %eq3A_2020 = vector.broadcast %broadcast_in_dim3A_857 : vector<1x1024xf32> to vector<8x1024xf32>
    %eq3A_2021 = arith.cmpf oeq, %slice3A_2004, %eq3A_2020 : vector<8x1024xf32>
    %jit3A_2022 = arith.constant 1024 : i32
    %broadcast_in_dim3A_2023 = vector.broadcast %jit3A_2022 : i32 to vector<8x1024xi32>
    %select_n3A_2024 = arith.select %eq3A_2021, %add3A_2007, %broadcast_in_dim3A_2023 : vector<8x1024xi1>, vector<8x1024xi32>
    %min3A_2025 = arith.minsi %min3A_2003, %select_n3A_2024 : vector<8x1024xi32>
    %slice3A_2026 = vector.extract_strided_slice %sub3A_14 {offsets = [424, 0], sizes = [8, 1024], strides = [1, 1]} : vector<1024x1024xf32> to vector<8x1024xf32>
    %add3A_2027 = arith.constant 424 : i32
    %add3A_2028 = vector.broadcast %add3A_2027 : i32 to vector<8x1024xi32>
    %add3A_2029 = arith.addi %iota3A, %add3A_2028 : vector<8x1024xi32>
    %eq3A_2030 = vector.broadcast %broadcast_in_dim3A_804 : vector<1x1024xf32> to vector<8x1024xf32>
    %eq3A_2031 = arith.cmpf oeq, %slice3A_2026, %eq3A_2030 : vector<8x1024xf32>
    %jit3A_2032 = arith.constant 1024 : i32
    %broadcast_in_dim3A_2033 = vector.broadcast %jit3A_2032 : i32 to vector<8x1024xi32>
    %select_n3A_2034 = arith.select %eq3A_2031, %add3A_2029, %broadcast_in_dim3A_2033 : vector<8x1024xi1>, vector<8x1024xi32>
    %min3A_2035 = arith.minsi %min3A_2013, %select_n3A_2034 : vector<8x1024xi32>
    %eq3A_2036 = vector.broadcast %broadcast_in_dim3A_830 : vector<1x1024xf32> to vector<8x1024xf32>
    %eq3A_2037 = arith.cmpf oeq, %slice3A_2026, %eq3A_2036 : vector<8x1024xf32>
    %jit3A_2038 = arith.constant 1024 : i32
    %broadcast_in_dim3A_2039 = vector.broadcast %jit3A_2038 : i32 to vector<8x1024xi32>
    %select_n3A_2040 = arith.select %eq3A_2037, %add3A_2029, %broadcast_in_dim3A_2039 : vector<8x1024xi1>, vector<8x1024xi32>
    %min3A_2041 = arith.minsi %min3A_2019, %select_n3A_2040 : vector<8x1024xi32>
    %eq3A_2042 = vector.broadcast %broadcast_in_dim3A_857 : vector<1x1024xf32> to vector<8x1024xf32>
    %eq3A_2043 = arith.cmpf oeq, %slice3A_2026, %eq3A_2042 : vector<8x1024xf32>
    %jit3A_2044 = arith.constant 1024 : i32
    %broadcast_in_dim3A_2045 = vector.broadcast %jit3A_2044 : i32 to vector<8x1024xi32>
    %select_n3A_2046 = arith.select %eq3A_2043, %add3A_2029, %broadcast_in_dim3A_2045 : vector<8x1024xi1>, vector<8x1024xi32>
    %min3A_2047 = arith.minsi %min3A_2025, %select_n3A_2046 : vector<8x1024xi32>
    %slice3A_2048 = vector.extract_strided_slice %sub3A_14 {offsets = [432, 0], sizes = [8, 1024], strides = [1, 1]} : vector<1024x1024xf32> to vector<8x1024xf32>
    %add3A_2049 = arith.constant 432 : i32
    %add3A_2050 = vector.broadcast %add3A_2049 : i32 to vector<8x1024xi32>
    %add3A_2051 = arith.addi %iota3A, %add3A_2050 : vector<8x1024xi32>
    %eq3A_2052 = vector.broadcast %broadcast_in_dim3A_804 : vector<1x1024xf32> to vector<8x1024xf32>
    %eq3A_2053 = arith.cmpf oeq, %slice3A_2048, %eq3A_2052 : vector<8x1024xf32>
    %jit3A_2054 = arith.constant 1024 : i32
    %broadcast_in_dim3A_2055 = vector.broadcast %jit3A_2054 : i32 to vector<8x1024xi32>
    %select_n3A_2056 = arith.select %eq3A_2053, %add3A_2051, %broadcast_in_dim3A_2055 : vector<8x1024xi1>, vector<8x1024xi32>
    %min3A_2057 = arith.minsi %min3A_2035, %select_n3A_2056 : vector<8x1024xi32>
    %eq3A_2058 = vector.broadcast %broadcast_in_dim3A_830 : vector<1x1024xf32> to vector<8x1024xf32>
    %eq3A_2059 = arith.cmpf oeq, %slice3A_2048, %eq3A_2058 : vector<8x1024xf32>
    %jit3A_2060 = arith.constant 1024 : i32
    %broadcast_in_dim3A_2061 = vector.broadcast %jit3A_2060 : i32 to vector<8x1024xi32>
    %select_n3A_2062 = arith.select %eq3A_2059, %add3A_2051, %broadcast_in_dim3A_2061 : vector<8x1024xi1>, vector<8x1024xi32>
    %min3A_2063 = arith.minsi %min3A_2041, %select_n3A_2062 : vector<8x1024xi32>
    %eq3A_2064 = vector.broadcast %broadcast_in_dim3A_857 : vector<1x1024xf32> to vector<8x1024xf32>
    %eq3A_2065 = arith.cmpf oeq, %slice3A_2048, %eq3A_2064 : vector<8x1024xf32>
    %jit3A_2066 = arith.constant 1024 : i32
    %broadcast_in_dim3A_2067 = vector.broadcast %jit3A_2066 : i32 to vector<8x1024xi32>
    %select_n3A_2068 = arith.select %eq3A_2065, %add3A_2051, %broadcast_in_dim3A_2067 : vector<8x1024xi1>, vector<8x1024xi32>
    %min3A_2069 = arith.minsi %min3A_2047, %select_n3A_2068 : vector<8x1024xi32>
    %slice3A_2070 = vector.extract_strided_slice %sub3A_14 {offsets = [440, 0], sizes = [8, 1024], strides = [1, 1]} : vector<1024x1024xf32> to vector<8x1024xf32>
    %add3A_2071 = arith.constant 440 : i32
    %add3A_2072 = vector.broadcast %add3A_2071 : i32 to vector<8x1024xi32>
    %add3A_2073 = arith.addi %iota3A, %add3A_2072 : vector<8x1024xi32>
    %eq3A_2074 = vector.broadcast %broadcast_in_dim3A_804 : vector<1x1024xf32> to vector<8x1024xf32>
    %eq3A_2075 = arith.cmpf oeq, %slice3A_2070, %eq3A_2074 : vector<8x1024xf32>
    %jit3A_2076 = arith.constant 1024 : i32
    %broadcast_in_dim3A_2077 = vector.broadcast %jit3A_2076 : i32 to vector<8x1024xi32>
    %select_n3A_2078 = arith.select %eq3A_2075, %add3A_2073, %broadcast_in_dim3A_2077 : vector<8x1024xi1>, vector<8x1024xi32>
    %min3A_2079 = arith.minsi %min3A_2057, %select_n3A_2078 : vector<8x1024xi32>
    %eq3A_2080 = vector.broadcast %broadcast_in_dim3A_830 : vector<1x1024xf32> to vector<8x1024xf32>
    %eq3A_2081 = arith.cmpf oeq, %slice3A_2070, %eq3A_2080 : vector<8x1024xf32>
    %jit3A_2082 = arith.constant 1024 : i32
    %broadcast_in_dim3A_2083 = vector.broadcast %jit3A_2082 : i32 to vector<8x1024xi32>
    %select_n3A_2084 = arith.select %eq3A_2081, %add3A_2073, %broadcast_in_dim3A_2083 : vector<8x1024xi1>, vector<8x1024xi32>
    %min3A_2085 = arith.minsi %min3A_2063, %select_n3A_2084 : vector<8x1024xi32>
    %eq3A_2086 = vector.broadcast %broadcast_in_dim3A_857 : vector<1x1024xf32> to vector<8x1024xf32>
    %eq3A_2087 = arith.cmpf oeq, %slice3A_2070, %eq3A_2086 : vector<8x1024xf32>
    %jit3A_2088 = arith.constant 1024 : i32
    %broadcast_in_dim3A_2089 = vector.broadcast %jit3A_2088 : i32 to vector<8x1024xi32>
    %select_n3A_2090 = arith.select %eq3A_2087, %add3A_2073, %broadcast_in_dim3A_2089 : vector<8x1024xi1>, vector<8x1024xi32>
    %min3A_2091 = arith.minsi %min3A_2069, %select_n3A_2090 : vector<8x1024xi32>
    %slice3A_2092 = vector.extract_strided_slice %sub3A_14 {offsets = [448, 0], sizes = [8, 1024], strides = [1, 1]} : vector<1024x1024xf32> to vector<8x1024xf32>
    %add3A_2093 = arith.constant 448 : i32
    %add3A_2094 = vector.broadcast %add3A_2093 : i32 to vector<8x1024xi32>
    %add3A_2095 = arith.addi %iota3A, %add3A_2094 : vector<8x1024xi32>
    %eq3A_2096 = vector.broadcast %broadcast_in_dim3A_804 : vector<1x1024xf32> to vector<8x1024xf32>
    %eq3A_2097 = arith.cmpf oeq, %slice3A_2092, %eq3A_2096 : vector<8x1024xf32>
    %jit3A_2098 = arith.constant 1024 : i32
    %broadcast_in_dim3A_2099 = vector.broadcast %jit3A_2098 : i32 to vector<8x1024xi32>
    %select_n3A_2100 = arith.select %eq3A_2097, %add3A_2095, %broadcast_in_dim3A_2099 : vector<8x1024xi1>, vector<8x1024xi32>
    %min3A_2101 = arith.minsi %min3A_2079, %select_n3A_2100 : vector<8x1024xi32>
    %eq3A_2102 = vector.broadcast %broadcast_in_dim3A_830 : vector<1x1024xf32> to vector<8x1024xf32>
    %eq3A_2103 = arith.cmpf oeq, %slice3A_2092, %eq3A_2102 : vector<8x1024xf32>
    %jit3A_2104 = arith.constant 1024 : i32
    %broadcast_in_dim3A_2105 = vector.broadcast %jit3A_2104 : i32 to vector<8x1024xi32>
    %select_n3A_2106 = arith.select %eq3A_2103, %add3A_2095, %broadcast_in_dim3A_2105 : vector<8x1024xi1>, vector<8x1024xi32>
    %min3A_2107 = arith.minsi %min3A_2085, %select_n3A_2106 : vector<8x1024xi32>
    %eq3A_2108 = vector.broadcast %broadcast_in_dim3A_857 : vector<1x1024xf32> to vector<8x1024xf32>
    %eq3A_2109 = arith.cmpf oeq, %slice3A_2092, %eq3A_2108 : vector<8x1024xf32>
    %jit3A_2110 = arith.constant 1024 : i32
    %broadcast_in_dim3A_2111 = vector.broadcast %jit3A_2110 : i32 to vector<8x1024xi32>
    %select_n3A_2112 = arith.select %eq3A_2109, %add3A_2095, %broadcast_in_dim3A_2111 : vector<8x1024xi1>, vector<8x1024xi32>
    %min3A_2113 = arith.minsi %min3A_2091, %select_n3A_2112 : vector<8x1024xi32>
    %slice3A_2114 = vector.extract_strided_slice %sub3A_14 {offsets = [456, 0], sizes = [8, 1024], strides = [1, 1]} : vector<1024x1024xf32> to vector<8x1024xf32>
    %add3A_2115 = arith.constant 456 : i32
    %add3A_2116 = vector.broadcast %add3A_2115 : i32 to vector<8x1024xi32>
    %add3A_2117 = arith.addi %iota3A, %add3A_2116 : vector<8x1024xi32>
    %eq3A_2118 = vector.broadcast %broadcast_in_dim3A_804 : vector<1x1024xf32> to vector<8x1024xf32>
    %eq3A_2119 = arith.cmpf oeq, %slice3A_2114, %eq3A_2118 : vector<8x1024xf32>
    %jit3A_2120 = arith.constant 1024 : i32
    %broadcast_in_dim3A_2121 = vector.broadcast %jit3A_2120 : i32 to vector<8x1024xi32>
    %select_n3A_2122 = arith.select %eq3A_2119, %add3A_2117, %broadcast_in_dim3A_2121 : vector<8x1024xi1>, vector<8x1024xi32>
    %min3A_2123 = arith.minsi %min3A_2101, %select_n3A_2122 : vector<8x1024xi32>
    %eq3A_2124 = vector.broadcast %broadcast_in_dim3A_830 : vector<1x1024xf32> to vector<8x1024xf32>
    %eq3A_2125 = arith.cmpf oeq, %slice3A_2114, %eq3A_2124 : vector<8x1024xf32>
    %jit3A_2126 = arith.constant 1024 : i32
    %broadcast_in_dim3A_2127 = vector.broadcast %jit3A_2126 : i32 to vector<8x1024xi32>
    %select_n3A_2128 = arith.select %eq3A_2125, %add3A_2117, %broadcast_in_dim3A_2127 : vector<8x1024xi1>, vector<8x1024xi32>
    %min3A_2129 = arith.minsi %min3A_2107, %select_n3A_2128 : vector<8x1024xi32>
    %eq3A_2130 = vector.broadcast %broadcast_in_dim3A_857 : vector<1x1024xf32> to vector<8x1024xf32>
    %eq3A_2131 = arith.cmpf oeq, %slice3A_2114, %eq3A_2130 : vector<8x1024xf32>
    %jit3A_2132 = arith.constant 1024 : i32
    %broadcast_in_dim3A_2133 = vector.broadcast %jit3A_2132 : i32 to vector<8x1024xi32>
    %select_n3A_2134 = arith.select %eq3A_2131, %add3A_2117, %broadcast_in_dim3A_2133 : vector<8x1024xi1>, vector<8x1024xi32>
    %min3A_2135 = arith.minsi %min3A_2113, %select_n3A_2134 : vector<8x1024xi32>
    %slice3A_2136 = vector.extract_strided_slice %sub3A_14 {offsets = [464, 0], sizes = [8, 1024], strides = [1, 1]} : vector<1024x1024xf32> to vector<8x1024xf32>
    %add3A_2137 = arith.constant 464 : i32
    %add3A_2138 = vector.broadcast %add3A_2137 : i32 to vector<8x1024xi32>
    %add3A_2139 = arith.addi %iota3A, %add3A_2138 : vector<8x1024xi32>
    %eq3A_2140 = vector.broadcast %broadcast_in_dim3A_804 : vector<1x1024xf32> to vector<8x1024xf32>
    %eq3A_2141 = arith.cmpf oeq, %slice3A_2136, %eq3A_2140 : vector<8x1024xf32>
    %jit3A_2142 = arith.constant 1024 : i32
    %broadcast_in_dim3A_2143 = vector.broadcast %jit3A_2142 : i32 to vector<8x1024xi32>
    %select_n3A_2144 = arith.select %eq3A_2141, %add3A_2139, %broadcast_in_dim3A_2143 : vector<8x1024xi1>, vector<8x1024xi32>
    %min3A_2145 = arith.minsi %min3A_2123, %select_n3A_2144 : vector<8x1024xi32>
    %eq3A_2146 = vector.broadcast %broadcast_in_dim3A_830 : vector<1x1024xf32> to vector<8x1024xf32>
    %eq3A_2147 = arith.cmpf oeq, %slice3A_2136, %eq3A_2146 : vector<8x1024xf32>
    %jit3A_2148 = arith.constant 1024 : i32
    %broadcast_in_dim3A_2149 = vector.broadcast %jit3A_2148 : i32 to vector<8x1024xi32>
    %select_n3A_2150 = arith.select %eq3A_2147, %add3A_2139, %broadcast_in_dim3A_2149 : vector<8x1024xi1>, vector<8x1024xi32>
    %min3A_2151 = arith.minsi %min3A_2129, %select_n3A_2150 : vector<8x1024xi32>
    %eq3A_2152 = vector.broadcast %broadcast_in_dim3A_857 : vector<1x1024xf32> to vector<8x1024xf32>
    %eq3A_2153 = arith.cmpf oeq, %slice3A_2136, %eq3A_2152 : vector<8x1024xf32>
    %jit3A_2154 = arith.constant 1024 : i32
    %broadcast_in_dim3A_2155 = vector.broadcast %jit3A_2154 : i32 to vector<8x1024xi32>
    %select_n3A_2156 = arith.select %eq3A_2153, %add3A_2139, %broadcast_in_dim3A_2155 : vector<8x1024xi1>, vector<8x1024xi32>
    %min3A_2157 = arith.minsi %min3A_2135, %select_n3A_2156 : vector<8x1024xi32>
    %slice3A_2158 = vector.extract_strided_slice %sub3A_14 {offsets = [472, 0], sizes = [8, 1024], strides = [1, 1]} : vector<1024x1024xf32> to vector<8x1024xf32>
    %add3A_2159 = arith.constant 472 : i32
    %add3A_2160 = vector.broadcast %add3A_2159 : i32 to vector<8x1024xi32>
    %add3A_2161 = arith.addi %iota3A, %add3A_2160 : vector<8x1024xi32>
    %eq3A_2162 = vector.broadcast %broadcast_in_dim3A_804 : vector<1x1024xf32> to vector<8x1024xf32>
    %eq3A_2163 = arith.cmpf oeq, %slice3A_2158, %eq3A_2162 : vector<8x1024xf32>
    %jit3A_2164 = arith.constant 1024 : i32
    %broadcast_in_dim3A_2165 = vector.broadcast %jit3A_2164 : i32 to vector<8x1024xi32>
    %select_n3A_2166 = arith.select %eq3A_2163, %add3A_2161, %broadcast_in_dim3A_2165 : vector<8x1024xi1>, vector<8x1024xi32>
    %min3A_2167 = arith.minsi %min3A_2145, %select_n3A_2166 : vector<8x1024xi32>
    %eq3A_2168 = vector.broadcast %broadcast_in_dim3A_830 : vector<1x1024xf32> to vector<8x1024xf32>
    %eq3A_2169 = arith.cmpf oeq, %slice3A_2158, %eq3A_2168 : vector<8x1024xf32>
    %jit3A_2170 = arith.constant 1024 : i32
    %broadcast_in_dim3A_2171 = vector.broadcast %jit3A_2170 : i32 to vector<8x1024xi32>
    %select_n3A_2172 = arith.select %eq3A_2169, %add3A_2161, %broadcast_in_dim3A_2171 : vector<8x1024xi1>, vector<8x1024xi32>
    %min3A_2173 = arith.minsi %min3A_2151, %select_n3A_2172 : vector<8x1024xi32>
    %eq3A_2174 = vector.broadcast %broadcast_in_dim3A_857 : vector<1x1024xf32> to vector<8x1024xf32>
    %eq3A_2175 = arith.cmpf oeq, %slice3A_2158, %eq3A_2174 : vector<8x1024xf32>
    %jit3A_2176 = arith.constant 1024 : i32
    %broadcast_in_dim3A_2177 = vector.broadcast %jit3A_2176 : i32 to vector<8x1024xi32>
    %select_n3A_2178 = arith.select %eq3A_2175, %add3A_2161, %broadcast_in_dim3A_2177 : vector<8x1024xi1>, vector<8x1024xi32>
    %min3A_2179 = arith.minsi %min3A_2157, %select_n3A_2178 : vector<8x1024xi32>
    %slice3A_2180 = vector.extract_strided_slice %sub3A_14 {offsets = [480, 0], sizes = [8, 1024], strides = [1, 1]} : vector<1024x1024xf32> to vector<8x1024xf32>
    %add3A_2181 = arith.constant 480 : i32
    %add3A_2182 = vector.broadcast %add3A_2181 : i32 to vector<8x1024xi32>
    %add3A_2183 = arith.addi %iota3A, %add3A_2182 : vector<8x1024xi32>
    %eq3A_2184 = vector.broadcast %broadcast_in_dim3A_804 : vector<1x1024xf32> to vector<8x1024xf32>
    %eq3A_2185 = arith.cmpf oeq, %slice3A_2180, %eq3A_2184 : vector<8x1024xf32>
    %jit3A_2186 = arith.constant 1024 : i32
    %broadcast_in_dim3A_2187 = vector.broadcast %jit3A_2186 : i32 to vector<8x1024xi32>
    %select_n3A_2188 = arith.select %eq3A_2185, %add3A_2183, %broadcast_in_dim3A_2187 : vector<8x1024xi1>, vector<8x1024xi32>
    %min3A_2189 = arith.minsi %min3A_2167, %select_n3A_2188 : vector<8x1024xi32>
    %eq3A_2190 = vector.broadcast %broadcast_in_dim3A_830 : vector<1x1024xf32> to vector<8x1024xf32>
    %eq3A_2191 = arith.cmpf oeq, %slice3A_2180, %eq3A_2190 : vector<8x1024xf32>
    %jit3A_2192 = arith.constant 1024 : i32
    %broadcast_in_dim3A_2193 = vector.broadcast %jit3A_2192 : i32 to vector<8x1024xi32>
    %select_n3A_2194 = arith.select %eq3A_2191, %add3A_2183, %broadcast_in_dim3A_2193 : vector<8x1024xi1>, vector<8x1024xi32>
    %min3A_2195 = arith.minsi %min3A_2173, %select_n3A_2194 : vector<8x1024xi32>
    %eq3A_2196 = vector.broadcast %broadcast_in_dim3A_857 : vector<1x1024xf32> to vector<8x1024xf32>
    %eq3A_2197 = arith.cmpf oeq, %slice3A_2180, %eq3A_2196 : vector<8x1024xf32>
    %jit3A_2198 = arith.constant 1024 : i32
    %broadcast_in_dim3A_2199 = vector.broadcast %jit3A_2198 : i32 to vector<8x1024xi32>
    %select_n3A_2200 = arith.select %eq3A_2197, %add3A_2183, %broadcast_in_dim3A_2199 : vector<8x1024xi1>, vector<8x1024xi32>
    %min3A_2201 = arith.minsi %min3A_2179, %select_n3A_2200 : vector<8x1024xi32>
    %slice3A_2202 = vector.extract_strided_slice %sub3A_14 {offsets = [488, 0], sizes = [8, 1024], strides = [1, 1]} : vector<1024x1024xf32> to vector<8x1024xf32>
    %add3A_2203 = arith.constant 488 : i32
    %add3A_2204 = vector.broadcast %add3A_2203 : i32 to vector<8x1024xi32>
    %add3A_2205 = arith.addi %iota3A, %add3A_2204 : vector<8x1024xi32>
    %eq3A_2206 = vector.broadcast %broadcast_in_dim3A_804 : vector<1x1024xf32> to vector<8x1024xf32>
    %eq3A_2207 = arith.cmpf oeq, %slice3A_2202, %eq3A_2206 : vector<8x1024xf32>
    %jit3A_2208 = arith.constant 1024 : i32
    %broadcast_in_dim3A_2209 = vector.broadcast %jit3A_2208 : i32 to vector<8x1024xi32>
    %select_n3A_2210 = arith.select %eq3A_2207, %add3A_2205, %broadcast_in_dim3A_2209 : vector<8x1024xi1>, vector<8x1024xi32>
    %min3A_2211 = arith.minsi %min3A_2189, %select_n3A_2210 : vector<8x1024xi32>
    %eq3A_2212 = vector.broadcast %broadcast_in_dim3A_830 : vector<1x1024xf32> to vector<8x1024xf32>
    %eq3A_2213 = arith.cmpf oeq, %slice3A_2202, %eq3A_2212 : vector<8x1024xf32>
    %jit3A_2214 = arith.constant 1024 : i32
    %broadcast_in_dim3A_2215 = vector.broadcast %jit3A_2214 : i32 to vector<8x1024xi32>
    %select_n3A_2216 = arith.select %eq3A_2213, %add3A_2205, %broadcast_in_dim3A_2215 : vector<8x1024xi1>, vector<8x1024xi32>
    %min3A_2217 = arith.minsi %min3A_2195, %select_n3A_2216 : vector<8x1024xi32>
    %eq3A_2218 = vector.broadcast %broadcast_in_dim3A_857 : vector<1x1024xf32> to vector<8x1024xf32>
    %eq3A_2219 = arith.cmpf oeq, %slice3A_2202, %eq3A_2218 : vector<8x1024xf32>
    %jit3A_2220 = arith.constant 1024 : i32
    %broadcast_in_dim3A_2221 = vector.broadcast %jit3A_2220 : i32 to vector<8x1024xi32>
    %select_n3A_2222 = arith.select %eq3A_2219, %add3A_2205, %broadcast_in_dim3A_2221 : vector<8x1024xi1>, vector<8x1024xi32>
    %min3A_2223 = arith.minsi %min3A_2201, %select_n3A_2222 : vector<8x1024xi32>
    %slice3A_2224 = vector.extract_strided_slice %sub3A_14 {offsets = [496, 0], sizes = [8, 1024], strides = [1, 1]} : vector<1024x1024xf32> to vector<8x1024xf32>
    %add3A_2225 = arith.constant 496 : i32
    %add3A_2226 = vector.broadcast %add3A_2225 : i32 to vector<8x1024xi32>
    %add3A_2227 = arith.addi %iota3A, %add3A_2226 : vector<8x1024xi32>
    %eq3A_2228 = vector.broadcast %broadcast_in_dim3A_804 : vector<1x1024xf32> to vector<8x1024xf32>
    %eq3A_2229 = arith.cmpf oeq, %slice3A_2224, %eq3A_2228 : vector<8x1024xf32>
    %jit3A_2230 = arith.constant 1024 : i32
    %broadcast_in_dim3A_2231 = vector.broadcast %jit3A_2230 : i32 to vector<8x1024xi32>
    %select_n3A_2232 = arith.select %eq3A_2229, %add3A_2227, %broadcast_in_dim3A_2231 : vector<8x1024xi1>, vector<8x1024xi32>
    %min3A_2233 = arith.minsi %min3A_2211, %select_n3A_2232 : vector<8x1024xi32>
    %eq3A_2234 = vector.broadcast %broadcast_in_dim3A_830 : vector<1x1024xf32> to vector<8x1024xf32>
    %eq3A_2235 = arith.cmpf oeq, %slice3A_2224, %eq3A_2234 : vector<8x1024xf32>
    %jit3A_2236 = arith.constant 1024 : i32
    %broadcast_in_dim3A_2237 = vector.broadcast %jit3A_2236 : i32 to vector<8x1024xi32>
    %select_n3A_2238 = arith.select %eq3A_2235, %add3A_2227, %broadcast_in_dim3A_2237 : vector<8x1024xi1>, vector<8x1024xi32>
    %min3A_2239 = arith.minsi %min3A_2217, %select_n3A_2238 : vector<8x1024xi32>
    %eq3A_2240 = vector.broadcast %broadcast_in_dim3A_857 : vector<1x1024xf32> to vector<8x1024xf32>
    %eq3A_2241 = arith.cmpf oeq, %slice3A_2224, %eq3A_2240 : vector<8x1024xf32>
    %jit3A_2242 = arith.constant 1024 : i32
    %broadcast_in_dim3A_2243 = vector.broadcast %jit3A_2242 : i32 to vector<8x1024xi32>
    %select_n3A_2244 = arith.select %eq3A_2241, %add3A_2227, %broadcast_in_dim3A_2243 : vector<8x1024xi1>, vector<8x1024xi32>
    %min3A_2245 = arith.minsi %min3A_2223, %select_n3A_2244 : vector<8x1024xi32>
    %slice3A_2246 = vector.extract_strided_slice %sub3A_14 {offsets = [504, 0], sizes = [8, 1024], strides = [1, 1]} : vector<1024x1024xf32> to vector<8x1024xf32>
    %add3A_2247 = arith.constant 504 : i32
    %add3A_2248 = vector.broadcast %add3A_2247 : i32 to vector<8x1024xi32>
    %add3A_2249 = arith.addi %iota3A, %add3A_2248 : vector<8x1024xi32>
    %eq3A_2250 = vector.broadcast %broadcast_in_dim3A_804 : vector<1x1024xf32> to vector<8x1024xf32>
    %eq3A_2251 = arith.cmpf oeq, %slice3A_2246, %eq3A_2250 : vector<8x1024xf32>
    %jit3A_2252 = arith.constant 1024 : i32
    %broadcast_in_dim3A_2253 = vector.broadcast %jit3A_2252 : i32 to vector<8x1024xi32>
    %select_n3A_2254 = arith.select %eq3A_2251, %add3A_2249, %broadcast_in_dim3A_2253 : vector<8x1024xi1>, vector<8x1024xi32>
    %min3A_2255 = arith.minsi %min3A_2233, %select_n3A_2254 : vector<8x1024xi32>
    %eq3A_2256 = vector.broadcast %broadcast_in_dim3A_830 : vector<1x1024xf32> to vector<8x1024xf32>
    %eq3A_2257 = arith.cmpf oeq, %slice3A_2246, %eq3A_2256 : vector<8x1024xf32>
    %jit3A_2258 = arith.constant 1024 : i32
    %broadcast_in_dim3A_2259 = vector.broadcast %jit3A_2258 : i32 to vector<8x1024xi32>
    %select_n3A_2260 = arith.select %eq3A_2257, %add3A_2249, %broadcast_in_dim3A_2259 : vector<8x1024xi1>, vector<8x1024xi32>
    %min3A_2261 = arith.minsi %min3A_2239, %select_n3A_2260 : vector<8x1024xi32>
    %eq3A_2262 = vector.broadcast %broadcast_in_dim3A_857 : vector<1x1024xf32> to vector<8x1024xf32>
    %eq3A_2263 = arith.cmpf oeq, %slice3A_2246, %eq3A_2262 : vector<8x1024xf32>
    %jit3A_2264 = arith.constant 1024 : i32
    %broadcast_in_dim3A_2265 = vector.broadcast %jit3A_2264 : i32 to vector<8x1024xi32>
    %select_n3A_2266 = arith.select %eq3A_2263, %add3A_2249, %broadcast_in_dim3A_2265 : vector<8x1024xi1>, vector<8x1024xi32>
    %min3A_2267 = arith.minsi %min3A_2245, %select_n3A_2266 : vector<8x1024xi32>
    %slice3A_2268 = vector.extract_strided_slice %sub3A_14 {offsets = [512, 0], sizes = [8, 1024], strides = [1, 1]} : vector<1024x1024xf32> to vector<8x1024xf32>
    %add3A_2269 = arith.constant 512 : i32
    %add3A_2270 = vector.broadcast %add3A_2269 : i32 to vector<8x1024xi32>
    %add3A_2271 = arith.addi %iota3A, %add3A_2270 : vector<8x1024xi32>
    %eq3A_2272 = vector.broadcast %broadcast_in_dim3A_804 : vector<1x1024xf32> to vector<8x1024xf32>
    %eq3A_2273 = arith.cmpf oeq, %slice3A_2268, %eq3A_2272 : vector<8x1024xf32>
    %jit3A_2274 = arith.constant 1024 : i32
    %broadcast_in_dim3A_2275 = vector.broadcast %jit3A_2274 : i32 to vector<8x1024xi32>
    %select_n3A_2276 = arith.select %eq3A_2273, %add3A_2271, %broadcast_in_dim3A_2275 : vector<8x1024xi1>, vector<8x1024xi32>
    %min3A_2277 = arith.minsi %min3A_2255, %select_n3A_2276 : vector<8x1024xi32>
    %eq3A_2278 = vector.broadcast %broadcast_in_dim3A_830 : vector<1x1024xf32> to vector<8x1024xf32>
    %eq3A_2279 = arith.cmpf oeq, %slice3A_2268, %eq3A_2278 : vector<8x1024xf32>
    %jit3A_2280 = arith.constant 1024 : i32
    %broadcast_in_dim3A_2281 = vector.broadcast %jit3A_2280 : i32 to vector<8x1024xi32>
    %select_n3A_2282 = arith.select %eq3A_2279, %add3A_2271, %broadcast_in_dim3A_2281 : vector<8x1024xi1>, vector<8x1024xi32>
    %min3A_2283 = arith.minsi %min3A_2261, %select_n3A_2282 : vector<8x1024xi32>
    %eq3A_2284 = vector.broadcast %broadcast_in_dim3A_857 : vector<1x1024xf32> to vector<8x1024xf32>
    %eq3A_2285 = arith.cmpf oeq, %slice3A_2268, %eq3A_2284 : vector<8x1024xf32>
    %jit3A_2286 = arith.constant 1024 : i32
    %broadcast_in_dim3A_2287 = vector.broadcast %jit3A_2286 : i32 to vector<8x1024xi32>
    %select_n3A_2288 = arith.select %eq3A_2285, %add3A_2271, %broadcast_in_dim3A_2287 : vector<8x1024xi1>, vector<8x1024xi32>
    %min3A_2289 = arith.minsi %min3A_2267, %select_n3A_2288 : vector<8x1024xi32>
    %slice3A_2290 = vector.extract_strided_slice %sub3A_14 {offsets = [520, 0], sizes = [8, 1024], strides = [1, 1]} : vector<1024x1024xf32> to vector<8x1024xf32>
    %add3A_2291 = arith.constant 520 : i32
    %add3A_2292 = vector.broadcast %add3A_2291 : i32 to vector<8x1024xi32>
    %add3A_2293 = arith.addi %iota3A, %add3A_2292 : vector<8x1024xi32>
    %eq3A_2294 = vector.broadcast %broadcast_in_dim3A_804 : vector<1x1024xf32> to vector<8x1024xf32>
    %eq3A_2295 = arith.cmpf oeq, %slice3A_2290, %eq3A_2294 : vector<8x1024xf32>
    %jit3A_2296 = arith.constant 1024 : i32
    %broadcast_in_dim3A_2297 = vector.broadcast %jit3A_2296 : i32 to vector<8x1024xi32>
    %select_n3A_2298 = arith.select %eq3A_2295, %add3A_2293, %broadcast_in_dim3A_2297 : vector<8x1024xi1>, vector<8x1024xi32>
    %min3A_2299 = arith.minsi %min3A_2277, %select_n3A_2298 : vector<8x1024xi32>
    %eq3A_2300 = vector.broadcast %broadcast_in_dim3A_830 : vector<1x1024xf32> to vector<8x1024xf32>
    %eq3A_2301 = arith.cmpf oeq, %slice3A_2290, %eq3A_2300 : vector<8x1024xf32>
    %jit3A_2302 = arith.constant 1024 : i32
    %broadcast_in_dim3A_2303 = vector.broadcast %jit3A_2302 : i32 to vector<8x1024xi32>
    %select_n3A_2304 = arith.select %eq3A_2301, %add3A_2293, %broadcast_in_dim3A_2303 : vector<8x1024xi1>, vector<8x1024xi32>
    %min3A_2305 = arith.minsi %min3A_2283, %select_n3A_2304 : vector<8x1024xi32>
    %eq3A_2306 = vector.broadcast %broadcast_in_dim3A_857 : vector<1x1024xf32> to vector<8x1024xf32>
    %eq3A_2307 = arith.cmpf oeq, %slice3A_2290, %eq3A_2306 : vector<8x1024xf32>
    %jit3A_2308 = arith.constant 1024 : i32
    %broadcast_in_dim3A_2309 = vector.broadcast %jit3A_2308 : i32 to vector<8x1024xi32>
    %select_n3A_2310 = arith.select %eq3A_2307, %add3A_2293, %broadcast_in_dim3A_2309 : vector<8x1024xi1>, vector<8x1024xi32>
    %min3A_2311 = arith.minsi %min3A_2289, %select_n3A_2310 : vector<8x1024xi32>
    %slice3A_2312 = vector.extract_strided_slice %sub3A_14 {offsets = [528, 0], sizes = [8, 1024], strides = [1, 1]} : vector<1024x1024xf32> to vector<8x1024xf32>
    %add3A_2313 = arith.constant 528 : i32
    %add3A_2314 = vector.broadcast %add3A_2313 : i32 to vector<8x1024xi32>
    %add3A_2315 = arith.addi %iota3A, %add3A_2314 : vector<8x1024xi32>
    %eq3A_2316 = vector.broadcast %broadcast_in_dim3A_804 : vector<1x1024xf32> to vector<8x1024xf32>
    %eq3A_2317 = arith.cmpf oeq, %slice3A_2312, %eq3A_2316 : vector<8x1024xf32>
    %jit3A_2318 = arith.constant 1024 : i32
    %broadcast_in_dim3A_2319 = vector.broadcast %jit3A_2318 : i32 to vector<8x1024xi32>
    %select_n3A_2320 = arith.select %eq3A_2317, %add3A_2315, %broadcast_in_dim3A_2319 : vector<8x1024xi1>, vector<8x1024xi32>
    %min3A_2321 = arith.minsi %min3A_2299, %select_n3A_2320 : vector<8x1024xi32>
    %eq3A_2322 = vector.broadcast %broadcast_in_dim3A_830 : vector<1x1024xf32> to vector<8x1024xf32>
    %eq3A_2323 = arith.cmpf oeq, %slice3A_2312, %eq3A_2322 : vector<8x1024xf32>
    %jit3A_2324 = arith.constant 1024 : i32
    %broadcast_in_dim3A_2325 = vector.broadcast %jit3A_2324 : i32 to vector<8x1024xi32>
    %select_n3A_2326 = arith.select %eq3A_2323, %add3A_2315, %broadcast_in_dim3A_2325 : vector<8x1024xi1>, vector<8x1024xi32>
    %min3A_2327 = arith.minsi %min3A_2305, %select_n3A_2326 : vector<8x1024xi32>
    %eq3A_2328 = vector.broadcast %broadcast_in_dim3A_857 : vector<1x1024xf32> to vector<8x1024xf32>
    %eq3A_2329 = arith.cmpf oeq, %slice3A_2312, %eq3A_2328 : vector<8x1024xf32>
    %jit3A_2330 = arith.constant 1024 : i32
    %broadcast_in_dim3A_2331 = vector.broadcast %jit3A_2330 : i32 to vector<8x1024xi32>
    %select_n3A_2332 = arith.select %eq3A_2329, %add3A_2315, %broadcast_in_dim3A_2331 : vector<8x1024xi1>, vector<8x1024xi32>
    %min3A_2333 = arith.minsi %min3A_2311, %select_n3A_2332 : vector<8x1024xi32>
    %slice3A_2334 = vector.extract_strided_slice %sub3A_14 {offsets = [536, 0], sizes = [8, 1024], strides = [1, 1]} : vector<1024x1024xf32> to vector<8x1024xf32>
    %add3A_2335 = arith.constant 536 : i32
    %add3A_2336 = vector.broadcast %add3A_2335 : i32 to vector<8x1024xi32>
    %add3A_2337 = arith.addi %iota3A, %add3A_2336 : vector<8x1024xi32>
    %eq3A_2338 = vector.broadcast %broadcast_in_dim3A_804 : vector<1x1024xf32> to vector<8x1024xf32>
    %eq3A_2339 = arith.cmpf oeq, %slice3A_2334, %eq3A_2338 : vector<8x1024xf32>
    %jit3A_2340 = arith.constant 1024 : i32
    %broadcast_in_dim3A_2341 = vector.broadcast %jit3A_2340 : i32 to vector<8x1024xi32>
    %select_n3A_2342 = arith.select %eq3A_2339, %add3A_2337, %broadcast_in_dim3A_2341 : vector<8x1024xi1>, vector<8x1024xi32>
    %min3A_2343 = arith.minsi %min3A_2321, %select_n3A_2342 : vector<8x1024xi32>
    %eq3A_2344 = vector.broadcast %broadcast_in_dim3A_830 : vector<1x1024xf32> to vector<8x1024xf32>
    %eq3A_2345 = arith.cmpf oeq, %slice3A_2334, %eq3A_2344 : vector<8x1024xf32>
    %jit3A_2346 = arith.constant 1024 : i32
    %broadcast_in_dim3A_2347 = vector.broadcast %jit3A_2346 : i32 to vector<8x1024xi32>
    %select_n3A_2348 = arith.select %eq3A_2345, %add3A_2337, %broadcast_in_dim3A_2347 : vector<8x1024xi1>, vector<8x1024xi32>
    %min3A_2349 = arith.minsi %min3A_2327, %select_n3A_2348 : vector<8x1024xi32>
    %eq3A_2350 = vector.broadcast %broadcast_in_dim3A_857 : vector<1x1024xf32> to vector<8x1024xf32>
    %eq3A_2351 = arith.cmpf oeq, %slice3A_2334, %eq3A_2350 : vector<8x1024xf32>
    %jit3A_2352 = arith.constant 1024 : i32
    %broadcast_in_dim3A_2353 = vector.broadcast %jit3A_2352 : i32 to vector<8x1024xi32>
    %select_n3A_2354 = arith.select %eq3A_2351, %add3A_2337, %broadcast_in_dim3A_2353 : vector<8x1024xi1>, vector<8x1024xi32>
    %min3A_2355 = arith.minsi %min3A_2333, %select_n3A_2354 : vector<8x1024xi32>
    %slice3A_2356 = vector.extract_strided_slice %sub3A_14 {offsets = [544, 0], sizes = [8, 1024], strides = [1, 1]} : vector<1024x1024xf32> to vector<8x1024xf32>
    %add3A_2357 = arith.constant 544 : i32
    %add3A_2358 = vector.broadcast %add3A_2357 : i32 to vector<8x1024xi32>
    %add3A_2359 = arith.addi %iota3A, %add3A_2358 : vector<8x1024xi32>
    %eq3A_2360 = vector.broadcast %broadcast_in_dim3A_804 : vector<1x1024xf32> to vector<8x1024xf32>
    %eq3A_2361 = arith.cmpf oeq, %slice3A_2356, %eq3A_2360 : vector<8x1024xf32>
    %jit3A_2362 = arith.constant 1024 : i32
    %broadcast_in_dim3A_2363 = vector.broadcast %jit3A_2362 : i32 to vector<8x1024xi32>
    %select_n3A_2364 = arith.select %eq3A_2361, %add3A_2359, %broadcast_in_dim3A_2363 : vector<8x1024xi1>, vector<8x1024xi32>
    %min3A_2365 = arith.minsi %min3A_2343, %select_n3A_2364 : vector<8x1024xi32>
    %eq3A_2366 = vector.broadcast %broadcast_in_dim3A_830 : vector<1x1024xf32> to vector<8x1024xf32>
    %eq3A_2367 = arith.cmpf oeq, %slice3A_2356, %eq3A_2366 : vector<8x1024xf32>
    %jit3A_2368 = arith.constant 1024 : i32
    %broadcast_in_dim3A_2369 = vector.broadcast %jit3A_2368 : i32 to vector<8x1024xi32>
    %select_n3A_2370 = arith.select %eq3A_2367, %add3A_2359, %broadcast_in_dim3A_2369 : vector<8x1024xi1>, vector<8x1024xi32>
    %min3A_2371 = arith.minsi %min3A_2349, %select_n3A_2370 : vector<8x1024xi32>
    %eq3A_2372 = vector.broadcast %broadcast_in_dim3A_857 : vector<1x1024xf32> to vector<8x1024xf32>
    %eq3A_2373 = arith.cmpf oeq, %slice3A_2356, %eq3A_2372 : vector<8x1024xf32>
    %jit3A_2374 = arith.constant 1024 : i32
    %broadcast_in_dim3A_2375 = vector.broadcast %jit3A_2374 : i32 to vector<8x1024xi32>
    %select_n3A_2376 = arith.select %eq3A_2373, %add3A_2359, %broadcast_in_dim3A_2375 : vector<8x1024xi1>, vector<8x1024xi32>
    %min3A_2377 = arith.minsi %min3A_2355, %select_n3A_2376 : vector<8x1024xi32>
    %slice3A_2378 = vector.extract_strided_slice %sub3A_14 {offsets = [552, 0], sizes = [8, 1024], strides = [1, 1]} : vector<1024x1024xf32> to vector<8x1024xf32>
    %add3A_2379 = arith.constant 552 : i32
    %add3A_2380 = vector.broadcast %add3A_2379 : i32 to vector<8x1024xi32>
    %add3A_2381 = arith.addi %iota3A, %add3A_2380 : vector<8x1024xi32>
    %eq3A_2382 = vector.broadcast %broadcast_in_dim3A_804 : vector<1x1024xf32> to vector<8x1024xf32>
    %eq3A_2383 = arith.cmpf oeq, %slice3A_2378, %eq3A_2382 : vector<8x1024xf32>
    %jit3A_2384 = arith.constant 1024 : i32
    %broadcast_in_dim3A_2385 = vector.broadcast %jit3A_2384 : i32 to vector<8x1024xi32>
    %select_n3A_2386 = arith.select %eq3A_2383, %add3A_2381, %broadcast_in_dim3A_2385 : vector<8x1024xi1>, vector<8x1024xi32>
    %min3A_2387 = arith.minsi %min3A_2365, %select_n3A_2386 : vector<8x1024xi32>
    %eq3A_2388 = vector.broadcast %broadcast_in_dim3A_830 : vector<1x1024xf32> to vector<8x1024xf32>
    %eq3A_2389 = arith.cmpf oeq, %slice3A_2378, %eq3A_2388 : vector<8x1024xf32>
    %jit3A_2390 = arith.constant 1024 : i32
    %broadcast_in_dim3A_2391 = vector.broadcast %jit3A_2390 : i32 to vector<8x1024xi32>
    %select_n3A_2392 = arith.select %eq3A_2389, %add3A_2381, %broadcast_in_dim3A_2391 : vector<8x1024xi1>, vector<8x1024xi32>
    %min3A_2393 = arith.minsi %min3A_2371, %select_n3A_2392 : vector<8x1024xi32>
    %eq3A_2394 = vector.broadcast %broadcast_in_dim3A_857 : vector<1x1024xf32> to vector<8x1024xf32>
    %eq3A_2395 = arith.cmpf oeq, %slice3A_2378, %eq3A_2394 : vector<8x1024xf32>
    %jit3A_2396 = arith.constant 1024 : i32
    %broadcast_in_dim3A_2397 = vector.broadcast %jit3A_2396 : i32 to vector<8x1024xi32>
    %select_n3A_2398 = arith.select %eq3A_2395, %add3A_2381, %broadcast_in_dim3A_2397 : vector<8x1024xi1>, vector<8x1024xi32>
    %min3A_2399 = arith.minsi %min3A_2377, %select_n3A_2398 : vector<8x1024xi32>
    %slice3A_2400 = vector.extract_strided_slice %sub3A_14 {offsets = [560, 0], sizes = [8, 1024], strides = [1, 1]} : vector<1024x1024xf32> to vector<8x1024xf32>
    %add3A_2401 = arith.constant 560 : i32
    %add3A_2402 = vector.broadcast %add3A_2401 : i32 to vector<8x1024xi32>
    %add3A_2403 = arith.addi %iota3A, %add3A_2402 : vector<8x1024xi32>
    %eq3A_2404 = vector.broadcast %broadcast_in_dim3A_804 : vector<1x1024xf32> to vector<8x1024xf32>
    %eq3A_2405 = arith.cmpf oeq, %slice3A_2400, %eq3A_2404 : vector<8x1024xf32>
    %jit3A_2406 = arith.constant 1024 : i32
    %broadcast_in_dim3A_2407 = vector.broadcast %jit3A_2406 : i32 to vector<8x1024xi32>
    %select_n3A_2408 = arith.select %eq3A_2405, %add3A_2403, %broadcast_in_dim3A_2407 : vector<8x1024xi1>, vector<8x1024xi32>
    %min3A_2409 = arith.minsi %min3A_2387, %select_n3A_2408 : vector<8x1024xi32>
    %eq3A_2410 = vector.broadcast %broadcast_in_dim3A_830 : vector<1x1024xf32> to vector<8x1024xf32>
    %eq3A_2411 = arith.cmpf oeq, %slice3A_2400, %eq3A_2410 : vector<8x1024xf32>
    %jit3A_2412 = arith.constant 1024 : i32
    %broadcast_in_dim3A_2413 = vector.broadcast %jit3A_2412 : i32 to vector<8x1024xi32>
    %select_n3A_2414 = arith.select %eq3A_2411, %add3A_2403, %broadcast_in_dim3A_2413 : vector<8x1024xi1>, vector<8x1024xi32>
    %min3A_2415 = arith.minsi %min3A_2393, %select_n3A_2414 : vector<8x1024xi32>
    %eq3A_2416 = vector.broadcast %broadcast_in_dim3A_857 : vector<1x1024xf32> to vector<8x1024xf32>
    %eq3A_2417 = arith.cmpf oeq, %slice3A_2400, %eq3A_2416 : vector<8x1024xf32>
    %jit3A_2418 = arith.constant 1024 : i32
    %broadcast_in_dim3A_2419 = vector.broadcast %jit3A_2418 : i32 to vector<8x1024xi32>
    %select_n3A_2420 = arith.select %eq3A_2417, %add3A_2403, %broadcast_in_dim3A_2419 : vector<8x1024xi1>, vector<8x1024xi32>
    %min3A_2421 = arith.minsi %min3A_2399, %select_n3A_2420 : vector<8x1024xi32>
    %slice3A_2422 = vector.extract_strided_slice %sub3A_14 {offsets = [568, 0], sizes = [8, 1024], strides = [1, 1]} : vector<1024x1024xf32> to vector<8x1024xf32>
    %add3A_2423 = arith.constant 568 : i32
    %add3A_2424 = vector.broadcast %add3A_2423 : i32 to vector<8x1024xi32>
    %add3A_2425 = arith.addi %iota3A, %add3A_2424 : vector<8x1024xi32>
    %eq3A_2426 = vector.broadcast %broadcast_in_dim3A_804 : vector<1x1024xf32> to vector<8x1024xf32>
    %eq3A_2427 = arith.cmpf oeq, %slice3A_2422, %eq3A_2426 : vector<8x1024xf32>
    %jit3A_2428 = arith.constant 1024 : i32
    %broadcast_in_dim3A_2429 = vector.broadcast %jit3A_2428 : i32 to vector<8x1024xi32>
    %select_n3A_2430 = arith.select %eq3A_2427, %add3A_2425, %broadcast_in_dim3A_2429 : vector<8x1024xi1>, vector<8x1024xi32>
    %min3A_2431 = arith.minsi %min3A_2409, %select_n3A_2430 : vector<8x1024xi32>
    %eq3A_2432 = vector.broadcast %broadcast_in_dim3A_830 : vector<1x1024xf32> to vector<8x1024xf32>
    %eq3A_2433 = arith.cmpf oeq, %slice3A_2422, %eq3A_2432 : vector<8x1024xf32>
    %jit3A_2434 = arith.constant 1024 : i32
    %broadcast_in_dim3A_2435 = vector.broadcast %jit3A_2434 : i32 to vector<8x1024xi32>
    %select_n3A_2436 = arith.select %eq3A_2433, %add3A_2425, %broadcast_in_dim3A_2435 : vector<8x1024xi1>, vector<8x1024xi32>
    %min3A_2437 = arith.minsi %min3A_2415, %select_n3A_2436 : vector<8x1024xi32>
    %eq3A_2438 = vector.broadcast %broadcast_in_dim3A_857 : vector<1x1024xf32> to vector<8x1024xf32>
    %eq3A_2439 = arith.cmpf oeq, %slice3A_2422, %eq3A_2438 : vector<8x1024xf32>
    %jit3A_2440 = arith.constant 1024 : i32
    %broadcast_in_dim3A_2441 = vector.broadcast %jit3A_2440 : i32 to vector<8x1024xi32>
    %select_n3A_2442 = arith.select %eq3A_2439, %add3A_2425, %broadcast_in_dim3A_2441 : vector<8x1024xi1>, vector<8x1024xi32>
    %min3A_2443 = arith.minsi %min3A_2421, %select_n3A_2442 : vector<8x1024xi32>
    %slice3A_2444 = vector.extract_strided_slice %sub3A_14 {offsets = [576, 0], sizes = [8, 1024], strides = [1, 1]} : vector<1024x1024xf32> to vector<8x1024xf32>
    %add3A_2445 = arith.constant 576 : i32
    %add3A_2446 = vector.broadcast %add3A_2445 : i32 to vector<8x1024xi32>
    %add3A_2447 = arith.addi %iota3A, %add3A_2446 : vector<8x1024xi32>
    %eq3A_2448 = vector.broadcast %broadcast_in_dim3A_804 : vector<1x1024xf32> to vector<8x1024xf32>
    %eq3A_2449 = arith.cmpf oeq, %slice3A_2444, %eq3A_2448 : vector<8x1024xf32>
    %jit3A_2450 = arith.constant 1024 : i32
    %broadcast_in_dim3A_2451 = vector.broadcast %jit3A_2450 : i32 to vector<8x1024xi32>
    %select_n3A_2452 = arith.select %eq3A_2449, %add3A_2447, %broadcast_in_dim3A_2451 : vector<8x1024xi1>, vector<8x1024xi32>
    %min3A_2453 = arith.minsi %min3A_2431, %select_n3A_2452 : vector<8x1024xi32>
    %eq3A_2454 = vector.broadcast %broadcast_in_dim3A_830 : vector<1x1024xf32> to vector<8x1024xf32>
    %eq3A_2455 = arith.cmpf oeq, %slice3A_2444, %eq3A_2454 : vector<8x1024xf32>
    %jit3A_2456 = arith.constant 1024 : i32
    %broadcast_in_dim3A_2457 = vector.broadcast %jit3A_2456 : i32 to vector<8x1024xi32>
    %select_n3A_2458 = arith.select %eq3A_2455, %add3A_2447, %broadcast_in_dim3A_2457 : vector<8x1024xi1>, vector<8x1024xi32>
    %min3A_2459 = arith.minsi %min3A_2437, %select_n3A_2458 : vector<8x1024xi32>
    %eq3A_2460 = vector.broadcast %broadcast_in_dim3A_857 : vector<1x1024xf32> to vector<8x1024xf32>
    %eq3A_2461 = arith.cmpf oeq, %slice3A_2444, %eq3A_2460 : vector<8x1024xf32>
    %jit3A_2462 = arith.constant 1024 : i32
    %broadcast_in_dim3A_2463 = vector.broadcast %jit3A_2462 : i32 to vector<8x1024xi32>
    %select_n3A_2464 = arith.select %eq3A_2461, %add3A_2447, %broadcast_in_dim3A_2463 : vector<8x1024xi1>, vector<8x1024xi32>
    %min3A_2465 = arith.minsi %min3A_2443, %select_n3A_2464 : vector<8x1024xi32>
    %slice3A_2466 = vector.extract_strided_slice %sub3A_14 {offsets = [584, 0], sizes = [8, 1024], strides = [1, 1]} : vector<1024x1024xf32> to vector<8x1024xf32>
    %add3A_2467 = arith.constant 584 : i32
    %add3A_2468 = vector.broadcast %add3A_2467 : i32 to vector<8x1024xi32>
    %add3A_2469 = arith.addi %iota3A, %add3A_2468 : vector<8x1024xi32>
    %eq3A_2470 = vector.broadcast %broadcast_in_dim3A_804 : vector<1x1024xf32> to vector<8x1024xf32>
    %eq3A_2471 = arith.cmpf oeq, %slice3A_2466, %eq3A_2470 : vector<8x1024xf32>
    %jit3A_2472 = arith.constant 1024 : i32
    %broadcast_in_dim3A_2473 = vector.broadcast %jit3A_2472 : i32 to vector<8x1024xi32>
    %select_n3A_2474 = arith.select %eq3A_2471, %add3A_2469, %broadcast_in_dim3A_2473 : vector<8x1024xi1>, vector<8x1024xi32>
    %min3A_2475 = arith.minsi %min3A_2453, %select_n3A_2474 : vector<8x1024xi32>
    %eq3A_2476 = vector.broadcast %broadcast_in_dim3A_830 : vector<1x1024xf32> to vector<8x1024xf32>
    %eq3A_2477 = arith.cmpf oeq, %slice3A_2466, %eq3A_2476 : vector<8x1024xf32>
    %jit3A_2478 = arith.constant 1024 : i32
    %broadcast_in_dim3A_2479 = vector.broadcast %jit3A_2478 : i32 to vector<8x1024xi32>
    %select_n3A_2480 = arith.select %eq3A_2477, %add3A_2469, %broadcast_in_dim3A_2479 : vector<8x1024xi1>, vector<8x1024xi32>
    %min3A_2481 = arith.minsi %min3A_2459, %select_n3A_2480 : vector<8x1024xi32>
    %eq3A_2482 = vector.broadcast %broadcast_in_dim3A_857 : vector<1x1024xf32> to vector<8x1024xf32>
    %eq3A_2483 = arith.cmpf oeq, %slice3A_2466, %eq3A_2482 : vector<8x1024xf32>
    %jit3A_2484 = arith.constant 1024 : i32
    %broadcast_in_dim3A_2485 = vector.broadcast %jit3A_2484 : i32 to vector<8x1024xi32>
    %select_n3A_2486 = arith.select %eq3A_2483, %add3A_2469, %broadcast_in_dim3A_2485 : vector<8x1024xi1>, vector<8x1024xi32>
    %min3A_2487 = arith.minsi %min3A_2465, %select_n3A_2486 : vector<8x1024xi32>
    %slice3A_2488 = vector.extract_strided_slice %sub3A_14 {offsets = [592, 0], sizes = [8, 1024], strides = [1, 1]} : vector<1024x1024xf32> to vector<8x1024xf32>
    %add3A_2489 = arith.constant 592 : i32
    %add3A_2490 = vector.broadcast %add3A_2489 : i32 to vector<8x1024xi32>
    %add3A_2491 = arith.addi %iota3A, %add3A_2490 : vector<8x1024xi32>
    %eq3A_2492 = vector.broadcast %broadcast_in_dim3A_804 : vector<1x1024xf32> to vector<8x1024xf32>
    %eq3A_2493 = arith.cmpf oeq, %slice3A_2488, %eq3A_2492 : vector<8x1024xf32>
    %jit3A_2494 = arith.constant 1024 : i32
    %broadcast_in_dim3A_2495 = vector.broadcast %jit3A_2494 : i32 to vector<8x1024xi32>
    %select_n3A_2496 = arith.select %eq3A_2493, %add3A_2491, %broadcast_in_dim3A_2495 : vector<8x1024xi1>, vector<8x1024xi32>
    %min3A_2497 = arith.minsi %min3A_2475, %select_n3A_2496 : vector<8x1024xi32>
    %eq3A_2498 = vector.broadcast %broadcast_in_dim3A_830 : vector<1x1024xf32> to vector<8x1024xf32>
    %eq3A_2499 = arith.cmpf oeq, %slice3A_2488, %eq3A_2498 : vector<8x1024xf32>
    %jit3A_2500 = arith.constant 1024 : i32
    %broadcast_in_dim3A_2501 = vector.broadcast %jit3A_2500 : i32 to vector<8x1024xi32>
    %select_n3A_2502 = arith.select %eq3A_2499, %add3A_2491, %broadcast_in_dim3A_2501 : vector<8x1024xi1>, vector<8x1024xi32>
    %min3A_2503 = arith.minsi %min3A_2481, %select_n3A_2502 : vector<8x1024xi32>
    %eq3A_2504 = vector.broadcast %broadcast_in_dim3A_857 : vector<1x1024xf32> to vector<8x1024xf32>
    %eq3A_2505 = arith.cmpf oeq, %slice3A_2488, %eq3A_2504 : vector<8x1024xf32>
    %jit3A_2506 = arith.constant 1024 : i32
    %broadcast_in_dim3A_2507 = vector.broadcast %jit3A_2506 : i32 to vector<8x1024xi32>
    %select_n3A_2508 = arith.select %eq3A_2505, %add3A_2491, %broadcast_in_dim3A_2507 : vector<8x1024xi1>, vector<8x1024xi32>
    %min3A_2509 = arith.minsi %min3A_2487, %select_n3A_2508 : vector<8x1024xi32>
    %slice3A_2510 = vector.extract_strided_slice %sub3A_14 {offsets = [600, 0], sizes = [8, 1024], strides = [1, 1]} : vector<1024x1024xf32> to vector<8x1024xf32>
    %add3A_2511 = arith.constant 600 : i32
    %add3A_2512 = vector.broadcast %add3A_2511 : i32 to vector<8x1024xi32>
    %add3A_2513 = arith.addi %iota3A, %add3A_2512 : vector<8x1024xi32>
    %eq3A_2514 = vector.broadcast %broadcast_in_dim3A_804 : vector<1x1024xf32> to vector<8x1024xf32>
    %eq3A_2515 = arith.cmpf oeq, %slice3A_2510, %eq3A_2514 : vector<8x1024xf32>
    %jit3A_2516 = arith.constant 1024 : i32
    %broadcast_in_dim3A_2517 = vector.broadcast %jit3A_2516 : i32 to vector<8x1024xi32>
    %select_n3A_2518 = arith.select %eq3A_2515, %add3A_2513, %broadcast_in_dim3A_2517 : vector<8x1024xi1>, vector<8x1024xi32>
    %min3A_2519 = arith.minsi %min3A_2497, %select_n3A_2518 : vector<8x1024xi32>
    %eq3A_2520 = vector.broadcast %broadcast_in_dim3A_830 : vector<1x1024xf32> to vector<8x1024xf32>
    %eq3A_2521 = arith.cmpf oeq, %slice3A_2510, %eq3A_2520 : vector<8x1024xf32>
    %jit3A_2522 = arith.constant 1024 : i32
    %broadcast_in_dim3A_2523 = vector.broadcast %jit3A_2522 : i32 to vector<8x1024xi32>
    %select_n3A_2524 = arith.select %eq3A_2521, %add3A_2513, %broadcast_in_dim3A_2523 : vector<8x1024xi1>, vector<8x1024xi32>
    %min3A_2525 = arith.minsi %min3A_2503, %select_n3A_2524 : vector<8x1024xi32>
    %eq3A_2526 = vector.broadcast %broadcast_in_dim3A_857 : vector<1x1024xf32> to vector<8x1024xf32>
    %eq3A_2527 = arith.cmpf oeq, %slice3A_2510, %eq3A_2526 : vector<8x1024xf32>
    %jit3A_2528 = arith.constant 1024 : i32
    %broadcast_in_dim3A_2529 = vector.broadcast %jit3A_2528 : i32 to vector<8x1024xi32>
    %select_n3A_2530 = arith.select %eq3A_2527, %add3A_2513, %broadcast_in_dim3A_2529 : vector<8x1024xi1>, vector<8x1024xi32>
    %min3A_2531 = arith.minsi %min3A_2509, %select_n3A_2530 : vector<8x1024xi32>
    %slice3A_2532 = vector.extract_strided_slice %sub3A_14 {offsets = [608, 0], sizes = [8, 1024], strides = [1, 1]} : vector<1024x1024xf32> to vector<8x1024xf32>
    %add3A_2533 = arith.constant 608 : i32
    %add3A_2534 = vector.broadcast %add3A_2533 : i32 to vector<8x1024xi32>
    %add3A_2535 = arith.addi %iota3A, %add3A_2534 : vector<8x1024xi32>
    %eq3A_2536 = vector.broadcast %broadcast_in_dim3A_804 : vector<1x1024xf32> to vector<8x1024xf32>
    %eq3A_2537 = arith.cmpf oeq, %slice3A_2532, %eq3A_2536 : vector<8x1024xf32>
    %jit3A_2538 = arith.constant 1024 : i32
    %broadcast_in_dim3A_2539 = vector.broadcast %jit3A_2538 : i32 to vector<8x1024xi32>
    %select_n3A_2540 = arith.select %eq3A_2537, %add3A_2535, %broadcast_in_dim3A_2539 : vector<8x1024xi1>, vector<8x1024xi32>
    %min3A_2541 = arith.minsi %min3A_2519, %select_n3A_2540 : vector<8x1024xi32>
    %eq3A_2542 = vector.broadcast %broadcast_in_dim3A_830 : vector<1x1024xf32> to vector<8x1024xf32>
    %eq3A_2543 = arith.cmpf oeq, %slice3A_2532, %eq3A_2542 : vector<8x1024xf32>
    %jit3A_2544 = arith.constant 1024 : i32
    %broadcast_in_dim3A_2545 = vector.broadcast %jit3A_2544 : i32 to vector<8x1024xi32>
    %select_n3A_2546 = arith.select %eq3A_2543, %add3A_2535, %broadcast_in_dim3A_2545 : vector<8x1024xi1>, vector<8x1024xi32>
    %min3A_2547 = arith.minsi %min3A_2525, %select_n3A_2546 : vector<8x1024xi32>
    %eq3A_2548 = vector.broadcast %broadcast_in_dim3A_857 : vector<1x1024xf32> to vector<8x1024xf32>
    %eq3A_2549 = arith.cmpf oeq, %slice3A_2532, %eq3A_2548 : vector<8x1024xf32>
    %jit3A_2550 = arith.constant 1024 : i32
    %broadcast_in_dim3A_2551 = vector.broadcast %jit3A_2550 : i32 to vector<8x1024xi32>
    %select_n3A_2552 = arith.select %eq3A_2549, %add3A_2535, %broadcast_in_dim3A_2551 : vector<8x1024xi1>, vector<8x1024xi32>
    %min3A_2553 = arith.minsi %min3A_2531, %select_n3A_2552 : vector<8x1024xi32>
    %slice3A_2554 = vector.extract_strided_slice %sub3A_14 {offsets = [616, 0], sizes = [8, 1024], strides = [1, 1]} : vector<1024x1024xf32> to vector<8x1024xf32>
    %add3A_2555 = arith.constant 616 : i32
    %add3A_2556 = vector.broadcast %add3A_2555 : i32 to vector<8x1024xi32>
    %add3A_2557 = arith.addi %iota3A, %add3A_2556 : vector<8x1024xi32>
    %eq3A_2558 = vector.broadcast %broadcast_in_dim3A_804 : vector<1x1024xf32> to vector<8x1024xf32>
    %eq3A_2559 = arith.cmpf oeq, %slice3A_2554, %eq3A_2558 : vector<8x1024xf32>
    %jit3A_2560 = arith.constant 1024 : i32
    %broadcast_in_dim3A_2561 = vector.broadcast %jit3A_2560 : i32 to vector<8x1024xi32>
    %select_n3A_2562 = arith.select %eq3A_2559, %add3A_2557, %broadcast_in_dim3A_2561 : vector<8x1024xi1>, vector<8x1024xi32>
    %min3A_2563 = arith.minsi %min3A_2541, %select_n3A_2562 : vector<8x1024xi32>
    %eq3A_2564 = vector.broadcast %broadcast_in_dim3A_830 : vector<1x1024xf32> to vector<8x1024xf32>
    %eq3A_2565 = arith.cmpf oeq, %slice3A_2554, %eq3A_2564 : vector<8x1024xf32>
    %jit3A_2566 = arith.constant 1024 : i32
    %broadcast_in_dim3A_2567 = vector.broadcast %jit3A_2566 : i32 to vector<8x1024xi32>
    %select_n3A_2568 = arith.select %eq3A_2565, %add3A_2557, %broadcast_in_dim3A_2567 : vector<8x1024xi1>, vector<8x1024xi32>
    %min3A_2569 = arith.minsi %min3A_2547, %select_n3A_2568 : vector<8x1024xi32>
    %eq3A_2570 = vector.broadcast %broadcast_in_dim3A_857 : vector<1x1024xf32> to vector<8x1024xf32>
    %eq3A_2571 = arith.cmpf oeq, %slice3A_2554, %eq3A_2570 : vector<8x1024xf32>
    %jit3A_2572 = arith.constant 1024 : i32
    %broadcast_in_dim3A_2573 = vector.broadcast %jit3A_2572 : i32 to vector<8x1024xi32>
    %select_n3A_2574 = arith.select %eq3A_2571, %add3A_2557, %broadcast_in_dim3A_2573 : vector<8x1024xi1>, vector<8x1024xi32>
    %min3A_2575 = arith.minsi %min3A_2553, %select_n3A_2574 : vector<8x1024xi32>
    %slice3A_2576 = vector.extract_strided_slice %sub3A_14 {offsets = [624, 0], sizes = [8, 1024], strides = [1, 1]} : vector<1024x1024xf32> to vector<8x1024xf32>
    %add3A_2577 = arith.constant 624 : i32
    %add3A_2578 = vector.broadcast %add3A_2577 : i32 to vector<8x1024xi32>
    %add3A_2579 = arith.addi %iota3A, %add3A_2578 : vector<8x1024xi32>
    %eq3A_2580 = vector.broadcast %broadcast_in_dim3A_804 : vector<1x1024xf32> to vector<8x1024xf32>
    %eq3A_2581 = arith.cmpf oeq, %slice3A_2576, %eq3A_2580 : vector<8x1024xf32>
    %jit3A_2582 = arith.constant 1024 : i32
    %broadcast_in_dim3A_2583 = vector.broadcast %jit3A_2582 : i32 to vector<8x1024xi32>
    %select_n3A_2584 = arith.select %eq3A_2581, %add3A_2579, %broadcast_in_dim3A_2583 : vector<8x1024xi1>, vector<8x1024xi32>
    %min3A_2585 = arith.minsi %min3A_2563, %select_n3A_2584 : vector<8x1024xi32>
    %eq3A_2586 = vector.broadcast %broadcast_in_dim3A_830 : vector<1x1024xf32> to vector<8x1024xf32>
    %eq3A_2587 = arith.cmpf oeq, %slice3A_2576, %eq3A_2586 : vector<8x1024xf32>
    %jit3A_2588 = arith.constant 1024 : i32
    %broadcast_in_dim3A_2589 = vector.broadcast %jit3A_2588 : i32 to vector<8x1024xi32>
    %select_n3A_2590 = arith.select %eq3A_2587, %add3A_2579, %broadcast_in_dim3A_2589 : vector<8x1024xi1>, vector<8x1024xi32>
    %min3A_2591 = arith.minsi %min3A_2569, %select_n3A_2590 : vector<8x1024xi32>
    %eq3A_2592 = vector.broadcast %broadcast_in_dim3A_857 : vector<1x1024xf32> to vector<8x1024xf32>
    %eq3A_2593 = arith.cmpf oeq, %slice3A_2576, %eq3A_2592 : vector<8x1024xf32>
    %jit3A_2594 = arith.constant 1024 : i32
    %broadcast_in_dim3A_2595 = vector.broadcast %jit3A_2594 : i32 to vector<8x1024xi32>
    %select_n3A_2596 = arith.select %eq3A_2593, %add3A_2579, %broadcast_in_dim3A_2595 : vector<8x1024xi1>, vector<8x1024xi32>
    %min3A_2597 = arith.minsi %min3A_2575, %select_n3A_2596 : vector<8x1024xi32>
    %slice3A_2598 = vector.extract_strided_slice %sub3A_14 {offsets = [632, 0], sizes = [8, 1024], strides = [1, 1]} : vector<1024x1024xf32> to vector<8x1024xf32>
    %add3A_2599 = arith.constant 632 : i32
    %add3A_2600 = vector.broadcast %add3A_2599 : i32 to vector<8x1024xi32>
    %add3A_2601 = arith.addi %iota3A, %add3A_2600 : vector<8x1024xi32>
    %eq3A_2602 = vector.broadcast %broadcast_in_dim3A_804 : vector<1x1024xf32> to vector<8x1024xf32>
    %eq3A_2603 = arith.cmpf oeq, %slice3A_2598, %eq3A_2602 : vector<8x1024xf32>
    %jit3A_2604 = arith.constant 1024 : i32
    %broadcast_in_dim3A_2605 = vector.broadcast %jit3A_2604 : i32 to vector<8x1024xi32>
    %select_n3A_2606 = arith.select %eq3A_2603, %add3A_2601, %broadcast_in_dim3A_2605 : vector<8x1024xi1>, vector<8x1024xi32>
    %min3A_2607 = arith.minsi %min3A_2585, %select_n3A_2606 : vector<8x1024xi32>
    %eq3A_2608 = vector.broadcast %broadcast_in_dim3A_830 : vector<1x1024xf32> to vector<8x1024xf32>
    %eq3A_2609 = arith.cmpf oeq, %slice3A_2598, %eq3A_2608 : vector<8x1024xf32>
    %jit3A_2610 = arith.constant 1024 : i32
    %broadcast_in_dim3A_2611 = vector.broadcast %jit3A_2610 : i32 to vector<8x1024xi32>
    %select_n3A_2612 = arith.select %eq3A_2609, %add3A_2601, %broadcast_in_dim3A_2611 : vector<8x1024xi1>, vector<8x1024xi32>
    %min3A_2613 = arith.minsi %min3A_2591, %select_n3A_2612 : vector<8x1024xi32>
    %eq3A_2614 = vector.broadcast %broadcast_in_dim3A_857 : vector<1x1024xf32> to vector<8x1024xf32>
    %eq3A_2615 = arith.cmpf oeq, %slice3A_2598, %eq3A_2614 : vector<8x1024xf32>
    %jit3A_2616 = arith.constant 1024 : i32
    %broadcast_in_dim3A_2617 = vector.broadcast %jit3A_2616 : i32 to vector<8x1024xi32>
    %select_n3A_2618 = arith.select %eq3A_2615, %add3A_2601, %broadcast_in_dim3A_2617 : vector<8x1024xi1>, vector<8x1024xi32>
    %min3A_2619 = arith.minsi %min3A_2597, %select_n3A_2618 : vector<8x1024xi32>
    %slice3A_2620 = vector.extract_strided_slice %sub3A_14 {offsets = [640, 0], sizes = [8, 1024], strides = [1, 1]} : vector<1024x1024xf32> to vector<8x1024xf32>
    %add3A_2621 = arith.constant 640 : i32
    %add3A_2622 = vector.broadcast %add3A_2621 : i32 to vector<8x1024xi32>
    %add3A_2623 = arith.addi %iota3A, %add3A_2622 : vector<8x1024xi32>
    %eq3A_2624 = vector.broadcast %broadcast_in_dim3A_804 : vector<1x1024xf32> to vector<8x1024xf32>
    %eq3A_2625 = arith.cmpf oeq, %slice3A_2620, %eq3A_2624 : vector<8x1024xf32>
    %jit3A_2626 = arith.constant 1024 : i32
    %broadcast_in_dim3A_2627 = vector.broadcast %jit3A_2626 : i32 to vector<8x1024xi32>
    %select_n3A_2628 = arith.select %eq3A_2625, %add3A_2623, %broadcast_in_dim3A_2627 : vector<8x1024xi1>, vector<8x1024xi32>
    %min3A_2629 = arith.minsi %min3A_2607, %select_n3A_2628 : vector<8x1024xi32>
    %eq3A_2630 = vector.broadcast %broadcast_in_dim3A_830 : vector<1x1024xf32> to vector<8x1024xf32>
    %eq3A_2631 = arith.cmpf oeq, %slice3A_2620, %eq3A_2630 : vector<8x1024xf32>
    %jit3A_2632 = arith.constant 1024 : i32
    %broadcast_in_dim3A_2633 = vector.broadcast %jit3A_2632 : i32 to vector<8x1024xi32>
    %select_n3A_2634 = arith.select %eq3A_2631, %add3A_2623, %broadcast_in_dim3A_2633 : vector<8x1024xi1>, vector<8x1024xi32>
    %min3A_2635 = arith.minsi %min3A_2613, %select_n3A_2634 : vector<8x1024xi32>
    %eq3A_2636 = vector.broadcast %broadcast_in_dim3A_857 : vector<1x1024xf32> to vector<8x1024xf32>
    %eq3A_2637 = arith.cmpf oeq, %slice3A_2620, %eq3A_2636 : vector<8x1024xf32>
    %jit3A_2638 = arith.constant 1024 : i32
    %broadcast_in_dim3A_2639 = vector.broadcast %jit3A_2638 : i32 to vector<8x1024xi32>
    %select_n3A_2640 = arith.select %eq3A_2637, %add3A_2623, %broadcast_in_dim3A_2639 : vector<8x1024xi1>, vector<8x1024xi32>
    %min3A_2641 = arith.minsi %min3A_2619, %select_n3A_2640 : vector<8x1024xi32>
    %slice3A_2642 = vector.extract_strided_slice %sub3A_14 {offsets = [648, 0], sizes = [8, 1024], strides = [1, 1]} : vector<1024x1024xf32> to vector<8x1024xf32>
    %add3A_2643 = arith.constant 648 : i32
    %add3A_2644 = vector.broadcast %add3A_2643 : i32 to vector<8x1024xi32>
    %add3A_2645 = arith.addi %iota3A, %add3A_2644 : vector<8x1024xi32>
    %eq3A_2646 = vector.broadcast %broadcast_in_dim3A_804 : vector<1x1024xf32> to vector<8x1024xf32>
    %eq3A_2647 = arith.cmpf oeq, %slice3A_2642, %eq3A_2646 : vector<8x1024xf32>
    %jit3A_2648 = arith.constant 1024 : i32
    %broadcast_in_dim3A_2649 = vector.broadcast %jit3A_2648 : i32 to vector<8x1024xi32>
    %select_n3A_2650 = arith.select %eq3A_2647, %add3A_2645, %broadcast_in_dim3A_2649 : vector<8x1024xi1>, vector<8x1024xi32>
    %min3A_2651 = arith.minsi %min3A_2629, %select_n3A_2650 : vector<8x1024xi32>
    %eq3A_2652 = vector.broadcast %broadcast_in_dim3A_830 : vector<1x1024xf32> to vector<8x1024xf32>
    %eq3A_2653 = arith.cmpf oeq, %slice3A_2642, %eq3A_2652 : vector<8x1024xf32>
    %jit3A_2654 = arith.constant 1024 : i32
    %broadcast_in_dim3A_2655 = vector.broadcast %jit3A_2654 : i32 to vector<8x1024xi32>
    %select_n3A_2656 = arith.select %eq3A_2653, %add3A_2645, %broadcast_in_dim3A_2655 : vector<8x1024xi1>, vector<8x1024xi32>
    %min3A_2657 = arith.minsi %min3A_2635, %select_n3A_2656 : vector<8x1024xi32>
    %eq3A_2658 = vector.broadcast %broadcast_in_dim3A_857 : vector<1x1024xf32> to vector<8x1024xf32>
    %eq3A_2659 = arith.cmpf oeq, %slice3A_2642, %eq3A_2658 : vector<8x1024xf32>
    %jit3A_2660 = arith.constant 1024 : i32
    %broadcast_in_dim3A_2661 = vector.broadcast %jit3A_2660 : i32 to vector<8x1024xi32>
    %select_n3A_2662 = arith.select %eq3A_2659, %add3A_2645, %broadcast_in_dim3A_2661 : vector<8x1024xi1>, vector<8x1024xi32>
    %min3A_2663 = arith.minsi %min3A_2641, %select_n3A_2662 : vector<8x1024xi32>
    %slice3A_2664 = vector.extract_strided_slice %sub3A_14 {offsets = [656, 0], sizes = [8, 1024], strides = [1, 1]} : vector<1024x1024xf32> to vector<8x1024xf32>
    %add3A_2665 = arith.constant 656 : i32
    %add3A_2666 = vector.broadcast %add3A_2665 : i32 to vector<8x1024xi32>
    %add3A_2667 = arith.addi %iota3A, %add3A_2666 : vector<8x1024xi32>
    %eq3A_2668 = vector.broadcast %broadcast_in_dim3A_804 : vector<1x1024xf32> to vector<8x1024xf32>
    %eq3A_2669 = arith.cmpf oeq, %slice3A_2664, %eq3A_2668 : vector<8x1024xf32>
    %jit3A_2670 = arith.constant 1024 : i32
    %broadcast_in_dim3A_2671 = vector.broadcast %jit3A_2670 : i32 to vector<8x1024xi32>
    %select_n3A_2672 = arith.select %eq3A_2669, %add3A_2667, %broadcast_in_dim3A_2671 : vector<8x1024xi1>, vector<8x1024xi32>
    %min3A_2673 = arith.minsi %min3A_2651, %select_n3A_2672 : vector<8x1024xi32>
    %eq3A_2674 = vector.broadcast %broadcast_in_dim3A_830 : vector<1x1024xf32> to vector<8x1024xf32>
    %eq3A_2675 = arith.cmpf oeq, %slice3A_2664, %eq3A_2674 : vector<8x1024xf32>
    %jit3A_2676 = arith.constant 1024 : i32
    %broadcast_in_dim3A_2677 = vector.broadcast %jit3A_2676 : i32 to vector<8x1024xi32>
    %select_n3A_2678 = arith.select %eq3A_2675, %add3A_2667, %broadcast_in_dim3A_2677 : vector<8x1024xi1>, vector<8x1024xi32>
    %min3A_2679 = arith.minsi %min3A_2657, %select_n3A_2678 : vector<8x1024xi32>
    %eq3A_2680 = vector.broadcast %broadcast_in_dim3A_857 : vector<1x1024xf32> to vector<8x1024xf32>
    %eq3A_2681 = arith.cmpf oeq, %slice3A_2664, %eq3A_2680 : vector<8x1024xf32>
    %jit3A_2682 = arith.constant 1024 : i32
    %broadcast_in_dim3A_2683 = vector.broadcast %jit3A_2682 : i32 to vector<8x1024xi32>
    %select_n3A_2684 = arith.select %eq3A_2681, %add3A_2667, %broadcast_in_dim3A_2683 : vector<8x1024xi1>, vector<8x1024xi32>
    %min3A_2685 = arith.minsi %min3A_2663, %select_n3A_2684 : vector<8x1024xi32>
    %slice3A_2686 = vector.extract_strided_slice %sub3A_14 {offsets = [664, 0], sizes = [8, 1024], strides = [1, 1]} : vector<1024x1024xf32> to vector<8x1024xf32>
    %add3A_2687 = arith.constant 664 : i32
    %add3A_2688 = vector.broadcast %add3A_2687 : i32 to vector<8x1024xi32>
    %add3A_2689 = arith.addi %iota3A, %add3A_2688 : vector<8x1024xi32>
    %eq3A_2690 = vector.broadcast %broadcast_in_dim3A_804 : vector<1x1024xf32> to vector<8x1024xf32>
    %eq3A_2691 = arith.cmpf oeq, %slice3A_2686, %eq3A_2690 : vector<8x1024xf32>
    %jit3A_2692 = arith.constant 1024 : i32
    %broadcast_in_dim3A_2693 = vector.broadcast %jit3A_2692 : i32 to vector<8x1024xi32>
    %select_n3A_2694 = arith.select %eq3A_2691, %add3A_2689, %broadcast_in_dim3A_2693 : vector<8x1024xi1>, vector<8x1024xi32>
    %min3A_2695 = arith.minsi %min3A_2673, %select_n3A_2694 : vector<8x1024xi32>
    %eq3A_2696 = vector.broadcast %broadcast_in_dim3A_830 : vector<1x1024xf32> to vector<8x1024xf32>
    %eq3A_2697 = arith.cmpf oeq, %slice3A_2686, %eq3A_2696 : vector<8x1024xf32>
    %jit3A_2698 = arith.constant 1024 : i32
    %broadcast_in_dim3A_2699 = vector.broadcast %jit3A_2698 : i32 to vector<8x1024xi32>
    %select_n3A_2700 = arith.select %eq3A_2697, %add3A_2689, %broadcast_in_dim3A_2699 : vector<8x1024xi1>, vector<8x1024xi32>
    %min3A_2701 = arith.minsi %min3A_2679, %select_n3A_2700 : vector<8x1024xi32>
    %eq3A_2702 = vector.broadcast %broadcast_in_dim3A_857 : vector<1x1024xf32> to vector<8x1024xf32>
    %eq3A_2703 = arith.cmpf oeq, %slice3A_2686, %eq3A_2702 : vector<8x1024xf32>
    %jit3A_2704 = arith.constant 1024 : i32
    %broadcast_in_dim3A_2705 = vector.broadcast %jit3A_2704 : i32 to vector<8x1024xi32>
    %select_n3A_2706 = arith.select %eq3A_2703, %add3A_2689, %broadcast_in_dim3A_2705 : vector<8x1024xi1>, vector<8x1024xi32>
    %min3A_2707 = arith.minsi %min3A_2685, %select_n3A_2706 : vector<8x1024xi32>
    %slice3A_2708 = vector.extract_strided_slice %sub3A_14 {offsets = [672, 0], sizes = [8, 1024], strides = [1, 1]} : vector<1024x1024xf32> to vector<8x1024xf32>
    %add3A_2709 = arith.constant 672 : i32
    %add3A_2710 = vector.broadcast %add3A_2709 : i32 to vector<8x1024xi32>
    %add3A_2711 = arith.addi %iota3A, %add3A_2710 : vector<8x1024xi32>
    %eq3A_2712 = vector.broadcast %broadcast_in_dim3A_804 : vector<1x1024xf32> to vector<8x1024xf32>
    %eq3A_2713 = arith.cmpf oeq, %slice3A_2708, %eq3A_2712 : vector<8x1024xf32>
    %jit3A_2714 = arith.constant 1024 : i32
    %broadcast_in_dim3A_2715 = vector.broadcast %jit3A_2714 : i32 to vector<8x1024xi32>
    %select_n3A_2716 = arith.select %eq3A_2713, %add3A_2711, %broadcast_in_dim3A_2715 : vector<8x1024xi1>, vector<8x1024xi32>
    %min3A_2717 = arith.minsi %min3A_2695, %select_n3A_2716 : vector<8x1024xi32>
    %eq3A_2718 = vector.broadcast %broadcast_in_dim3A_830 : vector<1x1024xf32> to vector<8x1024xf32>
    %eq3A_2719 = arith.cmpf oeq, %slice3A_2708, %eq3A_2718 : vector<8x1024xf32>
    %jit3A_2720 = arith.constant 1024 : i32
    %broadcast_in_dim3A_2721 = vector.broadcast %jit3A_2720 : i32 to vector<8x1024xi32>
    %select_n3A_2722 = arith.select %eq3A_2719, %add3A_2711, %broadcast_in_dim3A_2721 : vector<8x1024xi1>, vector<8x1024xi32>
    %min3A_2723 = arith.minsi %min3A_2701, %select_n3A_2722 : vector<8x1024xi32>
    %eq3A_2724 = vector.broadcast %broadcast_in_dim3A_857 : vector<1x1024xf32> to vector<8x1024xf32>
    %eq3A_2725 = arith.cmpf oeq, %slice3A_2708, %eq3A_2724 : vector<8x1024xf32>
    %jit3A_2726 = arith.constant 1024 : i32
    %broadcast_in_dim3A_2727 = vector.broadcast %jit3A_2726 : i32 to vector<8x1024xi32>
    %select_n3A_2728 = arith.select %eq3A_2725, %add3A_2711, %broadcast_in_dim3A_2727 : vector<8x1024xi1>, vector<8x1024xi32>
    %min3A_2729 = arith.minsi %min3A_2707, %select_n3A_2728 : vector<8x1024xi32>
    %slice3A_2730 = vector.extract_strided_slice %sub3A_14 {offsets = [680, 0], sizes = [8, 1024], strides = [1, 1]} : vector<1024x1024xf32> to vector<8x1024xf32>
    %add3A_2731 = arith.constant 680 : i32
    %add3A_2732 = vector.broadcast %add3A_2731 : i32 to vector<8x1024xi32>
    %add3A_2733 = arith.addi %iota3A, %add3A_2732 : vector<8x1024xi32>
    %eq3A_2734 = vector.broadcast %broadcast_in_dim3A_804 : vector<1x1024xf32> to vector<8x1024xf32>
    %eq3A_2735 = arith.cmpf oeq, %slice3A_2730, %eq3A_2734 : vector<8x1024xf32>
    %jit3A_2736 = arith.constant 1024 : i32
    %broadcast_in_dim3A_2737 = vector.broadcast %jit3A_2736 : i32 to vector<8x1024xi32>
    %select_n3A_2738 = arith.select %eq3A_2735, %add3A_2733, %broadcast_in_dim3A_2737 : vector<8x1024xi1>, vector<8x1024xi32>
    %min3A_2739 = arith.minsi %min3A_2717, %select_n3A_2738 : vector<8x1024xi32>
    %eq3A_2740 = vector.broadcast %broadcast_in_dim3A_830 : vector<1x1024xf32> to vector<8x1024xf32>
    %eq3A_2741 = arith.cmpf oeq, %slice3A_2730, %eq3A_2740 : vector<8x1024xf32>
    %jit3A_2742 = arith.constant 1024 : i32
    %broadcast_in_dim3A_2743 = vector.broadcast %jit3A_2742 : i32 to vector<8x1024xi32>
    %select_n3A_2744 = arith.select %eq3A_2741, %add3A_2733, %broadcast_in_dim3A_2743 : vector<8x1024xi1>, vector<8x1024xi32>
    %min3A_2745 = arith.minsi %min3A_2723, %select_n3A_2744 : vector<8x1024xi32>
    %eq3A_2746 = vector.broadcast %broadcast_in_dim3A_857 : vector<1x1024xf32> to vector<8x1024xf32>
    %eq3A_2747 = arith.cmpf oeq, %slice3A_2730, %eq3A_2746 : vector<8x1024xf32>
    %jit3A_2748 = arith.constant 1024 : i32
    %broadcast_in_dim3A_2749 = vector.broadcast %jit3A_2748 : i32 to vector<8x1024xi32>
    %select_n3A_2750 = arith.select %eq3A_2747, %add3A_2733, %broadcast_in_dim3A_2749 : vector<8x1024xi1>, vector<8x1024xi32>
    %min3A_2751 = arith.minsi %min3A_2729, %select_n3A_2750 : vector<8x1024xi32>
    %slice3A_2752 = vector.extract_strided_slice %sub3A_14 {offsets = [688, 0], sizes = [8, 1024], strides = [1, 1]} : vector<1024x1024xf32> to vector<8x1024xf32>
    %add3A_2753 = arith.constant 688 : i32
    %add3A_2754 = vector.broadcast %add3A_2753 : i32 to vector<8x1024xi32>
    %add3A_2755 = arith.addi %iota3A, %add3A_2754 : vector<8x1024xi32>
    %eq3A_2756 = vector.broadcast %broadcast_in_dim3A_804 : vector<1x1024xf32> to vector<8x1024xf32>
    %eq3A_2757 = arith.cmpf oeq, %slice3A_2752, %eq3A_2756 : vector<8x1024xf32>
    %jit3A_2758 = arith.constant 1024 : i32
    %broadcast_in_dim3A_2759 = vector.broadcast %jit3A_2758 : i32 to vector<8x1024xi32>
    %select_n3A_2760 = arith.select %eq3A_2757, %add3A_2755, %broadcast_in_dim3A_2759 : vector<8x1024xi1>, vector<8x1024xi32>
    %min3A_2761 = arith.minsi %min3A_2739, %select_n3A_2760 : vector<8x1024xi32>
    %eq3A_2762 = vector.broadcast %broadcast_in_dim3A_830 : vector<1x1024xf32> to vector<8x1024xf32>
    %eq3A_2763 = arith.cmpf oeq, %slice3A_2752, %eq3A_2762 : vector<8x1024xf32>
    %jit3A_2764 = arith.constant 1024 : i32
    %broadcast_in_dim3A_2765 = vector.broadcast %jit3A_2764 : i32 to vector<8x1024xi32>
    %select_n3A_2766 = arith.select %eq3A_2763, %add3A_2755, %broadcast_in_dim3A_2765 : vector<8x1024xi1>, vector<8x1024xi32>
    %min3A_2767 = arith.minsi %min3A_2745, %select_n3A_2766 : vector<8x1024xi32>
    %eq3A_2768 = vector.broadcast %broadcast_in_dim3A_857 : vector<1x1024xf32> to vector<8x1024xf32>
    %eq3A_2769 = arith.cmpf oeq, %slice3A_2752, %eq3A_2768 : vector<8x1024xf32>
    %jit3A_2770 = arith.constant 1024 : i32
    %broadcast_in_dim3A_2771 = vector.broadcast %jit3A_2770 : i32 to vector<8x1024xi32>
    %select_n3A_2772 = arith.select %eq3A_2769, %add3A_2755, %broadcast_in_dim3A_2771 : vector<8x1024xi1>, vector<8x1024xi32>
    %min3A_2773 = arith.minsi %min3A_2751, %select_n3A_2772 : vector<8x1024xi32>
    %slice3A_2774 = vector.extract_strided_slice %sub3A_14 {offsets = [696, 0], sizes = [8, 1024], strides = [1, 1]} : vector<1024x1024xf32> to vector<8x1024xf32>
    %add3A_2775 = arith.constant 696 : i32
    %add3A_2776 = vector.broadcast %add3A_2775 : i32 to vector<8x1024xi32>
    %add3A_2777 = arith.addi %iota3A, %add3A_2776 : vector<8x1024xi32>
    %eq3A_2778 = vector.broadcast %broadcast_in_dim3A_804 : vector<1x1024xf32> to vector<8x1024xf32>
    %eq3A_2779 = arith.cmpf oeq, %slice3A_2774, %eq3A_2778 : vector<8x1024xf32>
    %jit3A_2780 = arith.constant 1024 : i32
    %broadcast_in_dim3A_2781 = vector.broadcast %jit3A_2780 : i32 to vector<8x1024xi32>
    %select_n3A_2782 = arith.select %eq3A_2779, %add3A_2777, %broadcast_in_dim3A_2781 : vector<8x1024xi1>, vector<8x1024xi32>
    %min3A_2783 = arith.minsi %min3A_2761, %select_n3A_2782 : vector<8x1024xi32>
    %eq3A_2784 = vector.broadcast %broadcast_in_dim3A_830 : vector<1x1024xf32> to vector<8x1024xf32>
    %eq3A_2785 = arith.cmpf oeq, %slice3A_2774, %eq3A_2784 : vector<8x1024xf32>
    %jit3A_2786 = arith.constant 1024 : i32
    %broadcast_in_dim3A_2787 = vector.broadcast %jit3A_2786 : i32 to vector<8x1024xi32>
    %select_n3A_2788 = arith.select %eq3A_2785, %add3A_2777, %broadcast_in_dim3A_2787 : vector<8x1024xi1>, vector<8x1024xi32>
    %min3A_2789 = arith.minsi %min3A_2767, %select_n3A_2788 : vector<8x1024xi32>
    %eq3A_2790 = vector.broadcast %broadcast_in_dim3A_857 : vector<1x1024xf32> to vector<8x1024xf32>
    %eq3A_2791 = arith.cmpf oeq, %slice3A_2774, %eq3A_2790 : vector<8x1024xf32>
    %jit3A_2792 = arith.constant 1024 : i32
    %broadcast_in_dim3A_2793 = vector.broadcast %jit3A_2792 : i32 to vector<8x1024xi32>
    %select_n3A_2794 = arith.select %eq3A_2791, %add3A_2777, %broadcast_in_dim3A_2793 : vector<8x1024xi1>, vector<8x1024xi32>
    %min3A_2795 = arith.minsi %min3A_2773, %select_n3A_2794 : vector<8x1024xi32>
    %slice3A_2796 = vector.extract_strided_slice %sub3A_14 {offsets = [704, 0], sizes = [8, 1024], strides = [1, 1]} : vector<1024x1024xf32> to vector<8x1024xf32>
    %add3A_2797 = arith.constant 704 : i32
    %add3A_2798 = vector.broadcast %add3A_2797 : i32 to vector<8x1024xi32>
    %add3A_2799 = arith.addi %iota3A, %add3A_2798 : vector<8x1024xi32>
    %eq3A_2800 = vector.broadcast %broadcast_in_dim3A_804 : vector<1x1024xf32> to vector<8x1024xf32>
    %eq3A_2801 = arith.cmpf oeq, %slice3A_2796, %eq3A_2800 : vector<8x1024xf32>
    %jit3A_2802 = arith.constant 1024 : i32
    %broadcast_in_dim3A_2803 = vector.broadcast %jit3A_2802 : i32 to vector<8x1024xi32>
    %select_n3A_2804 = arith.select %eq3A_2801, %add3A_2799, %broadcast_in_dim3A_2803 : vector<8x1024xi1>, vector<8x1024xi32>
    %min3A_2805 = arith.minsi %min3A_2783, %select_n3A_2804 : vector<8x1024xi32>
    %eq3A_2806 = vector.broadcast %broadcast_in_dim3A_830 : vector<1x1024xf32> to vector<8x1024xf32>
    %eq3A_2807 = arith.cmpf oeq, %slice3A_2796, %eq3A_2806 : vector<8x1024xf32>
    %jit3A_2808 = arith.constant 1024 : i32
    %broadcast_in_dim3A_2809 = vector.broadcast %jit3A_2808 : i32 to vector<8x1024xi32>
    %select_n3A_2810 = arith.select %eq3A_2807, %add3A_2799, %broadcast_in_dim3A_2809 : vector<8x1024xi1>, vector<8x1024xi32>
    %min3A_2811 = arith.minsi %min3A_2789, %select_n3A_2810 : vector<8x1024xi32>
    %eq3A_2812 = vector.broadcast %broadcast_in_dim3A_857 : vector<1x1024xf32> to vector<8x1024xf32>
    %eq3A_2813 = arith.cmpf oeq, %slice3A_2796, %eq3A_2812 : vector<8x1024xf32>
    %jit3A_2814 = arith.constant 1024 : i32
    %broadcast_in_dim3A_2815 = vector.broadcast %jit3A_2814 : i32 to vector<8x1024xi32>
    %select_n3A_2816 = arith.select %eq3A_2813, %add3A_2799, %broadcast_in_dim3A_2815 : vector<8x1024xi1>, vector<8x1024xi32>
    %min3A_2817 = arith.minsi %min3A_2795, %select_n3A_2816 : vector<8x1024xi32>
    %slice3A_2818 = vector.extract_strided_slice %sub3A_14 {offsets = [712, 0], sizes = [8, 1024], strides = [1, 1]} : vector<1024x1024xf32> to vector<8x1024xf32>
    %add3A_2819 = arith.constant 712 : i32
    %add3A_2820 = vector.broadcast %add3A_2819 : i32 to vector<8x1024xi32>
    %add3A_2821 = arith.addi %iota3A, %add3A_2820 : vector<8x1024xi32>
    %eq3A_2822 = vector.broadcast %broadcast_in_dim3A_804 : vector<1x1024xf32> to vector<8x1024xf32>
    %eq3A_2823 = arith.cmpf oeq, %slice3A_2818, %eq3A_2822 : vector<8x1024xf32>
    %jit3A_2824 = arith.constant 1024 : i32
    %broadcast_in_dim3A_2825 = vector.broadcast %jit3A_2824 : i32 to vector<8x1024xi32>
    %select_n3A_2826 = arith.select %eq3A_2823, %add3A_2821, %broadcast_in_dim3A_2825 : vector<8x1024xi1>, vector<8x1024xi32>
    %min3A_2827 = arith.minsi %min3A_2805, %select_n3A_2826 : vector<8x1024xi32>
    %eq3A_2828 = vector.broadcast %broadcast_in_dim3A_830 : vector<1x1024xf32> to vector<8x1024xf32>
    %eq3A_2829 = arith.cmpf oeq, %slice3A_2818, %eq3A_2828 : vector<8x1024xf32>
    %jit3A_2830 = arith.constant 1024 : i32
    %broadcast_in_dim3A_2831 = vector.broadcast %jit3A_2830 : i32 to vector<8x1024xi32>
    %select_n3A_2832 = arith.select %eq3A_2829, %add3A_2821, %broadcast_in_dim3A_2831 : vector<8x1024xi1>, vector<8x1024xi32>
    %min3A_2833 = arith.minsi %min3A_2811, %select_n3A_2832 : vector<8x1024xi32>
    %eq3A_2834 = vector.broadcast %broadcast_in_dim3A_857 : vector<1x1024xf32> to vector<8x1024xf32>
    %eq3A_2835 = arith.cmpf oeq, %slice3A_2818, %eq3A_2834 : vector<8x1024xf32>
    %jit3A_2836 = arith.constant 1024 : i32
    %broadcast_in_dim3A_2837 = vector.broadcast %jit3A_2836 : i32 to vector<8x1024xi32>
    %select_n3A_2838 = arith.select %eq3A_2835, %add3A_2821, %broadcast_in_dim3A_2837 : vector<8x1024xi1>, vector<8x1024xi32>
    %min3A_2839 = arith.minsi %min3A_2817, %select_n3A_2838 : vector<8x1024xi32>
    %slice3A_2840 = vector.extract_strided_slice %sub3A_14 {offsets = [720, 0], sizes = [8, 1024], strides = [1, 1]} : vector<1024x1024xf32> to vector<8x1024xf32>
    %add3A_2841 = arith.constant 720 : i32
    %add3A_2842 = vector.broadcast %add3A_2841 : i32 to vector<8x1024xi32>
    %add3A_2843 = arith.addi %iota3A, %add3A_2842 : vector<8x1024xi32>
    %eq3A_2844 = vector.broadcast %broadcast_in_dim3A_804 : vector<1x1024xf32> to vector<8x1024xf32>
    %eq3A_2845 = arith.cmpf oeq, %slice3A_2840, %eq3A_2844 : vector<8x1024xf32>
    %jit3A_2846 = arith.constant 1024 : i32
    %broadcast_in_dim3A_2847 = vector.broadcast %jit3A_2846 : i32 to vector<8x1024xi32>
    %select_n3A_2848 = arith.select %eq3A_2845, %add3A_2843, %broadcast_in_dim3A_2847 : vector<8x1024xi1>, vector<8x1024xi32>
    %min3A_2849 = arith.minsi %min3A_2827, %select_n3A_2848 : vector<8x1024xi32>
    %eq3A_2850 = vector.broadcast %broadcast_in_dim3A_830 : vector<1x1024xf32> to vector<8x1024xf32>
    %eq3A_2851 = arith.cmpf oeq, %slice3A_2840, %eq3A_2850 : vector<8x1024xf32>
    %jit3A_2852 = arith.constant 1024 : i32
    %broadcast_in_dim3A_2853 = vector.broadcast %jit3A_2852 : i32 to vector<8x1024xi32>
    %select_n3A_2854 = arith.select %eq3A_2851, %add3A_2843, %broadcast_in_dim3A_2853 : vector<8x1024xi1>, vector<8x1024xi32>
    %min3A_2855 = arith.minsi %min3A_2833, %select_n3A_2854 : vector<8x1024xi32>
    %eq3A_2856 = vector.broadcast %broadcast_in_dim3A_857 : vector<1x1024xf32> to vector<8x1024xf32>
    %eq3A_2857 = arith.cmpf oeq, %slice3A_2840, %eq3A_2856 : vector<8x1024xf32>
    %jit3A_2858 = arith.constant 1024 : i32
    %broadcast_in_dim3A_2859 = vector.broadcast %jit3A_2858 : i32 to vector<8x1024xi32>
    %select_n3A_2860 = arith.select %eq3A_2857, %add3A_2843, %broadcast_in_dim3A_2859 : vector<8x1024xi1>, vector<8x1024xi32>
    %min3A_2861 = arith.minsi %min3A_2839, %select_n3A_2860 : vector<8x1024xi32>
    %slice3A_2862 = vector.extract_strided_slice %sub3A_14 {offsets = [728, 0], sizes = [8, 1024], strides = [1, 1]} : vector<1024x1024xf32> to vector<8x1024xf32>
    %add3A_2863 = arith.constant 728 : i32
    %add3A_2864 = vector.broadcast %add3A_2863 : i32 to vector<8x1024xi32>
    %add3A_2865 = arith.addi %iota3A, %add3A_2864 : vector<8x1024xi32>
    %eq3A_2866 = vector.broadcast %broadcast_in_dim3A_804 : vector<1x1024xf32> to vector<8x1024xf32>
    %eq3A_2867 = arith.cmpf oeq, %slice3A_2862, %eq3A_2866 : vector<8x1024xf32>
    %jit3A_2868 = arith.constant 1024 : i32
    %broadcast_in_dim3A_2869 = vector.broadcast %jit3A_2868 : i32 to vector<8x1024xi32>
    %select_n3A_2870 = arith.select %eq3A_2867, %add3A_2865, %broadcast_in_dim3A_2869 : vector<8x1024xi1>, vector<8x1024xi32>
    %min3A_2871 = arith.minsi %min3A_2849, %select_n3A_2870 : vector<8x1024xi32>
    %eq3A_2872 = vector.broadcast %broadcast_in_dim3A_830 : vector<1x1024xf32> to vector<8x1024xf32>
    %eq3A_2873 = arith.cmpf oeq, %slice3A_2862, %eq3A_2872 : vector<8x1024xf32>
    %jit3A_2874 = arith.constant 1024 : i32
    %broadcast_in_dim3A_2875 = vector.broadcast %jit3A_2874 : i32 to vector<8x1024xi32>
    %select_n3A_2876 = arith.select %eq3A_2873, %add3A_2865, %broadcast_in_dim3A_2875 : vector<8x1024xi1>, vector<8x1024xi32>
    %min3A_2877 = arith.minsi %min3A_2855, %select_n3A_2876 : vector<8x1024xi32>
    %eq3A_2878 = vector.broadcast %broadcast_in_dim3A_857 : vector<1x1024xf32> to vector<8x1024xf32>
    %eq3A_2879 = arith.cmpf oeq, %slice3A_2862, %eq3A_2878 : vector<8x1024xf32>
    %jit3A_2880 = arith.constant 1024 : i32
    %broadcast_in_dim3A_2881 = vector.broadcast %jit3A_2880 : i32 to vector<8x1024xi32>
    %select_n3A_2882 = arith.select %eq3A_2879, %add3A_2865, %broadcast_in_dim3A_2881 : vector<8x1024xi1>, vector<8x1024xi32>
    %min3A_2883 = arith.minsi %min3A_2861, %select_n3A_2882 : vector<8x1024xi32>
    %slice3A_2884 = vector.extract_strided_slice %sub3A_14 {offsets = [736, 0], sizes = [8, 1024], strides = [1, 1]} : vector<1024x1024xf32> to vector<8x1024xf32>
    %add3A_2885 = arith.constant 736 : i32
    %add3A_2886 = vector.broadcast %add3A_2885 : i32 to vector<8x1024xi32>
    %add3A_2887 = arith.addi %iota3A, %add3A_2886 : vector<8x1024xi32>
    %eq3A_2888 = vector.broadcast %broadcast_in_dim3A_804 : vector<1x1024xf32> to vector<8x1024xf32>
    %eq3A_2889 = arith.cmpf oeq, %slice3A_2884, %eq3A_2888 : vector<8x1024xf32>
    %jit3A_2890 = arith.constant 1024 : i32
    %broadcast_in_dim3A_2891 = vector.broadcast %jit3A_2890 : i32 to vector<8x1024xi32>
    %select_n3A_2892 = arith.select %eq3A_2889, %add3A_2887, %broadcast_in_dim3A_2891 : vector<8x1024xi1>, vector<8x1024xi32>
    %min3A_2893 = arith.minsi %min3A_2871, %select_n3A_2892 : vector<8x1024xi32>
    %eq3A_2894 = vector.broadcast %broadcast_in_dim3A_830 : vector<1x1024xf32> to vector<8x1024xf32>
    %eq3A_2895 = arith.cmpf oeq, %slice3A_2884, %eq3A_2894 : vector<8x1024xf32>
    %jit3A_2896 = arith.constant 1024 : i32
    %broadcast_in_dim3A_2897 = vector.broadcast %jit3A_2896 : i32 to vector<8x1024xi32>
    %select_n3A_2898 = arith.select %eq3A_2895, %add3A_2887, %broadcast_in_dim3A_2897 : vector<8x1024xi1>, vector<8x1024xi32>
    %min3A_2899 = arith.minsi %min3A_2877, %select_n3A_2898 : vector<8x1024xi32>
    %eq3A_2900 = vector.broadcast %broadcast_in_dim3A_857 : vector<1x1024xf32> to vector<8x1024xf32>
    %eq3A_2901 = arith.cmpf oeq, %slice3A_2884, %eq3A_2900 : vector<8x1024xf32>
    %jit3A_2902 = arith.constant 1024 : i32
    %broadcast_in_dim3A_2903 = vector.broadcast %jit3A_2902 : i32 to vector<8x1024xi32>
    %select_n3A_2904 = arith.select %eq3A_2901, %add3A_2887, %broadcast_in_dim3A_2903 : vector<8x1024xi1>, vector<8x1024xi32>
    %min3A_2905 = arith.minsi %min3A_2883, %select_n3A_2904 : vector<8x1024xi32>
    %slice3A_2906 = vector.extract_strided_slice %sub3A_14 {offsets = [744, 0], sizes = [8, 1024], strides = [1, 1]} : vector<1024x1024xf32> to vector<8x1024xf32>
    %add3A_2907 = arith.constant 744 : i32
    %add3A_2908 = vector.broadcast %add3A_2907 : i32 to vector<8x1024xi32>
    %add3A_2909 = arith.addi %iota3A, %add3A_2908 : vector<8x1024xi32>
    %eq3A_2910 = vector.broadcast %broadcast_in_dim3A_804 : vector<1x1024xf32> to vector<8x1024xf32>
    %eq3A_2911 = arith.cmpf oeq, %slice3A_2906, %eq3A_2910 : vector<8x1024xf32>
    %jit3A_2912 = arith.constant 1024 : i32
    %broadcast_in_dim3A_2913 = vector.broadcast %jit3A_2912 : i32 to vector<8x1024xi32>
    %select_n3A_2914 = arith.select %eq3A_2911, %add3A_2909, %broadcast_in_dim3A_2913 : vector<8x1024xi1>, vector<8x1024xi32>
    %min3A_2915 = arith.minsi %min3A_2893, %select_n3A_2914 : vector<8x1024xi32>
    %eq3A_2916 = vector.broadcast %broadcast_in_dim3A_830 : vector<1x1024xf32> to vector<8x1024xf32>
    %eq3A_2917 = arith.cmpf oeq, %slice3A_2906, %eq3A_2916 : vector<8x1024xf32>
    %jit3A_2918 = arith.constant 1024 : i32
    %broadcast_in_dim3A_2919 = vector.broadcast %jit3A_2918 : i32 to vector<8x1024xi32>
    %select_n3A_2920 = arith.select %eq3A_2917, %add3A_2909, %broadcast_in_dim3A_2919 : vector<8x1024xi1>, vector<8x1024xi32>
    %min3A_2921 = arith.minsi %min3A_2899, %select_n3A_2920 : vector<8x1024xi32>
    %eq3A_2922 = vector.broadcast %broadcast_in_dim3A_857 : vector<1x1024xf32> to vector<8x1024xf32>
    %eq3A_2923 = arith.cmpf oeq, %slice3A_2906, %eq3A_2922 : vector<8x1024xf32>
    %jit3A_2924 = arith.constant 1024 : i32
    %broadcast_in_dim3A_2925 = vector.broadcast %jit3A_2924 : i32 to vector<8x1024xi32>
    %select_n3A_2926 = arith.select %eq3A_2923, %add3A_2909, %broadcast_in_dim3A_2925 : vector<8x1024xi1>, vector<8x1024xi32>
    %min3A_2927 = arith.minsi %min3A_2905, %select_n3A_2926 : vector<8x1024xi32>
    %slice3A_2928 = vector.extract_strided_slice %sub3A_14 {offsets = [752, 0], sizes = [8, 1024], strides = [1, 1]} : vector<1024x1024xf32> to vector<8x1024xf32>
    %add3A_2929 = arith.constant 752 : i32
    %add3A_2930 = vector.broadcast %add3A_2929 : i32 to vector<8x1024xi32>
    %add3A_2931 = arith.addi %iota3A, %add3A_2930 : vector<8x1024xi32>
    %eq3A_2932 = vector.broadcast %broadcast_in_dim3A_804 : vector<1x1024xf32> to vector<8x1024xf32>
    %eq3A_2933 = arith.cmpf oeq, %slice3A_2928, %eq3A_2932 : vector<8x1024xf32>
    %jit3A_2934 = arith.constant 1024 : i32
    %broadcast_in_dim3A_2935 = vector.broadcast %jit3A_2934 : i32 to vector<8x1024xi32>
    %select_n3A_2936 = arith.select %eq3A_2933, %add3A_2931, %broadcast_in_dim3A_2935 : vector<8x1024xi1>, vector<8x1024xi32>
    %min3A_2937 = arith.minsi %min3A_2915, %select_n3A_2936 : vector<8x1024xi32>
    %eq3A_2938 = vector.broadcast %broadcast_in_dim3A_830 : vector<1x1024xf32> to vector<8x1024xf32>
    %eq3A_2939 = arith.cmpf oeq, %slice3A_2928, %eq3A_2938 : vector<8x1024xf32>
    %jit3A_2940 = arith.constant 1024 : i32
    %broadcast_in_dim3A_2941 = vector.broadcast %jit3A_2940 : i32 to vector<8x1024xi32>
    %select_n3A_2942 = arith.select %eq3A_2939, %add3A_2931, %broadcast_in_dim3A_2941 : vector<8x1024xi1>, vector<8x1024xi32>
    %min3A_2943 = arith.minsi %min3A_2921, %select_n3A_2942 : vector<8x1024xi32>
    %eq3A_2944 = vector.broadcast %broadcast_in_dim3A_857 : vector<1x1024xf32> to vector<8x1024xf32>
    %eq3A_2945 = arith.cmpf oeq, %slice3A_2928, %eq3A_2944 : vector<8x1024xf32>
    %jit3A_2946 = arith.constant 1024 : i32
    %broadcast_in_dim3A_2947 = vector.broadcast %jit3A_2946 : i32 to vector<8x1024xi32>
    %select_n3A_2948 = arith.select %eq3A_2945, %add3A_2931, %broadcast_in_dim3A_2947 : vector<8x1024xi1>, vector<8x1024xi32>
    %min3A_2949 = arith.minsi %min3A_2927, %select_n3A_2948 : vector<8x1024xi32>
    %slice3A_2950 = vector.extract_strided_slice %sub3A_14 {offsets = [760, 0], sizes = [8, 1024], strides = [1, 1]} : vector<1024x1024xf32> to vector<8x1024xf32>
    %add3A_2951 = arith.constant 760 : i32
    %add3A_2952 = vector.broadcast %add3A_2951 : i32 to vector<8x1024xi32>
    %add3A_2953 = arith.addi %iota3A, %add3A_2952 : vector<8x1024xi32>
    %eq3A_2954 = vector.broadcast %broadcast_in_dim3A_804 : vector<1x1024xf32> to vector<8x1024xf32>
    %eq3A_2955 = arith.cmpf oeq, %slice3A_2950, %eq3A_2954 : vector<8x1024xf32>
    %jit3A_2956 = arith.constant 1024 : i32
    %broadcast_in_dim3A_2957 = vector.broadcast %jit3A_2956 : i32 to vector<8x1024xi32>
    %select_n3A_2958 = arith.select %eq3A_2955, %add3A_2953, %broadcast_in_dim3A_2957 : vector<8x1024xi1>, vector<8x1024xi32>
    %min3A_2959 = arith.minsi %min3A_2937, %select_n3A_2958 : vector<8x1024xi32>
    %eq3A_2960 = vector.broadcast %broadcast_in_dim3A_830 : vector<1x1024xf32> to vector<8x1024xf32>
    %eq3A_2961 = arith.cmpf oeq, %slice3A_2950, %eq3A_2960 : vector<8x1024xf32>
    %jit3A_2962 = arith.constant 1024 : i32
    %broadcast_in_dim3A_2963 = vector.broadcast %jit3A_2962 : i32 to vector<8x1024xi32>
    %select_n3A_2964 = arith.select %eq3A_2961, %add3A_2953, %broadcast_in_dim3A_2963 : vector<8x1024xi1>, vector<8x1024xi32>
    %min3A_2965 = arith.minsi %min3A_2943, %select_n3A_2964 : vector<8x1024xi32>
    %eq3A_2966 = vector.broadcast %broadcast_in_dim3A_857 : vector<1x1024xf32> to vector<8x1024xf32>
    %eq3A_2967 = arith.cmpf oeq, %slice3A_2950, %eq3A_2966 : vector<8x1024xf32>
    %jit3A_2968 = arith.constant 1024 : i32
    %broadcast_in_dim3A_2969 = vector.broadcast %jit3A_2968 : i32 to vector<8x1024xi32>
    %select_n3A_2970 = arith.select %eq3A_2967, %add3A_2953, %broadcast_in_dim3A_2969 : vector<8x1024xi1>, vector<8x1024xi32>
    %min3A_2971 = arith.minsi %min3A_2949, %select_n3A_2970 : vector<8x1024xi32>
    %slice3A_2972 = vector.extract_strided_slice %sub3A_14 {offsets = [768, 0], sizes = [8, 1024], strides = [1, 1]} : vector<1024x1024xf32> to vector<8x1024xf32>
    %add3A_2973 = arith.constant 768 : i32
    %add3A_2974 = vector.broadcast %add3A_2973 : i32 to vector<8x1024xi32>
    %add3A_2975 = arith.addi %iota3A, %add3A_2974 : vector<8x1024xi32>
    %eq3A_2976 = vector.broadcast %broadcast_in_dim3A_804 : vector<1x1024xf32> to vector<8x1024xf32>
    %eq3A_2977 = arith.cmpf oeq, %slice3A_2972, %eq3A_2976 : vector<8x1024xf32>
    %jit3A_2978 = arith.constant 1024 : i32
    %broadcast_in_dim3A_2979 = vector.broadcast %jit3A_2978 : i32 to vector<8x1024xi32>
    %select_n3A_2980 = arith.select %eq3A_2977, %add3A_2975, %broadcast_in_dim3A_2979 : vector<8x1024xi1>, vector<8x1024xi32>
    %min3A_2981 = arith.minsi %min3A_2959, %select_n3A_2980 : vector<8x1024xi32>
    %eq3A_2982 = vector.broadcast %broadcast_in_dim3A_830 : vector<1x1024xf32> to vector<8x1024xf32>
    %eq3A_2983 = arith.cmpf oeq, %slice3A_2972, %eq3A_2982 : vector<8x1024xf32>
    %jit3A_2984 = arith.constant 1024 : i32
    %broadcast_in_dim3A_2985 = vector.broadcast %jit3A_2984 : i32 to vector<8x1024xi32>
    %select_n3A_2986 = arith.select %eq3A_2983, %add3A_2975, %broadcast_in_dim3A_2985 : vector<8x1024xi1>, vector<8x1024xi32>
    %min3A_2987 = arith.minsi %min3A_2965, %select_n3A_2986 : vector<8x1024xi32>
    %eq3A_2988 = vector.broadcast %broadcast_in_dim3A_857 : vector<1x1024xf32> to vector<8x1024xf32>
    %eq3A_2989 = arith.cmpf oeq, %slice3A_2972, %eq3A_2988 : vector<8x1024xf32>
    %jit3A_2990 = arith.constant 1024 : i32
    %broadcast_in_dim3A_2991 = vector.broadcast %jit3A_2990 : i32 to vector<8x1024xi32>
    %select_n3A_2992 = arith.select %eq3A_2989, %add3A_2975, %broadcast_in_dim3A_2991 : vector<8x1024xi1>, vector<8x1024xi32>
    %min3A_2993 = arith.minsi %min3A_2971, %select_n3A_2992 : vector<8x1024xi32>
    %slice3A_2994 = vector.extract_strided_slice %sub3A_14 {offsets = [776, 0], sizes = [8, 1024], strides = [1, 1]} : vector<1024x1024xf32> to vector<8x1024xf32>
    %add3A_2995 = arith.constant 776 : i32
    %add3A_2996 = vector.broadcast %add3A_2995 : i32 to vector<8x1024xi32>
    %add3A_2997 = arith.addi %iota3A, %add3A_2996 : vector<8x1024xi32>
    %eq3A_2998 = vector.broadcast %broadcast_in_dim3A_804 : vector<1x1024xf32> to vector<8x1024xf32>
    %eq3A_2999 = arith.cmpf oeq, %slice3A_2994, %eq3A_2998 : vector<8x1024xf32>
    %jit3A_3000 = arith.constant 1024 : i32
    %broadcast_in_dim3A_3001 = vector.broadcast %jit3A_3000 : i32 to vector<8x1024xi32>
    %select_n3A_3002 = arith.select %eq3A_2999, %add3A_2997, %broadcast_in_dim3A_3001 : vector<8x1024xi1>, vector<8x1024xi32>
    %min3A_3003 = arith.minsi %min3A_2981, %select_n3A_3002 : vector<8x1024xi32>
    %eq3A_3004 = vector.broadcast %broadcast_in_dim3A_830 : vector<1x1024xf32> to vector<8x1024xf32>
    %eq3A_3005 = arith.cmpf oeq, %slice3A_2994, %eq3A_3004 : vector<8x1024xf32>
    %jit3A_3006 = arith.constant 1024 : i32
    %broadcast_in_dim3A_3007 = vector.broadcast %jit3A_3006 : i32 to vector<8x1024xi32>
    %select_n3A_3008 = arith.select %eq3A_3005, %add3A_2997, %broadcast_in_dim3A_3007 : vector<8x1024xi1>, vector<8x1024xi32>
    %min3A_3009 = arith.minsi %min3A_2987, %select_n3A_3008 : vector<8x1024xi32>
    %eq3A_3010 = vector.broadcast %broadcast_in_dim3A_857 : vector<1x1024xf32> to vector<8x1024xf32>
    %eq3A_3011 = arith.cmpf oeq, %slice3A_2994, %eq3A_3010 : vector<8x1024xf32>
    %jit3A_3012 = arith.constant 1024 : i32
    %broadcast_in_dim3A_3013 = vector.broadcast %jit3A_3012 : i32 to vector<8x1024xi32>
    %select_n3A_3014 = arith.select %eq3A_3011, %add3A_2997, %broadcast_in_dim3A_3013 : vector<8x1024xi1>, vector<8x1024xi32>
    %min3A_3015 = arith.minsi %min3A_2993, %select_n3A_3014 : vector<8x1024xi32>
    %slice3A_3016 = vector.extract_strided_slice %sub3A_14 {offsets = [784, 0], sizes = [8, 1024], strides = [1, 1]} : vector<1024x1024xf32> to vector<8x1024xf32>
    %add3A_3017 = arith.constant 784 : i32
    %add3A_3018 = vector.broadcast %add3A_3017 : i32 to vector<8x1024xi32>
    %add3A_3019 = arith.addi %iota3A, %add3A_3018 : vector<8x1024xi32>
    %eq3A_3020 = vector.broadcast %broadcast_in_dim3A_804 : vector<1x1024xf32> to vector<8x1024xf32>
    %eq3A_3021 = arith.cmpf oeq, %slice3A_3016, %eq3A_3020 : vector<8x1024xf32>
    %jit3A_3022 = arith.constant 1024 : i32
    %broadcast_in_dim3A_3023 = vector.broadcast %jit3A_3022 : i32 to vector<8x1024xi32>
    %select_n3A_3024 = arith.select %eq3A_3021, %add3A_3019, %broadcast_in_dim3A_3023 : vector<8x1024xi1>, vector<8x1024xi32>
    %min3A_3025 = arith.minsi %min3A_3003, %select_n3A_3024 : vector<8x1024xi32>
    %eq3A_3026 = vector.broadcast %broadcast_in_dim3A_830 : vector<1x1024xf32> to vector<8x1024xf32>
    %eq3A_3027 = arith.cmpf oeq, %slice3A_3016, %eq3A_3026 : vector<8x1024xf32>
    %jit3A_3028 = arith.constant 1024 : i32
    %broadcast_in_dim3A_3029 = vector.broadcast %jit3A_3028 : i32 to vector<8x1024xi32>
    %select_n3A_3030 = arith.select %eq3A_3027, %add3A_3019, %broadcast_in_dim3A_3029 : vector<8x1024xi1>, vector<8x1024xi32>
    %min3A_3031 = arith.minsi %min3A_3009, %select_n3A_3030 : vector<8x1024xi32>
    %eq3A_3032 = vector.broadcast %broadcast_in_dim3A_857 : vector<1x1024xf32> to vector<8x1024xf32>
    %eq3A_3033 = arith.cmpf oeq, %slice3A_3016, %eq3A_3032 : vector<8x1024xf32>
    %jit3A_3034 = arith.constant 1024 : i32
    %broadcast_in_dim3A_3035 = vector.broadcast %jit3A_3034 : i32 to vector<8x1024xi32>
    %select_n3A_3036 = arith.select %eq3A_3033, %add3A_3019, %broadcast_in_dim3A_3035 : vector<8x1024xi1>, vector<8x1024xi32>
    %min3A_3037 = arith.minsi %min3A_3015, %select_n3A_3036 : vector<8x1024xi32>
    %slice3A_3038 = vector.extract_strided_slice %sub3A_14 {offsets = [792, 0], sizes = [8, 1024], strides = [1, 1]} : vector<1024x1024xf32> to vector<8x1024xf32>
    %add3A_3039 = arith.constant 792 : i32
    %add3A_3040 = vector.broadcast %add3A_3039 : i32 to vector<8x1024xi32>
    %add3A_3041 = arith.addi %iota3A, %add3A_3040 : vector<8x1024xi32>
    %eq3A_3042 = vector.broadcast %broadcast_in_dim3A_804 : vector<1x1024xf32> to vector<8x1024xf32>
    %eq3A_3043 = arith.cmpf oeq, %slice3A_3038, %eq3A_3042 : vector<8x1024xf32>
    %jit3A_3044 = arith.constant 1024 : i32
    %broadcast_in_dim3A_3045 = vector.broadcast %jit3A_3044 : i32 to vector<8x1024xi32>
    %select_n3A_3046 = arith.select %eq3A_3043, %add3A_3041, %broadcast_in_dim3A_3045 : vector<8x1024xi1>, vector<8x1024xi32>
    %min3A_3047 = arith.minsi %min3A_3025, %select_n3A_3046 : vector<8x1024xi32>
    %eq3A_3048 = vector.broadcast %broadcast_in_dim3A_830 : vector<1x1024xf32> to vector<8x1024xf32>
    %eq3A_3049 = arith.cmpf oeq, %slice3A_3038, %eq3A_3048 : vector<8x1024xf32>
    %jit3A_3050 = arith.constant 1024 : i32
    %broadcast_in_dim3A_3051 = vector.broadcast %jit3A_3050 : i32 to vector<8x1024xi32>
    %select_n3A_3052 = arith.select %eq3A_3049, %add3A_3041, %broadcast_in_dim3A_3051 : vector<8x1024xi1>, vector<8x1024xi32>
    %min3A_3053 = arith.minsi %min3A_3031, %select_n3A_3052 : vector<8x1024xi32>
    %eq3A_3054 = vector.broadcast %broadcast_in_dim3A_857 : vector<1x1024xf32> to vector<8x1024xf32>
    %eq3A_3055 = arith.cmpf oeq, %slice3A_3038, %eq3A_3054 : vector<8x1024xf32>
    %jit3A_3056 = arith.constant 1024 : i32
    %broadcast_in_dim3A_3057 = vector.broadcast %jit3A_3056 : i32 to vector<8x1024xi32>
    %select_n3A_3058 = arith.select %eq3A_3055, %add3A_3041, %broadcast_in_dim3A_3057 : vector<8x1024xi1>, vector<8x1024xi32>
    %min3A_3059 = arith.minsi %min3A_3037, %select_n3A_3058 : vector<8x1024xi32>
    %slice3A_3060 = vector.extract_strided_slice %sub3A_14 {offsets = [800, 0], sizes = [8, 1024], strides = [1, 1]} : vector<1024x1024xf32> to vector<8x1024xf32>
    %add3A_3061 = arith.constant 800 : i32
    %add3A_3062 = vector.broadcast %add3A_3061 : i32 to vector<8x1024xi32>
    %add3A_3063 = arith.addi %iota3A, %add3A_3062 : vector<8x1024xi32>
    %eq3A_3064 = vector.broadcast %broadcast_in_dim3A_804 : vector<1x1024xf32> to vector<8x1024xf32>
    %eq3A_3065 = arith.cmpf oeq, %slice3A_3060, %eq3A_3064 : vector<8x1024xf32>
    %jit3A_3066 = arith.constant 1024 : i32
    %broadcast_in_dim3A_3067 = vector.broadcast %jit3A_3066 : i32 to vector<8x1024xi32>
    %select_n3A_3068 = arith.select %eq3A_3065, %add3A_3063, %broadcast_in_dim3A_3067 : vector<8x1024xi1>, vector<8x1024xi32>
    %min3A_3069 = arith.minsi %min3A_3047, %select_n3A_3068 : vector<8x1024xi32>
    %eq3A_3070 = vector.broadcast %broadcast_in_dim3A_830 : vector<1x1024xf32> to vector<8x1024xf32>
    %eq3A_3071 = arith.cmpf oeq, %slice3A_3060, %eq3A_3070 : vector<8x1024xf32>
    %jit3A_3072 = arith.constant 1024 : i32
    %broadcast_in_dim3A_3073 = vector.broadcast %jit3A_3072 : i32 to vector<8x1024xi32>
    %select_n3A_3074 = arith.select %eq3A_3071, %add3A_3063, %broadcast_in_dim3A_3073 : vector<8x1024xi1>, vector<8x1024xi32>
    %min3A_3075 = arith.minsi %min3A_3053, %select_n3A_3074 : vector<8x1024xi32>
    %eq3A_3076 = vector.broadcast %broadcast_in_dim3A_857 : vector<1x1024xf32> to vector<8x1024xf32>
    %eq3A_3077 = arith.cmpf oeq, %slice3A_3060, %eq3A_3076 : vector<8x1024xf32>
    %jit3A_3078 = arith.constant 1024 : i32
    %broadcast_in_dim3A_3079 = vector.broadcast %jit3A_3078 : i32 to vector<8x1024xi32>
    %select_n3A_3080 = arith.select %eq3A_3077, %add3A_3063, %broadcast_in_dim3A_3079 : vector<8x1024xi1>, vector<8x1024xi32>
    %min3A_3081 = arith.minsi %min3A_3059, %select_n3A_3080 : vector<8x1024xi32>
    %slice3A_3082 = vector.extract_strided_slice %sub3A_14 {offsets = [808, 0], sizes = [8, 1024], strides = [1, 1]} : vector<1024x1024xf32> to vector<8x1024xf32>
    %add3A_3083 = arith.constant 808 : i32
    %add3A_3084 = vector.broadcast %add3A_3083 : i32 to vector<8x1024xi32>
    %add3A_3085 = arith.addi %iota3A, %add3A_3084 : vector<8x1024xi32>
    %eq3A_3086 = vector.broadcast %broadcast_in_dim3A_804 : vector<1x1024xf32> to vector<8x1024xf32>
    %eq3A_3087 = arith.cmpf oeq, %slice3A_3082, %eq3A_3086 : vector<8x1024xf32>
    %jit3A_3088 = arith.constant 1024 : i32
    %broadcast_in_dim3A_3089 = vector.broadcast %jit3A_3088 : i32 to vector<8x1024xi32>
    %select_n3A_3090 = arith.select %eq3A_3087, %add3A_3085, %broadcast_in_dim3A_3089 : vector<8x1024xi1>, vector<8x1024xi32>
    %min3A_3091 = arith.minsi %min3A_3069, %select_n3A_3090 : vector<8x1024xi32>
    %eq3A_3092 = vector.broadcast %broadcast_in_dim3A_830 : vector<1x1024xf32> to vector<8x1024xf32>
    %eq3A_3093 = arith.cmpf oeq, %slice3A_3082, %eq3A_3092 : vector<8x1024xf32>
    %jit3A_3094 = arith.constant 1024 : i32
    %broadcast_in_dim3A_3095 = vector.broadcast %jit3A_3094 : i32 to vector<8x1024xi32>
    %select_n3A_3096 = arith.select %eq3A_3093, %add3A_3085, %broadcast_in_dim3A_3095 : vector<8x1024xi1>, vector<8x1024xi32>
    %min3A_3097 = arith.minsi %min3A_3075, %select_n3A_3096 : vector<8x1024xi32>
    %eq3A_3098 = vector.broadcast %broadcast_in_dim3A_857 : vector<1x1024xf32> to vector<8x1024xf32>
    %eq3A_3099 = arith.cmpf oeq, %slice3A_3082, %eq3A_3098 : vector<8x1024xf32>
    %jit3A_3100 = arith.constant 1024 : i32
    %broadcast_in_dim3A_3101 = vector.broadcast %jit3A_3100 : i32 to vector<8x1024xi32>
    %select_n3A_3102 = arith.select %eq3A_3099, %add3A_3085, %broadcast_in_dim3A_3101 : vector<8x1024xi1>, vector<8x1024xi32>
    %min3A_3103 = arith.minsi %min3A_3081, %select_n3A_3102 : vector<8x1024xi32>
    %slice3A_3104 = vector.extract_strided_slice %sub3A_14 {offsets = [816, 0], sizes = [8, 1024], strides = [1, 1]} : vector<1024x1024xf32> to vector<8x1024xf32>
    %add3A_3105 = arith.constant 816 : i32
    %add3A_3106 = vector.broadcast %add3A_3105 : i32 to vector<8x1024xi32>
    %add3A_3107 = arith.addi %iota3A, %add3A_3106 : vector<8x1024xi32>
    %eq3A_3108 = vector.broadcast %broadcast_in_dim3A_804 : vector<1x1024xf32> to vector<8x1024xf32>
    %eq3A_3109 = arith.cmpf oeq, %slice3A_3104, %eq3A_3108 : vector<8x1024xf32>
    %jit3A_3110 = arith.constant 1024 : i32
    %broadcast_in_dim3A_3111 = vector.broadcast %jit3A_3110 : i32 to vector<8x1024xi32>
    %select_n3A_3112 = arith.select %eq3A_3109, %add3A_3107, %broadcast_in_dim3A_3111 : vector<8x1024xi1>, vector<8x1024xi32>
    %min3A_3113 = arith.minsi %min3A_3091, %select_n3A_3112 : vector<8x1024xi32>
    %eq3A_3114 = vector.broadcast %broadcast_in_dim3A_830 : vector<1x1024xf32> to vector<8x1024xf32>
    %eq3A_3115 = arith.cmpf oeq, %slice3A_3104, %eq3A_3114 : vector<8x1024xf32>
    %jit3A_3116 = arith.constant 1024 : i32
    %broadcast_in_dim3A_3117 = vector.broadcast %jit3A_3116 : i32 to vector<8x1024xi32>
    %select_n3A_3118 = arith.select %eq3A_3115, %add3A_3107, %broadcast_in_dim3A_3117 : vector<8x1024xi1>, vector<8x1024xi32>
    %min3A_3119 = arith.minsi %min3A_3097, %select_n3A_3118 : vector<8x1024xi32>
    %eq3A_3120 = vector.broadcast %broadcast_in_dim3A_857 : vector<1x1024xf32> to vector<8x1024xf32>
    %eq3A_3121 = arith.cmpf oeq, %slice3A_3104, %eq3A_3120 : vector<8x1024xf32>
    %jit3A_3122 = arith.constant 1024 : i32
    %broadcast_in_dim3A_3123 = vector.broadcast %jit3A_3122 : i32 to vector<8x1024xi32>
    %select_n3A_3124 = arith.select %eq3A_3121, %add3A_3107, %broadcast_in_dim3A_3123 : vector<8x1024xi1>, vector<8x1024xi32>
    %min3A_3125 = arith.minsi %min3A_3103, %select_n3A_3124 : vector<8x1024xi32>
    %slice3A_3126 = vector.extract_strided_slice %sub3A_14 {offsets = [824, 0], sizes = [8, 1024], strides = [1, 1]} : vector<1024x1024xf32> to vector<8x1024xf32>
    %add3A_3127 = arith.constant 824 : i32
    %add3A_3128 = vector.broadcast %add3A_3127 : i32 to vector<8x1024xi32>
    %add3A_3129 = arith.addi %iota3A, %add3A_3128 : vector<8x1024xi32>
    %eq3A_3130 = vector.broadcast %broadcast_in_dim3A_804 : vector<1x1024xf32> to vector<8x1024xf32>
    %eq3A_3131 = arith.cmpf oeq, %slice3A_3126, %eq3A_3130 : vector<8x1024xf32>
    %jit3A_3132 = arith.constant 1024 : i32
    %broadcast_in_dim3A_3133 = vector.broadcast %jit3A_3132 : i32 to vector<8x1024xi32>
    %select_n3A_3134 = arith.select %eq3A_3131, %add3A_3129, %broadcast_in_dim3A_3133 : vector<8x1024xi1>, vector<8x1024xi32>
    %min3A_3135 = arith.minsi %min3A_3113, %select_n3A_3134 : vector<8x1024xi32>
    %eq3A_3136 = vector.broadcast %broadcast_in_dim3A_830 : vector<1x1024xf32> to vector<8x1024xf32>
    %eq3A_3137 = arith.cmpf oeq, %slice3A_3126, %eq3A_3136 : vector<8x1024xf32>
    %jit3A_3138 = arith.constant 1024 : i32
    %broadcast_in_dim3A_3139 = vector.broadcast %jit3A_3138 : i32 to vector<8x1024xi32>
    %select_n3A_3140 = arith.select %eq3A_3137, %add3A_3129, %broadcast_in_dim3A_3139 : vector<8x1024xi1>, vector<8x1024xi32>
    %min3A_3141 = arith.minsi %min3A_3119, %select_n3A_3140 : vector<8x1024xi32>
    %eq3A_3142 = vector.broadcast %broadcast_in_dim3A_857 : vector<1x1024xf32> to vector<8x1024xf32>
    %eq3A_3143 = arith.cmpf oeq, %slice3A_3126, %eq3A_3142 : vector<8x1024xf32>
    %jit3A_3144 = arith.constant 1024 : i32
    %broadcast_in_dim3A_3145 = vector.broadcast %jit3A_3144 : i32 to vector<8x1024xi32>
    %select_n3A_3146 = arith.select %eq3A_3143, %add3A_3129, %broadcast_in_dim3A_3145 : vector<8x1024xi1>, vector<8x1024xi32>
    %min3A_3147 = arith.minsi %min3A_3125, %select_n3A_3146 : vector<8x1024xi32>
    %slice3A_3148 = vector.extract_strided_slice %sub3A_14 {offsets = [832, 0], sizes = [8, 1024], strides = [1, 1]} : vector<1024x1024xf32> to vector<8x1024xf32>
    %add3A_3149 = arith.constant 832 : i32
    %add3A_3150 = vector.broadcast %add3A_3149 : i32 to vector<8x1024xi32>
    %add3A_3151 = arith.addi %iota3A, %add3A_3150 : vector<8x1024xi32>
    %eq3A_3152 = vector.broadcast %broadcast_in_dim3A_804 : vector<1x1024xf32> to vector<8x1024xf32>
    %eq3A_3153 = arith.cmpf oeq, %slice3A_3148, %eq3A_3152 : vector<8x1024xf32>
    %jit3A_3154 = arith.constant 1024 : i32
    %broadcast_in_dim3A_3155 = vector.broadcast %jit3A_3154 : i32 to vector<8x1024xi32>
    %select_n3A_3156 = arith.select %eq3A_3153, %add3A_3151, %broadcast_in_dim3A_3155 : vector<8x1024xi1>, vector<8x1024xi32>
    %min3A_3157 = arith.minsi %min3A_3135, %select_n3A_3156 : vector<8x1024xi32>
    %eq3A_3158 = vector.broadcast %broadcast_in_dim3A_830 : vector<1x1024xf32> to vector<8x1024xf32>
    %eq3A_3159 = arith.cmpf oeq, %slice3A_3148, %eq3A_3158 : vector<8x1024xf32>
    %jit3A_3160 = arith.constant 1024 : i32
    %broadcast_in_dim3A_3161 = vector.broadcast %jit3A_3160 : i32 to vector<8x1024xi32>
    %select_n3A_3162 = arith.select %eq3A_3159, %add3A_3151, %broadcast_in_dim3A_3161 : vector<8x1024xi1>, vector<8x1024xi32>
    %min3A_3163 = arith.minsi %min3A_3141, %select_n3A_3162 : vector<8x1024xi32>
    %eq3A_3164 = vector.broadcast %broadcast_in_dim3A_857 : vector<1x1024xf32> to vector<8x1024xf32>
    %eq3A_3165 = arith.cmpf oeq, %slice3A_3148, %eq3A_3164 : vector<8x1024xf32>
    %jit3A_3166 = arith.constant 1024 : i32
    %broadcast_in_dim3A_3167 = vector.broadcast %jit3A_3166 : i32 to vector<8x1024xi32>
    %select_n3A_3168 = arith.select %eq3A_3165, %add3A_3151, %broadcast_in_dim3A_3167 : vector<8x1024xi1>, vector<8x1024xi32>
    %min3A_3169 = arith.minsi %min3A_3147, %select_n3A_3168 : vector<8x1024xi32>
    %slice3A_3170 = vector.extract_strided_slice %sub3A_14 {offsets = [840, 0], sizes = [8, 1024], strides = [1, 1]} : vector<1024x1024xf32> to vector<8x1024xf32>
    %add3A_3171 = arith.constant 840 : i32
    %add3A_3172 = vector.broadcast %add3A_3171 : i32 to vector<8x1024xi32>
    %add3A_3173 = arith.addi %iota3A, %add3A_3172 : vector<8x1024xi32>
    %eq3A_3174 = vector.broadcast %broadcast_in_dim3A_804 : vector<1x1024xf32> to vector<8x1024xf32>
    %eq3A_3175 = arith.cmpf oeq, %slice3A_3170, %eq3A_3174 : vector<8x1024xf32>
    %jit3A_3176 = arith.constant 1024 : i32
    %broadcast_in_dim3A_3177 = vector.broadcast %jit3A_3176 : i32 to vector<8x1024xi32>
    %select_n3A_3178 = arith.select %eq3A_3175, %add3A_3173, %broadcast_in_dim3A_3177 : vector<8x1024xi1>, vector<8x1024xi32>
    %min3A_3179 = arith.minsi %min3A_3157, %select_n3A_3178 : vector<8x1024xi32>
    %eq3A_3180 = vector.broadcast %broadcast_in_dim3A_830 : vector<1x1024xf32> to vector<8x1024xf32>
    %eq3A_3181 = arith.cmpf oeq, %slice3A_3170, %eq3A_3180 : vector<8x1024xf32>
    %jit3A_3182 = arith.constant 1024 : i32
    %broadcast_in_dim3A_3183 = vector.broadcast %jit3A_3182 : i32 to vector<8x1024xi32>
    %select_n3A_3184 = arith.select %eq3A_3181, %add3A_3173, %broadcast_in_dim3A_3183 : vector<8x1024xi1>, vector<8x1024xi32>
    %min3A_3185 = arith.minsi %min3A_3163, %select_n3A_3184 : vector<8x1024xi32>
    %eq3A_3186 = vector.broadcast %broadcast_in_dim3A_857 : vector<1x1024xf32> to vector<8x1024xf32>
    %eq3A_3187 = arith.cmpf oeq, %slice3A_3170, %eq3A_3186 : vector<8x1024xf32>
    %jit3A_3188 = arith.constant 1024 : i32
    %broadcast_in_dim3A_3189 = vector.broadcast %jit3A_3188 : i32 to vector<8x1024xi32>
    %select_n3A_3190 = arith.select %eq3A_3187, %add3A_3173, %broadcast_in_dim3A_3189 : vector<8x1024xi1>, vector<8x1024xi32>
    %min3A_3191 = arith.minsi %min3A_3169, %select_n3A_3190 : vector<8x1024xi32>
    %slice3A_3192 = vector.extract_strided_slice %sub3A_14 {offsets = [848, 0], sizes = [8, 1024], strides = [1, 1]} : vector<1024x1024xf32> to vector<8x1024xf32>
    %add3A_3193 = arith.constant 848 : i32
    %add3A_3194 = vector.broadcast %add3A_3193 : i32 to vector<8x1024xi32>
    %add3A_3195 = arith.addi %iota3A, %add3A_3194 : vector<8x1024xi32>
    %eq3A_3196 = vector.broadcast %broadcast_in_dim3A_804 : vector<1x1024xf32> to vector<8x1024xf32>
    %eq3A_3197 = arith.cmpf oeq, %slice3A_3192, %eq3A_3196 : vector<8x1024xf32>
    %jit3A_3198 = arith.constant 1024 : i32
    %broadcast_in_dim3A_3199 = vector.broadcast %jit3A_3198 : i32 to vector<8x1024xi32>
    %select_n3A_3200 = arith.select %eq3A_3197, %add3A_3195, %broadcast_in_dim3A_3199 : vector<8x1024xi1>, vector<8x1024xi32>
    %min3A_3201 = arith.minsi %min3A_3179, %select_n3A_3200 : vector<8x1024xi32>
    %eq3A_3202 = vector.broadcast %broadcast_in_dim3A_830 : vector<1x1024xf32> to vector<8x1024xf32>
    %eq3A_3203 = arith.cmpf oeq, %slice3A_3192, %eq3A_3202 : vector<8x1024xf32>
    %jit3A_3204 = arith.constant 1024 : i32
    %broadcast_in_dim3A_3205 = vector.broadcast %jit3A_3204 : i32 to vector<8x1024xi32>
    %select_n3A_3206 = arith.select %eq3A_3203, %add3A_3195, %broadcast_in_dim3A_3205 : vector<8x1024xi1>, vector<8x1024xi32>
    %min3A_3207 = arith.minsi %min3A_3185, %select_n3A_3206 : vector<8x1024xi32>
    %eq3A_3208 = vector.broadcast %broadcast_in_dim3A_857 : vector<1x1024xf32> to vector<8x1024xf32>
    %eq3A_3209 = arith.cmpf oeq, %slice3A_3192, %eq3A_3208 : vector<8x1024xf32>
    %jit3A_3210 = arith.constant 1024 : i32
    %broadcast_in_dim3A_3211 = vector.broadcast %jit3A_3210 : i32 to vector<8x1024xi32>
    %select_n3A_3212 = arith.select %eq3A_3209, %add3A_3195, %broadcast_in_dim3A_3211 : vector<8x1024xi1>, vector<8x1024xi32>
    %min3A_3213 = arith.minsi %min3A_3191, %select_n3A_3212 : vector<8x1024xi32>
    %slice3A_3214 = vector.extract_strided_slice %sub3A_14 {offsets = [856, 0], sizes = [8, 1024], strides = [1, 1]} : vector<1024x1024xf32> to vector<8x1024xf32>
    %add3A_3215 = arith.constant 856 : i32
    %add3A_3216 = vector.broadcast %add3A_3215 : i32 to vector<8x1024xi32>
    %add3A_3217 = arith.addi %iota3A, %add3A_3216 : vector<8x1024xi32>
    %eq3A_3218 = vector.broadcast %broadcast_in_dim3A_804 : vector<1x1024xf32> to vector<8x1024xf32>
    %eq3A_3219 = arith.cmpf oeq, %slice3A_3214, %eq3A_3218 : vector<8x1024xf32>
    %jit3A_3220 = arith.constant 1024 : i32
    %broadcast_in_dim3A_3221 = vector.broadcast %jit3A_3220 : i32 to vector<8x1024xi32>
    %select_n3A_3222 = arith.select %eq3A_3219, %add3A_3217, %broadcast_in_dim3A_3221 : vector<8x1024xi1>, vector<8x1024xi32>
    %min3A_3223 = arith.minsi %min3A_3201, %select_n3A_3222 : vector<8x1024xi32>
    %eq3A_3224 = vector.broadcast %broadcast_in_dim3A_830 : vector<1x1024xf32> to vector<8x1024xf32>
    %eq3A_3225 = arith.cmpf oeq, %slice3A_3214, %eq3A_3224 : vector<8x1024xf32>
    %jit3A_3226 = arith.constant 1024 : i32
    %broadcast_in_dim3A_3227 = vector.broadcast %jit3A_3226 : i32 to vector<8x1024xi32>
    %select_n3A_3228 = arith.select %eq3A_3225, %add3A_3217, %broadcast_in_dim3A_3227 : vector<8x1024xi1>, vector<8x1024xi32>
    %min3A_3229 = arith.minsi %min3A_3207, %select_n3A_3228 : vector<8x1024xi32>
    %eq3A_3230 = vector.broadcast %broadcast_in_dim3A_857 : vector<1x1024xf32> to vector<8x1024xf32>
    %eq3A_3231 = arith.cmpf oeq, %slice3A_3214, %eq3A_3230 : vector<8x1024xf32>
    %jit3A_3232 = arith.constant 1024 : i32
    %broadcast_in_dim3A_3233 = vector.broadcast %jit3A_3232 : i32 to vector<8x1024xi32>
    %select_n3A_3234 = arith.select %eq3A_3231, %add3A_3217, %broadcast_in_dim3A_3233 : vector<8x1024xi1>, vector<8x1024xi32>
    %min3A_3235 = arith.minsi %min3A_3213, %select_n3A_3234 : vector<8x1024xi32>
    %slice3A_3236 = vector.extract_strided_slice %sub3A_14 {offsets = [864, 0], sizes = [8, 1024], strides = [1, 1]} : vector<1024x1024xf32> to vector<8x1024xf32>
    %add3A_3237 = arith.constant 864 : i32
    %add3A_3238 = vector.broadcast %add3A_3237 : i32 to vector<8x1024xi32>
    %add3A_3239 = arith.addi %iota3A, %add3A_3238 : vector<8x1024xi32>
    %eq3A_3240 = vector.broadcast %broadcast_in_dim3A_804 : vector<1x1024xf32> to vector<8x1024xf32>
    %eq3A_3241 = arith.cmpf oeq, %slice3A_3236, %eq3A_3240 : vector<8x1024xf32>
    %jit3A_3242 = arith.constant 1024 : i32
    %broadcast_in_dim3A_3243 = vector.broadcast %jit3A_3242 : i32 to vector<8x1024xi32>
    %select_n3A_3244 = arith.select %eq3A_3241, %add3A_3239, %broadcast_in_dim3A_3243 : vector<8x1024xi1>, vector<8x1024xi32>
    %min3A_3245 = arith.minsi %min3A_3223, %select_n3A_3244 : vector<8x1024xi32>
    %eq3A_3246 = vector.broadcast %broadcast_in_dim3A_830 : vector<1x1024xf32> to vector<8x1024xf32>
    %eq3A_3247 = arith.cmpf oeq, %slice3A_3236, %eq3A_3246 : vector<8x1024xf32>
    %jit3A_3248 = arith.constant 1024 : i32
    %broadcast_in_dim3A_3249 = vector.broadcast %jit3A_3248 : i32 to vector<8x1024xi32>
    %select_n3A_3250 = arith.select %eq3A_3247, %add3A_3239, %broadcast_in_dim3A_3249 : vector<8x1024xi1>, vector<8x1024xi32>
    %min3A_3251 = arith.minsi %min3A_3229, %select_n3A_3250 : vector<8x1024xi32>
    %eq3A_3252 = vector.broadcast %broadcast_in_dim3A_857 : vector<1x1024xf32> to vector<8x1024xf32>
    %eq3A_3253 = arith.cmpf oeq, %slice3A_3236, %eq3A_3252 : vector<8x1024xf32>
    %jit3A_3254 = arith.constant 1024 : i32
    %broadcast_in_dim3A_3255 = vector.broadcast %jit3A_3254 : i32 to vector<8x1024xi32>
    %select_n3A_3256 = arith.select %eq3A_3253, %add3A_3239, %broadcast_in_dim3A_3255 : vector<8x1024xi1>, vector<8x1024xi32>
    %min3A_3257 = arith.minsi %min3A_3235, %select_n3A_3256 : vector<8x1024xi32>
    %slice3A_3258 = vector.extract_strided_slice %sub3A_14 {offsets = [872, 0], sizes = [8, 1024], strides = [1, 1]} : vector<1024x1024xf32> to vector<8x1024xf32>
    %add3A_3259 = arith.constant 872 : i32
    %add3A_3260 = vector.broadcast %add3A_3259 : i32 to vector<8x1024xi32>
    %add3A_3261 = arith.addi %iota3A, %add3A_3260 : vector<8x1024xi32>
    %eq3A_3262 = vector.broadcast %broadcast_in_dim3A_804 : vector<1x1024xf32> to vector<8x1024xf32>
    %eq3A_3263 = arith.cmpf oeq, %slice3A_3258, %eq3A_3262 : vector<8x1024xf32>
    %jit3A_3264 = arith.constant 1024 : i32
    %broadcast_in_dim3A_3265 = vector.broadcast %jit3A_3264 : i32 to vector<8x1024xi32>
    %select_n3A_3266 = arith.select %eq3A_3263, %add3A_3261, %broadcast_in_dim3A_3265 : vector<8x1024xi1>, vector<8x1024xi32>
    %min3A_3267 = arith.minsi %min3A_3245, %select_n3A_3266 : vector<8x1024xi32>
    %eq3A_3268 = vector.broadcast %broadcast_in_dim3A_830 : vector<1x1024xf32> to vector<8x1024xf32>
    %eq3A_3269 = arith.cmpf oeq, %slice3A_3258, %eq3A_3268 : vector<8x1024xf32>
    %jit3A_3270 = arith.constant 1024 : i32
    %broadcast_in_dim3A_3271 = vector.broadcast %jit3A_3270 : i32 to vector<8x1024xi32>
    %select_n3A_3272 = arith.select %eq3A_3269, %add3A_3261, %broadcast_in_dim3A_3271 : vector<8x1024xi1>, vector<8x1024xi32>
    %min3A_3273 = arith.minsi %min3A_3251, %select_n3A_3272 : vector<8x1024xi32>
    %eq3A_3274 = vector.broadcast %broadcast_in_dim3A_857 : vector<1x1024xf32> to vector<8x1024xf32>
    %eq3A_3275 = arith.cmpf oeq, %slice3A_3258, %eq3A_3274 : vector<8x1024xf32>
    %jit3A_3276 = arith.constant 1024 : i32
    %broadcast_in_dim3A_3277 = vector.broadcast %jit3A_3276 : i32 to vector<8x1024xi32>
    %select_n3A_3278 = arith.select %eq3A_3275, %add3A_3261, %broadcast_in_dim3A_3277 : vector<8x1024xi1>, vector<8x1024xi32>
    %min3A_3279 = arith.minsi %min3A_3257, %select_n3A_3278 : vector<8x1024xi32>
    %slice3A_3280 = vector.extract_strided_slice %sub3A_14 {offsets = [880, 0], sizes = [8, 1024], strides = [1, 1]} : vector<1024x1024xf32> to vector<8x1024xf32>
    %add3A_3281 = arith.constant 880 : i32
    %add3A_3282 = vector.broadcast %add3A_3281 : i32 to vector<8x1024xi32>
    %add3A_3283 = arith.addi %iota3A, %add3A_3282 : vector<8x1024xi32>
    %eq3A_3284 = vector.broadcast %broadcast_in_dim3A_804 : vector<1x1024xf32> to vector<8x1024xf32>
    %eq3A_3285 = arith.cmpf oeq, %slice3A_3280, %eq3A_3284 : vector<8x1024xf32>
    %jit3A_3286 = arith.constant 1024 : i32
    %broadcast_in_dim3A_3287 = vector.broadcast %jit3A_3286 : i32 to vector<8x1024xi32>
    %select_n3A_3288 = arith.select %eq3A_3285, %add3A_3283, %broadcast_in_dim3A_3287 : vector<8x1024xi1>, vector<8x1024xi32>
    %min3A_3289 = arith.minsi %min3A_3267, %select_n3A_3288 : vector<8x1024xi32>
    %eq3A_3290 = vector.broadcast %broadcast_in_dim3A_830 : vector<1x1024xf32> to vector<8x1024xf32>
    %eq3A_3291 = arith.cmpf oeq, %slice3A_3280, %eq3A_3290 : vector<8x1024xf32>
    %jit3A_3292 = arith.constant 1024 : i32
    %broadcast_in_dim3A_3293 = vector.broadcast %jit3A_3292 : i32 to vector<8x1024xi32>
    %select_n3A_3294 = arith.select %eq3A_3291, %add3A_3283, %broadcast_in_dim3A_3293 : vector<8x1024xi1>, vector<8x1024xi32>
    %min3A_3295 = arith.minsi %min3A_3273, %select_n3A_3294 : vector<8x1024xi32>
    %eq3A_3296 = vector.broadcast %broadcast_in_dim3A_857 : vector<1x1024xf32> to vector<8x1024xf32>
    %eq3A_3297 = arith.cmpf oeq, %slice3A_3280, %eq3A_3296 : vector<8x1024xf32>
    %jit3A_3298 = arith.constant 1024 : i32
    %broadcast_in_dim3A_3299 = vector.broadcast %jit3A_3298 : i32 to vector<8x1024xi32>
    %select_n3A_3300 = arith.select %eq3A_3297, %add3A_3283, %broadcast_in_dim3A_3299 : vector<8x1024xi1>, vector<8x1024xi32>
    %min3A_3301 = arith.minsi %min3A_3279, %select_n3A_3300 : vector<8x1024xi32>
    %slice3A_3302 = vector.extract_strided_slice %sub3A_14 {offsets = [888, 0], sizes = [8, 1024], strides = [1, 1]} : vector<1024x1024xf32> to vector<8x1024xf32>
    %add3A_3303 = arith.constant 888 : i32
    %add3A_3304 = vector.broadcast %add3A_3303 : i32 to vector<8x1024xi32>
    %add3A_3305 = arith.addi %iota3A, %add3A_3304 : vector<8x1024xi32>
    %eq3A_3306 = vector.broadcast %broadcast_in_dim3A_804 : vector<1x1024xf32> to vector<8x1024xf32>
    %eq3A_3307 = arith.cmpf oeq, %slice3A_3302, %eq3A_3306 : vector<8x1024xf32>
    %jit3A_3308 = arith.constant 1024 : i32
    %broadcast_in_dim3A_3309 = vector.broadcast %jit3A_3308 : i32 to vector<8x1024xi32>
    %select_n3A_3310 = arith.select %eq3A_3307, %add3A_3305, %broadcast_in_dim3A_3309 : vector<8x1024xi1>, vector<8x1024xi32>
    %min3A_3311 = arith.minsi %min3A_3289, %select_n3A_3310 : vector<8x1024xi32>
    %eq3A_3312 = vector.broadcast %broadcast_in_dim3A_830 : vector<1x1024xf32> to vector<8x1024xf32>
    %eq3A_3313 = arith.cmpf oeq, %slice3A_3302, %eq3A_3312 : vector<8x1024xf32>
    %jit3A_3314 = arith.constant 1024 : i32
    %broadcast_in_dim3A_3315 = vector.broadcast %jit3A_3314 : i32 to vector<8x1024xi32>
    %select_n3A_3316 = arith.select %eq3A_3313, %add3A_3305, %broadcast_in_dim3A_3315 : vector<8x1024xi1>, vector<8x1024xi32>
    %min3A_3317 = arith.minsi %min3A_3295, %select_n3A_3316 : vector<8x1024xi32>
    %eq3A_3318 = vector.broadcast %broadcast_in_dim3A_857 : vector<1x1024xf32> to vector<8x1024xf32>
    %eq3A_3319 = arith.cmpf oeq, %slice3A_3302, %eq3A_3318 : vector<8x1024xf32>
    %jit3A_3320 = arith.constant 1024 : i32
    %broadcast_in_dim3A_3321 = vector.broadcast %jit3A_3320 : i32 to vector<8x1024xi32>
    %select_n3A_3322 = arith.select %eq3A_3319, %add3A_3305, %broadcast_in_dim3A_3321 : vector<8x1024xi1>, vector<8x1024xi32>
    %min3A_3323 = arith.minsi %min3A_3301, %select_n3A_3322 : vector<8x1024xi32>
    %slice3A_3324 = vector.extract_strided_slice %sub3A_14 {offsets = [896, 0], sizes = [8, 1024], strides = [1, 1]} : vector<1024x1024xf32> to vector<8x1024xf32>
    %add3A_3325 = arith.constant 896 : i32
    %add3A_3326 = vector.broadcast %add3A_3325 : i32 to vector<8x1024xi32>
    %add3A_3327 = arith.addi %iota3A, %add3A_3326 : vector<8x1024xi32>
    %eq3A_3328 = vector.broadcast %broadcast_in_dim3A_804 : vector<1x1024xf32> to vector<8x1024xf32>
    %eq3A_3329 = arith.cmpf oeq, %slice3A_3324, %eq3A_3328 : vector<8x1024xf32>
    %jit3A_3330 = arith.constant 1024 : i32
    %broadcast_in_dim3A_3331 = vector.broadcast %jit3A_3330 : i32 to vector<8x1024xi32>
    %select_n3A_3332 = arith.select %eq3A_3329, %add3A_3327, %broadcast_in_dim3A_3331 : vector<8x1024xi1>, vector<8x1024xi32>
    %min3A_3333 = arith.minsi %min3A_3311, %select_n3A_3332 : vector<8x1024xi32>
    %eq3A_3334 = vector.broadcast %broadcast_in_dim3A_830 : vector<1x1024xf32> to vector<8x1024xf32>
    %eq3A_3335 = arith.cmpf oeq, %slice3A_3324, %eq3A_3334 : vector<8x1024xf32>
    %jit3A_3336 = arith.constant 1024 : i32
    %broadcast_in_dim3A_3337 = vector.broadcast %jit3A_3336 : i32 to vector<8x1024xi32>
    %select_n3A_3338 = arith.select %eq3A_3335, %add3A_3327, %broadcast_in_dim3A_3337 : vector<8x1024xi1>, vector<8x1024xi32>
    %min3A_3339 = arith.minsi %min3A_3317, %select_n3A_3338 : vector<8x1024xi32>
    %eq3A_3340 = vector.broadcast %broadcast_in_dim3A_857 : vector<1x1024xf32> to vector<8x1024xf32>
    %eq3A_3341 = arith.cmpf oeq, %slice3A_3324, %eq3A_3340 : vector<8x1024xf32>
    %jit3A_3342 = arith.constant 1024 : i32
    %broadcast_in_dim3A_3343 = vector.broadcast %jit3A_3342 : i32 to vector<8x1024xi32>
    %select_n3A_3344 = arith.select %eq3A_3341, %add3A_3327, %broadcast_in_dim3A_3343 : vector<8x1024xi1>, vector<8x1024xi32>
    %min3A_3345 = arith.minsi %min3A_3323, %select_n3A_3344 : vector<8x1024xi32>
    %slice3A_3346 = vector.extract_strided_slice %sub3A_14 {offsets = [904, 0], sizes = [8, 1024], strides = [1, 1]} : vector<1024x1024xf32> to vector<8x1024xf32>
    %add3A_3347 = arith.constant 904 : i32
    %add3A_3348 = vector.broadcast %add3A_3347 : i32 to vector<8x1024xi32>
    %add3A_3349 = arith.addi %iota3A, %add3A_3348 : vector<8x1024xi32>
    %eq3A_3350 = vector.broadcast %broadcast_in_dim3A_804 : vector<1x1024xf32> to vector<8x1024xf32>
    %eq3A_3351 = arith.cmpf oeq, %slice3A_3346, %eq3A_3350 : vector<8x1024xf32>
    %jit3A_3352 = arith.constant 1024 : i32
    %broadcast_in_dim3A_3353 = vector.broadcast %jit3A_3352 : i32 to vector<8x1024xi32>
    %select_n3A_3354 = arith.select %eq3A_3351, %add3A_3349, %broadcast_in_dim3A_3353 : vector<8x1024xi1>, vector<8x1024xi32>
    %min3A_3355 = arith.minsi %min3A_3333, %select_n3A_3354 : vector<8x1024xi32>
    %eq3A_3356 = vector.broadcast %broadcast_in_dim3A_830 : vector<1x1024xf32> to vector<8x1024xf32>
    %eq3A_3357 = arith.cmpf oeq, %slice3A_3346, %eq3A_3356 : vector<8x1024xf32>
    %jit3A_3358 = arith.constant 1024 : i32
    %broadcast_in_dim3A_3359 = vector.broadcast %jit3A_3358 : i32 to vector<8x1024xi32>
    %select_n3A_3360 = arith.select %eq3A_3357, %add3A_3349, %broadcast_in_dim3A_3359 : vector<8x1024xi1>, vector<8x1024xi32>
    %min3A_3361 = arith.minsi %min3A_3339, %select_n3A_3360 : vector<8x1024xi32>
    %eq3A_3362 = vector.broadcast %broadcast_in_dim3A_857 : vector<1x1024xf32> to vector<8x1024xf32>
    %eq3A_3363 = arith.cmpf oeq, %slice3A_3346, %eq3A_3362 : vector<8x1024xf32>
    %jit3A_3364 = arith.constant 1024 : i32
    %broadcast_in_dim3A_3365 = vector.broadcast %jit3A_3364 : i32 to vector<8x1024xi32>
    %select_n3A_3366 = arith.select %eq3A_3363, %add3A_3349, %broadcast_in_dim3A_3365 : vector<8x1024xi1>, vector<8x1024xi32>
    %min3A_3367 = arith.minsi %min3A_3345, %select_n3A_3366 : vector<8x1024xi32>
    %slice3A_3368 = vector.extract_strided_slice %sub3A_14 {offsets = [912, 0], sizes = [8, 1024], strides = [1, 1]} : vector<1024x1024xf32> to vector<8x1024xf32>
    %add3A_3369 = arith.constant 912 : i32
    %add3A_3370 = vector.broadcast %add3A_3369 : i32 to vector<8x1024xi32>
    %add3A_3371 = arith.addi %iota3A, %add3A_3370 : vector<8x1024xi32>
    %eq3A_3372 = vector.broadcast %broadcast_in_dim3A_804 : vector<1x1024xf32> to vector<8x1024xf32>
    %eq3A_3373 = arith.cmpf oeq, %slice3A_3368, %eq3A_3372 : vector<8x1024xf32>
    %jit3A_3374 = arith.constant 1024 : i32
    %broadcast_in_dim3A_3375 = vector.broadcast %jit3A_3374 : i32 to vector<8x1024xi32>
    %select_n3A_3376 = arith.select %eq3A_3373, %add3A_3371, %broadcast_in_dim3A_3375 : vector<8x1024xi1>, vector<8x1024xi32>
    %min3A_3377 = arith.minsi %min3A_3355, %select_n3A_3376 : vector<8x1024xi32>
    %eq3A_3378 = vector.broadcast %broadcast_in_dim3A_830 : vector<1x1024xf32> to vector<8x1024xf32>
    %eq3A_3379 = arith.cmpf oeq, %slice3A_3368, %eq3A_3378 : vector<8x1024xf32>
    %jit3A_3380 = arith.constant 1024 : i32
    %broadcast_in_dim3A_3381 = vector.broadcast %jit3A_3380 : i32 to vector<8x1024xi32>
    %select_n3A_3382 = arith.select %eq3A_3379, %add3A_3371, %broadcast_in_dim3A_3381 : vector<8x1024xi1>, vector<8x1024xi32>
    %min3A_3383 = arith.minsi %min3A_3361, %select_n3A_3382 : vector<8x1024xi32>
    %eq3A_3384 = vector.broadcast %broadcast_in_dim3A_857 : vector<1x1024xf32> to vector<8x1024xf32>
    %eq3A_3385 = arith.cmpf oeq, %slice3A_3368, %eq3A_3384 : vector<8x1024xf32>
    %jit3A_3386 = arith.constant 1024 : i32
    %broadcast_in_dim3A_3387 = vector.broadcast %jit3A_3386 : i32 to vector<8x1024xi32>
    %select_n3A_3388 = arith.select %eq3A_3385, %add3A_3371, %broadcast_in_dim3A_3387 : vector<8x1024xi1>, vector<8x1024xi32>
    %min3A_3389 = arith.minsi %min3A_3367, %select_n3A_3388 : vector<8x1024xi32>
    %slice3A_3390 = vector.extract_strided_slice %sub3A_14 {offsets = [920, 0], sizes = [8, 1024], strides = [1, 1]} : vector<1024x1024xf32> to vector<8x1024xf32>
    %add3A_3391 = arith.constant 920 : i32
    %add3A_3392 = vector.broadcast %add3A_3391 : i32 to vector<8x1024xi32>
    %add3A_3393 = arith.addi %iota3A, %add3A_3392 : vector<8x1024xi32>
    %eq3A_3394 = vector.broadcast %broadcast_in_dim3A_804 : vector<1x1024xf32> to vector<8x1024xf32>
    %eq3A_3395 = arith.cmpf oeq, %slice3A_3390, %eq3A_3394 : vector<8x1024xf32>
    %jit3A_3396 = arith.constant 1024 : i32
    %broadcast_in_dim3A_3397 = vector.broadcast %jit3A_3396 : i32 to vector<8x1024xi32>
    %select_n3A_3398 = arith.select %eq3A_3395, %add3A_3393, %broadcast_in_dim3A_3397 : vector<8x1024xi1>, vector<8x1024xi32>
    %min3A_3399 = arith.minsi %min3A_3377, %select_n3A_3398 : vector<8x1024xi32>
    %eq3A_3400 = vector.broadcast %broadcast_in_dim3A_830 : vector<1x1024xf32> to vector<8x1024xf32>
    %eq3A_3401 = arith.cmpf oeq, %slice3A_3390, %eq3A_3400 : vector<8x1024xf32>
    %jit3A_3402 = arith.constant 1024 : i32
    %broadcast_in_dim3A_3403 = vector.broadcast %jit3A_3402 : i32 to vector<8x1024xi32>
    %select_n3A_3404 = arith.select %eq3A_3401, %add3A_3393, %broadcast_in_dim3A_3403 : vector<8x1024xi1>, vector<8x1024xi32>
    %min3A_3405 = arith.minsi %min3A_3383, %select_n3A_3404 : vector<8x1024xi32>
    %eq3A_3406 = vector.broadcast %broadcast_in_dim3A_857 : vector<1x1024xf32> to vector<8x1024xf32>
    %eq3A_3407 = arith.cmpf oeq, %slice3A_3390, %eq3A_3406 : vector<8x1024xf32>
    %jit3A_3408 = arith.constant 1024 : i32
    %broadcast_in_dim3A_3409 = vector.broadcast %jit3A_3408 : i32 to vector<8x1024xi32>
    %select_n3A_3410 = arith.select %eq3A_3407, %add3A_3393, %broadcast_in_dim3A_3409 : vector<8x1024xi1>, vector<8x1024xi32>
    %min3A_3411 = arith.minsi %min3A_3389, %select_n3A_3410 : vector<8x1024xi32>
    %slice3A_3412 = vector.extract_strided_slice %sub3A_14 {offsets = [928, 0], sizes = [8, 1024], strides = [1, 1]} : vector<1024x1024xf32> to vector<8x1024xf32>
    %add3A_3413 = arith.constant 928 : i32
    %add3A_3414 = vector.broadcast %add3A_3413 : i32 to vector<8x1024xi32>
    %add3A_3415 = arith.addi %iota3A, %add3A_3414 : vector<8x1024xi32>
    %eq3A_3416 = vector.broadcast %broadcast_in_dim3A_804 : vector<1x1024xf32> to vector<8x1024xf32>
    %eq3A_3417 = arith.cmpf oeq, %slice3A_3412, %eq3A_3416 : vector<8x1024xf32>
    %jit3A_3418 = arith.constant 1024 : i32
    %broadcast_in_dim3A_3419 = vector.broadcast %jit3A_3418 : i32 to vector<8x1024xi32>
    %select_n3A_3420 = arith.select %eq3A_3417, %add3A_3415, %broadcast_in_dim3A_3419 : vector<8x1024xi1>, vector<8x1024xi32>
    %min3A_3421 = arith.minsi %min3A_3399, %select_n3A_3420 : vector<8x1024xi32>
    %eq3A_3422 = vector.broadcast %broadcast_in_dim3A_830 : vector<1x1024xf32> to vector<8x1024xf32>
    %eq3A_3423 = arith.cmpf oeq, %slice3A_3412, %eq3A_3422 : vector<8x1024xf32>
    %jit3A_3424 = arith.constant 1024 : i32
    %broadcast_in_dim3A_3425 = vector.broadcast %jit3A_3424 : i32 to vector<8x1024xi32>
    %select_n3A_3426 = arith.select %eq3A_3423, %add3A_3415, %broadcast_in_dim3A_3425 : vector<8x1024xi1>, vector<8x1024xi32>
    %min3A_3427 = arith.minsi %min3A_3405, %select_n3A_3426 : vector<8x1024xi32>
    %eq3A_3428 = vector.broadcast %broadcast_in_dim3A_857 : vector<1x1024xf32> to vector<8x1024xf32>
    %eq3A_3429 = arith.cmpf oeq, %slice3A_3412, %eq3A_3428 : vector<8x1024xf32>
    %jit3A_3430 = arith.constant 1024 : i32
    %broadcast_in_dim3A_3431 = vector.broadcast %jit3A_3430 : i32 to vector<8x1024xi32>
    %select_n3A_3432 = arith.select %eq3A_3429, %add3A_3415, %broadcast_in_dim3A_3431 : vector<8x1024xi1>, vector<8x1024xi32>
    %min3A_3433 = arith.minsi %min3A_3411, %select_n3A_3432 : vector<8x1024xi32>
    %slice3A_3434 = vector.extract_strided_slice %sub3A_14 {offsets = [936, 0], sizes = [8, 1024], strides = [1, 1]} : vector<1024x1024xf32> to vector<8x1024xf32>
    %add3A_3435 = arith.constant 936 : i32
    %add3A_3436 = vector.broadcast %add3A_3435 : i32 to vector<8x1024xi32>
    %add3A_3437 = arith.addi %iota3A, %add3A_3436 : vector<8x1024xi32>
    %eq3A_3438 = vector.broadcast %broadcast_in_dim3A_804 : vector<1x1024xf32> to vector<8x1024xf32>
    %eq3A_3439 = arith.cmpf oeq, %slice3A_3434, %eq3A_3438 : vector<8x1024xf32>
    %jit3A_3440 = arith.constant 1024 : i32
    %broadcast_in_dim3A_3441 = vector.broadcast %jit3A_3440 : i32 to vector<8x1024xi32>
    %select_n3A_3442 = arith.select %eq3A_3439, %add3A_3437, %broadcast_in_dim3A_3441 : vector<8x1024xi1>, vector<8x1024xi32>
    %min3A_3443 = arith.minsi %min3A_3421, %select_n3A_3442 : vector<8x1024xi32>
    %eq3A_3444 = vector.broadcast %broadcast_in_dim3A_830 : vector<1x1024xf32> to vector<8x1024xf32>
    %eq3A_3445 = arith.cmpf oeq, %slice3A_3434, %eq3A_3444 : vector<8x1024xf32>
    %jit3A_3446 = arith.constant 1024 : i32
    %broadcast_in_dim3A_3447 = vector.broadcast %jit3A_3446 : i32 to vector<8x1024xi32>
    %select_n3A_3448 = arith.select %eq3A_3445, %add3A_3437, %broadcast_in_dim3A_3447 : vector<8x1024xi1>, vector<8x1024xi32>
    %min3A_3449 = arith.minsi %min3A_3427, %select_n3A_3448 : vector<8x1024xi32>
    %eq3A_3450 = vector.broadcast %broadcast_in_dim3A_857 : vector<1x1024xf32> to vector<8x1024xf32>
    %eq3A_3451 = arith.cmpf oeq, %slice3A_3434, %eq3A_3450 : vector<8x1024xf32>
    %jit3A_3452 = arith.constant 1024 : i32
    %broadcast_in_dim3A_3453 = vector.broadcast %jit3A_3452 : i32 to vector<8x1024xi32>
    %select_n3A_3454 = arith.select %eq3A_3451, %add3A_3437, %broadcast_in_dim3A_3453 : vector<8x1024xi1>, vector<8x1024xi32>
    %min3A_3455 = arith.minsi %min3A_3433, %select_n3A_3454 : vector<8x1024xi32>
    %slice3A_3456 = vector.extract_strided_slice %sub3A_14 {offsets = [944, 0], sizes = [8, 1024], strides = [1, 1]} : vector<1024x1024xf32> to vector<8x1024xf32>
    %add3A_3457 = arith.constant 944 : i32
    %add3A_3458 = vector.broadcast %add3A_3457 : i32 to vector<8x1024xi32>
    %add3A_3459 = arith.addi %iota3A, %add3A_3458 : vector<8x1024xi32>
    %eq3A_3460 = vector.broadcast %broadcast_in_dim3A_804 : vector<1x1024xf32> to vector<8x1024xf32>
    %eq3A_3461 = arith.cmpf oeq, %slice3A_3456, %eq3A_3460 : vector<8x1024xf32>
    %jit3A_3462 = arith.constant 1024 : i32
    %broadcast_in_dim3A_3463 = vector.broadcast %jit3A_3462 : i32 to vector<8x1024xi32>
    %select_n3A_3464 = arith.select %eq3A_3461, %add3A_3459, %broadcast_in_dim3A_3463 : vector<8x1024xi1>, vector<8x1024xi32>
    %min3A_3465 = arith.minsi %min3A_3443, %select_n3A_3464 : vector<8x1024xi32>
    %eq3A_3466 = vector.broadcast %broadcast_in_dim3A_830 : vector<1x1024xf32> to vector<8x1024xf32>
    %eq3A_3467 = arith.cmpf oeq, %slice3A_3456, %eq3A_3466 : vector<8x1024xf32>
    %jit3A_3468 = arith.constant 1024 : i32
    %broadcast_in_dim3A_3469 = vector.broadcast %jit3A_3468 : i32 to vector<8x1024xi32>
    %select_n3A_3470 = arith.select %eq3A_3467, %add3A_3459, %broadcast_in_dim3A_3469 : vector<8x1024xi1>, vector<8x1024xi32>
    %min3A_3471 = arith.minsi %min3A_3449, %select_n3A_3470 : vector<8x1024xi32>
    %eq3A_3472 = vector.broadcast %broadcast_in_dim3A_857 : vector<1x1024xf32> to vector<8x1024xf32>
    %eq3A_3473 = arith.cmpf oeq, %slice3A_3456, %eq3A_3472 : vector<8x1024xf32>
    %jit3A_3474 = arith.constant 1024 : i32
    %broadcast_in_dim3A_3475 = vector.broadcast %jit3A_3474 : i32 to vector<8x1024xi32>
    %select_n3A_3476 = arith.select %eq3A_3473, %add3A_3459, %broadcast_in_dim3A_3475 : vector<8x1024xi1>, vector<8x1024xi32>
    %min3A_3477 = arith.minsi %min3A_3455, %select_n3A_3476 : vector<8x1024xi32>
    %slice3A_3478 = vector.extract_strided_slice %sub3A_14 {offsets = [952, 0], sizes = [8, 1024], strides = [1, 1]} : vector<1024x1024xf32> to vector<8x1024xf32>
    %add3A_3479 = arith.constant 952 : i32
    %add3A_3480 = vector.broadcast %add3A_3479 : i32 to vector<8x1024xi32>
    %add3A_3481 = arith.addi %iota3A, %add3A_3480 : vector<8x1024xi32>
    %eq3A_3482 = vector.broadcast %broadcast_in_dim3A_804 : vector<1x1024xf32> to vector<8x1024xf32>
    %eq3A_3483 = arith.cmpf oeq, %slice3A_3478, %eq3A_3482 : vector<8x1024xf32>
    %jit3A_3484 = arith.constant 1024 : i32
    %broadcast_in_dim3A_3485 = vector.broadcast %jit3A_3484 : i32 to vector<8x1024xi32>
    %select_n3A_3486 = arith.select %eq3A_3483, %add3A_3481, %broadcast_in_dim3A_3485 : vector<8x1024xi1>, vector<8x1024xi32>
    %min3A_3487 = arith.minsi %min3A_3465, %select_n3A_3486 : vector<8x1024xi32>
    %eq3A_3488 = vector.broadcast %broadcast_in_dim3A_830 : vector<1x1024xf32> to vector<8x1024xf32>
    %eq3A_3489 = arith.cmpf oeq, %slice3A_3478, %eq3A_3488 : vector<8x1024xf32>
    %jit3A_3490 = arith.constant 1024 : i32
    %broadcast_in_dim3A_3491 = vector.broadcast %jit3A_3490 : i32 to vector<8x1024xi32>
    %select_n3A_3492 = arith.select %eq3A_3489, %add3A_3481, %broadcast_in_dim3A_3491 : vector<8x1024xi1>, vector<8x1024xi32>
    %min3A_3493 = arith.minsi %min3A_3471, %select_n3A_3492 : vector<8x1024xi32>
    %eq3A_3494 = vector.broadcast %broadcast_in_dim3A_857 : vector<1x1024xf32> to vector<8x1024xf32>
    %eq3A_3495 = arith.cmpf oeq, %slice3A_3478, %eq3A_3494 : vector<8x1024xf32>
    %jit3A_3496 = arith.constant 1024 : i32
    %broadcast_in_dim3A_3497 = vector.broadcast %jit3A_3496 : i32 to vector<8x1024xi32>
    %select_n3A_3498 = arith.select %eq3A_3495, %add3A_3481, %broadcast_in_dim3A_3497 : vector<8x1024xi1>, vector<8x1024xi32>
    %min3A_3499 = arith.minsi %min3A_3477, %select_n3A_3498 : vector<8x1024xi32>
    %slice3A_3500 = vector.extract_strided_slice %sub3A_14 {offsets = [960, 0], sizes = [8, 1024], strides = [1, 1]} : vector<1024x1024xf32> to vector<8x1024xf32>
    %add3A_3501 = arith.constant 960 : i32
    %add3A_3502 = vector.broadcast %add3A_3501 : i32 to vector<8x1024xi32>
    %add3A_3503 = arith.addi %iota3A, %add3A_3502 : vector<8x1024xi32>
    %eq3A_3504 = vector.broadcast %broadcast_in_dim3A_804 : vector<1x1024xf32> to vector<8x1024xf32>
    %eq3A_3505 = arith.cmpf oeq, %slice3A_3500, %eq3A_3504 : vector<8x1024xf32>
    %jit3A_3506 = arith.constant 1024 : i32
    %broadcast_in_dim3A_3507 = vector.broadcast %jit3A_3506 : i32 to vector<8x1024xi32>
    %select_n3A_3508 = arith.select %eq3A_3505, %add3A_3503, %broadcast_in_dim3A_3507 : vector<8x1024xi1>, vector<8x1024xi32>
    %min3A_3509 = arith.minsi %min3A_3487, %select_n3A_3508 : vector<8x1024xi32>
    %eq3A_3510 = vector.broadcast %broadcast_in_dim3A_830 : vector<1x1024xf32> to vector<8x1024xf32>
    %eq3A_3511 = arith.cmpf oeq, %slice3A_3500, %eq3A_3510 : vector<8x1024xf32>
    %jit3A_3512 = arith.constant 1024 : i32
    %broadcast_in_dim3A_3513 = vector.broadcast %jit3A_3512 : i32 to vector<8x1024xi32>
    %select_n3A_3514 = arith.select %eq3A_3511, %add3A_3503, %broadcast_in_dim3A_3513 : vector<8x1024xi1>, vector<8x1024xi32>
    %min3A_3515 = arith.minsi %min3A_3493, %select_n3A_3514 : vector<8x1024xi32>
    %eq3A_3516 = vector.broadcast %broadcast_in_dim3A_857 : vector<1x1024xf32> to vector<8x1024xf32>
    %eq3A_3517 = arith.cmpf oeq, %slice3A_3500, %eq3A_3516 : vector<8x1024xf32>
    %jit3A_3518 = arith.constant 1024 : i32
    %broadcast_in_dim3A_3519 = vector.broadcast %jit3A_3518 : i32 to vector<8x1024xi32>
    %select_n3A_3520 = arith.select %eq3A_3517, %add3A_3503, %broadcast_in_dim3A_3519 : vector<8x1024xi1>, vector<8x1024xi32>
    %min3A_3521 = arith.minsi %min3A_3499, %select_n3A_3520 : vector<8x1024xi32>
    %slice3A_3522 = vector.extract_strided_slice %sub3A_14 {offsets = [968, 0], sizes = [8, 1024], strides = [1, 1]} : vector<1024x1024xf32> to vector<8x1024xf32>
    %add3A_3523 = arith.constant 968 : i32
    %add3A_3524 = vector.broadcast %add3A_3523 : i32 to vector<8x1024xi32>
    %add3A_3525 = arith.addi %iota3A, %add3A_3524 : vector<8x1024xi32>
    %eq3A_3526 = vector.broadcast %broadcast_in_dim3A_804 : vector<1x1024xf32> to vector<8x1024xf32>
    %eq3A_3527 = arith.cmpf oeq, %slice3A_3522, %eq3A_3526 : vector<8x1024xf32>
    %jit3A_3528 = arith.constant 1024 : i32
    %broadcast_in_dim3A_3529 = vector.broadcast %jit3A_3528 : i32 to vector<8x1024xi32>
    %select_n3A_3530 = arith.select %eq3A_3527, %add3A_3525, %broadcast_in_dim3A_3529 : vector<8x1024xi1>, vector<8x1024xi32>
    %min3A_3531 = arith.minsi %min3A_3509, %select_n3A_3530 : vector<8x1024xi32>
    %eq3A_3532 = vector.broadcast %broadcast_in_dim3A_830 : vector<1x1024xf32> to vector<8x1024xf32>
    %eq3A_3533 = arith.cmpf oeq, %slice3A_3522, %eq3A_3532 : vector<8x1024xf32>
    %jit3A_3534 = arith.constant 1024 : i32
    %broadcast_in_dim3A_3535 = vector.broadcast %jit3A_3534 : i32 to vector<8x1024xi32>
    %select_n3A_3536 = arith.select %eq3A_3533, %add3A_3525, %broadcast_in_dim3A_3535 : vector<8x1024xi1>, vector<8x1024xi32>
    %min3A_3537 = arith.minsi %min3A_3515, %select_n3A_3536 : vector<8x1024xi32>
    %eq3A_3538 = vector.broadcast %broadcast_in_dim3A_857 : vector<1x1024xf32> to vector<8x1024xf32>
    %eq3A_3539 = arith.cmpf oeq, %slice3A_3522, %eq3A_3538 : vector<8x1024xf32>
    %jit3A_3540 = arith.constant 1024 : i32
    %broadcast_in_dim3A_3541 = vector.broadcast %jit3A_3540 : i32 to vector<8x1024xi32>
    %select_n3A_3542 = arith.select %eq3A_3539, %add3A_3525, %broadcast_in_dim3A_3541 : vector<8x1024xi1>, vector<8x1024xi32>
    %min3A_3543 = arith.minsi %min3A_3521, %select_n3A_3542 : vector<8x1024xi32>
    %slice3A_3544 = vector.extract_strided_slice %sub3A_14 {offsets = [976, 0], sizes = [8, 1024], strides = [1, 1]} : vector<1024x1024xf32> to vector<8x1024xf32>
    %add3A_3545 = arith.constant 976 : i32
    %add3A_3546 = vector.broadcast %add3A_3545 : i32 to vector<8x1024xi32>
    %add3A_3547 = arith.addi %iota3A, %add3A_3546 : vector<8x1024xi32>
    %eq3A_3548 = vector.broadcast %broadcast_in_dim3A_804 : vector<1x1024xf32> to vector<8x1024xf32>
    %eq3A_3549 = arith.cmpf oeq, %slice3A_3544, %eq3A_3548 : vector<8x1024xf32>
    %jit3A_3550 = arith.constant 1024 : i32
    %broadcast_in_dim3A_3551 = vector.broadcast %jit3A_3550 : i32 to vector<8x1024xi32>
    %select_n3A_3552 = arith.select %eq3A_3549, %add3A_3547, %broadcast_in_dim3A_3551 : vector<8x1024xi1>, vector<8x1024xi32>
    %min3A_3553 = arith.minsi %min3A_3531, %select_n3A_3552 : vector<8x1024xi32>
    %eq3A_3554 = vector.broadcast %broadcast_in_dim3A_830 : vector<1x1024xf32> to vector<8x1024xf32>
    %eq3A_3555 = arith.cmpf oeq, %slice3A_3544, %eq3A_3554 : vector<8x1024xf32>
    %jit3A_3556 = arith.constant 1024 : i32
    %broadcast_in_dim3A_3557 = vector.broadcast %jit3A_3556 : i32 to vector<8x1024xi32>
    %select_n3A_3558 = arith.select %eq3A_3555, %add3A_3547, %broadcast_in_dim3A_3557 : vector<8x1024xi1>, vector<8x1024xi32>
    %min3A_3559 = arith.minsi %min3A_3537, %select_n3A_3558 : vector<8x1024xi32>
    %eq3A_3560 = vector.broadcast %broadcast_in_dim3A_857 : vector<1x1024xf32> to vector<8x1024xf32>
    %eq3A_3561 = arith.cmpf oeq, %slice3A_3544, %eq3A_3560 : vector<8x1024xf32>
    %jit3A_3562 = arith.constant 1024 : i32
    %broadcast_in_dim3A_3563 = vector.broadcast %jit3A_3562 : i32 to vector<8x1024xi32>
    %select_n3A_3564 = arith.select %eq3A_3561, %add3A_3547, %broadcast_in_dim3A_3563 : vector<8x1024xi1>, vector<8x1024xi32>
    %min3A_3565 = arith.minsi %min3A_3543, %select_n3A_3564 : vector<8x1024xi32>
    %slice3A_3566 = vector.extract_strided_slice %sub3A_14 {offsets = [984, 0], sizes = [8, 1024], strides = [1, 1]} : vector<1024x1024xf32> to vector<8x1024xf32>
    %add3A_3567 = arith.constant 984 : i32
    %add3A_3568 = vector.broadcast %add3A_3567 : i32 to vector<8x1024xi32>
    %add3A_3569 = arith.addi %iota3A, %add3A_3568 : vector<8x1024xi32>
    %eq3A_3570 = vector.broadcast %broadcast_in_dim3A_804 : vector<1x1024xf32> to vector<8x1024xf32>
    %eq3A_3571 = arith.cmpf oeq, %slice3A_3566, %eq3A_3570 : vector<8x1024xf32>
    %jit3A_3572 = arith.constant 1024 : i32
    %broadcast_in_dim3A_3573 = vector.broadcast %jit3A_3572 : i32 to vector<8x1024xi32>
    %select_n3A_3574 = arith.select %eq3A_3571, %add3A_3569, %broadcast_in_dim3A_3573 : vector<8x1024xi1>, vector<8x1024xi32>
    %min3A_3575 = arith.minsi %min3A_3553, %select_n3A_3574 : vector<8x1024xi32>
    %eq3A_3576 = vector.broadcast %broadcast_in_dim3A_830 : vector<1x1024xf32> to vector<8x1024xf32>
    %eq3A_3577 = arith.cmpf oeq, %slice3A_3566, %eq3A_3576 : vector<8x1024xf32>
    %jit3A_3578 = arith.constant 1024 : i32
    %broadcast_in_dim3A_3579 = vector.broadcast %jit3A_3578 : i32 to vector<8x1024xi32>
    %select_n3A_3580 = arith.select %eq3A_3577, %add3A_3569, %broadcast_in_dim3A_3579 : vector<8x1024xi1>, vector<8x1024xi32>
    %min3A_3581 = arith.minsi %min3A_3559, %select_n3A_3580 : vector<8x1024xi32>
    %eq3A_3582 = vector.broadcast %broadcast_in_dim3A_857 : vector<1x1024xf32> to vector<8x1024xf32>
    %eq3A_3583 = arith.cmpf oeq, %slice3A_3566, %eq3A_3582 : vector<8x1024xf32>
    %jit3A_3584 = arith.constant 1024 : i32
    %broadcast_in_dim3A_3585 = vector.broadcast %jit3A_3584 : i32 to vector<8x1024xi32>
    %select_n3A_3586 = arith.select %eq3A_3583, %add3A_3569, %broadcast_in_dim3A_3585 : vector<8x1024xi1>, vector<8x1024xi32>
    %min3A_3587 = arith.minsi %min3A_3565, %select_n3A_3586 : vector<8x1024xi32>
    %slice3A_3588 = vector.extract_strided_slice %sub3A_14 {offsets = [992, 0], sizes = [8, 1024], strides = [1, 1]} : vector<1024x1024xf32> to vector<8x1024xf32>
    %add3A_3589 = arith.constant 992 : i32
    %add3A_3590 = vector.broadcast %add3A_3589 : i32 to vector<8x1024xi32>
    %add3A_3591 = arith.addi %iota3A, %add3A_3590 : vector<8x1024xi32>
    %eq3A_3592 = vector.broadcast %broadcast_in_dim3A_804 : vector<1x1024xf32> to vector<8x1024xf32>
    %eq3A_3593 = arith.cmpf oeq, %slice3A_3588, %eq3A_3592 : vector<8x1024xf32>
    %jit3A_3594 = arith.constant 1024 : i32
    %broadcast_in_dim3A_3595 = vector.broadcast %jit3A_3594 : i32 to vector<8x1024xi32>
    %select_n3A_3596 = arith.select %eq3A_3593, %add3A_3591, %broadcast_in_dim3A_3595 : vector<8x1024xi1>, vector<8x1024xi32>
    %min3A_3597 = arith.minsi %min3A_3575, %select_n3A_3596 : vector<8x1024xi32>
    %eq3A_3598 = vector.broadcast %broadcast_in_dim3A_830 : vector<1x1024xf32> to vector<8x1024xf32>
    %eq3A_3599 = arith.cmpf oeq, %slice3A_3588, %eq3A_3598 : vector<8x1024xf32>
    %jit3A_3600 = arith.constant 1024 : i32
    %broadcast_in_dim3A_3601 = vector.broadcast %jit3A_3600 : i32 to vector<8x1024xi32>
    %select_n3A_3602 = arith.select %eq3A_3599, %add3A_3591, %broadcast_in_dim3A_3601 : vector<8x1024xi1>, vector<8x1024xi32>
    %min3A_3603 = arith.minsi %min3A_3581, %select_n3A_3602 : vector<8x1024xi32>
    %eq3A_3604 = vector.broadcast %broadcast_in_dim3A_857 : vector<1x1024xf32> to vector<8x1024xf32>
    %eq3A_3605 = arith.cmpf oeq, %slice3A_3588, %eq3A_3604 : vector<8x1024xf32>
    %jit3A_3606 = arith.constant 1024 : i32
    %broadcast_in_dim3A_3607 = vector.broadcast %jit3A_3606 : i32 to vector<8x1024xi32>
    %select_n3A_3608 = arith.select %eq3A_3605, %add3A_3591, %broadcast_in_dim3A_3607 : vector<8x1024xi1>, vector<8x1024xi32>
    %min3A_3609 = arith.minsi %min3A_3587, %select_n3A_3608 : vector<8x1024xi32>
    %slice3A_3610 = vector.extract_strided_slice %sub3A_14 {offsets = [1000, 0], sizes = [8, 1024], strides = [1, 1]} : vector<1024x1024xf32> to vector<8x1024xf32>
    %add3A_3611 = arith.constant 1000 : i32
    %add3A_3612 = vector.broadcast %add3A_3611 : i32 to vector<8x1024xi32>
    %add3A_3613 = arith.addi %iota3A, %add3A_3612 : vector<8x1024xi32>
    %eq3A_3614 = vector.broadcast %broadcast_in_dim3A_804 : vector<1x1024xf32> to vector<8x1024xf32>
    %eq3A_3615 = arith.cmpf oeq, %slice3A_3610, %eq3A_3614 : vector<8x1024xf32>
    %jit3A_3616 = arith.constant 1024 : i32
    %broadcast_in_dim3A_3617 = vector.broadcast %jit3A_3616 : i32 to vector<8x1024xi32>
    %select_n3A_3618 = arith.select %eq3A_3615, %add3A_3613, %broadcast_in_dim3A_3617 : vector<8x1024xi1>, vector<8x1024xi32>
    %min3A_3619 = arith.minsi %min3A_3597, %select_n3A_3618 : vector<8x1024xi32>
    %eq3A_3620 = vector.broadcast %broadcast_in_dim3A_830 : vector<1x1024xf32> to vector<8x1024xf32>
    %eq3A_3621 = arith.cmpf oeq, %slice3A_3610, %eq3A_3620 : vector<8x1024xf32>
    %jit3A_3622 = arith.constant 1024 : i32
    %broadcast_in_dim3A_3623 = vector.broadcast %jit3A_3622 : i32 to vector<8x1024xi32>
    %select_n3A_3624 = arith.select %eq3A_3621, %add3A_3613, %broadcast_in_dim3A_3623 : vector<8x1024xi1>, vector<8x1024xi32>
    %min3A_3625 = arith.minsi %min3A_3603, %select_n3A_3624 : vector<8x1024xi32>
    %eq3A_3626 = vector.broadcast %broadcast_in_dim3A_857 : vector<1x1024xf32> to vector<8x1024xf32>
    %eq3A_3627 = arith.cmpf oeq, %slice3A_3610, %eq3A_3626 : vector<8x1024xf32>
    %jit3A_3628 = arith.constant 1024 : i32
    %broadcast_in_dim3A_3629 = vector.broadcast %jit3A_3628 : i32 to vector<8x1024xi32>
    %select_n3A_3630 = arith.select %eq3A_3627, %add3A_3613, %broadcast_in_dim3A_3629 : vector<8x1024xi1>, vector<8x1024xi32>
    %min3A_3631 = arith.minsi %min3A_3609, %select_n3A_3630 : vector<8x1024xi32>
    %slice3A_3632 = vector.extract_strided_slice %sub3A_14 {offsets = [1008, 0], sizes = [8, 1024], strides = [1, 1]} : vector<1024x1024xf32> to vector<8x1024xf32>
    %add3A_3633 = arith.constant 1008 : i32
    %add3A_3634 = vector.broadcast %add3A_3633 : i32 to vector<8x1024xi32>
    %add3A_3635 = arith.addi %iota3A, %add3A_3634 : vector<8x1024xi32>
    %eq3A_3636 = vector.broadcast %broadcast_in_dim3A_804 : vector<1x1024xf32> to vector<8x1024xf32>
    %eq3A_3637 = arith.cmpf oeq, %slice3A_3632, %eq3A_3636 : vector<8x1024xf32>
    %jit3A_3638 = arith.constant 1024 : i32
    %broadcast_in_dim3A_3639 = vector.broadcast %jit3A_3638 : i32 to vector<8x1024xi32>
    %select_n3A_3640 = arith.select %eq3A_3637, %add3A_3635, %broadcast_in_dim3A_3639 : vector<8x1024xi1>, vector<8x1024xi32>
    %min3A_3641 = arith.minsi %min3A_3619, %select_n3A_3640 : vector<8x1024xi32>
    %eq3A_3642 = vector.broadcast %broadcast_in_dim3A_830 : vector<1x1024xf32> to vector<8x1024xf32>
    %eq3A_3643 = arith.cmpf oeq, %slice3A_3632, %eq3A_3642 : vector<8x1024xf32>
    %jit3A_3644 = arith.constant 1024 : i32
    %broadcast_in_dim3A_3645 = vector.broadcast %jit3A_3644 : i32 to vector<8x1024xi32>
    %select_n3A_3646 = arith.select %eq3A_3643, %add3A_3635, %broadcast_in_dim3A_3645 : vector<8x1024xi1>, vector<8x1024xi32>
    %min3A_3647 = arith.minsi %min3A_3625, %select_n3A_3646 : vector<8x1024xi32>
    %eq3A_3648 = vector.broadcast %broadcast_in_dim3A_857 : vector<1x1024xf32> to vector<8x1024xf32>
    %eq3A_3649 = arith.cmpf oeq, %slice3A_3632, %eq3A_3648 : vector<8x1024xf32>
    %jit3A_3650 = arith.constant 1024 : i32
    %broadcast_in_dim3A_3651 = vector.broadcast %jit3A_3650 : i32 to vector<8x1024xi32>
    %select_n3A_3652 = arith.select %eq3A_3649, %add3A_3635, %broadcast_in_dim3A_3651 : vector<8x1024xi1>, vector<8x1024xi32>
    %min3A_3653 = arith.minsi %min3A_3631, %select_n3A_3652 : vector<8x1024xi32>
    %slice3A_3654 = vector.extract_strided_slice %sub3A_14 {offsets = [1016, 0], sizes = [8, 1024], strides = [1, 1]} : vector<1024x1024xf32> to vector<8x1024xf32>
    %add3A_3655 = arith.constant 1016 : i32
    %add3A_3656 = vector.broadcast %add3A_3655 : i32 to vector<8x1024xi32>
    %add3A_3657 = arith.addi %iota3A, %add3A_3656 : vector<8x1024xi32>
    %eq3A_3658 = vector.broadcast %broadcast_in_dim3A_804 : vector<1x1024xf32> to vector<8x1024xf32>
    %eq3A_3659 = arith.cmpf oeq, %slice3A_3654, %eq3A_3658 : vector<8x1024xf32>
    %jit3A_3660 = arith.constant 1024 : i32
    %broadcast_in_dim3A_3661 = vector.broadcast %jit3A_3660 : i32 to vector<8x1024xi32>
    %select_n3A_3662 = arith.select %eq3A_3659, %add3A_3657, %broadcast_in_dim3A_3661 : vector<8x1024xi1>, vector<8x1024xi32>
    %min3A_3663 = arith.minsi %min3A_3641, %select_n3A_3662 : vector<8x1024xi32>
    %eq3A_3664 = vector.broadcast %broadcast_in_dim3A_830 : vector<1x1024xf32> to vector<8x1024xf32>
    %eq3A_3665 = arith.cmpf oeq, %slice3A_3654, %eq3A_3664 : vector<8x1024xf32>
    %jit3A_3666 = arith.constant 1024 : i32
    %broadcast_in_dim3A_3667 = vector.broadcast %jit3A_3666 : i32 to vector<8x1024xi32>
    %select_n3A_3668 = arith.select %eq3A_3665, %add3A_3657, %broadcast_in_dim3A_3667 : vector<8x1024xi1>, vector<8x1024xi32>
    %min3A_3669 = arith.minsi %min3A_3647, %select_n3A_3668 : vector<8x1024xi32>
    %eq3A_3670 = vector.broadcast %broadcast_in_dim3A_857 : vector<1x1024xf32> to vector<8x1024xf32>
    %eq3A_3671 = arith.cmpf oeq, %slice3A_3654, %eq3A_3670 : vector<8x1024xf32>
    %jit3A_3672 = arith.constant 1024 : i32
    %broadcast_in_dim3A_3673 = vector.broadcast %jit3A_3672 : i32 to vector<8x1024xi32>
    %select_n3A_3674 = arith.select %eq3A_3671, %add3A_3657, %broadcast_in_dim3A_3673 : vector<8x1024xi1>, vector<8x1024xi32>
    %min3A_3675 = arith.minsi %min3A_3653, %select_n3A_3674 : vector<8x1024xi32>
    %mul3A_3676 = arith.constant 1024 : i32
    %mul3A_3677 = arith.muli %arg0, %mul3A_3676 : i32
    %reduce_min3A_3678 = arith.constant dense<2147483647> : vector<1024xi32>
    %reduce_min3A_3679 = vector.multi_reduction <minsi>, %min3A_3663, %reduce_min3A_3678 [0] : vector<8x1024xi32> to vector<1024xi32>
    %broadcast_in_dim3A_3680 = vector.shape_cast %reduce_min3A_3679 : vector<1024xi32> to vector<1x1024xi32>
    %add3A_3681 = vector.broadcast %mul3A_3677 : i32 to vector<1x1024xi32>
    %add3A_3682 = arith.addi %broadcast_in_dim3A_3680, %add3A_3681 : vector<1x1024xi32>
    %reduce_min3A_3683 = arith.constant dense<2147483647> : vector<1024xi32>
    %reduce_min3A_3684 = vector.multi_reduction <minsi>, %min3A_3669, %reduce_min3A_3683 [0] : vector<8x1024xi32> to vector<1024xi32>
    %broadcast_in_dim3A_3685 = vector.shape_cast %reduce_min3A_3684 : vector<1024xi32> to vector<1x1024xi32>
    %add3A_3686 = vector.broadcast %mul3A_3677 : i32 to vector<1x1024xi32>
    %add3A_3687 = arith.addi %broadcast_in_dim3A_3685, %add3A_3686 : vector<1x1024xi32>
    %reduce_min3A_3688 = arith.constant dense<2147483647> : vector<1024xi32>
    %reduce_min3A_3689 = vector.multi_reduction <minsi>, %min3A_3675, %reduce_min3A_3688 [0] : vector<8x1024xi32> to vector<1024xi32>
    %broadcast_in_dim3A_3690 = vector.shape_cast %reduce_min3A_3689 : vector<1024xi32> to vector<1x1024xi32>
    %add3A_3691 = vector.broadcast %mul3A_3677 : i32 to vector<1x1024xi32>
    %add3A_3692 = arith.addi %broadcast_in_dim3A_3690, %add3A_3691 : vector<1x1024xi32>
    %broadcast_in_dim3A_3693 = arith.constant 0 : i32
    %broadcast_in_dim3A_3694 = vector.broadcast %broadcast_in_dim3A_3693 : i32 to vector<5x1024xi32>
    %concatenate3A = tpu.concatenate %add3A_3682, %add3A_3687, %add3A_3692, %broadcast_in_dim3A_3694 in 0 : vector<1x1024xi32>, vector<1x1024xi32>, vector<1x1024xi32>, vector<5x1024xi32> -> vector<8x1024xi32>
    %swap3A = arith.constant 0 : index
    %swap3A_3695 = arith.constant 0 : index
    %swap3A_3696 = arith.constant 0 : index
    %swap3A_3697 = vector.load %arg4[%swap3A, %swap3A_3695, %swap3A_3696] : memref<1x8x1024xi32, #tpu.memory_space<vmem>>, vector<1x8x1024xi32>
    %swap3A_3698 = vector.shape_cast %swap3A_3697 : vector<1x8x1024xi32> to vector<8x1024xi32>
    %swap3A_3699 = vector.shape_cast %concatenate3A : vector<8x1024xi32> to vector<1x8x1024xi32>
    tpu.vector_store %arg4[%swap3A, %swap3A_3695, %swap3A_3696], %swap3A_3699 {strides = array<i32>} : memref<1x8x1024xi32, #tpu.memory_space<vmem>>, vector<1x8x1024xi32>,
    %broadcast_in_dim3A_3700 = vector.shape_cast %div3A_32 : vector<3x1024xf32> to vector<3x1024x1xf32>
    %broadcast_in_dim3A_3701 = vector.shape_cast %broadcast_in_dim3A_3700 : vector<3x1024x1xf32> to vector<3x1024x1xf32>
    %broadcast_in_dim3A_3702 = vector.broadcast %broadcast_in_dim3A_3701 : vector<3x1024x1xf32> to vector<3x1024x16xf32>
    %swap3A_3703 = arith.constant 0 : index
    %swap3A_3704 = arith.constant 0 : index
    %swap3A_3705 = arith.constant 0 : index
    %swap3A_3706 = arith.constant 0 : index
    %swap3A_3707 = vector.load %arg5[%swap3A_3703, %swap3A_3704, %swap3A_3705, %swap3A_3706] : memref<1x3x1024x16xf32, #tpu.memory_space<vmem>>, vector<1x3x1024x16xf32>
    %swap3A_3708 = vector.shape_cast %swap3A_3707 : vector<1x3x1024x16xf32> to vector<3x1024x16xf32>
    %swap3A_3709 = vector.shape_cast %broadcast_in_dim3A_3702 : vector<3x1024x16xf32> to vector<1x3x1024x16xf32>
    tpu.vector_store %arg5[%swap3A_3703, %swap3A_3704, %swap3A_3705, %swap3A_3706], %swap3A_3709 {strides = array<i32>} : memref<1x3x1024x16xf32, #tpu.memory_space<vmem>>, vector<1x3x1024x16xf32>,
    return
  }
  func.func @transform_0(%arg0: i32, %arg1: i32) -> (i32, i32, i32) {
    %c0_i32 = arith.constant 0 : i32
    %c0_i32_0 = arith.constant 0 : i32
    return %arg0, %c0_i32, %arg1 : i32, i32, i32
  }
  func.func @transform_1(%arg0: i32, %arg1: i32) -> (i32, i32, i32) {
    %c0_i32 = arith.constant 0 : i32
    %c0_i32_0 = arith.constant 0 : i32
    %c0_i32_1 = arith.constant 0 : i32
    return %arg0, %c0_i32, %c0_i32_0 : i32, i32, i32
  }
  func.func @transform_2(%arg0: i32, %arg1: i32) -> (i32, i32, i32) {
    %c0_i32 = arith.constant 0 : i32
    %c0_i32_0 = arith.constant 0 : i32
    return %arg0, %c0_i32, %arg1 : i32, i32, i32
  }
  func.func @transform_3(%arg0: i32, %arg1: i32) -> (i32, i32, i32, i32) {
    %c0_i32 = arith.constant 0 : i32
    %c0_i32_0 = arith.constant 0 : i32
    %c0_i32_1 = arith.constant 0 : i32
    return %arg0, %c0_i32, %arg1, %c0_i32_0 : i32, i32, i32, i32
  }
}

module attributes {stable_mosaic.version = 14 : i64} {
  func.func @_k3_body(%arg0: i32, %arg1: i32, %arg2: memref<1x256x4096xf32, #tpu.memory_space<vmem>>, %arg3: memref<8x256xf32, #tpu.memory_space<vmem>>, %arg4: memref<1x256xf32, #tpu.memory_space<vmem>>, %arg5: memref<1x256xf32, #tpu.memory_space<vmem>>, %arg6: memref<256x256xf32, #tpu.memory_space<vmem>>, %arg7: memref<256x1xf32, #tpu.memory_space<vmem>>, %arg8: memref<1x256x4096xf32, #tpu.memory_space<vmem>>, %arg9: memref<8x256xf32, #tpu.memory_space<vmem>>) attributes {dimension_semantics = [#tpu.dimension_semantics<arbitrary>, #tpu.dimension_semantics<arbitrary>], iteration_bounds = array<i64: 8, 1>, scalar_prefetch = 0 : i64, scratch_operands = 0 : i64, tpu.core_type = #tpu.core_type<tc>, window_params = [{transform_indices = @transform_0, window_bounds = array<i64: 1, 256, 4096>}, {pipeline_mode = #tpu.pipeline_mode<synchronous>, transform_indices = @transform_1, window_bounds = array<i64: 8, 256>}, {pipeline_mode = #tpu.pipeline_mode<synchronous>, transform_indices = @transform_2, window_bounds = array<i64: 1, 256>}, {pipeline_mode = #tpu.pipeline_mode<synchronous>, transform_indices = @transform_3, window_bounds = array<i64: 1, 256>}, {pipeline_mode = #tpu.pipeline_mode<synchronous>, transform_indices = @transform_4, window_bounds = array<i64: 256, 256>}, {pipeline_mode = #tpu.pipeline_mode<synchronous>, transform_indices = @transform_5, window_bounds = array<i64: 256, 1>}, {transform_indices = @transform_6, window_bounds = array<i64: 1, 256, 4096>}, {pipeline_mode = #tpu.pipeline_mode<synchronous>, transform_indices = @transform_7, window_bounds = array<i64: 8, 256>}]} {
    %get3A = arith.constant 0 : index
    %get3A_0 = arith.constant 0 : index
    %get3A_1 = vector.load %arg3[%get3A, %get3A_0] : memref<8x256xf32, #tpu.memory_space<vmem>>, vector<1x256xf32>
    %get3A_2 = vector.shape_cast %get3A_1 : vector<1x256xf32> to vector<256xf32>
    %div3A = arith.constant 3.276800e+04 : f32
    %div3A_3 = vector.broadcast %div3A : f32 to vector<256xf32>
    %div3A_4 = arith.divf %get3A_2, %div3A_3 : vector<256xf32>
    %get3A_5 = arith.constant 1 : index
    %get3A_6 = arith.constant 0 : index
    %get3A_7 = vector.load %arg3[%get3A_5, %get3A_6] : memref<8x256xf32, #tpu.memory_space<vmem>>, vector<1x256xf32>
    %get3A_8 = vector.shape_cast %get3A_7 : vector<1x256xf32> to vector<256xf32>
    %div3A_9 = arith.constant 3.276800e+04 : f32
    %div3A_10 = vector.broadcast %div3A_9 : f32 to vector<256xf32>
    %div3A_11 = arith.divf %get3A_8, %div3A_10 : vector<256xf32>
    %mul3A = arith.mulf %div3A_4, %div3A_4 : vector<256xf32>
    %sub3A = arith.subf %div3A_11, %mul3A : vector<256xf32>
    %get3A_12 = arith.constant 0 : index
    %get3A_13 = arith.constant 0 : index
    %get3A_14 = vector.load %arg4[%get3A_12, %get3A_13] : memref<1x256xf32, #tpu.memory_space<vmem>>, vector<1x256xf32>
    %get3A_15 = vector.shape_cast %get3A_14 : vector<1x256xf32> to vector<256xf32>
    %add3A = arith.constant 9.99999974E-6 : f32
    %add3A_16 = vector.broadcast %add3A : f32 to vector<256xf32>
    %add3A_17 = arith.addf %sub3A, %add3A_16 : vector<256xf32>
    %rsqrt3A = math.rsqrt %add3A_17 : vector<256xf32>
    %mul3A_18 = arith.mulf %get3A_15, %rsqrt3A : vector<256xf32>
    %get3A_19 = arith.constant 0 : index
    %get3A_20 = arith.constant 0 : index
    %get3A_21 = vector.load %arg5[%get3A_19, %get3A_20] : memref<1x256xf32, #tpu.memory_space<vmem>>, vector<1x256xf32>
    %get3A_22 = vector.shape_cast %get3A_21 : vector<1x256xf32> to vector<256xf32>
    %mul3A_23 = arith.mulf %div3A_4, %mul3A_18 : vector<256xf32>
    %sub3A_24 = arith.subf %get3A_22, %mul3A_23 : vector<256xf32>
    %get3A_25 = arith.constant 0 : index
    %get3A_26 = arith.constant 0 : index
    %get3A_27 = arith.constant 0 : index
    %get3A_28 = vector.load %arg2[%get3A_25, %get3A_26, %get3A_27] : memref<1x256x4096xf32, #tpu.memory_space<vmem>>, vector<1x256x4096xf32>
    %get3A_29 = vector.shape_cast %get3A_28 : vector<1x256x4096xf32> to vector<256x4096xf32>
    %broadcast_in_dim3A = vector.shape_cast %mul3A_18 : vector<256xf32> to vector<256x1xf32>
    %mul3A_30 = vector.broadcast %broadcast_in_dim3A : vector<256x1xf32> to vector<256x4096xf32>
    %mul3A_31 = arith.mulf %get3A_29, %mul3A_30 : vector<256x4096xf32>
    %broadcast_in_dim3A_32 = vector.shape_cast %sub3A_24 : vector<256xf32> to vector<256x1xf32>
    %add3A_33 = vector.broadcast %broadcast_in_dim3A_32 : vector<256x1xf32> to vector<256x4096xf32>
    %add3A_34 = arith.addf %mul3A_31, %add3A_33 : vector<256x4096xf32>
    %max3A = arith.constant 0.000000e+00 : f32
    %max3A_35 = vector.broadcast %max3A : f32 to vector<256x4096xf32>
    %max3A_36 = arith.maximumf %add3A_34, %max3A_35 : vector<256x4096xf32>
    %get3A_37 = arith.constant 0 : index
    %get3A_38 = arith.constant 0 : index
    %get3A_39 = vector.load %arg6[%get3A_37, %get3A_38] : memref<256x256xf32, #tpu.memory_space<vmem>>, vector<256x256xf32>
    %dot_general3A = arith.constant dense<0.000000e+00> : vector<256x4096xf32>
    %dot_general3A_40 = tpu.matmul %get3A_39, %max3A_36, %dot_general3A {dimension_numbers = #tpu.dot_dimension_numbers<[1], [0], [0], [1], [0, 0, 1, 1], [], []>, transpose_lhs_hint = false} : vector<256x256xf32>, vector<256x4096xf32>, vector<256x4096xf32> -> vector<256x4096xf32>
    %get3A_41 = arith.constant 0 : index
    %get3A_42 = arith.constant 0 : index
    %get3A_43 = vector.load %arg7[%get3A_41, %get3A_42] : memref<256x1xf32, #tpu.memory_space<vmem>>, vector<256x1xf32>
    %add3A_44 = vector.broadcast %get3A_43 : vector<256x1xf32> to vector<256x4096xf32>
    %add3A_45 = arith.addf %dot_general3A_40, %add3A_44 : vector<256x4096xf32>
    %swap3A = arith.constant 0 : index
    %swap3A_46 = arith.constant 0 : index
    %swap3A_47 = arith.constant 0 : index
    %swap3A_48 = vector.load %arg8[%swap3A, %swap3A_46, %swap3A_47] : memref<1x256x4096xf32, #tpu.memory_space<vmem>>, vector<1x256x4096xf32>
    %swap3A_49 = vector.shape_cast %swap3A_48 : vector<1x256x4096xf32> to vector<256x4096xf32>
    %swap3A_50 = vector.shape_cast %add3A_45 : vector<256x4096xf32> to vector<1x256x4096xf32>
    tpu.vector_store %arg8[%swap3A, %swap3A_46, %swap3A_47], %swap3A_50 {strides = array<i32>} : memref<1x256x4096xf32, #tpu.memory_space<vmem>>, vector<1x256x4096xf32>,
    %reduce_sum3A = arith.constant dense<0.000000e+00> : vector<256xf32>
    %reduce_sum3A_51 = vector.multi_reduction <add>, %add3A_45, %reduce_sum3A [1] : vector<256x4096xf32> to vector<256xf32>
    %broadcast_in_dim3A_52 = vector.shape_cast %reduce_sum3A_51 : vector<256xf32> to vector<1x256xf32>
    %mul3A_53 = arith.mulf %add3A_45, %add3A_45 : vector<256x4096xf32>
    %reduce_sum3A_54 = arith.constant dense<0.000000e+00> : vector<256xf32>
    %reduce_sum3A_55 = vector.multi_reduction <add>, %mul3A_53, %reduce_sum3A_54 [1] : vector<256x4096xf32> to vector<256xf32>
    %broadcast_in_dim3A_56 = vector.shape_cast %reduce_sum3A_55 : vector<256xf32> to vector<1x256xf32>
    %broadcast_in_dim3A_57 = arith.constant 0.000000e+00 : f32
    %broadcast_in_dim3A_58 = vector.broadcast %broadcast_in_dim3A_57 : f32 to vector<6x256xf32>
    %concatenate3A = tpu.concatenate %broadcast_in_dim3A_52, %broadcast_in_dim3A_56, %broadcast_in_dim3A_58 in 0 : vector<1x256xf32>, vector<1x256xf32>, vector<6x256xf32> -> vector<8x256xf32>
    %eq3A = arith.constant 0 : i32
    %eq3A_59 = arith.cmpi eq, %arg0, %eq3A : i32
    %eq3A_60 = arith.constant 0 : i32
    %eq3A_61 = arith.cmpi eq, %arg1, %eq3A_60 : i32
    %and3A = arith.andi %eq3A_59, %eq3A_61 : i1
    %convert_element_type3A = arith.extui %and3A : i1 to i32
    %cond3A = arith.constant 0 : i32
    %cond3A_62 = arith.cmpi ne, %convert_element_type3A, %cond3A : i32
    scf.if %cond3A_62 {
      %broadcast_in_dim3A_70 = arith.constant 0.000000e+00 : f32
      %broadcast_in_dim3A_71 = vector.broadcast %broadcast_in_dim3A_70 : f32 to vector<8x256xf32>
      %swap3A_72 = arith.constant 0 : index
      %swap3A_73 = arith.constant 0 : index
      %swap3A_74 = vector.load %arg9[%swap3A_72, %swap3A_73] : memref<8x256xf32, #tpu.memory_space<vmem>>, vector<8x256xf32>
      tpu.vector_store %arg9[%swap3A_72, %swap3A_73], %broadcast_in_dim3A_71 {strides = array<i32>} : memref<8x256xf32, #tpu.memory_space<vmem>>, vector<8x256xf32>,
    } else {
    }
    %get3A_63 = arith.constant 0 : index
    %get3A_64 = arith.constant 0 : index
    %get3A_65 = vector.load %arg9[%get3A_63, %get3A_64] : memref<8x256xf32, #tpu.memory_space<vmem>>, vector<8x256xf32>
    %add3A_66 = arith.addf %get3A_65, %concatenate3A : vector<8x256xf32>
    %swap3A_67 = arith.constant 0 : index
    %swap3A_68 = arith.constant 0 : index
    %swap3A_69 = vector.load %arg9[%swap3A_67, %swap3A_68] : memref<8x256xf32, #tpu.memory_space<vmem>>, vector<8x256xf32>
    tpu.vector_store %arg9[%swap3A_67, %swap3A_68], %add3A_66 {strides = array<i32>} : memref<8x256xf32, #tpu.memory_space<vmem>>, vector<8x256xf32>,
    return
  }
  func.func @transform_0(%arg0: i32, %arg1: i32) -> (i32, i32, i32) {
    %c0_i32 = arith.constant 0 : i32
    %c0_i32_0 = arith.constant 0 : i32
    return %arg0, %c0_i32, %arg1 : i32, i32, i32
  }
  func.func @transform_1(%arg0: i32, %arg1: i32) -> (i32, i32) {
    %c0_i32 = arith.constant 0 : i32
    %c0_i32_0 = arith.constant 0 : i32
    %c0_i32_1 = arith.constant 0 : i32
    return %c0_i32, %c0_i32_0 : i32, i32
  }
  func.func @transform_2(%arg0: i32, %arg1: i32) -> (i32, i32) {
    %c0_i32 = arith.constant 0 : i32
    %c0_i32_0 = arith.constant 0 : i32
    %c0_i32_1 = arith.constant 0 : i32
    return %c0_i32, %c0_i32_0 : i32, i32
  }
  func.func @transform_3(%arg0: i32, %arg1: i32) -> (i32, i32) {
    %c0_i32 = arith.constant 0 : i32
    %c0_i32_0 = arith.constant 0 : i32
    %c0_i32_1 = arith.constant 0 : i32
    return %c0_i32, %c0_i32_0 : i32, i32
  }
  func.func @transform_4(%arg0: i32, %arg1: i32) -> (i32, i32) {
    %c0_i32 = arith.constant 0 : i32
    %c0_i32_0 = arith.constant 0 : i32
    %c0_i32_1 = arith.constant 0 : i32
    return %c0_i32, %c0_i32_0 : i32, i32
  }
  func.func @transform_5(%arg0: i32, %arg1: i32) -> (i32, i32) {
    %c0_i32 = arith.constant 0 : i32
    %c0_i32_0 = arith.constant 0 : i32
    %c0_i32_1 = arith.constant 0 : i32
    return %c0_i32, %c0_i32_0 : i32, i32
  }
  func.func @transform_6(%arg0: i32, %arg1: i32) -> (i32, i32, i32) {
    %c0_i32 = arith.constant 0 : i32
    %c0_i32_0 = arith.constant 0 : i32
    return %arg0, %c0_i32, %arg1 : i32, i32, i32
  }
  func.func @transform_7(%arg0: i32, %arg1: i32) -> (i32, i32) {
    %c0_i32 = arith.constant 0 : i32
    %c0_i32_0 = arith.constant 0 : i32
    %c0_i32_1 = arith.constant 0 : i32
    return %c0_i32, %c0_i32_0 : i32, i32
  }
}

module attributes {stable_mosaic.version = 14 : i64} {
  func.func @_k4_body(%arg0: i32, %arg1: i32, %arg2: memref<1x256x4096xf32, #tpu.memory_space<vmem>>, %arg3: memref<8x256xf32, #tpu.memory_space<vmem>>, %arg4: memref<1x256xf32, #tpu.memory_space<vmem>>, %arg5: memref<1x256xf32, #tpu.memory_space<vmem>>, %arg6: memref<1x256x4096xf32, #tpu.memory_space<vmem>>) attributes {dimension_semantics = [#tpu.dimension_semantics<arbitrary>, #tpu.dimension_semantics<arbitrary>], iteration_bounds = array<i64: 8, 1>, scalar_prefetch = 0 : i64, scratch_operands = 0 : i64, tpu.core_type = #tpu.core_type<tc>, window_params = [{transform_indices = @transform_0, window_bounds = array<i64: 1, 256, 4096>}, {pipeline_mode = #tpu.pipeline_mode<synchronous>, transform_indices = @transform_1, window_bounds = array<i64: 8, 256>}, {pipeline_mode = #tpu.pipeline_mode<synchronous>, transform_indices = @transform_2, window_bounds = array<i64: 1, 256>}, {pipeline_mode = #tpu.pipeline_mode<synchronous>, transform_indices = @transform_3, window_bounds = array<i64: 1, 256>}, {transform_indices = @transform_4, window_bounds = array<i64: 1, 256, 4096>}]} {
    %get3A = arith.constant 0 : index
    %get3A_0 = arith.constant 0 : index
    %get3A_1 = vector.load %arg3[%get3A, %get3A_0] : memref<8x256xf32, #tpu.memory_space<vmem>>, vector<1x256xf32>
    %get3A_2 = vector.shape_cast %get3A_1 : vector<1x256xf32> to vector<256xf32>
    %div3A = arith.constant 3.276800e+04 : f32
    %div3A_3 = vector.broadcast %div3A : f32 to vector<256xf32>
    %div3A_4 = arith.divf %get3A_2, %div3A_3 : vector<256xf32>
    %get3A_5 = arith.constant 1 : index
    %get3A_6 = arith.constant 0 : index
    %get3A_7 = vector.load %arg3[%get3A_5, %get3A_6] : memref<8x256xf32, #tpu.memory_space<vmem>>, vector<1x256xf32>
    %get3A_8 = vector.shape_cast %get3A_7 : vector<1x256xf32> to vector<256xf32>
    %div3A_9 = arith.constant 3.276800e+04 : f32
    %div3A_10 = vector.broadcast %div3A_9 : f32 to vector<256xf32>
    %div3A_11 = arith.divf %get3A_8, %div3A_10 : vector<256xf32>
    %mul3A = arith.mulf %div3A_4, %div3A_4 : vector<256xf32>
    %sub3A = arith.subf %div3A_11, %mul3A : vector<256xf32>
    %get3A_12 = arith.constant 0 : index
    %get3A_13 = arith.constant 0 : index
    %get3A_14 = vector.load %arg4[%get3A_12, %get3A_13] : memref<1x256xf32, #tpu.memory_space<vmem>>, vector<1x256xf32>
    %get3A_15 = vector.shape_cast %get3A_14 : vector<1x256xf32> to vector<256xf32>
    %add3A = arith.constant 9.99999974E-6 : f32
    %add3A_16 = vector.broadcast %add3A : f32 to vector<256xf32>
    %add3A_17 = arith.addf %sub3A, %add3A_16 : vector<256xf32>
    %rsqrt3A = math.rsqrt %add3A_17 : vector<256xf32>
    %mul3A_18 = arith.mulf %get3A_15, %rsqrt3A : vector<256xf32>
    %get3A_19 = arith.constant 0 : index
    %get3A_20 = arith.constant 0 : index
    %get3A_21 = vector.load %arg5[%get3A_19, %get3A_20] : memref<1x256xf32, #tpu.memory_space<vmem>>, vector<1x256xf32>
    %get3A_22 = vector.shape_cast %get3A_21 : vector<1x256xf32> to vector<256xf32>
    %mul3A_23 = arith.mulf %div3A_4, %mul3A_18 : vector<256xf32>
    %sub3A_24 = arith.subf %get3A_22, %mul3A_23 : vector<256xf32>
    %get3A_25 = arith.constant 0 : index
    %get3A_26 = arith.constant 0 : index
    %get3A_27 = arith.constant 0 : index
    %get3A_28 = vector.load %arg2[%get3A_25, %get3A_26, %get3A_27] : memref<1x256x4096xf32, #tpu.memory_space<vmem>>, vector<1x256x4096xf32>
    %get3A_29 = vector.shape_cast %get3A_28 : vector<1x256x4096xf32> to vector<256x4096xf32>
    %broadcast_in_dim3A = vector.shape_cast %mul3A_18 : vector<256xf32> to vector<256x1xf32>
    %mul3A_30 = vector.broadcast %broadcast_in_dim3A : vector<256x1xf32> to vector<256x4096xf32>
    %mul3A_31 = arith.mulf %get3A_29, %mul3A_30 : vector<256x4096xf32>
    %broadcast_in_dim3A_32 = vector.shape_cast %sub3A_24 : vector<256xf32> to vector<256x1xf32>
    %add3A_33 = vector.broadcast %broadcast_in_dim3A_32 : vector<256x1xf32> to vector<256x4096xf32>
    %add3A_34 = arith.addf %mul3A_31, %add3A_33 : vector<256x4096xf32>
    %max3A = arith.constant 0.000000e+00 : f32
    %max3A_35 = vector.broadcast %max3A : f32 to vector<256x4096xf32>
    %max3A_36 = arith.maximumf %add3A_34, %max3A_35 : vector<256x4096xf32>
    %swap3A = arith.constant 0 : index
    %swap3A_37 = arith.constant 0 : index
    %swap3A_38 = arith.constant 0 : index
    %swap3A_39 = vector.load %arg6[%swap3A, %swap3A_37, %swap3A_38] : memref<1x256x4096xf32, #tpu.memory_space<vmem>>, vector<1x256x4096xf32>
    %swap3A_40 = vector.shape_cast %swap3A_39 : vector<1x256x4096xf32> to vector<256x4096xf32>
    %swap3A_41 = vector.shape_cast %max3A_36 : vector<256x4096xf32> to vector<1x256x4096xf32>
    tpu.vector_store %arg6[%swap3A, %swap3A_37, %swap3A_38], %swap3A_41 {strides = array<i32>} : memref<1x256x4096xf32, #tpu.memory_space<vmem>>, vector<1x256x4096xf32>,
    return
  }
  func.func @transform_0(%arg0: i32, %arg1: i32) -> (i32, i32, i32) {
    %c0_i32 = arith.constant 0 : i32
    %c0_i32_0 = arith.constant 0 : i32
    return %arg0, %c0_i32, %arg1 : i32, i32, i32
  }
  func.func @transform_1(%arg0: i32, %arg1: i32) -> (i32, i32) {
    %c0_i32 = arith.constant 0 : i32
    %c0_i32_0 = arith.constant 0 : i32
    %c0_i32_1 = arith.constant 0 : i32
    return %c0_i32, %c0_i32_0 : i32, i32
  }
  func.func @transform_2(%arg0: i32, %arg1: i32) -> (i32, i32) {
    %c0_i32 = arith.constant 0 : i32
    %c0_i32_0 = arith.constant 0 : i32
    %c0_i32_1 = arith.constant 0 : i32
    return %c0_i32, %c0_i32_0 : i32, i32
  }
  func.func @transform_3(%arg0: i32, %arg1: i32) -> (i32, i32) {
    %c0_i32 = arith.constant 0 : i32
    %c0_i32_0 = arith.constant 0 : i32
    %c0_i32_1 = arith.constant 0 : i32
    return %c0_i32, %c0_i32_0 : i32, i32
  }
  func.func @transform_4(%arg0: i32, %arg1: i32) -> (i32, i32, i32) {
    %c0_i32 = arith.constant 0 : i32
    %c0_i32_0 = arith.constant 0 : i32
    return %arg0, %c0_i32, %arg1 : i32, i32, i32
  }
}

</mosaic_0001>

<sc_bundles>
// kernel: kernel.7.cloned.1.call-start
scs
__scs_entry_jumppad:
0x0: {  	(pc) =	sbr.rel $0x88, $3  }
0x1: {  	(tag) =	ssettag $0x0;
	lr =	simm.s32 $0x1  }
0x2: {  	[smem:$0x3F95] =	sst lr;
	_ =	strace $0xD0000000  }
0x3: {  	_ = 	snop  }
0x4: {  	_ = 	snop  }
0x5: {  	_ = 	snop  }
0x6: {  	_ = 	snop  }
0x7: {  	_ = 	snop  }
__scs_overlays_trampoline_lowered:
0x8: {  	[smem:$0x3FA4] =	sst s0  }
0x9: {  	[smem:$0x3FA5] =	sst s1  }
0xa: {  	[smem:$0x3FA6] =	sst s2  }
0xb: {  	[smem:$0x3FA7] =	sst s3  }
0xc: {  	[smem:$0x3FA8] =	sst s4  }
0xd: {  	[smem:$0x3FA9] =	sst s5  }
0xe: {  	[smem:$0x3FAA] =	sst s6  }
0xf: {  	[smem:$0x3FAB] =	sst s7  }
0x10: {  	[smem:$0x3FAC] =	sst s8  }
0x11: {  	[smem:$0x3FAD] =	sst s9;
	s0 =	simm.s32 @!p0 $0x0  }
0x12: {  	s1 =	sld [smem:$0x3F93];
	s0 =	simm.s32 @p0 $0x1  }
0x13: {  	[smem:$0x3FAE] =	sst s0;
	s0 =	simm.s32 @!p1 $0x0  }
0x14: {  	s2 =	sld [smem:$0x3F92];
	s0 =	simm.s32 @p1 $0x1  }
0x15: {  	[smem:$0x3FAF] =	sst s0;
	s0 =	simm.s32 @!p2 $0x0  }
0x16: {  	s3 =	sld [smem:$0x3FDB];
	s0 =	simm.s32 @p2 $0x1  }
0x17: {  	s4 =	simm.s32 $0x1BF5;
	[smem:$0x3FB1] =	sst s0  }
0x18: {  	s0 =	sld [smem:$0x3F94];
	_ =	swait.ge [sflag:s4], $0x0  }
0x19: {  	s7 =	sld [smem:$0x3F95]  }
0x1a: {  	s8 =	sadd.s32 $0xFFFFE003, lr  }
0x1b: {  	s9 =	sadd.s32 $0xFFFFFEF7, lr;
	s5 =	simm.s32 $0xFFFFFFFF;
	p2 =	slt.u32 s8, $0xFFFFF086  }
0x1c: {  	p1 =	slt.u32 s9, $0xF7A;
	s5 =	simm.s32 @!p2 $0x0  }
0x1d: {  	s5 =	simm.s32 @p1 $0x1;
	p0 =	seq.s32 s7, s2  }
0x1e: {  	s7 =	smul.u32 @!p0 $0xF7A, s2;
	p2 =	seq.s32 @!p0 s5, $0x0  }
0x1f: {  	s9 =	smul.u32 $0xF7A, s1;
	s8 =	simm.s32 @!p0 $0x1BF5;
	p2 =	por !p2, p0  }
0x20: {  	[sflag:s8] =	ssyncset.s32 @!p0 $0xFFFFF086;
	s6 =	sadd.s32 @!p0 s3, s7;
	s7 =	simm.s32 @!p0 $0x108  }
0x21: {  	s3 =	sadd.s32 s3, s9;
	s6 =	sadd.s32 @!p0 $0x88, s6;
	s7 =	simm.s32 @p2 $0x1082  }
0x22: {  	[simem:s7], [sflag:s8] =	dma.local @!p0 [hbm:s6], $0xF7A  }
0x23: {  	s9 =	sor.u32 $0xD0000000, s2;
	s6 =	simm.s32 $0x108;
	_ =	swait.ge @!p0 [sflag:s8], $0x0  }
0x24: {  	s3 =	sadd.s32 $0x88, s3;
	s6 =	simm.s32 @!p1 $0x1082;
	[sflag:s4] =	ssyncset.s32 $0xFFFFF086  }
0x25: {  	[simem:s6], [sflag:s4] =	dma.local [hbm:s3], $0xF7A  }
0x26: {  	[smem:$0x3F95] =	sst s1;
	(tag) =	ssettag s2;
	_ =	strace s9  }
0x27: {  	s1 =	sld [smem:$0x3FA5]  }
0x28: {  	s2 =	sld [smem:$0x3FA6]  }
0x29: {  	s4 =	sld [smem:$0x3FA8]  }
0x2a: {  	p0 =	seq.s32 s5, $0x0;
	s5 =	sld [smem:$0x3FA9]  }
0x2b: {  	s6 =	sld [smem:$0x3FAA]  }
0x2c: {  	s7 =	sld [smem:$0x3FAB]  }
0x2d: {  	s3 =	simm.s32 $0x108;
	s8 =	sld [smem:$0x3FAC]  }
0x2e: {  	s3 =	simm.s32 @!p0 $0x1082;
	s9 =	sld [smem:$0x3FAD]  }
0x2f: {  	lr =	sadd.s32 s0, s3;
	s0 =	sld [smem:$0x3FA4]  }
0x30: {  	s3 =	sld [smem:$0x3FA7]  }
0x31: {  	[smem:$0x3FB0] =	sst s10  }
0x32: {  	s10 =	sld [smem:$0x3FAE];
	_ =	sdelay $0x3  }
0x33: {  	p0 =	seq.s32 s10, $0x1;
	s10 =	sld [smem:$0x3FB0];
	_ =	sdelay $0x3  }
0x34: {  	[smem:$0x3FB0] =	sst s10  }
0x35: {  	s10 =	sld [smem:$0x3FAF];
	_ =	sdelay $0x3  }
0x36: {  	p1 =	seq.s32 s10, $0x1;
	s10 =	sld [smem:$0x3FB0];
	_ =	sdelay $0x3  }
0x37: {  	[smem:$0x3FB0] =	sst s10  }
0x38: {  	s10 =	sld [smem:$0x3FB1]  }
0x39: {  	_ = 	snop;
	(pc) =	sbr.ind lr, $3  }
0x3a: {  	_ = 	snop  }
0x3b: {  	_ = 	snop  }
0x3c: {  	p2 =	seq.s32 s10, $0x1;
	s10 =	sld [smem:$0x3FB0]  }
0x3d: {  	_ =	shalt  }
0x3e: {  	_ =	shalt  }
0x3f: {  	_ =	shalt  }
0x40: {  	_ =	shalt  }
0x41: {  	_ =	shalt  }
0x42: {  	_ =	shalt  }
0x43: {  	_ =	shalt  }
0x44: {  	_ =	shalt  }
0x45: {  	_ =	shalt  }
0x46: {  	_ =	shalt  }
0x47: {  	_ =	shalt  }
0x48: {  	_ =	shalt  }
0x49: {  	_ =	shalt  }
0x4a: {  	_ =	shalt  }
0x4b: {  	_ =	shalt  }
0x4c: {  	_ =	shalt  }
0x4d: {  	_ =	shalt  }
0x4e: {  	_ =	shalt  }
0x4f: {  	_ =	shalt  }
0x50: {  	_ =	shalt  }
0x51: {  	_ =	shalt  }
0x52: {  	_ =	shalt  }
0x53: {  	_ =	shalt  }
0x54: {  	_ =	shalt  }
0x55: {  	_ =	shalt  }
0x56: {  	_ =	shalt  }
0x57: {  	_ =	shalt  }
0x58: {  	_ =	shalt  }
0x59: {  	_ =	shalt  }
0x5a: {  	_ =	shalt  }
0x5b: {  	_ =	shalt  }
0x5c: {  	_ =	shalt  }
0x5d: {  	_ =	shalt  }
0x5e: {  	_ =	shalt  }
0x5f: {  	_ =	shalt  }
0x60: {  	_ =	shalt  }
0x61: {  	_ =	shalt  }
0x62: {  	_ =	shalt  }
0x63: {  	_ =	shalt  }
0x64: {  	_ =	shalt  }
0x65: {  	_ =	shalt  }
0x66: {  	_ =	shalt  }
0x67: {  	_ =	shalt  }
0x68: {  	_ =	shalt  }
0x69: {  	_ =	shalt  }
0x6a: {  	_ =	shalt  }
0x6b: {  	_ =	shalt  }
0x6c: {  	_ =	shalt  }
0x6d: {  	_ =	shalt  }
0x6e: {  	_ =	shalt  }
0x6f: {  	_ =	shalt  }
0x70: {  	_ =	shalt  }
0x71: {  	_ =	shalt  }
0x72: {  	_ =	shalt  }
0x73: {  	_ =	shalt  }
0x74: {  	_ =	shalt  }
0x75: {  	_ =	shalt  }
0x76: {  	_ =	shalt  }
0x77: {  	_ =	shalt  }
0x78: {  	_ =	shalt  }
0x79: {  	_ =	shalt  }
0x7a: {  	_ =	shalt  }
0x7b: {  	_ =	shalt  }
0x7c: {  	_ =	shalt  }
0x7d: {  	_ =	shalt  }
0x7e: {  	_ =	shalt  }
0x7f: {  	_ =	shalt  }
0x80: {  	_ =	shalt  }
0x81: {  	_ =	shalt  }
0x82: {  	_ =	shalt  }
0x83: {  	_ =	shalt  }
0x84: {  	_ =	shalt  }
0x85: {  	_ =	shalt  }
0x86: {  	_ =	shalt  }
0x87: {  	_ =	shalt  }
.Lfunc_end0:
.L_simem_size_0:
called_computation_lowered:
.L_overlay_start_0:
0x88: {  	s2 =	sld [smem:$0x3FD9]  }
0x89: {  	s3 =	sld [smem:$0x3FFE];
	_ =	sdelay $0x1  }
0x8a: {  	s1 =	srdreg.scid  }
0x8b: {  	s0 =	sand.u32 $0x1, s1  }
0x8c: {  	s17 =	sshll.u32 s0, $0xA;
	s2 =	sadd.s32 s3, s2  }
0x8d: {  	s2 =	sadd.s32 s2, s17  }
0x8e: {  	[smem:$0x3FBC] =	sst s2  }
0x8f: {  	_ = 	snop  }
0x90: {  	s2 =	sld [smem:$0x3FD0];
	(tm) =	ssettm $0x1  }
0x91: {  	s18 =	sld [smem:$0x3FFB];
	_ =	sdelay $0x3  }
0x92: {  	_ =	strace s18  }
0x93: {  	s3 =	sld [smem:$0x3FFC];
	_ =	sdelay $0x3  }
0x94: {  	_ =	strace s3  }
0x95: {  	s3 =	sld [smem:$0x3FFD];
	_ =	sdelay $0x3  }
0x96: {  	_ =	strace s3  }
0x97: {  	_ =	strace $0x8FFFFFFF  }
0x98: {  	s19 =	sld [smem:$0x3FDB];
	_ =	sdelay $0x1  }
0x99: {  	s4 =	simm.s32 $_scs_section_size  }
0x9a: {  	s5 =	simm.s32 $_size__tile_overlayer_lowered;
	s6 =	simm.s32 $_tile_overlayer_lowered  }
0x9b: {  	s22 =	simm.s32 $0x1BFF;
	s21 =	sshll.u32 s6, $0x1;
	s3 =	sadd.s32 s4, s19  }
0x9c: {  	s7 =	simm.s32 $0x0;
	s20 =	sshll.u32 s5, $0x1;
	s5 =	sadd.s32 s21, s3  }
0x9d: {  	[timem:s7], [sflag:s22] =	dma.local [hbm:s5], s20  }
0x9e: {  	_ =	swait.ge [sflag:s22], s20  }
0x9f: {  	s4 =	ssub.s32 $0x0, s20;
	[sflag:s22] =	ssyncset.done $0x0  }
0xa0: {  	[sflag:s22] =	ssyncadd.s32 s4;
	_ =	sdelay $0x1  }
0xa1: {  	s23 =	simm.s32 $0x1B8B  }
0xa2: {  	_ =	swait.ge [sflag:s23], $0x1  }
0xa3: {  	[sflag:s23] =	ssyncset.done $0x0  }
0xa4: {  	s25 =	simm.s32 $0x1B8E;
	s24 =	sld [smem:$0x3FFE];
	[sflag:s23] =	ssyncadd.s32 $0xFFFFFFFF  }
0xa5: {  	s26 =	simm.s32 $execute0_lowered;
	[smem:$0x3FD2] =	sst s25  }
0xa6: {  	s5 =	sshll.u32 s26, $0x1;
	_ =	strace $0x80000046;
	[dreg:$0x1] =	wrdreg $0xFFFFFFFF  }
0xa7: {  	s28 =	simm.s32 $_size_execute0_lowered;
	s3 =	sadd.s32 s3, s5;
	[dreg:$0x0] =	wrdreg $0x0  }
0xa8: {  	s5 =	sshll.u32 s28, $0x1;
	[dreg:$0x2] =	wrdreg s3  }
0xa9: {  	[dreg:$0x3] =	wrdreg s5  }
0xaa: {  	[dreg:$0x4] =	wrdreg $0xC0  }
0xab: {  	_ =	task [dreg:s7], $0x5FFFF  }
0xac: {  	[dreg:$0x1] =	wrdreg $0xFFFFFFFF  }
0xad: {  	[dreg:$0x0] =	wrdreg $0x60  }
0xae: {  	[dreg:$0x2] =	wrdreg s2  }
0xaf: {  	[dreg:$0x3] =	wrdreg s24  }
0xb0: {  	[dreg:$0x4] =	wrdreg $0x9  }
0xb1: {  	_ =	task.clear_ibuf [dreg:s7], $0x5FFFF;
	_ =	strace $0x90000046  }
0xb2: {  	s29 =	simm.s32 $0x9;
	_ =	strace $0x80000048  }
0xb3: {  	_ =	swait.ge [sflag:s29], $0x1  }
0xb4: {  	[sflag:s29] =	ssyncadd.s32 $0xFFFFFFFF  }
0xb5: {  	_ =	strace $0x90000048  }
0xb6: {  	_ =	sfence  }
0xb7: {  	s30 =	sld [smem:$0x0];
	_ =	sdelay $0x2  }
0xb8: {  	s31 =	sshll.u32 s1, $0xD;
	s1 =	sshrl.u32 s1, $0x2  }
0xb9: {  	s3 =	sand.u32 $0x4000, s31;
	s1 =	sadd.s32 s1, s30  }
0xba: {  	s0 =	sor.u32 s3, s0;
	s1 =	sshll.u32 s1, $0x11  }
0xbb: {  	s0 =	sor.u32 s1, s0  }
0xbc: {  	s0 =	sadd.s32 $0x8F2B, s0  }
0xbd: {  	[sflag:s0] =	ssyncadd.remote.s32 $0x1  }
0xbe: {  	_ =	sfence.sel $0xFFFF  }
0xbf: {  	[dreg:$0x0] =	wrdreg $0xFFFFFFFF;
	(pc) =	sbr.abs _section_cstart, $3  }
0xc0: {  	[dreg:$0x1] =	wrdreg $0xFFFFFFFF  }
0xc1: {  	_ =	task.clear_ibuf [dreg:s7], $0x2FFFF;
	_ =	strace $0x9FFFFFFF  }
0xc2: {  	(tm) =	ssettm $0x7FFFFFFF  }
0xc3: {  	_ =	shalt  }
tec
execute0_lowered:
.L_overlay_start_1:
0x0: {  	(tag) =	ssettag $0x1  }
0x1: {  	s2 =	rddreg [dreg:$0x0]  }
0x2: {  	s0 =	rddreg [dreg:$0x1];
	s1 =	srdreg.scid  }
0x3: {  	s7 =	stileid.u32;
	s4 =	simm.s32 $0x0;
	s13 =	simm.s32 $0x2  }
0x4: {  	s30 =	simm.s32 $0xC980;
	s31 =	simm.s32 $0xD180;
	s12 =	simm.s32 $0xE980  }
0x5: {  	s14 =	simm.s32 $0xF980;
	s15 =	simm.s32 $0x10180;
	s16 =	simm.s32 $0x10980  }
0x6: {  	s17 =	simm.s32 $0x11180;
	s18 =	simm.s32 $0x11980;
	s19 =	simm.s32 $0x1  }
0x7: {  	s20 =	simm.s32 $0x12180;
	s22 =	simm.s32 $0x0;
	s1 =	sand.u32 $0x1, s1  }
0x8: {  	s3 =	sshll.u32 s7, $0x1;
	[smem:$0x7FF] =	sst s4;
	s4 =	sadd.s32 $0x182C00, s0  }
0x9: {  	s5 =	sadd.s32 $0x2C00, s0;
	s10 =	sshrl.u32 s7, $0x1;
	s9 =	sadd.s32 $0x182C20, s0  }
0xa: {  	s3 =	sor.u32 s1, s3;
	_ =	strace $0x80000047;
	s1 =	ssub.s32 $0x2, s1  }
0xb: {  	s7 =	sshll.u32 s10, $0xF;
	s10 =	smul.u32 $0x180000, s10;
	s6 =	sshll.u32 s3, $0xF  }
0xc: {  	s3 =	sshll.u32 s3, $0xA;
	s8 =	sshrl.u32 s1, $0x1;
	s11 =	sadd.s32 s6, s0  }
0xd: {  	v2 =	vlaneseq.u32;
	s6 =	sand.u32 $0xC00, s3;
	s1 =	ssub.s32 s1, s8;
	s8 =	sadd.s32 $0x182C10, s0  }
0xe: {  	vm0 =	vmmov $0xffff;
	v1 =	vshrl.u32 v2, $0x3;
	s0 =	simm.s32 $0xD980;
	s3 =	simm.s32 $0xF180;
	s29 =	smax.u32 s1, $0x1  }
0xf: {  	v0 =	vand.u32 $0x7, v2;
	v2 =	vor.u32 $0x8, v2;
	v1 =	vmul.u32 $0x8, v1;
	s11 =	sadd.s32 $0x18AC00, s11;
	s1 =	simm.s32 $0xE180;
	[dreg:$0x3] =	wrdreg s29  }
.LBB2_1:
0x10: {  	[dreg:$0x4] =	wrdreg s22;
	s21 =	simm.s32 $0x0  }
.LBB2_2:
0x11: {  	s22 =	sshll.u32 s21, $0x6  }
0x12: {  	s23 =	sor.u32 s6, s22  }
0x13: {  	s24 =	sshll.u32 s23, $0x3  }
0x14: {  	s24 =	sand.u32 $0x7C00, s24  }
0x15: {  	s22 =	sand.u32 $0x40, s22;
	s24 =	sor.u32 s7, s24  }
0x16: {  	s22 =	sor.u32 s22, s24  }
0x17: {  	s24 =	sshrl.u32 s22, $0x3  }
0x18: {  	s22 =	simm.s32 $0x0;
	s25 =	sadd.s32 s4, s24  }
0x19: {  	[tilespmem:s22], [sflag:$0x2] =	stream.linear.gather [hbm4b:s25+s22], $0x40, $0x38;
	[tilespmem:$0x16180] =	vst v63  }
0x1a: {  	_ =	swait.ge [sflag:s13], $0x40  }
0x1b: {  	[sflag:s13] =	ssyncset.done $0x0  }
0x1c: {  	s26 =	simm.s32 $0x80;
	s29 =	sadd.s32 s24, s8;
	[sflag:s13] =	ssyncadd.s32 $0xFFFFFFC0  }
0x1d: {  	[tilespmem:s26], [sflag:$0x2] =	stream.linear.gather [hbm4b:s29+s22], $0x40, $0x38;
	[tilespmem:$0x16180] =	vst v63  }
0x1e: {  	_ =	swait.ge [sflag:s13], $0x40  }
0x1f: {  	s23 =	sshll.u32 s23, $0x7;
	[sflag:s13] =	ssyncset.done $0x0  }
0x20: {  	s24 =	sadd.s32 s24, s9;
	s26 =	simm.s32 $0x100;
	[sflag:s13] =	ssyncadd.s32 $0xFFFFFFC0  }
0x21: {  	[tilespmem:s26], [sflag:$0x2] =	stream.linear.gather [hbm4b:s24+s22], $0x40, $0x38;
	[tilespmem:$0x16180] =	vst v63  }
0x22: {  	s23 =	sadd.s32 s10, s23;
	_ =	swait.ge [sflag:s13], $0x40  }
0x23: {  	s23 =	sshrl.u32 s23, $0x3;
	[sflag:s13] =	ssyncset.done $0x0  }
0x24: {  	s28 =	sadd.s32 s5, s23;
	s23 =	simm.s32 $0x180;
	[sflag:s13] =	ssyncadd.s32 $0xFFFFFFC0  }
0x25: {  	[tilespmem:s23], [sflag:$0x2] =	stream.linear.gather [hbm4b:s28+s22], $0x2000, $0x38;
	[tilespmem:$0x16180] =	vst v63  }
0x26: {  	_ =	swait.ge [sflag:s13], $0x2000  }
0x27: {  	[sflag:s13] =	ssyncset.done $0x0  }
0x28: {  	s29 =	sadd.s32 $0x10000, s28;
	s24 =	simm.s32 $0x2180;
	[sflag:s13] =	ssyncadd.s32 $0xFFFFE000  }
0x29: {  	[tilespmem:s24], [sflag:$0x2] =	stream.linear.gather [hbm4b:s29+s22], $0x2000, $0x38;
	[tilespmem:$0x16180] =	vst v63  }
0x2a: {  	_ =	swait.ge [sflag:s13], $0x2000  }
0x2b: {  	[sflag:s13] =	ssyncset.done $0x0  }
0x2c: {  	s25 =	simm.s32 $0x4180;
	s28 =	sadd.s32 $0x20000, s28;
	[sflag:s13] =	ssyncadd.s32 $0xFFFFE000  }
0x2d: {  	[tilespmem:s25], [sflag:$0x2] =	stream.linear.gather [hbm4b:s28+s22], $0x2000, $0x38;
	[tilespmem:$0x16180] =	vst v63  }
0x2e: {  	_ =	swait.ge [sflag:s13], $0x2000  }
0x2f: {  	[sflag:s13] =	ssyncset.done $0x0  }
0x30: {  	[sflag:s13] =	ssyncadd.s32 $0xFFFFE000  }
0x31: {  	v3 =	vld [tilespmem:$0x0];
	_ =	sdelay $0x4  }
0x32: {  	v4 =	vshll.u32 v3, $0x1  }
0x33: {  	v3 =	vand.u32 $0x7, v3;
	v4 =	vand.u32 $0xFFFFFFF0, v4  }
0x34: {  	v3 =	vor.u32 v3, v4  }
0x35: {  	v4 =	vperm.xlane v3, v0;
	_ =	sdelay $0x1  }
0x36: {  	v3 =	vperm.xlane v3, v2;
	v4 =	vadd.s32 v1, v4;
	_ =	sdelay $0x1  }
0x37: {  	v3 =	vadd.s32 v1, v3;
	_ =	sdelay $0x1  }
0x38: {  	s29 =	simm.s32 $0x6180  }
0x39: {  	[tilespmem:s29], [sflag:$0x1] =	stream.indirect_vreg.gather [hbm4b:s2+s22], $0x80, v4, vm0, $0xb8;
	[tilespmem:$0x16180] =	vst v63  }
0x3a: {  	s28 =	simm.s32 $0x6980  }
0x3b: {  	[tilespmem:s28], [sflag:$0x1] =	stream.indirect_vreg.gather [hbm4b:s2+s22], $0x80, v3, vm0, $0xb8;
	[tilespmem:$0x16180] =	vst v63  }
0x3c: {  	v3 =	vld [tilespmem:$0x10];
	_ =	sdelay $0x4  }
0x3d: {  	v53 =	vshll.u32 v3, $0x1  }
0x3e: {  	v3 =	vand.u32 $0x7, v3;
	v4 =	vand.u32 $0xFFFFFFF0, v53  }
0x3f: {  	v3 =	vor.u32 v3, v4  }
0x40: {  	v4 =	vperm.xlane v3, v0;
	_ =	sdelay $0x1  }
0x41: {  	v3 =	vperm.xlane v3, v2;
	v4 =	vadd.s32 v1, v4;
	_ =	sdelay $0x1  }
0x42: {  	v3 =	vadd.s32 v1, v3;
	_ =	sdelay $0x1  }
0x43: {  	s29 =	simm.s32 $0x7180  }
0x44: {  	[tilespmem:s29], [sflag:$0x1] =	stream.indirect_vreg.gather [hbm4b:s2+s22], $0x80, v4, vm0, $0xb8;
	[tilespmem:$0x16180] =	vst v63  }
0x45: {  	s28 =	simm.s32 $0x7980  }
0x46: {  	[tilespmem:s28], [sflag:$0x1] =	stream.indirect_vreg.gather [hbm4b:s2+s22], $0x80, v3, vm0, $0xb8;
	[tilespmem:$0x16180] =	vst v63  }
0x47: {  	v3 =	vld [tilespmem:$0x20];
	_ =	sdelay $0x4  }
0x48: {  	v54 =	vshll.u32 v3, $0x1  }
0x49: {  	v3 =	vand.u32 $0x7, v3;
	v4 =	vand.u32 $0xFFFFFFF0, v54  }
0x4a: {  	v3 =	vor.u32 v3, v4  }
0x4b: {  	v4 =	vperm.xlane v3, v0;
	_ =	sdelay $0x1  }
0x4c: {  	v3 =	vperm.xlane v3, v2;
	v4 =	vadd.s32 v1, v4;
	_ =	sdelay $0x1  }
0x4d: {  	v3 =	vadd.s32 v1, v3;
	_ =	sdelay $0x1  }
0x4e: {  	s29 =	simm.s32 $0x8180  }
0x4f: {  	[tilespmem:s29], [sflag:$0x1] =	stream.indirect_vreg.gather [hbm4b:s2+s22], $0x80, v4, vm0, $0xb8;
	[tilespmem:$0x16180] =	vst v63  }
0x50: {  	s28 =	simm.s32 $0x8980  }
0x51: {  	[tilespmem:s28], [sflag:$0x1] =	stream.indirect_vreg.gather [hbm4b:s2+s22], $0x80, v3, vm0, $0xb8;
	[tilespmem:$0x16180] =	vst v63  }
0x52: {  	v3 =	vld [tilespmem:$0x30];
	_ =	sdelay $0x4  }
0x53: {  	v55 =	vshll.u32 v3, $0x1  }
0x54: {  	v3 =	vand.u32 $0x7, v3;
	v4 =	vand.u32 $0xFFFFFFF0, v55  }
0x55: {  	v3 =	vor.u32 v3, v4  }
0x56: {  	v4 =	vperm.xlane v3, v0;
	_ =	sdelay $0x1  }
0x57: {  	v3 =	vperm.xlane v3, v2;
	v4 =	vadd.s32 v1, v4;
	_ =	sdelay $0x1  }
0x58: {  	v3 =	vadd.s32 v1, v3;
	_ =	sdelay $0x1  }
0x59: {  	s29 =	simm.s32 $0x9180  }
0x5a: {  	[tilespmem:s29], [sflag:$0x1] =	stream.indirect_vreg.gather [hbm4b:s2+s22], $0x80, v4, vm0, $0xb8;
	[tilespmem:$0x16180] =	vst v63  }
0x5b: {  	s28 =	simm.s32 $0x9980  }
0x5c: {  	[tilespmem:s28], [sflag:$0x1] =	stream.indirect_vreg.gather [hbm4b:s2+s22], $0x80, v3, vm0, $0xb8;
	[tilespmem:$0x16180] =	vst v63  }
0x5d: {  	v3 =	vld [tilespmem:$0x80];
	_ =	sdelay $0x4  }
0x5e: {  	v56 =	vshll.u32 v3, $0x1  }
0x5f: {  	v3 =	vand.u32 $0x7, v3;
	v4 =	vand.u32 $0xFFFFFFF0, v56  }
0x60: {  	v3 =	vor.u32 v3, v4  }
0x61: {  	v4 =	vperm.xlane v3, v0;
	_ =	sdelay $0x1  }
0x62: {  	v3 =	vperm.xlane v3, v2;
	v4 =	vadd.s32 v1, v4;
	_ =	sdelay $0x1  }
0x63: {  	v3 =	vadd.s32 v1, v3;
	_ =	sdelay $0x1  }
0x64: {  	s29 =	simm.s32 $0xA180  }
0x65: {  	[tilespmem:s29], [sflag:$0x1] =	stream.indirect_vreg.gather [hbm4b:s2+s22], $0x80, v4, vm0, $0xb8;
	[tilespmem:$0x16180] =	vst v63  }
0x66: {  	s28 =	simm.s32 $0xA980  }
0x67: {  	[tilespmem:s28], [sflag:$0x1] =	stream.indirect_vreg.gather [hbm4b:s2+s22], $0x80, v3, vm0, $0xb8;
	[tilespmem:$0x16180] =	vst v63  }
0x68: {  	v3 =	vld [tilespmem:$0x90];
	_ =	sdelay $0x4  }
0x69: {  	v57 =	vshll.u32 v3, $0x1  }
0x6a: {  	v3 =	vand.u32 $0x7, v3;
	v4 =	vand.u32 $0xFFFFFFF0, v57  }
0x6b: {  	v3 =	vor.u32 v3, v4  }
0x6c: {  	v4 =	vperm.xlane v3, v0;
	_ =	sdelay $0x1  }
0x6d: {  	v3 =	vperm.xlane v3, v2;
	v4 =	vadd.s32 v1, v4;
	_ =	sdelay $0x1  }
0x6e: {  	v3 =	vadd.s32 v1, v3;
	_ =	sdelay $0x1  }
0x6f: {  	s29 =	simm.s32 $0xB180  }
0x70: {  	[tilespmem:s29], [sflag:$0x1] =	stream.indirect_vreg.gather [hbm4b:s2+s22], $0x80, v4, vm0, $0xb8;
	[tilespmem:$0x16180] =	vst v63  }
0x71: {  	s28 =	simm.s32 $0xB980  }
0x72: {  	[tilespmem:s28], [sflag:$0x1] =	stream.indirect_vreg.gather [hbm4b:s2+s22], $0x80, v3, vm0, $0xb8;
	[tilespmem:$0x16180] =	vst v63  }
0x73: {  	v3 =	vld [tilespmem:$0xA0];
	_ =	sdelay $0x4  }
0x74: {  	v58 =	vshll.u32 v3, $0x1  }
0x75: {  	v3 =	vand.u32 $0x7, v3;
	v4 =	vand.u32 $0xFFFFFFF0, v58  }
0x76: {  	v3 =	vor.u32 v3, v4  }
0x77: {  	v4 =	vperm.xlane v3, v0;
	_ =	sdelay $0x1  }
0x78: {  	v3 =	vperm.xlane v3, v2;
	v4 =	vadd.s32 v1, v4;
	_ =	sdelay $0x1  }
0x79: {  	v3 =	vadd.s32 v1, v3;
	_ =	sdelay $0x1  }
0x7a: {  	s29 =	simm.s32 $0xC180  }
0x7b: {  	[tilespmem:s29], [sflag:$0x1] =	stream.indirect_vreg.gather [hbm4b:s2+s22], $0x80, v4, vm0, $0xb8;
	[tilespmem:$0x16180] =	vst v63  }
0x7c: {  	_ = 	snop  }
0x7d: {  	[tilespmem:s30], [sflag:$0x1] =	stream.indirect_vreg.gather [hbm4b:s2+s22], $0x80, v3, vm0, $0xb8;
	[tilespmem:$0x16180] =	vst v63  }
0x7e: {  	v3 =	vld [tilespmem:$0xB0];
	_ =	sdelay $0x4  }
0x7f: {  	v59 =	vshll.u32 v3, $0x1  }
0x80: {  	v3 =	vand.u32 $0x7, v3;
	v4 =	vand.u32 $0xFFFFFFF0, v59  }
0x81: {  	v3 =	vor.u32 v3, v4  }
0x82: {  	v4 =	vperm.xlane v3, v0;
	_ =	sdelay $0x1  }
0x83: {  	v3 =	vperm.xlane v3, v2;
	v4 =	vadd.s32 v1, v4;
	_ =	sdelay $0x1  }
0x84: {  	v3 =	vadd.s32 v1, v3;
	_ =	sdelay $0x2  }
0x85: {  	[tilespmem:s31], [sflag:$0x1] =	stream.indirect_vreg.gather [hbm4b:s2+s22], $0x80, v4, vm0, $0xb8;
	[tilespmem:$0x16180] =	vst v63  }
0x86: {  	_ = 	snop  }
0x87: {  	[tilespmem:s0], [sflag:$0x1] =	stream.indirect_vreg.gather [hbm4b:s2+s22], $0x80, v3, vm0, $0xb8;
	[tilespmem:$0x16180] =	vst v63  }
0x88: {  	v3 =	vld [tilespmem:$0x100];
	_ =	sdelay $0x4  }
0x89: {  	v60 =	vshll.u32 v3, $0x1  }
0x8a: {  	v3 =	vand.u32 $0x7, v3;
	v4 =	vand.u32 $0xFFFFFFF0, v60  }
0x8b: {  	v3 =	vor.u32 v3, v4  }
0x8c: {  	v4 =	vperm.xlane v3, v0;
	_ =	sdelay $0x1  }
0x8d: {  	v3 =	vperm.xlane v3, v2;
	v4 =	vadd.s32 v1, v4;
	_ =	sdelay $0x1  }
0x8e: {  	v3 =	vadd.s32 v1, v3;
	_ =	sdelay $0x2  }
0x8f: {  	[tilespmem:s1], [sflag:$0x1] =	stream.indirect_vreg.gather [hbm4b:s2+s22], $0x80, v4, vm0, $0xb8;
	[tilespmem:$0x16180] =	vst v63  }
0x90: {  	_ = 	snop  }
0x91: {  	[tilespmem:s12], [sflag:$0x1] =	stream.indirect_vreg.gather [hbm4b:s2+s22], $0x80, v3, vm0, $0xb8;
	[tilespmem:$0x16180] =	vst v63  }
0x92: {  	v3 =	vld [tilespmem:$0x110];
	_ =	sdelay $0x4  }
0x93: {  	v61 =	vshll.u32 v3, $0x1  }
0x94: {  	v3 =	vand.u32 $0x7, v3;
	v4 =	vand.u32 $0xFFFFFFF0, v61  }
0x95: {  	v3 =	vor.u32 v3, v4  }
0x96: {  	v4 =	vperm.xlane v3, v0;
	_ =	sdelay $0x1  }
0x97: {  	v3 =	vperm.xlane v3, v2;
	v4 =	vadd.s32 v1, v4;
	_ =	sdelay $0x1  }
0x98: {  	v3 =	vadd.s32 v1, v3;
	_ =	sdelay $0x2  }
0x99: {  	[tilespmem:s3], [sflag:$0x1] =	stream.indirect_vreg.gather [hbm4b:s2+s22], $0x80, v4, vm0, $0xb8;
	[tilespmem:$0x16180] =	vst v63  }
0x9a: {  	_ = 	snop  }
0x9b: {  	[tilespmem:s14], [sflag:$0x1] =	stream.indirect_vreg.gather [hbm4b:s2+s22], $0x80, v3, vm0, $0xb8;
	[tilespmem:$0x16180] =	vst v63  }
0x9c: {  	v3 =	vld [tilespmem:$0x120];
	_ =	sdelay $0x4  }
0x9d: {  	v62 =	vshll.u32 v3, $0x1  }
0x9e: {  	v3 =	vand.u32 $0x7, v3;
	v4 =	vand.u32 $0xFFFFFFF0, v62  }
0x9f: {  	v3 =	vor.u32 v3, v4  }
0xa0: {  	v4 =	vperm.xlane v3, v0;
	_ =	sdelay $0x1  }
0xa1: {  	v3 =	vperm.xlane v3, v2;
	v4 =	vadd.s32 v1, v4;
	_ =	sdelay $0x1  }
0xa2: {  	v3 =	vadd.s32 v1, v3;
	_ =	sdelay $0x2  }
0xa3: {  	[tilespmem:s15], [sflag:$0x1] =	stream.indirect_vreg.gather [hbm4b:s2+s22], $0x80, v4, vm0, $0xb8;
	[tilespmem:$0x16180] =	vst v63  }
0xa4: {  	_ = 	snop  }
0xa5: {  	[tilespmem:s16], [sflag:$0x1] =	stream.indirect_vreg.gather [hbm4b:s2+s22], $0x80, v3, vm0, $0xb8;
	[tilespmem:$0x16180] =	vst v63  }
0xa6: {  	v3 =	vld [tilespmem:$0x130];
	_ =	sdelay $0x4  }
0xa7: {  	v63 =	vshll.u32 v3, $0x1  }
0xa8: {  	v3 =	vand.u32 $0x7, v3;
	v4 =	vand.u32 $0xFFFFFFF0, v63  }
0xa9: {  	v3 =	vor.u32 v3, v4  }
0xaa: {  	v4 =	vperm.xlane v3, v0;
	_ =	sdelay $0x1  }
0xab: {  	v3 =	vperm.xlane v3, v2;
	v4 =	vadd.s32 v1, v4;
	_ =	sdelay $0x1  }
0xac: {  	v3 =	vadd.s32 v1, v3;
	_ =	sdelay $0x2  }
0xad: {  	[tilespmem:s17], [sflag:$0x1] =	stream.indirect_vreg.gather [hbm4b:s2+s22], $0x80, v4, vm0, $0xb8;
	[tilespmem:$0x16180] =	vst v63  }
0xae: {  	_ = 	snop  }
0xaf: {  	[tilespmem:s18], [sflag:$0x1] =	stream.indirect_vreg.gather [hbm4b:s2+s22], $0x80, v3, vm0, $0xb8;
	[tilespmem:$0x16180] =	vst v63  }
0xb0: {  	_ =	swait.ge [sflag:s19], $0x4000  }
0xb1: {  	[sflag:s19] =	ssyncset.done $0x0  }
0xb2: {  	[sflag:s19] =	ssyncadd.s32 $0xFFFFC000  }
0xb3: {  	_ =	swait.ge [sflag:s19], $0x4000  }
0xb4: {  	[sflag:s19] =	ssyncset.done $0x0  }
0xb5: {  	[sflag:s19] =	ssyncadd.s32 $0xFFFFC000  }
0xb6: {  	_ =	swait.ge [sflag:s19], $0x4000  }
0xb7: {  	[sflag:s19] =	ssyncset.done $0x0  }
0xb8: {  	s26 =	simm.s32 $0x0;
	[sflag:s19] =	ssyncadd.s32 $0xFFFFC000  }
.LBB2_3:
0xb9: {  	v5 =	vld [tilespmem:s23+$0x0]  }
0xba: {  	v4 =	vld [tilespmem:s24+$0x0];
	s28 =	sand.u32 $0x3800, s22;
	s29 =	sand.u32 $0x380, s26  }
0xbb: {  	v3 =	vld [tilespmem:s25+$0x0];
	s28 =	sor.u32 s29, s28  }
0xbc: {  	v6 =	vld [tilespmem:s28+$0x6180]  }
0xbd: {  	v7 =	vld [tilespmem:s28+$0xA180]  }
0xbe: {  	v8 =	vld [tilespmem:s28+$0xE180]  }
0xbf: {  	v9 =	vld [tilespmem:s28+$0x6190]  }
0xc0: {  	v10 =	vld [tilespmem:s28+$0xA190]  }
0xc1: {  	v11 =	vld [tilespmem:s28+$0xE190]  }
0xc2: {  	v12 =	vld [tilespmem:s28+$0x61A0]  }
0xc3: {  	v13 =	vld [tilespmem:s28+$0xA1A0]  }
0xc4: {  	v14 =	vld [tilespmem:s28+$0xE1A0]  }
0xc5: {  	v15 =	vld [tilespmem:s28+$0x61B0]  }
0xc6: {  	v16 =	vld [tilespmem:s28+$0xA1B0]  }
0xc7: {  	v17 =	vld [tilespmem:s28+$0xE1B0]  }
0xc8: {  	v18 =	vld [tilespmem:s28+$0x61C0]  }
0xc9: {  	v19 =	vld [tilespmem:s28+$0xA1C0]  }
0xca: {  	v20 =	vld [tilespmem:s28+$0xE1C0]  }
0xcb: {  	v21 =	vld [tilespmem:s28+$0x61D0]  }
0xcc: {  	v22 =	vld [tilespmem:s28+$0xA1D0]  }
0xcd: {  	v23 =	vld [tilespmem:s28+$0xE1D0]  }
0xce: {  	v24 =	vld [tilespmem:s28+$0x61E0]  }
0xcf: {  	v25 =	vld [tilespmem:s28+$0xA1E0]  }
0xd0: {  	v26 =	vld [tilespmem:s28+$0xE1E0]  }
0xd1: {  	v27 =	vld [tilespmem:s28+$0x61F0]  }
0xd2: {  	v28 =	vld [tilespmem:s28+$0xA1F0]  }
0xd3: {  	v29 =	vld [tilespmem:s28+$0xE1F0];
	v6 =	vmul.f32 v6, v5;
	v7 =	vmul.f32 v7, v4  }
0xd4: {  	v30 =	vld [tilespmem:s28+$0x6580];
	v8 =	vmul.f32 v8, v3;
	v9 =	vmul.f32 v9, v5  }
0xd5: {  	v31 =	vld [tilespmem:s28+$0xA580];
	v10 =	vmul.f32 v10, v4;
	v11 =	vmul.f32 v11, v3  }
0xd6: {  	v32 =	vld [tilespmem:s28+$0xE580];
	v61 =	vmul.f32 v12, v5;
	v62 =	vmul.f32 v13, v4  }
0xd7: {  	v33 =	vld [tilespmem:s28+$0x6590];
	v63 =	vmul.f32 v15, v5;
	v35 =	vmul.f32 v16, v4  }
0xd8: {  	v34 =	vld [tilespmem:s28+$0xA590];
	v36 =	vmul.f32 v14, v3;
	v37 =	vmul.f32 v17, v3  }
0xd9: {  	v40 =	vld [tilespmem:s28+$0x65B0];
	v38 =	vmul.f32 v18, v5;
	v39 =	vmul.f32 v19, v4  }
0xda: {  	v43 =	vld [tilespmem:s28+$0xA5B0];
	v41 =	vmul.f32 v21, v5;
	v42 =	vmul.f32 v22, v4  }
0xdb: {  	v46 =	vld [tilespmem:s28+$0xE5B0];
	v44 =	vmul.f32 v20, v3;
	v45 =	vmul.f32 v23, v3  }
0xdc: {  	v49 =	vld [tilespmem:s28+$0x65C0];
	v47 =	vmul.f32 v24, v5;
	v48 =	vmul.f32 v25, v4  }
0xdd: {  	v52 =	vld [tilespmem:s28+$0xA5C0];
	v50 =	vmul.f32 v26, v3;
	v51 =	vmul.f32 v27, v5  }
0xde: {  	v57 =	vld [tilespmem:s28+$0x65D0];
	v53 =	vmul.f32 v28, v4;
	v54 =	vmul.f32 v29, v3  }
0xdf: {  	v60 =	vld [tilespmem:s28+$0xA5D0];
	v55 =	vmul.f32 v30, v5;
	v56 =	vmul.f32 v31, v4;
	v6 =	vadd.f32 v7, v6  }
0xe0: {  	v13 =	vld [tilespmem:s28+$0xE590];
	v58 =	vmul.f32 v33, v5;
	v9 =	vadd.f32 v10, v9;
	v7 =	vadd.f32 v62, v61  }
0xe1: {  	v16 =	vld [tilespmem:s28+$0x65A0];
	v59 =	vmul.f32 v34, v4;
	v10 =	vadd.f32 v35, v63;
	v18 =	vadd.f32 v48, v47  }
0xe2: {  	v12 =	vld [tilespmem:s28+$0xA5A0];
	v20 =	vadd.f32 v53, v51;
	v62 =	vadd.f32 v56, v55;
	v63 =	vmul.f32 v32, v3  }
0xe3: {  	v14 =	vld [tilespmem:s28+$0xE5A0];
	v33 =	vadd.f32 v59, v58;
	v47 =	vmul.f32 v49, v5;
	v6 =	vadd.f32 v8, v6  }
0xe4: {  	v27 =	vld [tilespmem:s28+$0xE5C0];
	v48 =	vmul.f32 v52, v4;
	v9 =	vadd.f32 v11, v9;
	v7 =	vadd.f32 v36, v7  }
0xe5: {  	v34 =	vld [tilespmem:s28+$0x65E0];
	v51 =	vmul.f32 v57, v5;
	v10 =	vadd.f32 v37, v10;
	v8 =	vadd.f32 v39, v38;
	[tilespmem:s28+$0x12180] =	vst v6  }
0xe6: {  	v28 =	vld [tilespmem:s28+$0xE5D0];
	v55 =	vmul.f32 v60, v4;
	v11 =	vadd.f32 v42, v41;
	v61 =	vadd.f32 v50, v18;
	[tilespmem:s28+$0x12190] =	vst v9  }
0xe7: {  	v32 =	vadd.f32 v54, v20;
	v35 =	vadd.f32 v63, v62;
	v37 =	vld [tilespmem:s28+$0x65F0];
	v39 =	vmul.f32 v40, v5;
	[tilespmem:s28+$0x121A0] =	vst v7  }
0xe8: {  	v40 =	vmul.f32 v43, v4;
	v41 =	vld [tilespmem:s28+$0xA5E0];
	v56 =	vadd.f32 v48, v47;
	v13 =	vmul.f32 v13, v3;
	[tilespmem:s28+$0x121B0] =	vst v10  }
0xe9: {  	v36 =	vmul.f32 v16, v5;
	v12 =	vmul.f32 v12, v4;
	v11 =	vadd.f32 v45, v11;
	v45 =	vld [tilespmem:s28+$0xA5F0];
	[tilespmem:s28+$0x121E0] =	vst v61  }
0xea: {  	v49 =	vld [tilespmem:s28+$0xE5E0];
	v43 =	vmul.f32 v14, v3;
	v52 =	vmul.f32 v34, v5;
	v8 =	vadd.f32 v44, v8;
	[tilespmem:s28+$0x121F0] =	vst v32  }
0xeb: {  	v53 =	vld [tilespmem:s28+$0xE5F0];
	v57 =	vmul.f32 v27, v3;
	v44 =	vmul.f32 v46, v3;
	v46 =	vadd.f32 v40, v39;
	[tilespmem:s28+$0x12580] =	vst v35  }
0xec: {  	v59 =	vmul.f32 v28, v3;
	v38 =	vadd.f32 v13, v33;
	v42 =	vadd.f32 v12, v36;
	[tilespmem:s28+$0x121C0] =	vst v8  }
0xed: {  	v60 =	vadd.f32 v57, v56;
	[tilespmem:s28+$0x121D0] =	vst v11;
	v54 =	vadd.f32 v44, v46;
	v58 =	vmul.f32 v41, v4  }
0xee: {  	v8 =	vadd.f32 v55, v51;
	v5 =	vmul.f32 v37, v5;
	[tilespmem:s28+$0x12590] =	vst v38;
	v4 =	vmul.f32 v45, v4  }
0xef: {  	p0 =	sne.s32 s26, $0x1F80;
	v62 =	vmul.f32 v49, v3;
	v50 =	vadd.f32 v43, v42;
	[tilespmem:s28+$0x125C0] =	vst v60;
	v61 =	vadd.f32 v58, v52  }
.Ltmp0:
0xf0: {  	v3 =	vmul.f32 v53, v3;
	[tilespmem:s28+$0x125B0] =	vst v54;
	v8 =	vadd.f32 v59, v8;
	v4 =	vadd.f32 v4, v5;
	(pc) =	sbr.rel @p0 .LBB2_3-.Ltmp0, $4  }
0xf1: {  	[tilespmem:s28+$0x125A0] =	vst v50;
	v63 =	vadd.f32 v62, v61  }
0xf2: {  	[tilespmem:s28+$0x125D0] =	vst v8;
	v3 =	vadd.f32 v3, v4  }
0xf3: {  	s22 =	sadd.s32 $0x100, s22;
	s23 =	sadd.s32 $0x80, s23;
	[tilespmem:s28+$0x125E0] =	vst v63  }
0xf4: {  	s24 =	sadd.s32 $0x80, s24;
	s25 =	sadd.s32 $0x80, s25;
	s26 =	sadd.s32 $0x80, s26;
	[tilespmem:s28+$0x125F0] =	vst v3  }
0xf5: {  	s22 =	sshll.u32 s21, $0xB;
	s21 =	sadd.s32 $0x1, s21  }
0xf6: {  	p0 =	sne.s32 s21, $0x10  }
.Ltmp1:
0xf7: {  	s23 =	simm.s32 $0x0;
	s22 =	sadd.s32 s22, s11;
	(pc) =	sbr.rel @p0 .LBB2_2-.Ltmp1, $4  }
0xf8: {  	[hbm4b:s22+s23] =	stream.linear.scatter [tilespmem:s20], [sflag:$0x2], $0x4000, $0x38;
	[tilespmem:$0x16180] =	vst v63  }
0xf9: {  	_ =	swait.ge [sflag:s13], $0x4000  }
0xfa: {  	[sflag:s13] =	ssyncset.done $0x0  }
0xfb: {  	[sflag:s13] =	ssyncadd.s32 $0xFFFFC000  }
0xfc: {  	s22 =	rddreg [dreg:$0x4]  }
0xfd: {  	s21 =	rddreg [dreg:$0x3];
	s22 =	sadd.s32 $0x1, s22  }
0xfe: {  	p0 =	sne.s32 s22, s21  }
.Ltmp2:
0xff: {  	_ = 	snop;
	(pc) =	sbr.rel @p0 .LBB2_1-.Ltmp2, $1  }
0x100: {  	_ =	sdelay $0x3  }
0x101: {  	_ =	sfence.sel $0x180000  }
0x102: {  	[bflag:$0x0] =	sbarrier.arrive $0xFFFF  }
0x103: {  	_ =	strace $0x90000047  }
0x104: {  	s0 =	stileid.u32;
	[bflag:$0x2] =	sbarrier.arrive $0xFFFF  }
0x105: {  	p0 =	sne.s32 s0, $0x0;
	s0 =	rddreg [dreg:$0x2]  }
0x106: {  	s0 =	sadd.s32 @!p0 $0x100000, s0  }
0x107: {  	[sflag:s0] =	ssyncadd.tile.s32 @!p0 $0x1;
	_ =	shalt  }
.Lfunc_end2:
_tile_overlayer_lowered:
.L_overlay_start_2:
0x108: {  	(tag) =	ssettag $0x2  }
0x109: {  	s0 =	rddreg [dreg:$0x0];
	s2 =	stileid.u32  }
0x10a: {  	s1 =	rddreg [dreg:$0x1];
	p0 =	sne.s32 s2, $0x0  }
0x10b: {  	s3 =	rddreg [dreg:$0x2];
	[bflag:$0x3] =	sbarrier.arrive $0xFFFF;
	s2 =	simm.s32 @!p0 $0x1C02  }
0x10c: {  	[timem:s3], [sflag:s2] =	dma.local @!p0 [hbm:s0], s1  }
0x10d: {  	s0 =	simm.s32 @!p0 $0x2  }
0x10e: {  	_ =	swait.ge @!p0 [sflag:s0], s1  }
0x10f: {  	s1 =	ssub.s32 @!p0 $0x0, s1;
	[sflag:s0] =	ssyncset.done @!p0 $0x0  }
0x110: {  	[sflag:s0] =	ssyncadd.s32 @!p0 s1  }
0x111: {  	[bflag:$0x3] =	sbarrier.arrive $0xFFFF  }
0x112: {  	_ =	shalt  }

</sc_bundles>
